<compile_context>
chip_gen: v7x
topology: tpu7x:2x2x1
jax: 0.10.2.dev20260603
libtpu: 0.0.44.dev20260713+nightly
codegen_flags: <defaults>
</compile_context>

<pallas_src>
import functools

import jax
import jax.numpy as jnp
from jax import lax
from jax.experimental import pallas as pl
from jax.experimental.pallas import tpu as pltpu
from jax.experimental.pallas import tpu_sc as plsc

NC = 2
NS = 16
L = 16

N_PAD = 10240
CHUNKS = 4
CW = 128
KB = 128
ROWS_PER_TILE = N_PAD // NS
OUT_ROWS_PER_WORKER = N_PAD // (NC * NS)


def _fill_vmem_2d(ref, nrows, val):
  row16 = jnp.full((L,), val, jnp.float32)
  ncol_blk = ref.shape[1] // L

  def body(i, _):
    for cb in range(ncol_blk):
      ref[i, pl.ds(cb * L, L)] = row16
    return 0

  lax.fori_loop(0, nrows, body, 0)


def _sc_degree_body(src3, deg, degacc, vals, idxb):
  c = lax.axis_index("c")
  s = lax.axis_index("s")
  nb = idxb.shape[0]

  _fill_vmem_2d(vals, 128, 0.0)
  for k in range(ROWS_PER_TILE // 128):
    pltpu.sync_copy(vals, degacc.at[pl.ds(s * ROWS_PER_TILE + k * 128, 128)])
  _fill_vmem_2d(vals, 128, 1.0)
  plsc.subcore_barrier()

  pltpu.sync_copy(src3.at[s], idxb)

  def edge_body(j, _):
    pltpu.sync_copy(vals, degacc.at[idxb.at[j]], add=True)
    return 0

  lax.fori_loop(0, nb, edge_body, 0)
  plsc.subcore_barrier()

  w = c * NS + s
  base = w * OUT_ROWS_PER_WORKER
  pltpu.sync_copy(degacc.at[pl.ds(base, OUT_ROWS_PER_WORKER)],
                  deg.at[pl.ds(base, OUT_ROWS_PER_WORKER)])


def _sc_aggregate_body(h4, dst3, src3, agg4, acc, didx, sidx, rows, sem):
  c = lax.axis_index("c")
  s = lax.axis_index("s")
  nb = didx.shape[0]

  pltpu.sync_copy(dst3.at[s], didx)
  pltpu.sync_copy(src3.at[s], sidx)

  for chunk in range(CHUNKS):
    active = c == (chunk // 2)

    @pl.when(active)
    def _():
      _fill_vmem_2d(rows, 128, 0.0)
      for k in range(ROWS_PER_TILE // 128):
        pltpu.sync_copy(rows, acc.at[pl.ds(s * ROWS_PER_TILE + k * 128, 128)])

    plsc.subcore_barrier()

    @pl.when(active)
    def _():
      h_t = h4.at[chunk]

      def edge_body(j, _):
        pltpu.async_copy(h_t.at[didx.at[j]], rows, sem).wait()
        pltpu.sync_copy(rows, acc.at[sidx.at[j]], add=True)
        return 0

      lax.fori_loop(0, nb, edge_body, 0)

    plsc.subcore_barrier()

    @pl.when(active)
    def _():
      pltpu.sync_copy(
          acc.at[pl.ds(s * ROWS_PER_TILE, ROWS_PER_TILE)],
          agg4.at[chunk].at[pl.ds(s * ROWS_PER_TILE, ROWS_PER_TILE)],
      )

    plsc.subcore_barrier()


def _sc_degree(src3):
  nb = src3.shape[1]
  mesh = plsc.VectorSubcoreMesh(
      core_axis_name="c", subcore_axis_name="s", num_cores=NC, num_subcores=NS)
  return pl.kernel(
      _sc_degree_body,
      out_type=jax.ShapeDtypeStruct((N_PAD, CW), jnp.float32),
      mesh=mesh,
      scratch_types=[
          pltpu.VMEM_SHARED((N_PAD, CW), jnp.float32),
          pltpu.VMEM((128, CW), jnp.float32),
          pltpu.VMEM((nb, KB), jnp.int32),
      ],
  )(src3)


def _sc_aggregate(h4, dst3, src3):
  nb = dst3.shape[1]
  mesh = plsc.VectorSubcoreMesh(
      core_axis_name="c", subcore_axis_name="s", num_cores=NC, num_subcores=NS)
  return pl.kernel(
      _sc_aggregate_body,
      out_type=jax.ShapeDtypeStruct((CHUNKS, N_PAD, CW), jnp.float32),
      mesh=mesh,
      scratch_types=[
          pltpu.VMEM_SHARED((N_PAD, CW), jnp.float32),
          pltpu.VMEM((nb, KB), jnp.int32),
          pltpu.VMEM((nb, KB), jnp.int32),
          pltpu.VMEM((KB, CW), jnp.float32),
          pltpu.SemaphoreType.DMA,
      ],
  )(h4, dst3, src3)


RB = 1024


def _tc_pre_body(x_ref, w_ref, b_ref, out_ref):
  xw = jnp.dot(x_ref[...], w_ref[...], preferred_element_type=jnp.float32)
  out_ref[0] = jnp.maximum(xw + b_ref[0], 0.0)


def _tc_pre(x_p, w, b4):
  d_in = x_p.shape[1]
  grid = (CHUNKS, N_PAD // RB)
  return pl.pallas_call(
      _tc_pre_body,
      grid=grid,
      in_specs=[
          pl.BlockSpec((RB, d_in), lambda co, rb: (rb, 0)),
          pl.BlockSpec((d_in, CW), lambda co, rb: (0, co)),
          pl.BlockSpec((1, 1, CW), lambda co, rb: (co, 0, 0)),
      ],
      out_specs=pl.BlockSpec((1, RB, CW), lambda co, rb: (co, rb, 0)),
      out_shape=jax.ShapeDtypeStruct((CHUNKS, N_PAD, CW), jnp.float32),
  )(x_p, w, b4)


def _tc_layer_body(agg_ref, invd_ref, w_ref, b_ref, out_ref):
  ki = pl.program_id(2)

  @pl.when(ki == 0)
  def _():
    out_ref[...] = jnp.zeros_like(out_ref)

  scaled = agg_ref[0] * (1.0 / jnp.maximum(invd_ref[...], 1.0))
  out_ref[0] += jnp.dot(scaled, w_ref[0], preferred_element_type=jnp.float32)

  @pl.when(ki == CHUNKS - 1)
  def _():
    out_ref[0] = jnp.maximum(out_ref[0] + b_ref[0], 0.0)


def _tc_layer(agg4, invd2, w4, b4):
  grid = (CHUNKS, N_PAD // RB, CHUNKS)
  return pl.pallas_call(
      _tc_layer_body,
      grid=grid,
      in_specs=[
          pl.BlockSpec((1, RB, CW), lambda co, rb, ki: (ki, rb, 0)),
          pl.BlockSpec((RB, 1), lambda co, rb, ki: (rb, 0)),
          pl.BlockSpec((1, CW, CW), lambda co, rb, ki: (ki, 0, co)),
          pl.BlockSpec((1, 1, CW), lambda co, rb, ki: (co, 0, 0)),
      ],
      out_specs=pl.BlockSpec((1, RB, CW), lambda co, rb, ki: (co, rb, 0)),
      out_shape=jax.ShapeDtypeStruct((CHUNKS, N_PAD, CW), jnp.float32),
  )(agg4, invd2, w4, b4)


def _tc_post_body(h_ref, w_ref, b_ref, out_ref):
  ki = pl.program_id(1)

  @pl.when(ki == 0)
  def _():
    out_ref[...] = jnp.zeros_like(out_ref)

  out_ref[...] += jnp.dot(h_ref[0], w_ref[0], preferred_element_type=jnp.float32)

  @pl.when(ki == CHUNKS - 1)
  def _():
    out_ref[...] += b_ref[...]


def _tc_post(h4, w4, b2):
  d_out = w4.shape[2]
  grid = (N_PAD // RB, CHUNKS)
  return pl.pallas_call(
      _tc_post_body,
      grid=grid,
      in_specs=[
          pl.BlockSpec((1, RB, CW), lambda rb, ki: (ki, rb, 0)),
          pl.BlockSpec((1, CW, d_out), lambda rb, ki: (ki, 0, 0)),
          pl.BlockSpec((1, d_out), lambda rb, ki: (0, 0)),
      ],
      out_specs=pl.BlockSpec((RB, d_out), lambda rb, ki: (rb, 0)),
      out_shape=jax.ShapeDtypeStruct((N_PAD, d_out), jnp.float32),
  )(h4, w4, b2)


@jax.jit
def kernel(x, edge_index, W_pre, b_pre, Wg0, bg0, Wg1, bg1, Wg2, bg2,
           W_post, b_post):
  n, d_in = x.shape
  e = edge_index.shape[1]
  d_h = W_pre.shape[1]
  d_out = W_post.shape[1]
  assert d_h == CHUNKS * CW

  e_tile = -(-e // (NS * KB)) * KB
  e_pad = NS * e_tile
  src = edge_index[0]
  dst = edge_index[1]
  pad_idx = jnp.full((e_pad - e,), N_PAD - 1, jnp.int32)
  src3 = jnp.concatenate([src, pad_idx]).reshape(NS, e_tile // KB, KB)
  dst3 = jnp.concatenate([dst, pad_idx]).reshape(NS, e_tile // KB, KB)
  x_p = jnp.pad(x, ((0, N_PAD - n), (0, 0)))

  deg = _sc_degree(src3)
  invd2 = deg[:, :1]

  h4 = _tc_pre(x_p, W_pre, b_pre.reshape(CHUNKS, 1, CW))
  for w, b in ((Wg0, bg0), (Wg1, bg1), (Wg2, bg2)):
    agg4 = _sc_aggregate(h4, dst3, src3)
    h4 = _tc_layer(agg4, invd2, w.reshape(CHUNKS, CW, d_h),
                   b.reshape(CHUNKS, 1, CW))
  logits = _tc_post(h4, W_post.reshape(CHUNKS, CW, d_out),
                    b_post.reshape(1, d_out))
  return logits[:n]

# --- scband reference (transcript-rebuilt; emitter-appended) ---
"""Pipeline reference for scband-base-gnn-26113401159973 (READ-ONLY COPY).

The authoritative reference and input builder live on the scoring server;
editing this copy changes nothing except your own understanding.
"""

import jax, jax.numpy as jnp
import numpy as np

N = 10000
E = 160000
D_IN = 256
D_H = 512
D_OUT = 256


def setup_inputs(seed: int = 0) -> dict:
    key = jax.random.key(seed)
    ks = jax.random.split(key, 12)
    x = jax.random.normal(ks[0], (N, D_IN), dtype=jnp.float32)
    edge_index = jax.random.randint(ks[1], (2, E), 0, N, dtype=jnp.int32)
    def lin(k, fan_in, fan_out):
        return jax.random.normal(k, (fan_in, fan_out), dtype=jnp.float32) / np.sqrt(fan_in)
    W_pre = lin(ks[2], D_IN, D_H)
    b_pre = jnp.zeros((D_H,), dtype=jnp.float32)
    Wg0 = lin(ks[3], D_H, D_H)
    bg0 = jnp.zeros((D_H,), dtype=jnp.float32)
    Wg1 = lin(ks[4], D_H, D_H)
    bg1 = jnp.zeros((D_H,), dtype=jnp.float32)
    Wg2 = lin(ks[5], D_H, D_H)
    bg2 = jnp.zeros((D_H,), dtype=jnp.float32)
    W_post = lin(ks[6], D_H, D_OUT)
    b_post = jnp.zeros((D_OUT,), dtype=jnp.float32)
    return {
        'x': x, 'edge_index': edge_index,
        'W_pre': W_pre, 'b_pre': b_pre,
        'Wg0': Wg0, 'bg0': bg0,
        'Wg1': Wg1, 'bg1': bg1,
        'Wg2': Wg2, 'bg2': bg2,
        'W_post': W_post, 'b_post': b_post,
    }


def reference(x, edge_index, W_pre, b_pre, Wg0, bg0, Wg1, bg1, Wg2, bg2, W_post, b_post):
    # pre_nn: single Linear + act (use_act_out=True since has_gnn)
    h = jax.nn.relu(x @ W_pre + b_pre)
    # GNN stage: 3 mean-aggregation conv layers, flow='target_to_source'
    # (messages flow from target/dst nodes and are aggregated at source nodes)
    src = edge_index[0]
    dst = edge_index[1]
    deg = jax.ops.segment_sum(jnp.ones((E,), dtype=jnp.float32), src, num_segments=N)
    deg = jnp.maximum(deg, 1.0)[:, None]
    for W, b in ((Wg0, bg0), (Wg1, bg1), (Wg2, bg2)):
        msg = h[dst]                                        # gather over edges
        agg = jax.ops.segment_sum(msg, src, num_segments=N)  # scatter-add
        agg = agg / deg                                      # mean aggregation
        h = jax.nn.relu(agg @ W + b)                         # act_last=True -> act on all layers
    # post_nn: single Linear, no activation on output
    logits = h @ W_post + b_post
    return logits

if __name__ == "__main__":
    import jax
    _d = setup_inputs()
    print(jax.jit(kernel)(*tuple(_d.values())))

</pallas_src>

<mosaic_0001>
#map = affine_map<(d0, d1) -> (0, 0, 0)>
module attributes {stable_mosaic.version = 14 : i64} {
  func.func @_sc_aggregate_body(%arg0: i32, %arg1: i32, %arg2: memref<4x10240x128xf32, #tpu.memory_space<hbm>>, %arg3: memref<16x79x128xi32, #tpu.memory_space<hbm>>, %arg4: memref<16x79x128xi32, #tpu.memory_space<hbm>>, %arg5: memref<4x10240x128xf32, #tpu.memory_space<hbm>>, %arg6: memref<10240x128xf32, #tpu.memory_space<vmem_shared>>, %arg7: memref<79x128xi32, #tpu.memory_space<vmem>>, %arg8: memref<79x128xi32, #tpu.memory_space<vmem>>, %arg9: memref<128x128xf32, #tpu.memory_space<vmem>>, %arg10: memref<!tpu.dma_semaphore, #tpu.memory_space<semaphore_mem>>) attributes {dimension_semantics = [#tpu.dimension_semantics<core_parallel>, #tpu.dimension_semantics<subcore_parallel>], iteration_bounds = array<i64: 2, 16>, scalar_prefetch = 0 : i64, scratch_operands = 5 : i64, tpu.core_type = #tpu.core_type<sc_vector_subcore>, window_params = [{transform_indices = #map}, {transform_indices = #map}, {transform_indices = #map}, {transform_indices = #map}]} {
    "tpu.region"() ({
      %run_scoped3A = tpu.sem_alloc : memref<!tpu.dma_semaphore, #tpu.memory_space<semaphore_mem>>
      %dma_start3A = arith.constant 0 : i32
      %dma_start3A_52 = arith.constant 0 : i32
      %dma_start3A_53 = tpu.memref_slice %arg3[%arg1, %dma_start3A, %dma_start3A_52] : memref<16x79x128xi32, #tpu.memory_space<hbm>> -> memref<1x79x128xi32, #tpu.memory_space<hbm>>
      %dma_start3A_54 = tpu.memref_squeeze %dma_start3A_53 : memref<1x79x128xi32, #tpu.memory_space<hbm>> -> memref<79x128xi32, #tpu.memory_space<hbm>>
      %dma_start3A_55 = arith.constant 0 : i32
      %dma_start3A_56 = arith.constant 0 : i32
      %dma_start3A_57 = tpu.memref_slice %arg3[%arg1, %dma_start3A_55, %dma_start3A_56] : memref<16x79x128xi32, #tpu.memory_space<hbm>> -> memref<1x79x128xi32, #tpu.memory_space<hbm>>
      %dma_start3A_58 = tpu.memref_squeeze %dma_start3A_57 : memref<1x79x128xi32, #tpu.memory_space<hbm>> -> memref<79x128xi32, #tpu.memory_space<hbm>>
      tpu.enqueue_dma source(%dma_start3A_58 : memref<79x128xi32, #tpu.memory_space<hbm>>) target(%arg7 : memref<79x128xi32, #tpu.memory_space<vmem>>) target_semaphore(%run_scoped3A : memref<!tpu.dma_semaphore, #tpu.memory_space<semaphore_mem>>)
      %dma_wait3A = arith.constant 0 : i32
      %dma_wait3A_59 = arith.constant 0 : i32
      %dma_wait3A_60 = tpu.memref_slice %arg3[%arg1, %dma_wait3A, %dma_wait3A_59] : memref<16x79x128xi32, #tpu.memory_space<hbm>> -> memref<1x79x128xi32, #tpu.memory_space<hbm>>
      %dma_wait3A_61 = tpu.memref_squeeze %dma_wait3A_60 : memref<1x79x128xi32, #tpu.memory_space<hbm>> -> memref<79x128xi32, #tpu.memory_space<hbm>>
      %dma_wait3A_62 = arith.constant 0 : i32
      %dma_wait3A_63 = arith.constant 0 : i32
      %dma_wait3A_64 = tpu.memref_slice %arg3[%arg1, %dma_wait3A_62, %dma_wait3A_63] : memref<16x79x128xi32, #tpu.memory_space<hbm>> -> memref<1x79x128xi32, #tpu.memory_space<hbm>>
      %dma_wait3A_65 = tpu.memref_squeeze %dma_wait3A_64 : memref<1x79x128xi32, #tpu.memory_space<hbm>> -> memref<79x128xi32, #tpu.memory_space<hbm>>
      tpu.wait_dma2 semaphore(%run_scoped3A : memref<!tpu.dma_semaphore, #tpu.memory_space<semaphore_mem>>) src(%dma_wait3A_65 : memref<79x128xi32, #tpu.memory_space<hbm>>) dst(%arg7 : memref<79x128xi32, #tpu.memory_space<vmem>>)
      tpu.yield
    }) : () -> ()
    "tpu.region"() ({
      %run_scoped3A = tpu.sem_alloc : memref<!tpu.dma_semaphore, #tpu.memory_space<semaphore_mem>>
      %dma_start3A = arith.constant 0 : i32
      %dma_start3A_52 = arith.constant 0 : i32
      %dma_start3A_53 = tpu.memref_slice %arg4[%arg1, %dma_start3A, %dma_start3A_52] : memref<16x79x128xi32, #tpu.memory_space<hbm>> -> memref<1x79x128xi32, #tpu.memory_space<hbm>>
      %dma_start3A_54 = tpu.memref_squeeze %dma_start3A_53 : memref<1x79x128xi32, #tpu.memory_space<hbm>> -> memref<79x128xi32, #tpu.memory_space<hbm>>
      %dma_start3A_55 = arith.constant 0 : i32
      %dma_start3A_56 = arith.constant 0 : i32
      %dma_start3A_57 = tpu.memref_slice %arg4[%arg1, %dma_start3A_55, %dma_start3A_56] : memref<16x79x128xi32, #tpu.memory_space<hbm>> -> memref<1x79x128xi32, #tpu.memory_space<hbm>>
      %dma_start3A_58 = tpu.memref_squeeze %dma_start3A_57 : memref<1x79x128xi32, #tpu.memory_space<hbm>> -> memref<79x128xi32, #tpu.memory_space<hbm>>
      tpu.enqueue_dma source(%dma_start3A_58 : memref<79x128xi32, #tpu.memory_space<hbm>>) target(%arg8 : memref<79x128xi32, #tpu.memory_space<vmem>>) target_semaphore(%run_scoped3A : memref<!tpu.dma_semaphore, #tpu.memory_space<semaphore_mem>>)
      %dma_wait3A = arith.constant 0 : i32
      %dma_wait3A_59 = arith.constant 0 : i32
      %dma_wait3A_60 = tpu.memref_slice %arg4[%arg1, %dma_wait3A, %dma_wait3A_59] : memref<16x79x128xi32, #tpu.memory_space<hbm>> -> memref<1x79x128xi32, #tpu.memory_space<hbm>>
      %dma_wait3A_61 = tpu.memref_squeeze %dma_wait3A_60 : memref<1x79x128xi32, #tpu.memory_space<hbm>> -> memref<79x128xi32, #tpu.memory_space<hbm>>
      %dma_wait3A_62 = arith.constant 0 : i32
      %dma_wait3A_63 = arith.constant 0 : i32
      %dma_wait3A_64 = tpu.memref_slice %arg4[%arg1, %dma_wait3A_62, %dma_wait3A_63] : memref<16x79x128xi32, #tpu.memory_space<hbm>> -> memref<1x79x128xi32, #tpu.memory_space<hbm>>
      %dma_wait3A_65 = tpu.memref_squeeze %dma_wait3A_64 : memref<1x79x128xi32, #tpu.memory_space<hbm>> -> memref<79x128xi32, #tpu.memory_space<hbm>>
      tpu.wait_dma2 semaphore(%run_scoped3A : memref<!tpu.dma_semaphore, #tpu.memory_space<semaphore_mem>>) src(%dma_wait3A_65 : memref<79x128xi32, #tpu.memory_space<hbm>>) dst(%arg8 : memref<79x128xi32, #tpu.memory_space<vmem>>)
      tpu.yield
    }) : () -> ()
    %eq3A = arith.constant 0 : i32
    %eq3A_0 = arith.cmpi eq, %arg0, %eq3A : i32
    %convert_element_type3A = arith.extui %eq3A_0 : i1 to i32
    %cond3A = arith.constant 0 : i32
    %cond3A_1 = arith.cmpi ne, %convert_element_type3A, %cond3A : i32
    scf.if %cond3A_1 {
      %broadcast_in_dim3A = arith.constant 0.000000e+00 : f32
      %broadcast_in_dim3A_52 = vector.broadcast %broadcast_in_dim3A : f32 to vector<16xf32>
      %scan3A = arith.constant 0 : i32
      %scan3A_53 = arith.constant 0 : i32
      %scan3A_54 = arith.constant 128 : i32
      %scan3A_55 = arith.addi %scan3A_53, %scan3A_54 : i32
      %scan3A_56 = arith.constant 1 : i32
      %scan3A_57 = scf.for %scan3A_77 = %scan3A_53 to %scan3A_55 step %scan3A_56 iter_args(%scan3A_78 = %scan3A) -> (i32)  : i32 {
        %swap3A = arith.index_cast %scan3A_77 : i32 to index
        %swap3A_79 = arith.constant 0 : index
        %swap3A_80 = tpu.vector_load %arg9[%swap3A, %swap3A_79] {strides = array<i32>} : memref<128x128xf32, #tpu.memory_space<vmem>>, vector<1x16xf32>,
        %swap3A_81 = vector.shape_cast %swap3A_80 : vector<1x16xf32> to vector<16xf32>
        %swap3A_82 = vector.shape_cast %broadcast_in_dim3A_52 : vector<16xf32> to vector<1x16xf32>
        tpu.vector_store %arg9[%swap3A, %swap3A_79], %swap3A_82 {strides = array<i32>} : memref<128x128xf32, #tpu.memory_space<vmem>>, vector<1x16xf32>,
        %swap3A_83 = arith.index_cast %scan3A_77 : i32 to index
        %swap3A_84 = arith.constant 16 : index
        %swap3A_85 = tpu.vector_load %arg9[%swap3A_83, %swap3A_84] {strides = array<i32>} : memref<128x128xf32, #tpu.memory_space<vmem>>, vector<1x16xf32>,
        %swap3A_86 = vector.shape_cast %swap3A_85 : vector<1x16xf32> to vector<16xf32>
        %swap3A_87 = vector.shape_cast %broadcast_in_dim3A_52 : vector<16xf32> to vector<1x16xf32>
        tpu.vector_store %arg9[%swap3A_83, %swap3A_84], %swap3A_87 {strides = array<i32>} : memref<128x128xf32, #tpu.memory_space<vmem>>, vector<1x16xf32>,
        %swap3A_88 = arith.index_cast %scan3A_77 : i32 to index
        %swap3A_89 = arith.constant 32 : index
        %swap3A_90 = tpu.vector_load %arg9[%swap3A_88, %swap3A_89] {strides = array<i32>} : memref<128x128xf32, #tpu.memory_space<vmem>>, vector<1x16xf32>,
        %swap3A_91 = vector.shape_cast %swap3A_90 : vector<1x16xf32> to vector<16xf32>
        %swap3A_92 = vector.shape_cast %broadcast_in_dim3A_52 : vector<16xf32> to vector<1x16xf32>
        tpu.vector_store %arg9[%swap3A_88, %swap3A_89], %swap3A_92 {strides = array<i32>} : memref<128x128xf32, #tpu.memory_space<vmem>>, vector<1x16xf32>,
        %swap3A_93 = arith.index_cast %scan3A_77 : i32 to index
        %swap3A_94 = arith.constant 48 : index
        %swap3A_95 = tpu.vector_load %arg9[%swap3A_93, %swap3A_94] {strides = array<i32>} : memref<128x128xf32, #tpu.memory_space<vmem>>, vector<1x16xf32>,
        %swap3A_96 = vector.shape_cast %swap3A_95 : vector<1x16xf32> to vector<16xf32>
        %swap3A_97 = vector.shape_cast %broadcast_in_dim3A_52 : vector<16xf32> to vector<1x16xf32>
        tpu.vector_store %arg9[%swap3A_93, %swap3A_94], %swap3A_97 {strides = array<i32>} : memref<128x128xf32, #tpu.memory_space<vmem>>, vector<1x16xf32>,
        %swap3A_98 = arith.index_cast %scan3A_77 : i32 to index
        %swap3A_99 = arith.constant 64 : index
        %swap3A_100 = tpu.vector_load %arg9[%swap3A_98, %swap3A_99] {strides = array<i32>} : memref<128x128xf32, #tpu.memory_space<vmem>>, vector<1x16xf32>,
        %swap3A_101 = vector.shape_cast %swap3A_100 : vector<1x16xf32> to vector<16xf32>
        %swap3A_102 = vector.shape_cast %broadcast_in_dim3A_52 : vector<16xf32> to vector<1x16xf32>
        tpu.vector_store %arg9[%swap3A_98, %swap3A_99], %swap3A_102 {strides = array<i32>} : memref<128x128xf32, #tpu.memory_space<vmem>>, vector<1x16xf32>,
        %swap3A_103 = arith.index_cast %scan3A_77 : i32 to index
        %swap3A_104 = arith.constant 80 : index
        %swap3A_105 = tpu.vector_load %arg9[%swap3A_103, %swap3A_104] {strides = array<i32>} : memref<128x128xf32, #tpu.memory_space<vmem>>, vector<1x16xf32>,
        %swap3A_106 = vector.shape_cast %swap3A_105 : vector<1x16xf32> to vector<16xf32>
        %swap3A_107 = vector.shape_cast %broadcast_in_dim3A_52 : vector<16xf32> to vector<1x16xf32>
        tpu.vector_store %arg9[%swap3A_103, %swap3A_104], %swap3A_107 {strides = array<i32>} : memref<128x128xf32, #tpu.memory_space<vmem>>, vector<1x16xf32>,
        %swap3A_108 = arith.index_cast %scan3A_77 : i32 to index
        %swap3A_109 = arith.constant 96 : index
        %swap3A_110 = tpu.vector_load %arg9[%swap3A_108, %swap3A_109] {strides = array<i32>} : memref<128x128xf32, #tpu.memory_space<vmem>>, vector<1x16xf32>,
        %swap3A_111 = vector.shape_cast %swap3A_110 : vector<1x16xf32> to vector<16xf32>
        %swap3A_112 = vector.shape_cast %broadcast_in_dim3A_52 : vector<16xf32> to vector<1x16xf32>
        tpu.vector_store %arg9[%swap3A_108, %swap3A_109], %swap3A_112 {strides = array<i32>} : memref<128x128xf32, #tpu.memory_space<vmem>>, vector<1x16xf32>,
        %swap3A_113 = arith.index_cast %scan3A_77 : i32 to index
        %swap3A_114 = arith.constant 112 : index
        %swap3A_115 = tpu.vector_load %arg9[%swap3A_113, %swap3A_114] {strides = array<i32>} : memref<128x128xf32, #tpu.memory_space<vmem>>, vector<1x16xf32>,
        %swap3A_116 = vector.shape_cast %swap3A_115 : vector<1x16xf32> to vector<16xf32>
        %swap3A_117 = vector.shape_cast %broadcast_in_dim3A_52 : vector<16xf32> to vector<1x16xf32>
        tpu.vector_store %arg9[%swap3A_113, %swap3A_114], %swap3A_117 {strides = array<i32>} : memref<128x128xf32, #tpu.memory_space<vmem>>, vector<1x16xf32>,
        %scan3A_118 = arith.constant 0 : i32
        scf.yield %scan3A_118 : i32
      }
      %scan3A_58 = arith.constant 128 : i32
      %mul3A = arith.constant 640 : i32
      %mul3A_59 = arith.muli %arg1, %mul3A : i32
      %add3A = arith.constant 0 : i32
      %add3A_60 = arith.addi %mul3A_59, %add3A : i32
      "tpu.region"() ({
        %run_scoped3A = tpu.sem_alloc : memref<!tpu.dma_semaphore, #tpu.memory_space<semaphore_mem>>
        %dma_start3A = arith.constant 0 : i32
        %dma_start3A_77 = tpu.memref_slice %arg6[%add3A_60, %dma_start3A] : memref<10240x128xf32, #tpu.memory_space<vmem_shared>> -> memref<128x128xf32, #tpu.memory_space<vmem_shared>>
        %dma_start3A_78 = arith.constant 0 : i32
        %dma_start3A_79 = tpu.memref_slice %arg6[%add3A_60, %dma_start3A_78] : memref<10240x128xf32, #tpu.memory_space<vmem_shared>> -> memref<128x128xf32, #tpu.memory_space<vmem_shared>>
        tpu.enqueue_dma source(%arg9 : memref<128x128xf32, #tpu.memory_space<vmem>>) target(%dma_start3A_79 : memref<128x128xf32, #tpu.memory_space<vmem_shared>>) target_semaphore(%run_scoped3A : memref<!tpu.dma_semaphore, #tpu.memory_space<semaphore_mem>>)
        %dma_wait3A = arith.constant 0 : i32
        %dma_wait3A_80 = tpu.memref_slice %arg6[%add3A_60, %dma_wait3A] : memref<10240x128xf32, #tpu.memory_space<vmem_shared>> -> memref<128x128xf32, #tpu.memory_space<vmem_shared>>
        %dma_wait3A_81 = arith.constant 0 : i32
        %dma_wait3A_82 = tpu.memref_slice %arg6[%add3A_60, %dma_wait3A_81] : memref<10240x128xf32, #tpu.memory_space<vmem_shared>> -> memref<128x128xf32, #tpu.memory_space<vmem_shared>>
        tpu.wait_dma2 semaphore(%run_scoped3A : memref<!tpu.dma_semaphore, #tpu.memory_space<semaphore_mem>>) src(%arg9 : memref<128x128xf32, #tpu.memory_space<vmem>>) dst(%dma_wait3A_82 : memref<128x128xf32, #tpu.memory_space<vmem_shared>>)
        tpu.yield
      }) : () -> ()
      %mul3A_61 = arith.constant 640 : i32
      %mul3A_62 = arith.muli %arg1, %mul3A_61 : i32
      %add3A_63 = arith.constant 128 : i32
      %add3A_64 = arith.addi %mul3A_62, %add3A_63 : i32
      "tpu.region"() ({
        %run_scoped3A = tpu.sem_alloc : memref<!tpu.dma_semaphore, #tpu.memory_space<semaphore_mem>>
        %dma_start3A = arith.constant 0 : i32
        %dma_start3A_77 = tpu.memref_slice %arg6[%add3A_64, %dma_start3A] : memref<10240x128xf32, #tpu.memory_space<vmem_shared>> -> memref<128x128xf32, #tpu.memory_space<vmem_shared>>
        %dma_start3A_78 = arith.constant 0 : i32
        %dma_start3A_79 = tpu.memref_slice %arg6[%add3A_64, %dma_start3A_78] : memref<10240x128xf32, #tpu.memory_space<vmem_shared>> -> memref<128x128xf32, #tpu.memory_space<vmem_shared>>
        tpu.enqueue_dma source(%arg9 : memref<128x128xf32, #tpu.memory_space<vmem>>) target(%dma_start3A_79 : memref<128x128xf32, #tpu.memory_space<vmem_shared>>) target_semaphore(%run_scoped3A : memref<!tpu.dma_semaphore, #tpu.memory_space<semaphore_mem>>)
        %dma_wait3A = arith.constant 0 : i32
        %dma_wait3A_80 = tpu.memref_slice %arg6[%add3A_64, %dma_wait3A] : memref<10240x128xf32, #tpu.memory_space<vmem_shared>> -> memref<128x128xf32, #tpu.memory_space<vmem_shared>>
        %dma_wait3A_81 = arith.constant 0 : i32
        %dma_wait3A_82 = tpu.memref_slice %arg6[%add3A_64, %dma_wait3A_81] : memref<10240x128xf32, #tpu.memory_space<vmem_shared>> -> memref<128x128xf32, #tpu.memory_space<vmem_shared>>
        tpu.wait_dma2 semaphore(%run_scoped3A : memref<!tpu.dma_semaphore, #tpu.memory_space<semaphore_mem>>) src(%arg9 : memref<128x128xf32, #tpu.memory_space<vmem>>) dst(%dma_wait3A_82 : memref<128x128xf32, #tpu.memory_space<vmem_shared>>)
        tpu.yield
      }) : () -> ()
      %mul3A_65 = arith.constant 640 : i32
      %mul3A_66 = arith.muli %arg1, %mul3A_65 : i32
      %add3A_67 = arith.constant 256 : i32
      %add3A_68 = arith.addi %mul3A_66, %add3A_67 : i32
      "tpu.region"() ({
        %run_scoped3A = tpu.sem_alloc : memref<!tpu.dma_semaphore, #tpu.memory_space<semaphore_mem>>
        %dma_start3A = arith.constant 0 : i32
        %dma_start3A_77 = tpu.memref_slice %arg6[%add3A_68, %dma_start3A] : memref<10240x128xf32, #tpu.memory_space<vmem_shared>> -> memref<128x128xf32, #tpu.memory_space<vmem_shared>>
        %dma_start3A_78 = arith.constant 0 : i32
        %dma_start3A_79 = tpu.memref_slice %arg6[%add3A_68, %dma_start3A_78] : memref<10240x128xf32, #tpu.memory_space<vmem_shared>> -> memref<128x128xf32, #tpu.memory_space<vmem_shared>>
        tpu.enqueue_dma source(%arg9 : memref<128x128xf32, #tpu.memory_space<vmem>>) target(%dma_start3A_79 : memref<128x128xf32, #tpu.memory_space<vmem_shared>>) target_semaphore(%run_scoped3A : memref<!tpu.dma_semaphore, #tpu.memory_space<semaphore_mem>>)
        %dma_wait3A = arith.constant 0 : i32
        %dma_wait3A_80 = tpu.memref_slice %arg6[%add3A_68, %dma_wait3A] : memref<10240x128xf32, #tpu.memory_space<vmem_shared>> -> memref<128x128xf32, #tpu.memory_space<vmem_shared>>
        %dma_wait3A_81 = arith.constant 0 : i32
        %dma_wait3A_82 = tpu.memref_slice %arg6[%add3A_68, %dma_wait3A_81] : memref<10240x128xf32, #tpu.memory_space<vmem_shared>> -> memref<128x128xf32, #tpu.memory_space<vmem_shared>>
        tpu.wait_dma2 semaphore(%run_scoped3A : memref<!tpu.dma_semaphore, #tpu.memory_space<semaphore_mem>>) src(%arg9 : memref<128x128xf32, #tpu.memory_space<vmem>>) dst(%dma_wait3A_82 : memref<128x128xf32, #tpu.memory_space<vmem_shared>>)
        tpu.yield
      }) : () -> ()
      %mul3A_69 = arith.constant 640 : i32
      %mul3A_70 = arith.muli %arg1, %mul3A_69 : i32
      %add3A_71 = arith.constant 384 : i32
      %add3A_72 = arith.addi %mul3A_70, %add3A_71 : i32
      "tpu.region"() ({
        %run_scoped3A = tpu.sem_alloc : memref<!tpu.dma_semaphore, #tpu.memory_space<semaphore_mem>>
        %dma_start3A = arith.constant 0 : i32
        %dma_start3A_77 = tpu.memref_slice %arg6[%add3A_72, %dma_start3A] : memref<10240x128xf32, #tpu.memory_space<vmem_shared>> -> memref<128x128xf32, #tpu.memory_space<vmem_shared>>
        %dma_start3A_78 = arith.constant 0 : i32
        %dma_start3A_79 = tpu.memref_slice %arg6[%add3A_72, %dma_start3A_78] : memref<10240x128xf32, #tpu.memory_space<vmem_shared>> -> memref<128x128xf32, #tpu.memory_space<vmem_shared>>
        tpu.enqueue_dma source(%arg9 : memref<128x128xf32, #tpu.memory_space<vmem>>) target(%dma_start3A_79 : memref<128x128xf32, #tpu.memory_space<vmem_shared>>) target_semaphore(%run_scoped3A : memref<!tpu.dma_semaphore, #tpu.memory_space<semaphore_mem>>)
        %dma_wait3A = arith.constant 0 : i32
        %dma_wait3A_80 = tpu.memref_slice %arg6[%add3A_72, %dma_wait3A] : memref<10240x128xf32, #tpu.memory_space<vmem_shared>> -> memref<128x128xf32, #tpu.memory_space<vmem_shared>>
        %dma_wait3A_81 = arith.constant 0 : i32
        %dma_wait3A_82 = tpu.memref_slice %arg6[%add3A_72, %dma_wait3A_81] : memref<10240x128xf32, #tpu.memory_space<vmem_shared>> -> memref<128x128xf32, #tpu.memory_space<vmem_shared>>
        tpu.wait_dma2 semaphore(%run_scoped3A : memref<!tpu.dma_semaphore, #tpu.memory_space<semaphore_mem>>) src(%arg9 : memref<128x128xf32, #tpu.memory_space<vmem>>) dst(%dma_wait3A_82 : memref<128x128xf32, #tpu.memory_space<vmem_shared>>)
        tpu.yield
      }) : () -> ()
      %mul3A_73 = arith.constant 640 : i32
      %mul3A_74 = arith.muli %arg1, %mul3A_73 : i32
      %add3A_75 = arith.constant 512 : i32
      %add3A_76 = arith.addi %mul3A_74, %add3A_75 : i32
      "tpu.region"() ({
        %run_scoped3A = tpu.sem_alloc : memref<!tpu.dma_semaphore, #tpu.memory_space<semaphore_mem>>
        %dma_start3A = arith.constant 0 : i32
        %dma_start3A_77 = tpu.memref_slice %arg6[%add3A_76, %dma_start3A] : memref<10240x128xf32, #tpu.memory_space<vmem_shared>> -> memref<128x128xf32, #tpu.memory_space<vmem_shared>>
        %dma_start3A_78 = arith.constant 0 : i32
        %dma_start3A_79 = tpu.memref_slice %arg6[%add3A_76, %dma_start3A_78] : memref<10240x128xf32, #tpu.memory_space<vmem_shared>> -> memref<128x128xf32, #tpu.memory_space<vmem_shared>>
        tpu.enqueue_dma source(%arg9 : memref<128x128xf32, #tpu.memory_space<vmem>>) target(%dma_start3A_79 : memref<128x128xf32, #tpu.memory_space<vmem_shared>>) target_semaphore(%run_scoped3A : memref<!tpu.dma_semaphore, #tpu.memory_space<semaphore_mem>>)
        %dma_wait3A = arith.constant 0 : i32
        %dma_wait3A_80 = tpu.memref_slice %arg6[%add3A_76, %dma_wait3A] : memref<10240x128xf32, #tpu.memory_space<vmem_shared>> -> memref<128x128xf32, #tpu.memory_space<vmem_shared>>
        %dma_wait3A_81 = arith.constant 0 : i32
        %dma_wait3A_82 = tpu.memref_slice %arg6[%add3A_76, %dma_wait3A_81] : memref<10240x128xf32, #tpu.memory_space<vmem_shared>> -> memref<128x128xf32, #tpu.memory_space<vmem_shared>>
        tpu.wait_dma2 semaphore(%run_scoped3A : memref<!tpu.dma_semaphore, #tpu.memory_space<semaphore_mem>>) src(%arg9 : memref<128x128xf32, #tpu.memory_space<vmem>>) dst(%dma_wait3A_82 : memref<128x128xf32, #tpu.memory_space<vmem_shared>>)
        tpu.yield
      }) : () -> ()
    } else {
    }
    %barrier3A = arith.constant 0 : index
    tpu.barrier barrier_id(%barrier3A)
    %convert_element_type3A_2 = arith.extui %eq3A_0 : i1 to i32
    %cond3A_3 = arith.constant 0 : i32
    %cond3A_4 = arith.cmpi ne, %convert_element_type3A_2, %cond3A_3 : i32
    scf.if %cond3A_4 {
      %scan3A = arith.constant 0 : i32
      %scan3A_52 = arith.constant 0 : i32
      %scan3A_53 = arith.constant 0 : i32
      %scan3A_54 = arith.constant 79 : i32
      %scan3A_55 = arith.addi %scan3A_53, %scan3A_54 : i32
      %scan3A_56 = arith.constant 1 : i32
      %scan3A_57 = scf.for %scan3A_59 = %scan3A_53 to %scan3A_55 step %scan3A_56 iter_args(%scan3A_60 = %scan3A_52) -> (i32)  : i32 {
        %dma_start3A = arith.constant 0 : i32
        %dma_start3A_61 = tpu.memref_slice %arg7[%scan3A_59, %dma_start3A] : memref<79x128xi32, #tpu.memory_space<vmem>> -> memref<1x128xi32, #tpu.memory_space<vmem>>
        %dma_start3A_62 = tpu.memref_squeeze %dma_start3A_61 : memref<1x128xi32, #tpu.memory_space<vmem>> -> memref<128xi32, #tpu.memory_space<vmem>>
        %dma_start3A_63 = arith.constant 0 : i32
        %dma_start3A_64 = arith.constant 0 : i32
        %dma_start3A_65 = tpu.memref_slice %arg2[%scan3A, %dma_start3A_63, %dma_start3A_64] : memref<4x10240x128xf32, #tpu.memory_space<hbm>> -> memref<1x10240x128xf32, #tpu.memory_space<hbm>>
        %dma_start3A_66 = tpu.memref_squeeze %dma_start3A_65 : memref<1x10240x128xf32, #tpu.memory_space<hbm>> -> memref<10240x128xf32, #tpu.memory_space<hbm>>
        %dma_start3A_67 = arith.constant 0 : i32
        %dma_start3A_68 = arith.constant 0 : i32
        %dma_start3A_69 = tpu.memref_slice %dma_start3A_66[%dma_start3A_67, %dma_start3A_68] : memref<10240x128xf32, #tpu.memory_space<hbm>> -> memref<10240x128xf32, #tpu.memory_space<hbm>>
        tpu.enqueue_indirect_dma source(%dma_start3A_69 : memref<10240x128xf32, #tpu.memory_space<hbm>>) target(%arg9 : memref<128x128xf32, #tpu.memory_space<vmem>>) offsets(%dma_start3A_62 : memref<128xi32, #tpu.memory_space<vmem>>) semaphore(%arg10 : memref<!tpu.dma_semaphore, #tpu.memory_space<semaphore_mem>>)
        %dma_wait3A = arith.constant 0 : i32
        %dma_wait3A_70 = tpu.memref_slice %arg7[%scan3A_59, %dma_wait3A] : memref<79x128xi32, #tpu.memory_space<vmem>> -> memref<1x128xi32, #tpu.memory_space<vmem>>
        %dma_wait3A_71 = tpu.memref_squeeze %dma_wait3A_70 : memref<1x128xi32, #tpu.memory_space<vmem>> -> memref<128xi32, #tpu.memory_space<vmem>>
        %dma_wait3A_72 = arith.constant 0 : i32
        %dma_wait3A_73 = arith.constant 0 : i32
        %dma_wait3A_74 = tpu.memref_slice %arg2[%scan3A, %dma_wait3A_72, %dma_wait3A_73] : memref<4x10240x128xf32, #tpu.memory_space<hbm>> -> memref<1x10240x128xf32, #tpu.memory_space<hbm>>
        %dma_wait3A_75 = tpu.memref_squeeze %dma_wait3A_74 : memref<1x10240x128xf32, #tpu.memory_space<hbm>> -> memref<10240x128xf32, #tpu.memory_space<hbm>>
        %dma_wait3A_76 = arith.constant 0 : i32
        %dma_wait3A_77 = arith.constant 0 : i32
        %dma_wait3A_78 = tpu.memref_slice %dma_wait3A_75[%dma_wait3A_76, %dma_wait3A_77] : memref<10240x128xf32, #tpu.memory_space<hbm>> -> memref<10240x128xf32, #tpu.memory_space<hbm>>
        tpu.wait_indirect_dma semaphore(%arg10 : memref<!tpu.dma_semaphore, #tpu.memory_space<semaphore_mem>>) src(%dma_wait3A_78 : memref<10240x128xf32, #tpu.memory_space<hbm>>) dst(%arg9 : memref<128x128xf32, #tpu.memory_space<vmem>>)
        "tpu.region"() ({
          %run_scoped3A = tpu.sem_alloc : memref<!tpu.dma_semaphore, #tpu.memory_space<semaphore_mem>>
          %dma_start3A_80 = arith.constant 0 : i32
          %dma_start3A_81 = tpu.memref_slice %arg8[%scan3A_59, %dma_start3A_80] : memref<79x128xi32, #tpu.memory_space<vmem>> -> memref<1x128xi32, #tpu.memory_space<vmem>>
          %dma_start3A_82 = tpu.memref_squeeze %dma_start3A_81 : memref<1x128xi32, #tpu.memory_space<vmem>> -> memref<128xi32, #tpu.memory_space<vmem>>
          %dma_start3A_83 = arith.constant 0 : i32
          %dma_start3A_84 = arith.constant 0 : i32
          %dma_start3A_85 = tpu.memref_slice %arg6[%dma_start3A_83, %dma_start3A_84] : memref<10240x128xf32, #tpu.memory_space<vmem_shared>> -> memref<10240x128xf32, #tpu.memory_space<vmem_shared>>
          tpu.enqueue_indirect_dma source(%arg9 : memref<128x128xf32, #tpu.memory_space<vmem>>) target(%dma_start3A_85 : memref<10240x128xf32, #tpu.memory_space<vmem_shared>>) offsets(%dma_start3A_82 : memref<128xi32, #tpu.memory_space<vmem>>) semaphore(%run_scoped3A : memref<!tpu.dma_semaphore, #tpu.memory_space<semaphore_mem>>) {add = true}
          %dma_wait3A_86 = arith.constant 0 : i32
          %dma_wait3A_87 = tpu.memref_slice %arg8[%scan3A_59, %dma_wait3A_86] : memref<79x128xi32, #tpu.memory_space<vmem>> -> memref<1x128xi32, #tpu.memory_space<vmem>>
          %dma_wait3A_88 = tpu.memref_squeeze %dma_wait3A_87 : memref<1x128xi32, #tpu.memory_space<vmem>> -> memref<128xi32, #tpu.memory_space<vmem>>
          %dma_wait3A_89 = arith.constant 0 : i32
          %dma_wait3A_90 = arith.constant 0 : i32
          %dma_wait3A_91 = tpu.memref_slice %arg6[%dma_wait3A_89, %dma_wait3A_90] : memref<10240x128xf32, #tpu.memory_space<vmem_shared>> -> memref<10240x128xf32, #tpu.memory_space<vmem_shared>>
          tpu.wait_indirect_dma semaphore(%run_scoped3A : memref<!tpu.dma_semaphore, #tpu.memory_space<semaphore_mem>>) src(%arg9 : memref<128x128xf32, #tpu.memory_space<vmem>>) dst(%dma_wait3A_91 : memref<10240x128xf32, #tpu.memory_space<vmem_shared>>)
          tpu.yield
        }) : () -> ()
        %scan3A_79 = arith.constant 0 : i32
        scf.yield %scan3A_79 : i32
      }
      %scan3A_58 = arith.constant 79 : i32
    } else {
    }
    %barrier3A_5 = arith.constant 0 : index
    tpu.barrier barrier_id(%barrier3A_5)
    %convert_element_type3A_6 = arith.extui %eq3A_0 : i1 to i32
    %cond3A_7 = arith.constant 0 : i32
    %cond3A_8 = arith.cmpi ne, %convert_element_type3A_6, %cond3A_7 : i32
    scf.if %cond3A_8 {
      %mul3A = arith.constant 640 : i32
      %mul3A_52 = arith.muli %arg1, %mul3A : i32
      %mul3A_53 = arith.constant 640 : i32
      %mul3A_54 = arith.muli %arg1, %mul3A_53 : i32
      %run_scoped3A = arith.constant 0 : i32
      "tpu.region"() ({
        %run_scoped3A_55 = tpu.sem_alloc : memref<!tpu.dma_semaphore, #tpu.memory_space<semaphore_mem>>
        %dma_start3A = arith.constant 0 : i32
        %dma_start3A_56 = arith.constant 0 : i32
        %dma_start3A_57 = tpu.memref_slice %arg5[%run_scoped3A, %dma_start3A, %dma_start3A_56] : memref<4x10240x128xf32, #tpu.memory_space<hbm>> -> memref<1x10240x128xf32, #tpu.memory_space<hbm>>
        %dma_start3A_58 = tpu.memref_squeeze %dma_start3A_57 : memref<1x10240x128xf32, #tpu.memory_space<hbm>> -> memref<10240x128xf32, #tpu.memory_space<hbm>>
        %dma_start3A_59 = arith.constant 0 : i32
        %dma_start3A_60 = tpu.memref_slice %dma_start3A_58[%mul3A_54, %dma_start3A_59] : memref<10240x128xf32, #tpu.memory_space<hbm>> -> memref<640x128xf32, #tpu.memory_space<hbm>>
        %dma_start3A_61 = arith.constant 0 : i32
        %dma_start3A_62 = tpu.memref_slice %arg6[%mul3A_52, %dma_start3A_61] : memref<10240x128xf32, #tpu.memory_space<vmem_shared>> -> memref<640x128xf32, #tpu.memory_space<vmem_shared>>
        tpu.enqueue_dma source(%dma_start3A_62 : memref<640x128xf32, #tpu.memory_space<vmem_shared>>) target(%dma_start3A_60 : memref<640x128xf32, #tpu.memory_space<hbm>>) target_semaphore(%run_scoped3A_55 : memref<!tpu.dma_semaphore, #tpu.memory_space<semaphore_mem>>)
        %dma_wait3A = arith.constant 0 : i32
        %dma_wait3A_63 = arith.constant 0 : i32
        %dma_wait3A_64 = tpu.memref_slice %arg5[%run_scoped3A, %dma_wait3A, %dma_wait3A_63] : memref<4x10240x128xf32, #tpu.memory_space<hbm>> -> memref<1x10240x128xf32, #tpu.memory_space<hbm>>
        %dma_wait3A_65 = tpu.memref_squeeze %dma_wait3A_64 : memref<1x10240x128xf32, #tpu.memory_space<hbm>> -> memref<10240x128xf32, #tpu.memory_space<hbm>>
        %dma_wait3A_66 = arith.constant 0 : i32
        %dma_wait3A_67 = tpu.memref_slice %dma_wait3A_65[%mul3A_54, %dma_wait3A_66] : memref<10240x128xf32, #tpu.memory_space<hbm>> -> memref<640x128xf32, #tpu.memory_space<hbm>>
        %dma_wait3A_68 = arith.constant 0 : i32
        %dma_wait3A_69 = tpu.memref_slice %arg6[%mul3A_52, %dma_wait3A_68] : memref<10240x128xf32, #tpu.memory_space<vmem_shared>> -> memref<640x128xf32, #tpu.memory_space<vmem_shared>>
        tpu.wait_dma2 semaphore(%run_scoped3A_55 : memref<!tpu.dma_semaphore, #tpu.memory_space<semaphore_mem>>) src(%dma_wait3A_69 : memref<640x128xf32, #tpu.memory_space<vmem_shared>>) dst(%dma_wait3A_67 : memref<640x128xf32, #tpu.memory_space<hbm>>)
        tpu.yield
      }) : () -> ()
    } else {
    }
    %barrier3A_9 = arith.constant 0 : index
    tpu.barrier barrier_id(%barrier3A_9)
    %eq3A_10 = arith.constant 0 : i32
    %eq3A_11 = arith.cmpi eq, %arg0, %eq3A_10 : i32
    %convert_element_type3A_12 = arith.extui %eq3A_11 : i1 to i32
    %cond3A_13 = arith.constant 0 : i32
    %cond3A_14 = arith.cmpi ne, %convert_element_type3A_12, %cond3A_13 : i32
    scf.if %cond3A_14 {
      %broadcast_in_dim3A = arith.constant 0.000000e+00 : f32
      %broadcast_in_dim3A_52 = vector.broadcast %broadcast_in_dim3A : f32 to vector<16xf32>
      %scan3A = arith.constant 0 : i32
      %scan3A_53 = arith.constant 0 : i32
      %scan3A_54 = arith.constant 128 : i32
      %scan3A_55 = arith.addi %scan3A_53, %scan3A_54 : i32
      %scan3A_56 = arith.constant 1 : i32
      %scan3A_57 = scf.for %scan3A_77 = %scan3A_53 to %scan3A_55 step %scan3A_56 iter_args(%scan3A_78 = %scan3A) -> (i32)  : i32 {
        %swap3A = arith.index_cast %scan3A_77 : i32 to index
        %swap3A_79 = arith.constant 0 : index
        %swap3A_80 = tpu.vector_load %arg9[%swap3A, %swap3A_79] {strides = array<i32>} : memref<128x128xf32, #tpu.memory_space<vmem>>, vector<1x16xf32>,
        %swap3A_81 = vector.shape_cast %swap3A_80 : vector<1x16xf32> to vector<16xf32>
        %swap3A_82 = vector.shape_cast %broadcast_in_dim3A_52 : vector<16xf32> to vector<1x16xf32>
        tpu.vector_store %arg9[%swap3A, %swap3A_79], %swap3A_82 {strides = array<i32>} : memref<128x128xf32, #tpu.memory_space<vmem>>, vector<1x16xf32>,
        %swap3A_83 = arith.index_cast %scan3A_77 : i32 to index
        %swap3A_84 = arith.constant 16 : index
        %swap3A_85 = tpu.vector_load %arg9[%swap3A_83, %swap3A_84] {strides = array<i32>} : memref<128x128xf32, #tpu.memory_space<vmem>>, vector<1x16xf32>,
        %swap3A_86 = vector.shape_cast %swap3A_85 : vector<1x16xf32> to vector<16xf32>
        %swap3A_87 = vector.shape_cast %broadcast_in_dim3A_52 : vector<16xf32> to vector<1x16xf32>
        tpu.vector_store %arg9[%swap3A_83, %swap3A_84], %swap3A_87 {strides = array<i32>} : memref<128x128xf32, #tpu.memory_space<vmem>>, vector<1x16xf32>,
        %swap3A_88 = arith.index_cast %scan3A_77 : i32 to index
        %swap3A_89 = arith.constant 32 : index
        %swap3A_90 = tpu.vector_load %arg9[%swap3A_88, %swap3A_89] {strides = array<i32>} : memref<128x128xf32, #tpu.memory_space<vmem>>, vector<1x16xf32>,
        %swap3A_91 = vector.shape_cast %swap3A_90 : vector<1x16xf32> to vector<16xf32>
        %swap3A_92 = vector.shape_cast %broadcast_in_dim3A_52 : vector<16xf32> to vector<1x16xf32>
        tpu.vector_store %arg9[%swap3A_88, %swap3A_89], %swap3A_92 {strides = array<i32>} : memref<128x128xf32, #tpu.memory_space<vmem>>, vector<1x16xf32>,
        %swap3A_93 = arith.index_cast %scan3A_77 : i32 to index
        %swap3A_94 = arith.constant 48 : index
        %swap3A_95 = tpu.vector_load %arg9[%swap3A_93, %swap3A_94] {strides = array<i32>} : memref<128x128xf32, #tpu.memory_space<vmem>>, vector<1x16xf32>,
        %swap3A_96 = vector.shape_cast %swap3A_95 : vector<1x16xf32> to vector<16xf32>
        %swap3A_97 = vector.shape_cast %broadcast_in_dim3A_52 : vector<16xf32> to vector<1x16xf32>
        tpu.vector_store %arg9[%swap3A_93, %swap3A_94], %swap3A_97 {strides = array<i32>} : memref<128x128xf32, #tpu.memory_space<vmem>>, vector<1x16xf32>,
        %swap3A_98 = arith.index_cast %scan3A_77 : i32 to index
        %swap3A_99 = arith.constant 64 : index
        %swap3A_100 = tpu.vector_load %arg9[%swap3A_98, %swap3A_99] {strides = array<i32>} : memref<128x128xf32, #tpu.memory_space<vmem>>, vector<1x16xf32>,
        %swap3A_101 = vector.shape_cast %swap3A_100 : vector<1x16xf32> to vector<16xf32>
        %swap3A_102 = vector.shape_cast %broadcast_in_dim3A_52 : vector<16xf32> to vector<1x16xf32>
        tpu.vector_store %arg9[%swap3A_98, %swap3A_99], %swap3A_102 {strides = array<i32>} : memref<128x128xf32, #tpu.memory_space<vmem>>, vector<1x16xf32>,
        %swap3A_103 = arith.index_cast %scan3A_77 : i32 to index
        %swap3A_104 = arith.constant 80 : index
        %swap3A_105 = tpu.vector_load %arg9[%swap3A_103, %swap3A_104] {strides = array<i32>} : memref<128x128xf32, #tpu.memory_space<vmem>>, vector<1x16xf32>,
        %swap3A_106 = vector.shape_cast %swap3A_105 : vector<1x16xf32> to vector<16xf32>
        %swap3A_107 = vector.shape_cast %broadcast_in_dim3A_52 : vector<16xf32> to vector<1x16xf32>
        tpu.vector_store %arg9[%swap3A_103, %swap3A_104], %swap3A_107 {strides = array<i32>} : memref<128x128xf32, #tpu.memory_space<vmem>>, vector<1x16xf32>,
        %swap3A_108 = arith.index_cast %scan3A_77 : i32 to index
        %swap3A_109 = arith.constant 96 : index
        %swap3A_110 = tpu.vector_load %arg9[%swap3A_108, %swap3A_109] {strides = array<i32>} : memref<128x128xf32, #tpu.memory_space<vmem>>, vector<1x16xf32>,
        %swap3A_111 = vector.shape_cast %swap3A_110 : vector<1x16xf32> to vector<16xf32>
        %swap3A_112 = vector.shape_cast %broadcast_in_dim3A_52 : vector<16xf32> to vector<1x16xf32>
        tpu.vector_store %arg9[%swap3A_108, %swap3A_109], %swap3A_112 {strides = array<i32>} : memref<128x128xf32, #tpu.memory_space<vmem>>, vector<1x16xf32>,
        %swap3A_113 = arith.index_cast %scan3A_77 : i32 to index
        %swap3A_114 = arith.constant 112 : index
        %swap3A_115 = tpu.vector_load %arg9[%swap3A_113, %swap3A_114] {strides = array<i32>} : memref<128x128xf32, #tpu.memory_space<vmem>>, vector<1x16xf32>,
        %swap3A_116 = vector.shape_cast %swap3A_115 : vector<1x16xf32> to vector<16xf32>
        %swap3A_117 = vector.shape_cast %broadcast_in_dim3A_52 : vector<16xf32> to vector<1x16xf32>
        tpu.vector_store %arg9[%swap3A_113, %swap3A_114], %swap3A_117 {strides = array<i32>} : memref<128x128xf32, #tpu.memory_space<vmem>>, vector<1x16xf32>,
        %scan3A_118 = arith.constant 0 : i32
        scf.yield %scan3A_118 : i32
      }
      %scan3A_58 = arith.constant 128 : i32
      %mul3A = arith.constant 640 : i32
      %mul3A_59 = arith.muli %arg1, %mul3A : i32
      %add3A = arith.constant 0 : i32
      %add3A_60 = arith.addi %mul3A_59, %add3A : i32
      "tpu.region"() ({
        %run_scoped3A = tpu.sem_alloc : memref<!tpu.dma_semaphore, #tpu.memory_space<semaphore_mem>>
        %dma_start3A = arith.constant 0 : i32
        %dma_start3A_77 = tpu.memref_slice %arg6[%add3A_60, %dma_start3A] : memref<10240x128xf32, #tpu.memory_space<vmem_shared>> -> memref<128x128xf32, #tpu.memory_space<vmem_shared>>
        %dma_start3A_78 = arith.constant 0 : i32
        %dma_start3A_79 = tpu.memref_slice %arg6[%add3A_60, %dma_start3A_78] : memref<10240x128xf32, #tpu.memory_space<vmem_shared>> -> memref<128x128xf32, #tpu.memory_space<vmem_shared>>
        tpu.enqueue_dma source(%arg9 : memref<128x128xf32, #tpu.memory_space<vmem>>) target(%dma_start3A_79 : memref<128x128xf32, #tpu.memory_space<vmem_shared>>) target_semaphore(%run_scoped3A : memref<!tpu.dma_semaphore, #tpu.memory_space<semaphore_mem>>)
        %dma_wait3A = arith.constant 0 : i32
        %dma_wait3A_80 = tpu.memref_slice %arg6[%add3A_60, %dma_wait3A] : memref<10240x128xf32, #tpu.memory_space<vmem_shared>> -> memref<128x128xf32, #tpu.memory_space<vmem_shared>>
        %dma_wait3A_81 = arith.constant 0 : i32
        %dma_wait3A_82 = tpu.memref_slice %arg6[%add3A_60, %dma_wait3A_81] : memref<10240x128xf32, #tpu.memory_space<vmem_shared>> -> memref<128x128xf32, #tpu.memory_space<vmem_shared>>
        tpu.wait_dma2 semaphore(%run_scoped3A : memref<!tpu.dma_semaphore, #tpu.memory_space<semaphore_mem>>) src(%arg9 : memref<128x128xf32, #tpu.memory_space<vmem>>) dst(%dma_wait3A_82 : memref<128x128xf32, #tpu.memory_space<vmem_shared>>)
        tpu.yield
      }) : () -> ()
      %mul3A_61 = arith.constant 640 : i32
      %mul3A_62 = arith.muli %arg1, %mul3A_61 : i32
      %add3A_63 = arith.constant 128 : i32
      %add3A_64 = arith.addi %mul3A_62, %add3A_63 : i32
      "tpu.region"() ({
        %run_scoped3A = tpu.sem_alloc : memref<!tpu.dma_semaphore, #tpu.memory_space<semaphore_mem>>
        %dma_start3A = arith.constant 0 : i32
        %dma_start3A_77 = tpu.memref_slice %arg6[%add3A_64, %dma_start3A] : memref<10240x128xf32, #tpu.memory_space<vmem_shared>> -> memref<128x128xf32, #tpu.memory_space<vmem_shared>>
        %dma_start3A_78 = arith.constant 0 : i32
        %dma_start3A_79 = tpu.memref_slice %arg6[%add3A_64, %dma_start3A_78] : memref<10240x128xf32, #tpu.memory_space<vmem_shared>> -> memref<128x128xf32, #tpu.memory_space<vmem_shared>>
        tpu.enqueue_dma source(%arg9 : memref<128x128xf32, #tpu.memory_space<vmem>>) target(%dma_start3A_79 : memref<128x128xf32, #tpu.memory_space<vmem_shared>>) target_semaphore(%run_scoped3A : memref<!tpu.dma_semaphore, #tpu.memory_space<semaphore_mem>>)
        %dma_wait3A = arith.constant 0 : i32
        %dma_wait3A_80 = tpu.memref_slice %arg6[%add3A_64, %dma_wait3A] : memref<10240x128xf32, #tpu.memory_space<vmem_shared>> -> memref<128x128xf32, #tpu.memory_space<vmem_shared>>
        %dma_wait3A_81 = arith.constant 0 : i32
        %dma_wait3A_82 = tpu.memref_slice %arg6[%add3A_64, %dma_wait3A_81] : memref<10240x128xf32, #tpu.memory_space<vmem_shared>> -> memref<128x128xf32, #tpu.memory_space<vmem_shared>>
        tpu.wait_dma2 semaphore(%run_scoped3A : memref<!tpu.dma_semaphore, #tpu.memory_space<semaphore_mem>>) src(%arg9 : memref<128x128xf32, #tpu.memory_space<vmem>>) dst(%dma_wait3A_82 : memref<128x128xf32, #tpu.memory_space<vmem_shared>>)
        tpu.yield
      }) : () -> ()
      %mul3A_65 = arith.constant 640 : i32
      %mul3A_66 = arith.muli %arg1, %mul3A_65 : i32
      %add3A_67 = arith.constant 256 : i32
      %add3A_68 = arith.addi %mul3A_66, %add3A_67 : i32
      "tpu.region"() ({
        %run_scoped3A = tpu.sem_alloc : memref<!tpu.dma_semaphore, #tpu.memory_space<semaphore_mem>>
        %dma_start3A = arith.constant 0 : i32
        %dma_start3A_77 = tpu.memref_slice %arg6[%add3A_68, %dma_start3A] : memref<10240x128xf32, #tpu.memory_space<vmem_shared>> -> memref<128x128xf32, #tpu.memory_space<vmem_shared>>
        %dma_start3A_78 = arith.constant 0 : i32
        %dma_start3A_79 = tpu.memref_slice %arg6[%add3A_68, %dma_start3A_78] : memref<10240x128xf32, #tpu.memory_space<vmem_shared>> -> memref<128x128xf32, #tpu.memory_space<vmem_shared>>
        tpu.enqueue_dma source(%arg9 : memref<128x128xf32, #tpu.memory_space<vmem>>) target(%dma_start3A_79 : memref<128x128xf32, #tpu.memory_space<vmem_shared>>) target_semaphore(%run_scoped3A : memref<!tpu.dma_semaphore, #tpu.memory_space<semaphore_mem>>)
        %dma_wait3A = arith.constant 0 : i32
        %dma_wait3A_80 = tpu.memref_slice %arg6[%add3A_68, %dma_wait3A] : memref<10240x128xf32, #tpu.memory_space<vmem_shared>> -> memref<128x128xf32, #tpu.memory_space<vmem_shared>>
        %dma_wait3A_81 = arith.constant 0 : i32
        %dma_wait3A_82 = tpu.memref_slice %arg6[%add3A_68, %dma_wait3A_81] : memref<10240x128xf32, #tpu.memory_space<vmem_shared>> -> memref<128x128xf32, #tpu.memory_space<vmem_shared>>
        tpu.wait_dma2 semaphore(%run_scoped3A : memref<!tpu.dma_semaphore, #tpu.memory_space<semaphore_mem>>) src(%arg9 : memref<128x128xf32, #tpu.memory_space<vmem>>) dst(%dma_wait3A_82 : memref<128x128xf32, #tpu.memory_space<vmem_shared>>)
        tpu.yield
      }) : () -> ()
      %mul3A_69 = arith.constant 640 : i32
      %mul3A_70 = arith.muli %arg1, %mul3A_69 : i32
      %add3A_71 = arith.constant 384 : i32
      %add3A_72 = arith.addi %mul3A_70, %add3A_71 : i32
      "tpu.region"() ({
        %run_scoped3A = tpu.sem_alloc : memref<!tpu.dma_semaphore, #tpu.memory_space<semaphore_mem>>
        %dma_start3A = arith.constant 0 : i32
        %dma_start3A_77 = tpu.memref_slice %arg6[%add3A_72, %dma_start3A] : memref<10240x128xf32, #tpu.memory_space<vmem_shared>> -> memref<128x128xf32, #tpu.memory_space<vmem_shared>>
        %dma_start3A_78 = arith.constant 0 : i32
        %dma_start3A_79 = tpu.memref_slice %arg6[%add3A_72, %dma_start3A_78] : memref<10240x128xf32, #tpu.memory_space<vmem_shared>> -> memref<128x128xf32, #tpu.memory_space<vmem_shared>>
        tpu.enqueue_dma source(%arg9 : memref<128x128xf32, #tpu.memory_space<vmem>>) target(%dma_start3A_79 : memref<128x128xf32, #tpu.memory_space<vmem_shared>>) target_semaphore(%run_scoped3A : memref<!tpu.dma_semaphore, #tpu.memory_space<semaphore_mem>>)
        %dma_wait3A = arith.constant 0 : i32
        %dma_wait3A_80 = tpu.memref_slice %arg6[%add3A_72, %dma_wait3A] : memref<10240x128xf32, #tpu.memory_space<vmem_shared>> -> memref<128x128xf32, #tpu.memory_space<vmem_shared>>
        %dma_wait3A_81 = arith.constant 0 : i32
        %dma_wait3A_82 = tpu.memref_slice %arg6[%add3A_72, %dma_wait3A_81] : memref<10240x128xf32, #tpu.memory_space<vmem_shared>> -> memref<128x128xf32, #tpu.memory_space<vmem_shared>>
        tpu.wait_dma2 semaphore(%run_scoped3A : memref<!tpu.dma_semaphore, #tpu.memory_space<semaphore_mem>>) src(%arg9 : memref<128x128xf32, #tpu.memory_space<vmem>>) dst(%dma_wait3A_82 : memref<128x128xf32, #tpu.memory_space<vmem_shared>>)
        tpu.yield
      }) : () -> ()
      %mul3A_73 = arith.constant 640 : i32
      %mul3A_74 = arith.muli %arg1, %mul3A_73 : i32
      %add3A_75 = arith.constant 512 : i32
      %add3A_76 = arith.addi %mul3A_74, %add3A_75 : i32
      "tpu.region"() ({
        %run_scoped3A = tpu.sem_alloc : memref<!tpu.dma_semaphore, #tpu.memory_space<semaphore_mem>>
        %dma_start3A = arith.constant 0 : i32
        %dma_start3A_77 = tpu.memref_slice %arg6[%add3A_76, %dma_start3A] : memref<10240x128xf32, #tpu.memory_space<vmem_shared>> -> memref<128x128xf32, #tpu.memory_space<vmem_shared>>
        %dma_start3A_78 = arith.constant 0 : i32
        %dma_start3A_79 = tpu.memref_slice %arg6[%add3A_76, %dma_start3A_78] : memref<10240x128xf32, #tpu.memory_space<vmem_shared>> -> memref<128x128xf32, #tpu.memory_space<vmem_shared>>
        tpu.enqueue_dma source(%arg9 : memref<128x128xf32, #tpu.memory_space<vmem>>) target(%dma_start3A_79 : memref<128x128xf32, #tpu.memory_space<vmem_shared>>) target_semaphore(%run_scoped3A : memref<!tpu.dma_semaphore, #tpu.memory_space<semaphore_mem>>)
        %dma_wait3A = arith.constant 0 : i32
        %dma_wait3A_80 = tpu.memref_slice %arg6[%add3A_76, %dma_wait3A] : memref<10240x128xf32, #tpu.memory_space<vmem_shared>> -> memref<128x128xf32, #tpu.memory_space<vmem_shared>>
        %dma_wait3A_81 = arith.constant 0 : i32
        %dma_wait3A_82 = tpu.memref_slice %arg6[%add3A_76, %dma_wait3A_81] : memref<10240x128xf32, #tpu.memory_space<vmem_shared>> -> memref<128x128xf32, #tpu.memory_space<vmem_shared>>
        tpu.wait_dma2 semaphore(%run_scoped3A : memref<!tpu.dma_semaphore, #tpu.memory_space<semaphore_mem>>) src(%arg9 : memref<128x128xf32, #tpu.memory_space<vmem>>) dst(%dma_wait3A_82 : memref<128x128xf32, #tpu.memory_space<vmem_shared>>)
        tpu.yield
      }) : () -> ()
    } else {
    }
    %barrier3A_15 = arith.constant 0 : index
    tpu.barrier barrier_id(%barrier3A_15)
    %convert_element_type3A_16 = arith.extui %eq3A_11 : i1 to i32
    %cond3A_17 = arith.constant 0 : i32
    %cond3A_18 = arith.cmpi ne, %convert_element_type3A_16, %cond3A_17 : i32
    scf.if %cond3A_18 {
      %scan3A = arith.constant 1 : i32
      %scan3A_52 = arith.constant 0 : i32
      %scan3A_53 = arith.constant 0 : i32
      %scan3A_54 = arith.constant 79 : i32
      %scan3A_55 = arith.addi %scan3A_53, %scan3A_54 : i32
      %scan3A_56 = arith.constant 1 : i32
      %scan3A_57 = scf.for %scan3A_59 = %scan3A_53 to %scan3A_55 step %scan3A_56 iter_args(%scan3A_60 = %scan3A_52) -> (i32)  : i32 {
        %dma_start3A = arith.constant 0 : i32
        %dma_start3A_61 = tpu.memref_slice %arg7[%scan3A_59, %dma_start3A] : memref<79x128xi32, #tpu.memory_space<vmem>> -> memref<1x128xi32, #tpu.memory_space<vmem>>
        %dma_start3A_62 = tpu.memref_squeeze %dma_start3A_61 : memref<1x128xi32, #tpu.memory_space<vmem>> -> memref<128xi32, #tpu.memory_space<vmem>>
        %dma_start3A_63 = arith.constant 0 : i32
        %dma_start3A_64 = arith.constant 0 : i32
        %dma_start3A_65 = tpu.memref_slice %arg2[%scan3A, %dma_start3A_63, %dma_start3A_64] : memref<4x10240x128xf32, #tpu.memory_space<hbm>> -> memref<1x10240x128xf32, #tpu.memory_space<hbm>>
        %dma_start3A_66 = tpu.memref_squeeze %dma_start3A_65 : memref<1x10240x128xf32, #tpu.memory_space<hbm>> -> memref<10240x128xf32, #tpu.memory_space<hbm>>
        %dma_start3A_67 = arith.constant 0 : i32
        %dma_start3A_68 = arith.constant 0 : i32
        %dma_start3A_69 = tpu.memref_slice %dma_start3A_66[%dma_start3A_67, %dma_start3A_68] : memref<10240x128xf32, #tpu.memory_space<hbm>> -> memref<10240x128xf32, #tpu.memory_space<hbm>>
        tpu.enqueue_indirect_dma source(%dma_start3A_69 : memref<10240x128xf32, #tpu.memory_space<hbm>>) target(%arg9 : memref<128x128xf32, #tpu.memory_space<vmem>>) offsets(%dma_start3A_62 : memref<128xi32, #tpu.memory_space<vmem>>) semaphore(%arg10 : memref<!tpu.dma_semaphore, #tpu.memory_space<semaphore_mem>>)
        %dma_wait3A = arith.constant 0 : i32
        %dma_wait3A_70 = tpu.memref_slice %arg7[%scan3A_59, %dma_wait3A] : memref<79x128xi32, #tpu.memory_space<vmem>> -> memref<1x128xi32, #tpu.memory_space<vmem>>
        %dma_wait3A_71 = tpu.memref_squeeze %dma_wait3A_70 : memref<1x128xi32, #tpu.memory_space<vmem>> -> memref<128xi32, #tpu.memory_space<vmem>>
        %dma_wait3A_72 = arith.constant 0 : i32
        %dma_wait3A_73 = arith.constant 0 : i32
        %dma_wait3A_74 = tpu.memref_slice %arg2[%scan3A, %dma_wait3A_72, %dma_wait3A_73] : memref<4x10240x128xf32, #tpu.memory_space<hbm>> -> memref<1x10240x128xf32, #tpu.memory_space<hbm>>
        %dma_wait3A_75 = tpu.memref_squeeze %dma_wait3A_74 : memref<1x10240x128xf32, #tpu.memory_space<hbm>> -> memref<10240x128xf32, #tpu.memory_space<hbm>>
        %dma_wait3A_76 = arith.constant 0 : i32
        %dma_wait3A_77 = arith.constant 0 : i32
        %dma_wait3A_78 = tpu.memref_slice %dma_wait3A_75[%dma_wait3A_76, %dma_wait3A_77] : memref<10240x128xf32, #tpu.memory_space<hbm>> -> memref<10240x128xf32, #tpu.memory_space<hbm>>
        tpu.wait_indirect_dma semaphore(%arg10 : memref<!tpu.dma_semaphore, #tpu.memory_space<semaphore_mem>>) src(%dma_wait3A_78 : memref<10240x128xf32, #tpu.memory_space<hbm>>) dst(%arg9 : memref<128x128xf32, #tpu.memory_space<vmem>>)
        "tpu.region"() ({
          %run_scoped3A = tpu.sem_alloc : memref<!tpu.dma_semaphore, #tpu.memory_space<semaphore_mem>>
          %dma_start3A_80 = arith.constant 0 : i32
          %dma_start3A_81 = tpu.memref_slice %arg8[%scan3A_59, %dma_start3A_80] : memref<79x128xi32, #tpu.memory_space<vmem>> -> memref<1x128xi32, #tpu.memory_space<vmem>>
          %dma_start3A_82 = tpu.memref_squeeze %dma_start3A_81 : memref<1x128xi32, #tpu.memory_space<vmem>> -> memref<128xi32, #tpu.memory_space<vmem>>
          %dma_start3A_83 = arith.constant 0 : i32
          %dma_start3A_84 = arith.constant 0 : i32
          %dma_start3A_85 = tpu.memref_slice %arg6[%dma_start3A_83, %dma_start3A_84] : memref<10240x128xf32, #tpu.memory_space<vmem_shared>> -> memref<10240x128xf32, #tpu.memory_space<vmem_shared>>
          tpu.enqueue_indirect_dma source(%arg9 : memref<128x128xf32, #tpu.memory_space<vmem>>) target(%dma_start3A_85 : memref<10240x128xf32, #tpu.memory_space<vmem_shared>>) offsets(%dma_start3A_82 : memref<128xi32, #tpu.memory_space<vmem>>) semaphore(%run_scoped3A : memref<!tpu.dma_semaphore, #tpu.memory_space<semaphore_mem>>) {add = true}
          %dma_wait3A_86 = arith.constant 0 : i32
          %dma_wait3A_87 = tpu.memref_slice %arg8[%scan3A_59, %dma_wait3A_86] : memref<79x128xi32, #tpu.memory_space<vmem>> -> memref<1x128xi32, #tpu.memory_space<vmem>>
          %dma_wait3A_88 = tpu.memref_squeeze %dma_wait3A_87 : memref<1x128xi32, #tpu.memory_space<vmem>> -> memref<128xi32, #tpu.memory_space<vmem>>
          %dma_wait3A_89 = arith.constant 0 : i32
          %dma_wait3A_90 = arith.constant 0 : i32
          %dma_wait3A_91 = tpu.memref_slice %arg6[%dma_wait3A_89, %dma_wait3A_90] : memref<10240x128xf32, #tpu.memory_space<vmem_shared>> -> memref<10240x128xf32, #tpu.memory_space<vmem_shared>>
          tpu.wait_indirect_dma semaphore(%run_scoped3A : memref<!tpu.dma_semaphore, #tpu.memory_space<semaphore_mem>>) src(%arg9 : memref<128x128xf32, #tpu.memory_space<vmem>>) dst(%dma_wait3A_91 : memref<10240x128xf32, #tpu.memory_space<vmem_shared>>)
          tpu.yield
        }) : () -> ()
        %scan3A_79 = arith.constant 0 : i32
        scf.yield %scan3A_79 : i32
      }
      %scan3A_58 = arith.constant 79 : i32
    } else {
    }
    %barrier3A_19 = arith.constant 0 : index
    tpu.barrier barrier_id(%barrier3A_19)
    %convert_element_type3A_20 = arith.extui %eq3A_11 : i1 to i32
    %cond3A_21 = arith.constant 0 : i32
    %cond3A_22 = arith.cmpi ne, %convert_element_type3A_20, %cond3A_21 : i32
    scf.if %cond3A_22 {
      %mul3A = arith.constant 640 : i32
      %mul3A_52 = arith.muli %arg1, %mul3A : i32
      %mul3A_53 = arith.constant 640 : i32
      %mul3A_54 = arith.muli %arg1, %mul3A_53 : i32
      %run_scoped3A = arith.constant 1 : i32
      "tpu.region"() ({
        %run_scoped3A_55 = tpu.sem_alloc : memref<!tpu.dma_semaphore, #tpu.memory_space<semaphore_mem>>
        %dma_start3A = arith.constant 0 : i32
        %dma_start3A_56 = arith.constant 0 : i32
        %dma_start3A_57 = tpu.memref_slice %arg5[%run_scoped3A, %dma_start3A, %dma_start3A_56] : memref<4x10240x128xf32, #tpu.memory_space<hbm>> -> memref<1x10240x128xf32, #tpu.memory_space<hbm>>
        %dma_start3A_58 = tpu.memref_squeeze %dma_start3A_57 : memref<1x10240x128xf32, #tpu.memory_space<hbm>> -> memref<10240x128xf32, #tpu.memory_space<hbm>>
        %dma_start3A_59 = arith.constant 0 : i32
        %dma_start3A_60 = tpu.memref_slice %dma_start3A_58[%mul3A_54, %dma_start3A_59] : memref<10240x128xf32, #tpu.memory_space<hbm>> -> memref<640x128xf32, #tpu.memory_space<hbm>>
        %dma_start3A_61 = arith.constant 0 : i32
        %dma_start3A_62 = tpu.memref_slice %arg6[%mul3A_52, %dma_start3A_61] : memref<10240x128xf32, #tpu.memory_space<vmem_shared>> -> memref<640x128xf32, #tpu.memory_space<vmem_shared>>
        tpu.enqueue_dma source(%dma_start3A_62 : memref<640x128xf32, #tpu.memory_space<vmem_shared>>) target(%dma_start3A_60 : memref<640x128xf32, #tpu.memory_space<hbm>>) target_semaphore(%run_scoped3A_55 : memref<!tpu.dma_semaphore, #tpu.memory_space<semaphore_mem>>)
        %dma_wait3A = arith.constant 0 : i32
        %dma_wait3A_63 = arith.constant 0 : i32
        %dma_wait3A_64 = tpu.memref_slice %arg5[%run_scoped3A, %dma_wait3A, %dma_wait3A_63] : memref<4x10240x128xf32, #tpu.memory_space<hbm>> -> memref<1x10240x128xf32, #tpu.memory_space<hbm>>
        %dma_wait3A_65 = tpu.memref_squeeze %dma_wait3A_64 : memref<1x10240x128xf32, #tpu.memory_space<hbm>> -> memref<10240x128xf32, #tpu.memory_space<hbm>>
        %dma_wait3A_66 = arith.constant 0 : i32
        %dma_wait3A_67 = tpu.memref_slice %dma_wait3A_65[%mul3A_54, %dma_wait3A_66] : memref<10240x128xf32, #tpu.memory_space<hbm>> -> memref<640x128xf32, #tpu.memory_space<hbm>>
        %dma_wait3A_68 = arith.constant 0 : i32
        %dma_wait3A_69 = tpu.memref_slice %arg6[%mul3A_52, %dma_wait3A_68] : memref<10240x128xf32, #tpu.memory_space<vmem_shared>> -> memref<640x128xf32, #tpu.memory_space<vmem_shared>>
        tpu.wait_dma2 semaphore(%run_scoped3A_55 : memref<!tpu.dma_semaphore, #tpu.memory_space<semaphore_mem>>) src(%dma_wait3A_69 : memref<640x128xf32, #tpu.memory_space<vmem_shared>>) dst(%dma_wait3A_67 : memref<640x128xf32, #tpu.memory_space<hbm>>)
        tpu.yield
      }) : () -> ()
    } else {
    }
    %barrier3A_23 = arith.constant 0 : index
    tpu.barrier barrier_id(%barrier3A_23)
    %eq3A_24 = arith.constant 1 : i32
    %eq3A_25 = arith.cmpi eq, %arg0, %eq3A_24 : i32
    %convert_element_type3A_26 = arith.extui %eq3A_25 : i1 to i32
    %cond3A_27 = arith.constant 0 : i32
    %cond3A_28 = arith.cmpi ne, %convert_element_type3A_26, %cond3A_27 : i32
    scf.if %cond3A_28 {
      %broadcast_in_dim3A = arith.constant 0.000000e+00 : f32
      %broadcast_in_dim3A_52 = vector.broadcast %broadcast_in_dim3A : f32 to vector<16xf32>
      %scan3A = arith.constant 0 : i32
      %scan3A_53 = arith.constant 0 : i32
      %scan3A_54 = arith.constant 128 : i32
      %scan3A_55 = arith.addi %scan3A_53, %scan3A_54 : i32
      %scan3A_56 = arith.constant 1 : i32
      %scan3A_57 = scf.for %scan3A_77 = %scan3A_53 to %scan3A_55 step %scan3A_56 iter_args(%scan3A_78 = %scan3A) -> (i32)  : i32 {
        %swap3A = arith.index_cast %scan3A_77 : i32 to index
        %swap3A_79 = arith.constant 0 : index
        %swap3A_80 = tpu.vector_load %arg9[%swap3A, %swap3A_79] {strides = array<i32>} : memref<128x128xf32, #tpu.memory_space<vmem>>, vector<1x16xf32>,
        %swap3A_81 = vector.shape_cast %swap3A_80 : vector<1x16xf32> to vector<16xf32>
        %swap3A_82 = vector.shape_cast %broadcast_in_dim3A_52 : vector<16xf32> to vector<1x16xf32>
        tpu.vector_store %arg9[%swap3A, %swap3A_79], %swap3A_82 {strides = array<i32>} : memref<128x128xf32, #tpu.memory_space<vmem>>, vector<1x16xf32>,
        %swap3A_83 = arith.index_cast %scan3A_77 : i32 to index
        %swap3A_84 = arith.constant 16 : index
        %swap3A_85 = tpu.vector_load %arg9[%swap3A_83, %swap3A_84] {strides = array<i32>} : memref<128x128xf32, #tpu.memory_space<vmem>>, vector<1x16xf32>,
        %swap3A_86 = vector.shape_cast %swap3A_85 : vector<1x16xf32> to vector<16xf32>
        %swap3A_87 = vector.shape_cast %broadcast_in_dim3A_52 : vector<16xf32> to vector<1x16xf32>
        tpu.vector_store %arg9[%swap3A_83, %swap3A_84], %swap3A_87 {strides = array<i32>} : memref<128x128xf32, #tpu.memory_space<vmem>>, vector<1x16xf32>,
        %swap3A_88 = arith.index_cast %scan3A_77 : i32 to index
        %swap3A_89 = arith.constant 32 : index
        %swap3A_90 = tpu.vector_load %arg9[%swap3A_88, %swap3A_89] {strides = array<i32>} : memref<128x128xf32, #tpu.memory_space<vmem>>, vector<1x16xf32>,
        %swap3A_91 = vector.shape_cast %swap3A_90 : vector<1x16xf32> to vector<16xf32>
        %swap3A_92 = vector.shape_cast %broadcast_in_dim3A_52 : vector<16xf32> to vector<1x16xf32>
        tpu.vector_store %arg9[%swap3A_88, %swap3A_89], %swap3A_92 {strides = array<i32>} : memref<128x128xf32, #tpu.memory_space<vmem>>, vector<1x16xf32>,
        %swap3A_93 = arith.index_cast %scan3A_77 : i32 to index
        %swap3A_94 = arith.constant 48 : index
        %swap3A_95 = tpu.vector_load %arg9[%swap3A_93, %swap3A_94] {strides = array<i32>} : memref<128x128xf32, #tpu.memory_space<vmem>>, vector<1x16xf32>,
        %swap3A_96 = vector.shape_cast %swap3A_95 : vector<1x16xf32> to vector<16xf32>
        %swap3A_97 = vector.shape_cast %broadcast_in_dim3A_52 : vector<16xf32> to vector<1x16xf32>
        tpu.vector_store %arg9[%swap3A_93, %swap3A_94], %swap3A_97 {strides = array<i32>} : memref<128x128xf32, #tpu.memory_space<vmem>>, vector<1x16xf32>,
        %swap3A_98 = arith.index_cast %scan3A_77 : i32 to index
        %swap3A_99 = arith.constant 64 : index
        %swap3A_100 = tpu.vector_load %arg9[%swap3A_98, %swap3A_99] {strides = array<i32>} : memref<128x128xf32, #tpu.memory_space<vmem>>, vector<1x16xf32>,
        %swap3A_101 = vector.shape_cast %swap3A_100 : vector<1x16xf32> to vector<16xf32>
        %swap3A_102 = vector.shape_cast %broadcast_in_dim3A_52 : vector<16xf32> to vector<1x16xf32>
        tpu.vector_store %arg9[%swap3A_98, %swap3A_99], %swap3A_102 {strides = array<i32>} : memref<128x128xf32, #tpu.memory_space<vmem>>, vector<1x16xf32>,
        %swap3A_103 = arith.index_cast %scan3A_77 : i32 to index
        %swap3A_104 = arith.constant 80 : index
        %swap3A_105 = tpu.vector_load %arg9[%swap3A_103, %swap3A_104] {strides = array<i32>} : memref<128x128xf32, #tpu.memory_space<vmem>>, vector<1x16xf32>,
        %swap3A_106 = vector.shape_cast %swap3A_105 : vector<1x16xf32> to vector<16xf32>
        %swap3A_107 = vector.shape_cast %broadcast_in_dim3A_52 : vector<16xf32> to vector<1x16xf32>
        tpu.vector_store %arg9[%swap3A_103, %swap3A_104], %swap3A_107 {strides = array<i32>} : memref<128x128xf32, #tpu.memory_space<vmem>>, vector<1x16xf32>,
        %swap3A_108 = arith.index_cast %scan3A_77 : i32 to index
        %swap3A_109 = arith.constant 96 : index
        %swap3A_110 = tpu.vector_load %arg9[%swap3A_108, %swap3A_109] {strides = array<i32>} : memref<128x128xf32, #tpu.memory_space<vmem>>, vector<1x16xf32>,
        %swap3A_111 = vector.shape_cast %swap3A_110 : vector<1x16xf32> to vector<16xf32>
        %swap3A_112 = vector.shape_cast %broadcast_in_dim3A_52 : vector<16xf32> to vector<1x16xf32>
        tpu.vector_store %arg9[%swap3A_108, %swap3A_109], %swap3A_112 {strides = array<i32>} : memref<128x128xf32, #tpu.memory_space<vmem>>, vector<1x16xf32>,
        %swap3A_113 = arith.index_cast %scan3A_77 : i32 to index
        %swap3A_114 = arith.constant 112 : index
        %swap3A_115 = tpu.vector_load %arg9[%swap3A_113, %swap3A_114] {strides = array<i32>} : memref<128x128xf32, #tpu.memory_space<vmem>>, vector<1x16xf32>,
        %swap3A_116 = vector.shape_cast %swap3A_115 : vector<1x16xf32> to vector<16xf32>
        %swap3A_117 = vector.shape_cast %broadcast_in_dim3A_52 : vector<16xf32> to vector<1x16xf32>
        tpu.vector_store %arg9[%swap3A_113, %swap3A_114], %swap3A_117 {strides = array<i32>} : memref<128x128xf32, #tpu.memory_space<vmem>>, vector<1x16xf32>,
        %scan3A_118 = arith.constant 0 : i32
        scf.yield %scan3A_118 : i32
      }
      %scan3A_58 = arith.constant 128 : i32
      %mul3A = arith.constant 640 : i32
      %mul3A_59 = arith.muli %arg1, %mul3A : i32
      %add3A = arith.constant 0 : i32
      %add3A_60 = arith.addi %mul3A_59, %add3A : i32
      "tpu.region"() ({
        %run_scoped3A = tpu.sem_alloc : memref<!tpu.dma_semaphore, #tpu.memory_space<semaphore_mem>>
        %dma_start3A = arith.constant 0 : i32
        %dma_start3A_77 = tpu.memref_slice %arg6[%add3A_60, %dma_start3A] : memref<10240x128xf32, #tpu.memory_space<vmem_shared>> -> memref<128x128xf32, #tpu.memory_space<vmem_shared>>
        %dma_start3A_78 = arith.constant 0 : i32
        %dma_start3A_79 = tpu.memref_slice %arg6[%add3A_60, %dma_start3A_78] : memref<10240x128xf32, #tpu.memory_space<vmem_shared>> -> memref<128x128xf32, #tpu.memory_space<vmem_shared>>
        tpu.enqueue_dma source(%arg9 : memref<128x128xf32, #tpu.memory_space<vmem>>) target(%dma_start3A_79 : memref<128x128xf32, #tpu.memory_space<vmem_shared>>) target_semaphore(%run_scoped3A : memref<!tpu.dma_semaphore, #tpu.memory_space<semaphore_mem>>)
        %dma_wait3A = arith.constant 0 : i32
        %dma_wait3A_80 = tpu.memref_slice %arg6[%add3A_60, %dma_wait3A] : memref<10240x128xf32, #tpu.memory_space<vmem_shared>> -> memref<128x128xf32, #tpu.memory_space<vmem_shared>>
        %dma_wait3A_81 = arith.constant 0 : i32
        %dma_wait3A_82 = tpu.memref_slice %arg6[%add3A_60, %dma_wait3A_81] : memref<10240x128xf32, #tpu.memory_space<vmem_shared>> -> memref<128x128xf32, #tpu.memory_space<vmem_shared>>
        tpu.wait_dma2 semaphore(%run_scoped3A : memref<!tpu.dma_semaphore, #tpu.memory_space<semaphore_mem>>) src(%arg9 : memref<128x128xf32, #tpu.memory_space<vmem>>) dst(%dma_wait3A_82 : memref<128x128xf32, #tpu.memory_space<vmem_shared>>)
        tpu.yield
      }) : () -> ()
      %mul3A_61 = arith.constant 640 : i32
      %mul3A_62 = arith.muli %arg1, %mul3A_61 : i32
      %add3A_63 = arith.constant 128 : i32
      %add3A_64 = arith.addi %mul3A_62, %add3A_63 : i32
      "tpu.region"() ({
        %run_scoped3A = tpu.sem_alloc : memref<!tpu.dma_semaphore, #tpu.memory_space<semaphore_mem>>
        %dma_start3A = arith.constant 0 : i32
        %dma_start3A_77 = tpu.memref_slice %arg6[%add3A_64, %dma_start3A] : memref<10240x128xf32, #tpu.memory_space<vmem_shared>> -> memref<128x128xf32, #tpu.memory_space<vmem_shared>>
        %dma_start3A_78 = arith.constant 0 : i32
        %dma_start3A_79 = tpu.memref_slice %arg6[%add3A_64, %dma_start3A_78] : memref<10240x128xf32, #tpu.memory_space<vmem_shared>> -> memref<128x128xf32, #tpu.memory_space<vmem_shared>>
        tpu.enqueue_dma source(%arg9 : memref<128x128xf32, #tpu.memory_space<vmem>>) target(%dma_start3A_79 : memref<128x128xf32, #tpu.memory_space<vmem_shared>>) target_semaphore(%run_scoped3A : memref<!tpu.dma_semaphore, #tpu.memory_space<semaphore_mem>>)
        %dma_wait3A = arith.constant 0 : i32
        %dma_wait3A_80 = tpu.memref_slice %arg6[%add3A_64, %dma_wait3A] : memref<10240x128xf32, #tpu.memory_space<vmem_shared>> -> memref<128x128xf32, #tpu.memory_space<vmem_shared>>
        %dma_wait3A_81 = arith.constant 0 : i32
        %dma_wait3A_82 = tpu.memref_slice %arg6[%add3A_64, %dma_wait3A_81] : memref<10240x128xf32, #tpu.memory_space<vmem_shared>> -> memref<128x128xf32, #tpu.memory_space<vmem_shared>>
        tpu.wait_dma2 semaphore(%run_scoped3A : memref<!tpu.dma_semaphore, #tpu.memory_space<semaphore_mem>>) src(%arg9 : memref<128x128xf32, #tpu.memory_space<vmem>>) dst(%dma_wait3A_82 : memref<128x128xf32, #tpu.memory_space<vmem_shared>>)
        tpu.yield
      }) : () -> ()
      %mul3A_65 = arith.constant 640 : i32
      %mul3A_66 = arith.muli %arg1, %mul3A_65 : i32
      %add3A_67 = arith.constant 256 : i32
      %add3A_68 = arith.addi %mul3A_66, %add3A_67 : i32
      "tpu.region"() ({
        %run_scoped3A = tpu.sem_alloc : memref<!tpu.dma_semaphore, #tpu.memory_space<semaphore_mem>>
        %dma_start3A = arith.constant 0 : i32
        %dma_start3A_77 = tpu.memref_slice %arg6[%add3A_68, %dma_start3A] : memref<10240x128xf32, #tpu.memory_space<vmem_shared>> -> memref<128x128xf32, #tpu.memory_space<vmem_shared>>
        %dma_start3A_78 = arith.constant 0 : i32
        %dma_start3A_79 = tpu.memref_slice %arg6[%add3A_68, %dma_start3A_78] : memref<10240x128xf32, #tpu.memory_space<vmem_shared>> -> memref<128x128xf32, #tpu.memory_space<vmem_shared>>
        tpu.enqueue_dma source(%arg9 : memref<128x128xf32, #tpu.memory_space<vmem>>) target(%dma_start3A_79 : memref<128x128xf32, #tpu.memory_space<vmem_shared>>) target_semaphore(%run_scoped3A : memref<!tpu.dma_semaphore, #tpu.memory_space<semaphore_mem>>)
        %dma_wait3A = arith.constant 0 : i32
        %dma_wait3A_80 = tpu.memref_slice %arg6[%add3A_68, %dma_wait3A] : memref<10240x128xf32, #tpu.memory_space<vmem_shared>> -> memref<128x128xf32, #tpu.memory_space<vmem_shared>>
        %dma_wait3A_81 = arith.constant 0 : i32
        %dma_wait3A_82 = tpu.memref_slice %arg6[%add3A_68, %dma_wait3A_81] : memref<10240x128xf32, #tpu.memory_space<vmem_shared>> -> memref<128x128xf32, #tpu.memory_space<vmem_shared>>
        tpu.wait_dma2 semaphore(%run_scoped3A : memref<!tpu.dma_semaphore, #tpu.memory_space<semaphore_mem>>) src(%arg9 : memref<128x128xf32, #tpu.memory_space<vmem>>) dst(%dma_wait3A_82 : memref<128x128xf32, #tpu.memory_space<vmem_shared>>)
        tpu.yield
      }) : () -> ()
      %mul3A_69 = arith.constant 640 : i32
      %mul3A_70 = arith.muli %arg1, %mul3A_69 : i32
      %add3A_71 = arith.constant 384 : i32
      %add3A_72 = arith.addi %mul3A_70, %add3A_71 : i32
      "tpu.region"() ({
        %run_scoped3A = tpu.sem_alloc : memref<!tpu.dma_semaphore, #tpu.memory_space<semaphore_mem>>
        %dma_start3A = arith.constant 0 : i32
        %dma_start3A_77 = tpu.memref_slice %arg6[%add3A_72, %dma_start3A] : memref<10240x128xf32, #tpu.memory_space<vmem_shared>> -> memref<128x128xf32, #tpu.memory_space<vmem_shared>>
        %dma_start3A_78 = arith.constant 0 : i32
        %dma_start3A_79 = tpu.memref_slice %arg6[%add3A_72, %dma_start3A_78] : memref<10240x128xf32, #tpu.memory_space<vmem_shared>> -> memref<128x128xf32, #tpu.memory_space<vmem_shared>>
        tpu.enqueue_dma source(%arg9 : memref<128x128xf32, #tpu.memory_space<vmem>>) target(%dma_start3A_79 : memref<128x128xf32, #tpu.memory_space<vmem_shared>>) target_semaphore(%run_scoped3A : memref<!tpu.dma_semaphore, #tpu.memory_space<semaphore_mem>>)
        %dma_wait3A = arith.constant 0 : i32
        %dma_wait3A_80 = tpu.memref_slice %arg6[%add3A_72, %dma_wait3A] : memref<10240x128xf32, #tpu.memory_space<vmem_shared>> -> memref<128x128xf32, #tpu.memory_space<vmem_shared>>
        %dma_wait3A_81 = arith.constant 0 : i32
        %dma_wait3A_82 = tpu.memref_slice %arg6[%add3A_72, %dma_wait3A_81] : memref<10240x128xf32, #tpu.memory_space<vmem_shared>> -> memref<128x128xf32, #tpu.memory_space<vmem_shared>>
        tpu.wait_dma2 semaphore(%run_scoped3A : memref<!tpu.dma_semaphore, #tpu.memory_space<semaphore_mem>>) src(%arg9 : memref<128x128xf32, #tpu.memory_space<vmem>>) dst(%dma_wait3A_82 : memref<128x128xf32, #tpu.memory_space<vmem_shared>>)
        tpu.yield
      }) : () -> ()
      %mul3A_73 = arith.constant 640 : i32
      %mul3A_74 = arith.muli %arg1, %mul3A_73 : i32
      %add3A_75 = arith.constant 512 : i32
      %add3A_76 = arith.addi %mul3A_74, %add3A_75 : i32
      "tpu.region"() ({
        %run_scoped3A = tpu.sem_alloc : memref<!tpu.dma_semaphore, #tpu.memory_space<semaphore_mem>>
        %dma_start3A = arith.constant 0 : i32
        %dma_start3A_77 = tpu.memref_slice %arg6[%add3A_76, %dma_start3A] : memref<10240x128xf32, #tpu.memory_space<vmem_shared>> -> memref<128x128xf32, #tpu.memory_space<vmem_shared>>
        %dma_start3A_78 = arith.constant 0 : i32
        %dma_start3A_79 = tpu.memref_slice %arg6[%add3A_76, %dma_start3A_78] : memref<10240x128xf32, #tpu.memory_space<vmem_shared>> -> memref<128x128xf32, #tpu.memory_space<vmem_shared>>
        tpu.enqueue_dma source(%arg9 : memref<128x128xf32, #tpu.memory_space<vmem>>) target(%dma_start3A_79 : memref<128x128xf32, #tpu.memory_space<vmem_shared>>) target_semaphore(%run_scoped3A : memref<!tpu.dma_semaphore, #tpu.memory_space<semaphore_mem>>)
        %dma_wait3A = arith.constant 0 : i32
        %dma_wait3A_80 = tpu.memref_slice %arg6[%add3A_76, %dma_wait3A] : memref<10240x128xf32, #tpu.memory_space<vmem_shared>> -> memref<128x128xf32, #tpu.memory_space<vmem_shared>>
        %dma_wait3A_81 = arith.constant 0 : i32
        %dma_wait3A_82 = tpu.memref_slice %arg6[%add3A_76, %dma_wait3A_81] : memref<10240x128xf32, #tpu.memory_space<vmem_shared>> -> memref<128x128xf32, #tpu.memory_space<vmem_shared>>
        tpu.wait_dma2 semaphore(%run_scoped3A : memref<!tpu.dma_semaphore, #tpu.memory_space<semaphore_mem>>) src(%arg9 : memref<128x128xf32, #tpu.memory_space<vmem>>) dst(%dma_wait3A_82 : memref<128x128xf32, #tpu.memory_space<vmem_shared>>)
        tpu.yield
      }) : () -> ()
    } else {
    }
    %barrier3A_29 = arith.constant 0 : index
    tpu.barrier barrier_id(%barrier3A_29)
    %convert_element_type3A_30 = arith.extui %eq3A_25 : i1 to i32
    %cond3A_31 = arith.constant 0 : i32
    %cond3A_32 = arith.cmpi ne, %convert_element_type3A_30, %cond3A_31 : i32
    scf.if %cond3A_32 {
      %scan3A = arith.constant 2 : i32
      %scan3A_52 = arith.constant 0 : i32
      %scan3A_53 = arith.constant 0 : i32
      %scan3A_54 = arith.constant 79 : i32
      %scan3A_55 = arith.addi %scan3A_53, %scan3A_54 : i32
      %scan3A_56 = arith.constant 1 : i32
      %scan3A_57 = scf.for %scan3A_59 = %scan3A_53 to %scan3A_55 step %scan3A_56 iter_args(%scan3A_60 = %scan3A_52) -> (i32)  : i32 {
        %dma_start3A = arith.constant 0 : i32
        %dma_start3A_61 = tpu.memref_slice %arg7[%scan3A_59, %dma_start3A] : memref<79x128xi32, #tpu.memory_space<vmem>> -> memref<1x128xi32, #tpu.memory_space<vmem>>
        %dma_start3A_62 = tpu.memref_squeeze %dma_start3A_61 : memref<1x128xi32, #tpu.memory_space<vmem>> -> memref<128xi32, #tpu.memory_space<vmem>>
        %dma_start3A_63 = arith.constant 0 : i32
        %dma_start3A_64 = arith.constant 0 : i32
        %dma_start3A_65 = tpu.memref_slice %arg2[%scan3A, %dma_start3A_63, %dma_start3A_64] : memref<4x10240x128xf32, #tpu.memory_space<hbm>> -> memref<1x10240x128xf32, #tpu.memory_space<hbm>>
        %dma_start3A_66 = tpu.memref_squeeze %dma_start3A_65 : memref<1x10240x128xf32, #tpu.memory_space<hbm>> -> memref<10240x128xf32, #tpu.memory_space<hbm>>
        %dma_start3A_67 = arith.constant 0 : i32
        %dma_start3A_68 = arith.constant 0 : i32
        %dma_start3A_69 = tpu.memref_slice %dma_start3A_66[%dma_start3A_67, %dma_start3A_68] : memref<10240x128xf32, #tpu.memory_space<hbm>> -> memref<10240x128xf32, #tpu.memory_space<hbm>>
        tpu.enqueue_indirect_dma source(%dma_start3A_69 : memref<10240x128xf32, #tpu.memory_space<hbm>>) target(%arg9 : memref<128x128xf32, #tpu.memory_space<vmem>>) offsets(%dma_start3A_62 : memref<128xi32, #tpu.memory_space<vmem>>) semaphore(%arg10 : memref<!tpu.dma_semaphore, #tpu.memory_space<semaphore_mem>>)
        %dma_wait3A = arith.constant 0 : i32
        %dma_wait3A_70 = tpu.memref_slice %arg7[%scan3A_59, %dma_wait3A] : memref<79x128xi32, #tpu.memory_space<vmem>> -> memref<1x128xi32, #tpu.memory_space<vmem>>
        %dma_wait3A_71 = tpu.memref_squeeze %dma_wait3A_70 : memref<1x128xi32, #tpu.memory_space<vmem>> -> memref<128xi32, #tpu.memory_space<vmem>>
        %dma_wait3A_72 = arith.constant 0 : i32
        %dma_wait3A_73 = arith.constant 0 : i32
        %dma_wait3A_74 = tpu.memref_slice %arg2[%scan3A, %dma_wait3A_72, %dma_wait3A_73] : memref<4x10240x128xf32, #tpu.memory_space<hbm>> -> memref<1x10240x128xf32, #tpu.memory_space<hbm>>
        %dma_wait3A_75 = tpu.memref_squeeze %dma_wait3A_74 : memref<1x10240x128xf32, #tpu.memory_space<hbm>> -> memref<10240x128xf32, #tpu.memory_space<hbm>>
        %dma_wait3A_76 = arith.constant 0 : i32
        %dma_wait3A_77 = arith.constant 0 : i32
        %dma_wait3A_78 = tpu.memref_slice %dma_wait3A_75[%dma_wait3A_76, %dma_wait3A_77] : memref<10240x128xf32, #tpu.memory_space<hbm>> -> memref<10240x128xf32, #tpu.memory_space<hbm>>
        tpu.wait_indirect_dma semaphore(%arg10 : memref<!tpu.dma_semaphore, #tpu.memory_space<semaphore_mem>>) src(%dma_wait3A_78 : memref<10240x128xf32, #tpu.memory_space<hbm>>) dst(%arg9 : memref<128x128xf32, #tpu.memory_space<vmem>>)
        "tpu.region"() ({
          %run_scoped3A = tpu.sem_alloc : memref<!tpu.dma_semaphore, #tpu.memory_space<semaphore_mem>>
          %dma_start3A_80 = arith.constant 0 : i32
          %dma_start3A_81 = tpu.memref_slice %arg8[%scan3A_59, %dma_start3A_80] : memref<79x128xi32, #tpu.memory_space<vmem>> -> memref<1x128xi32, #tpu.memory_space<vmem>>
          %dma_start3A_82 = tpu.memref_squeeze %dma_start3A_81 : memref<1x128xi32, #tpu.memory_space<vmem>> -> memref<128xi32, #tpu.memory_space<vmem>>
          %dma_start3A_83 = arith.constant 0 : i32
          %dma_start3A_84 = arith.constant 0 : i32
          %dma_start3A_85 = tpu.memref_slice %arg6[%dma_start3A_83, %dma_start3A_84] : memref<10240x128xf32, #tpu.memory_space<vmem_shared>> -> memref<10240x128xf32, #tpu.memory_space<vmem_shared>>
          tpu.enqueue_indirect_dma source(%arg9 : memref<128x128xf32, #tpu.memory_space<vmem>>) target(%dma_start3A_85 : memref<10240x128xf32, #tpu.memory_space<vmem_shared>>) offsets(%dma_start3A_82 : memref<128xi32, #tpu.memory_space<vmem>>) semaphore(%run_scoped3A : memref<!tpu.dma_semaphore, #tpu.memory_space<semaphore_mem>>) {add = true}
          %dma_wait3A_86 = arith.constant 0 : i32
          %dma_wait3A_87 = tpu.memref_slice %arg8[%scan3A_59, %dma_wait3A_86] : memref<79x128xi32, #tpu.memory_space<vmem>> -> memref<1x128xi32, #tpu.memory_space<vmem>>
          %dma_wait3A_88 = tpu.memref_squeeze %dma_wait3A_87 : memref<1x128xi32, #tpu.memory_space<vmem>> -> memref<128xi32, #tpu.memory_space<vmem>>
          %dma_wait3A_89 = arith.constant 0 : i32
          %dma_wait3A_90 = arith.constant 0 : i32
          %dma_wait3A_91 = tpu.memref_slice %arg6[%dma_wait3A_89, %dma_wait3A_90] : memref<10240x128xf32, #tpu.memory_space<vmem_shared>> -> memref<10240x128xf32, #tpu.memory_space<vmem_shared>>
          tpu.wait_indirect_dma semaphore(%run_scoped3A : memref<!tpu.dma_semaphore, #tpu.memory_space<semaphore_mem>>) src(%arg9 : memref<128x128xf32, #tpu.memory_space<vmem>>) dst(%dma_wait3A_91 : memref<10240x128xf32, #tpu.memory_space<vmem_shared>>)
          tpu.yield
        }) : () -> ()
        %scan3A_79 = arith.constant 0 : i32
        scf.yield %scan3A_79 : i32
      }
      %scan3A_58 = arith.constant 79 : i32
    } else {
    }
    %barrier3A_33 = arith.constant 0 : index
    tpu.barrier barrier_id(%barrier3A_33)
    %convert_element_type3A_34 = arith.extui %eq3A_25 : i1 to i32
    %cond3A_35 = arith.constant 0 : i32
    %cond3A_36 = arith.cmpi ne, %convert_element_type3A_34, %cond3A_35 : i32
    scf.if %cond3A_36 {
      %mul3A = arith.constant 640 : i32
      %mul3A_52 = arith.muli %arg1, %mul3A : i32
      %mul3A_53 = arith.constant 640 : i32
      %mul3A_54 = arith.muli %arg1, %mul3A_53 : i32
      %run_scoped3A = arith.constant 2 : i32
      "tpu.region"() ({
        %run_scoped3A_55 = tpu.sem_alloc : memref<!tpu.dma_semaphore, #tpu.memory_space<semaphore_mem>>
        %dma_start3A = arith.constant 0 : i32
        %dma_start3A_56 = arith.constant 0 : i32
        %dma_start3A_57 = tpu.memref_slice %arg5[%run_scoped3A, %dma_start3A, %dma_start3A_56] : memref<4x10240x128xf32, #tpu.memory_space<hbm>> -> memref<1x10240x128xf32, #tpu.memory_space<hbm>>
        %dma_start3A_58 = tpu.memref_squeeze %dma_start3A_57 : memref<1x10240x128xf32, #tpu.memory_space<hbm>> -> memref<10240x128xf32, #tpu.memory_space<hbm>>
        %dma_start3A_59 = arith.constant 0 : i32
        %dma_start3A_60 = tpu.memref_slice %dma_start3A_58[%mul3A_54, %dma_start3A_59] : memref<10240x128xf32, #tpu.memory_space<hbm>> -> memref<640x128xf32, #tpu.memory_space<hbm>>
        %dma_start3A_61 = arith.constant 0 : i32
        %dma_start3A_62 = tpu.memref_slice %arg6[%mul3A_52, %dma_start3A_61] : memref<10240x128xf32, #tpu.memory_space<vmem_shared>> -> memref<640x128xf32, #tpu.memory_space<vmem_shared>>
        tpu.enqueue_dma source(%dma_start3A_62 : memref<640x128xf32, #tpu.memory_space<vmem_shared>>) target(%dma_start3A_60 : memref<640x128xf32, #tpu.memory_space<hbm>>) target_semaphore(%run_scoped3A_55 : memref<!tpu.dma_semaphore, #tpu.memory_space<semaphore_mem>>)
        %dma_wait3A = arith.constant 0 : i32
        %dma_wait3A_63 = arith.constant 0 : i32
        %dma_wait3A_64 = tpu.memref_slice %arg5[%run_scoped3A, %dma_wait3A, %dma_wait3A_63] : memref<4x10240x128xf32, #tpu.memory_space<hbm>> -> memref<1x10240x128xf32, #tpu.memory_space<hbm>>
        %dma_wait3A_65 = tpu.memref_squeeze %dma_wait3A_64 : memref<1x10240x128xf32, #tpu.memory_space<hbm>> -> memref<10240x128xf32, #tpu.memory_space<hbm>>
        %dma_wait3A_66 = arith.constant 0 : i32
        %dma_wait3A_67 = tpu.memref_slice %dma_wait3A_65[%mul3A_54, %dma_wait3A_66] : memref<10240x128xf32, #tpu.memory_space<hbm>> -> memref<640x128xf32, #tpu.memory_space<hbm>>
        %dma_wait3A_68 = arith.constant 0 : i32
        %dma_wait3A_69 = tpu.memref_slice %arg6[%mul3A_52, %dma_wait3A_68] : memref<10240x128xf32, #tpu.memory_space<vmem_shared>> -> memref<640x128xf32, #tpu.memory_space<vmem_shared>>
        tpu.wait_dma2 semaphore(%run_scoped3A_55 : memref<!tpu.dma_semaphore, #tpu.memory_space<semaphore_mem>>) src(%dma_wait3A_69 : memref<640x128xf32, #tpu.memory_space<vmem_shared>>) dst(%dma_wait3A_67 : memref<640x128xf32, #tpu.memory_space<hbm>>)
        tpu.yield
      }) : () -> ()
    } else {
    }
    %barrier3A_37 = arith.constant 0 : index
    tpu.barrier barrier_id(%barrier3A_37)
    %eq3A_38 = arith.constant 1 : i32
    %eq3A_39 = arith.cmpi eq, %arg0, %eq3A_38 : i32
    %convert_element_type3A_40 = arith.extui %eq3A_39 : i1 to i32
    %cond3A_41 = arith.constant 0 : i32
    %cond3A_42 = arith.cmpi ne, %convert_element_type3A_40, %cond3A_41 : i32
    scf.if %cond3A_42 {
      %broadcast_in_dim3A = arith.constant 0.000000e+00 : f32
      %broadcast_in_dim3A_52 = vector.broadcast %broadcast_in_dim3A : f32 to vector<16xf32>
      %scan3A = arith.constant 0 : i32
      %scan3A_53 = arith.constant 0 : i32
      %scan3A_54 = arith.constant 128 : i32
      %scan3A_55 = arith.addi %scan3A_53, %scan3A_54 : i32
      %scan3A_56 = arith.constant 1 : i32
      %scan3A_57 = scf.for %scan3A_77 = %scan3A_53 to %scan3A_55 step %scan3A_56 iter_args(%scan3A_78 = %scan3A) -> (i32)  : i32 {
        %swap3A = arith.index_cast %scan3A_77 : i32 to index
        %swap3A_79 = arith.constant 0 : index
        %swap3A_80 = tpu.vector_load %arg9[%swap3A, %swap3A_79] {strides = array<i32>} : memref<128x128xf32, #tpu.memory_space<vmem>>, vector<1x16xf32>,
        %swap3A_81 = vector.shape_cast %swap3A_80 : vector<1x16xf32> to vector<16xf32>
        %swap3A_82 = vector.shape_cast %broadcast_in_dim3A_52 : vector<16xf32> to vector<1x16xf32>
        tpu.vector_store %arg9[%swap3A, %swap3A_79], %swap3A_82 {strides = array<i32>} : memref<128x128xf32, #tpu.memory_space<vmem>>, vector<1x16xf32>,
        %swap3A_83 = arith.index_cast %scan3A_77 : i32 to index
        %swap3A_84 = arith.constant 16 : index
        %swap3A_85 = tpu.vector_load %arg9[%swap3A_83, %swap3A_84] {strides = array<i32>} : memref<128x128xf32, #tpu.memory_space<vmem>>, vector<1x16xf32>,
        %swap3A_86 = vector.shape_cast %swap3A_85 : vector<1x16xf32> to vector<16xf32>
        %swap3A_87 = vector.shape_cast %broadcast_in_dim3A_52 : vector<16xf32> to vector<1x16xf32>
        tpu.vector_store %arg9[%swap3A_83, %swap3A_84], %swap3A_87 {strides = array<i32>} : memref<128x128xf32, #tpu.memory_space<vmem>>, vector<1x16xf32>,
        %swap3A_88 = arith.index_cast %scan3A_77 : i32 to index
        %swap3A_89 = arith.constant 32 : index
        %swap3A_90 = tpu.vector_load %arg9[%swap3A_88, %swap3A_89] {strides = array<i32>} : memref<128x128xf32, #tpu.memory_space<vmem>>, vector<1x16xf32>,
        %swap3A_91 = vector.shape_cast %swap3A_90 : vector<1x16xf32> to vector<16xf32>
        %swap3A_92 = vector.shape_cast %broadcast_in_dim3A_52 : vector<16xf32> to vector<1x16xf32>
        tpu.vector_store %arg9[%swap3A_88, %swap3A_89], %swap3A_92 {strides = array<i32>} : memref<128x128xf32, #tpu.memory_space<vmem>>, vector<1x16xf32>,
        %swap3A_93 = arith.index_cast %scan3A_77 : i32 to index
        %swap3A_94 = arith.constant 48 : index
        %swap3A_95 = tpu.vector_load %arg9[%swap3A_93, %swap3A_94] {strides = array<i32>} : memref<128x128xf32, #tpu.memory_space<vmem>>, vector<1x16xf32>,
        %swap3A_96 = vector.shape_cast %swap3A_95 : vector<1x16xf32> to vector<16xf32>
        %swap3A_97 = vector.shape_cast %broadcast_in_dim3A_52 : vector<16xf32> to vector<1x16xf32>
        tpu.vector_store %arg9[%swap3A_93, %swap3A_94], %swap3A_97 {strides = array<i32>} : memref<128x128xf32, #tpu.memory_space<vmem>>, vector<1x16xf32>,
        %swap3A_98 = arith.index_cast %scan3A_77 : i32 to index
        %swap3A_99 = arith.constant 64 : index
        %swap3A_100 = tpu.vector_load %arg9[%swap3A_98, %swap3A_99] {strides = array<i32>} : memref<128x128xf32, #tpu.memory_space<vmem>>, vector<1x16xf32>,
        %swap3A_101 = vector.shape_cast %swap3A_100 : vector<1x16xf32> to vector<16xf32>
        %swap3A_102 = vector.shape_cast %broadcast_in_dim3A_52 : vector<16xf32> to vector<1x16xf32>
        tpu.vector_store %arg9[%swap3A_98, %swap3A_99], %swap3A_102 {strides = array<i32>} : memref<128x128xf32, #tpu.memory_space<vmem>>, vector<1x16xf32>,
        %swap3A_103 = arith.index_cast %scan3A_77 : i32 to index
        %swap3A_104 = arith.constant 80 : index
        %swap3A_105 = tpu.vector_load %arg9[%swap3A_103, %swap3A_104] {strides = array<i32>} : memref<128x128xf32, #tpu.memory_space<vmem>>, vector<1x16xf32>,
        %swap3A_106 = vector.shape_cast %swap3A_105 : vector<1x16xf32> to vector<16xf32>
        %swap3A_107 = vector.shape_cast %broadcast_in_dim3A_52 : vector<16xf32> to vector<1x16xf32>
        tpu.vector_store %arg9[%swap3A_103, %swap3A_104], %swap3A_107 {strides = array<i32>} : memref<128x128xf32, #tpu.memory_space<vmem>>, vector<1x16xf32>,
        %swap3A_108 = arith.index_cast %scan3A_77 : i32 to index
        %swap3A_109 = arith.constant 96 : index
        %swap3A_110 = tpu.vector_load %arg9[%swap3A_108, %swap3A_109] {strides = array<i32>} : memref<128x128xf32, #tpu.memory_space<vmem>>, vector<1x16xf32>,
        %swap3A_111 = vector.shape_cast %swap3A_110 : vector<1x16xf32> to vector<16xf32>
        %swap3A_112 = vector.shape_cast %broadcast_in_dim3A_52 : vector<16xf32> to vector<1x16xf32>
        tpu.vector_store %arg9[%swap3A_108, %swap3A_109], %swap3A_112 {strides = array<i32>} : memref<128x128xf32, #tpu.memory_space<vmem>>, vector<1x16xf32>,
        %swap3A_113 = arith.index_cast %scan3A_77 : i32 to index
        %swap3A_114 = arith.constant 112 : index
        %swap3A_115 = tpu.vector_load %arg9[%swap3A_113, %swap3A_114] {strides = array<i32>} : memref<128x128xf32, #tpu.memory_space<vmem>>, vector<1x16xf32>,
        %swap3A_116 = vector.shape_cast %swap3A_115 : vector<1x16xf32> to vector<16xf32>
        %swap3A_117 = vector.shape_cast %broadcast_in_dim3A_52 : vector<16xf32> to vector<1x16xf32>
        tpu.vector_store %arg9[%swap3A_113, %swap3A_114], %swap3A_117 {strides = array<i32>} : memref<128x128xf32, #tpu.memory_space<vmem>>, vector<1x16xf32>,
        %scan3A_118 = arith.constant 0 : i32
        scf.yield %scan3A_118 : i32
      }
      %scan3A_58 = arith.constant 128 : i32
      %mul3A = arith.constant 640 : i32
      %mul3A_59 = arith.muli %arg1, %mul3A : i32
      %add3A = arith.constant 0 : i32
      %add3A_60 = arith.addi %mul3A_59, %add3A : i32
      "tpu.region"() ({
        %run_scoped3A = tpu.sem_alloc : memref<!tpu.dma_semaphore, #tpu.memory_space<semaphore_mem>>
        %dma_start3A = arith.constant 0 : i32
        %dma_start3A_77 = tpu.memref_slice %arg6[%add3A_60, %dma_start3A] : memref<10240x128xf32, #tpu.memory_space<vmem_shared>> -> memref<128x128xf32, #tpu.memory_space<vmem_shared>>
        %dma_start3A_78 = arith.constant 0 : i32
        %dma_start3A_79 = tpu.memref_slice %arg6[%add3A_60, %dma_start3A_78] : memref<10240x128xf32, #tpu.memory_space<vmem_shared>> -> memref<128x128xf32, #tpu.memory_space<vmem_shared>>
        tpu.enqueue_dma source(%arg9 : memref<128x128xf32, #tpu.memory_space<vmem>>) target(%dma_start3A_79 : memref<128x128xf32, #tpu.memory_space<vmem_shared>>) target_semaphore(%run_scoped3A : memref<!tpu.dma_semaphore, #tpu.memory_space<semaphore_mem>>)
        %dma_wait3A = arith.constant 0 : i32
        %dma_wait3A_80 = tpu.memref_slice %arg6[%add3A_60, %dma_wait3A] : memref<10240x128xf32, #tpu.memory_space<vmem_shared>> -> memref<128x128xf32, #tpu.memory_space<vmem_shared>>
        %dma_wait3A_81 = arith.constant 0 : i32
        %dma_wait3A_82 = tpu.memref_slice %arg6[%add3A_60, %dma_wait3A_81] : memref<10240x128xf32, #tpu.memory_space<vmem_shared>> -> memref<128x128xf32, #tpu.memory_space<vmem_shared>>
        tpu.wait_dma2 semaphore(%run_scoped3A : memref<!tpu.dma_semaphore, #tpu.memory_space<semaphore_mem>>) src(%arg9 : memref<128x128xf32, #tpu.memory_space<vmem>>) dst(%dma_wait3A_82 : memref<128x128xf32, #tpu.memory_space<vmem_shared>>)
        tpu.yield
      }) : () -> ()
      %mul3A_61 = arith.constant 640 : i32
      %mul3A_62 = arith.muli %arg1, %mul3A_61 : i32
      %add3A_63 = arith.constant 128 : i32
      %add3A_64 = arith.addi %mul3A_62, %add3A_63 : i32
      "tpu.region"() ({
        %run_scoped3A = tpu.sem_alloc : memref<!tpu.dma_semaphore, #tpu.memory_space<semaphore_mem>>
        %dma_start3A = arith.constant 0 : i32
        %dma_start3A_77 = tpu.memref_slice %arg6[%add3A_64, %dma_start3A] : memref<10240x128xf32, #tpu.memory_space<vmem_shared>> -> memref<128x128xf32, #tpu.memory_space<vmem_shared>>
        %dma_start3A_78 = arith.constant 0 : i32
        %dma_start3A_79 = tpu.memref_slice %arg6[%add3A_64, %dma_start3A_78] : memref<10240x128xf32, #tpu.memory_space<vmem_shared>> -> memref<128x128xf32, #tpu.memory_space<vmem_shared>>
        tpu.enqueue_dma source(%arg9 : memref<128x128xf32, #tpu.memory_space<vmem>>) target(%dma_start3A_79 : memref<128x128xf32, #tpu.memory_space<vmem_shared>>) target_semaphore(%run_scoped3A : memref<!tpu.dma_semaphore, #tpu.memory_space<semaphore_mem>>)
        %dma_wait3A = arith.constant 0 : i32
        %dma_wait3A_80 = tpu.memref_slice %arg6[%add3A_64, %dma_wait3A] : memref<10240x128xf32, #tpu.memory_space<vmem_shared>> -> memref<128x128xf32, #tpu.memory_space<vmem_shared>>
        %dma_wait3A_81 = arith.constant 0 : i32
        %dma_wait3A_82 = tpu.memref_slice %arg6[%add3A_64, %dma_wait3A_81] : memref<10240x128xf32, #tpu.memory_space<vmem_shared>> -> memref<128x128xf32, #tpu.memory_space<vmem_shared>>
        tpu.wait_dma2 semaphore(%run_scoped3A : memref<!tpu.dma_semaphore, #tpu.memory_space<semaphore_mem>>) src(%arg9 : memref<128x128xf32, #tpu.memory_space<vmem>>) dst(%dma_wait3A_82 : memref<128x128xf32, #tpu.memory_space<vmem_shared>>)
        tpu.yield
      }) : () -> ()
      %mul3A_65 = arith.constant 640 : i32
      %mul3A_66 = arith.muli %arg1, %mul3A_65 : i32
      %add3A_67 = arith.constant 256 : i32
      %add3A_68 = arith.addi %mul3A_66, %add3A_67 : i32
      "tpu.region"() ({
        %run_scoped3A = tpu.sem_alloc : memref<!tpu.dma_semaphore, #tpu.memory_space<semaphore_mem>>
        %dma_start3A = arith.constant 0 : i32
        %dma_start3A_77 = tpu.memref_slice %arg6[%add3A_68, %dma_start3A] : memref<10240x128xf32, #tpu.memory_space<vmem_shared>> -> memref<128x128xf32, #tpu.memory_space<vmem_shared>>
        %dma_start3A_78 = arith.constant 0 : i32
        %dma_start3A_79 = tpu.memref_slice %arg6[%add3A_68, %dma_start3A_78] : memref<10240x128xf32, #tpu.memory_space<vmem_shared>> -> memref<128x128xf32, #tpu.memory_space<vmem_shared>>
        tpu.enqueue_dma source(%arg9 : memref<128x128xf32, #tpu.memory_space<vmem>>) target(%dma_start3A_79 : memref<128x128xf32, #tpu.memory_space<vmem_shared>>) target_semaphore(%run_scoped3A : memref<!tpu.dma_semaphore, #tpu.memory_space<semaphore_mem>>)
        %dma_wait3A = arith.constant 0 : i32
        %dma_wait3A_80 = tpu.memref_slice %arg6[%add3A_68, %dma_wait3A] : memref<10240x128xf32, #tpu.memory_space<vmem_shared>> -> memref<128x128xf32, #tpu.memory_space<vmem_shared>>
        %dma_wait3A_81 = arith.constant 0 : i32
        %dma_wait3A_82 = tpu.memref_slice %arg6[%add3A_68, %dma_wait3A_81] : memref<10240x128xf32, #tpu.memory_space<vmem_shared>> -> memref<128x128xf32, #tpu.memory_space<vmem_shared>>
        tpu.wait_dma2 semaphore(%run_scoped3A : memref<!tpu.dma_semaphore, #tpu.memory_space<semaphore_mem>>) src(%arg9 : memref<128x128xf32, #tpu.memory_space<vmem>>) dst(%dma_wait3A_82 : memref<128x128xf32, #tpu.memory_space<vmem_shared>>)
        tpu.yield
      }) : () -> ()
      %mul3A_69 = arith.constant 640 : i32
      %mul3A_70 = arith.muli %arg1, %mul3A_69 : i32
      %add3A_71 = arith.constant 384 : i32
      %add3A_72 = arith.addi %mul3A_70, %add3A_71 : i32
      "tpu.region"() ({
        %run_scoped3A = tpu.sem_alloc : memref<!tpu.dma_semaphore, #tpu.memory_space<semaphore_mem>>
        %dma_start3A = arith.constant 0 : i32
        %dma_start3A_77 = tpu.memref_slice %arg6[%add3A_72, %dma_start3A] : memref<10240x128xf32, #tpu.memory_space<vmem_shared>> -> memref<128x128xf32, #tpu.memory_space<vmem_shared>>
        %dma_start3A_78 = arith.constant 0 : i32
        %dma_start3A_79 = tpu.memref_slice %arg6[%add3A_72, %dma_start3A_78] : memref<10240x128xf32, #tpu.memory_space<vmem_shared>> -> memref<128x128xf32, #tpu.memory_space<vmem_shared>>
        tpu.enqueue_dma source(%arg9 : memref<128x128xf32, #tpu.memory_space<vmem>>) target(%dma_start3A_79 : memref<128x128xf32, #tpu.memory_space<vmem_shared>>) target_semaphore(%run_scoped3A : memref<!tpu.dma_semaphore, #tpu.memory_space<semaphore_mem>>)
        %dma_wait3A = arith.constant 0 : i32
        %dma_wait3A_80 = tpu.memref_slice %arg6[%add3A_72, %dma_wait3A] : memref<10240x128xf32, #tpu.memory_space<vmem_shared>> -> memref<128x128xf32, #tpu.memory_space<vmem_shared>>
        %dma_wait3A_81 = arith.constant 0 : i32
        %dma_wait3A_82 = tpu.memref_slice %arg6[%add3A_72, %dma_wait3A_81] : memref<10240x128xf32, #tpu.memory_space<vmem_shared>> -> memref<128x128xf32, #tpu.memory_space<vmem_shared>>
        tpu.wait_dma2 semaphore(%run_scoped3A : memref<!tpu.dma_semaphore, #tpu.memory_space<semaphore_mem>>) src(%arg9 : memref<128x128xf32, #tpu.memory_space<vmem>>) dst(%dma_wait3A_82 : memref<128x128xf32, #tpu.memory_space<vmem_shared>>)
        tpu.yield
      }) : () -> ()
      %mul3A_73 = arith.constant 640 : i32
      %mul3A_74 = arith.muli %arg1, %mul3A_73 : i32
      %add3A_75 = arith.constant 512 : i32
      %add3A_76 = arith.addi %mul3A_74, %add3A_75 : i32
      "tpu.region"() ({
        %run_scoped3A = tpu.sem_alloc : memref<!tpu.dma_semaphore, #tpu.memory_space<semaphore_mem>>
        %dma_start3A = arith.constant 0 : i32
        %dma_start3A_77 = tpu.memref_slice %arg6[%add3A_76, %dma_start3A] : memref<10240x128xf32, #tpu.memory_space<vmem_shared>> -> memref<128x128xf32, #tpu.memory_space<vmem_shared>>
        %dma_start3A_78 = arith.constant 0 : i32
        %dma_start3A_79 = tpu.memref_slice %arg6[%add3A_76, %dma_start3A_78] : memref<10240x128xf32, #tpu.memory_space<vmem_shared>> -> memref<128x128xf32, #tpu.memory_space<vmem_shared>>
        tpu.enqueue_dma source(%arg9 : memref<128x128xf32, #tpu.memory_space<vmem>>) target(%dma_start3A_79 : memref<128x128xf32, #tpu.memory_space<vmem_shared>>) target_semaphore(%run_scoped3A : memref<!tpu.dma_semaphore, #tpu.memory_space<semaphore_mem>>)
        %dma_wait3A = arith.constant 0 : i32
        %dma_wait3A_80 = tpu.memref_slice %arg6[%add3A_76, %dma_wait3A] : memref<10240x128xf32, #tpu.memory_space<vmem_shared>> -> memref<128x128xf32, #tpu.memory_space<vmem_shared>>
        %dma_wait3A_81 = arith.constant 0 : i32
        %dma_wait3A_82 = tpu.memref_slice %arg6[%add3A_76, %dma_wait3A_81] : memref<10240x128xf32, #tpu.memory_space<vmem_shared>> -> memref<128x128xf32, #tpu.memory_space<vmem_shared>>
        tpu.wait_dma2 semaphore(%run_scoped3A : memref<!tpu.dma_semaphore, #tpu.memory_space<semaphore_mem>>) src(%arg9 : memref<128x128xf32, #tpu.memory_space<vmem>>) dst(%dma_wait3A_82 : memref<128x128xf32, #tpu.memory_space<vmem_shared>>)
        tpu.yield
      }) : () -> ()
    } else {
    }
    %barrier3A_43 = arith.constant 0 : index
    tpu.barrier barrier_id(%barrier3A_43)
    %convert_element_type3A_44 = arith.extui %eq3A_39 : i1 to i32
    %cond3A_45 = arith.constant 0 : i32
    %cond3A_46 = arith.cmpi ne, %convert_element_type3A_44, %cond3A_45 : i32
    scf.if %cond3A_46 {
      %scan3A = arith.constant 3 : i32
      %scan3A_52 = arith.constant 0 : i32
      %scan3A_53 = arith.constant 0 : i32
      %scan3A_54 = arith.constant 79 : i32
      %scan3A_55 = arith.addi %scan3A_53, %scan3A_54 : i32
      %scan3A_56 = arith.constant 1 : i32
      %scan3A_57 = scf.for %scan3A_59 = %scan3A_53 to %scan3A_55 step %scan3A_56 iter_args(%scan3A_60 = %scan3A_52) -> (i32)  : i32 {
        %dma_start3A = arith.constant 0 : i32
        %dma_start3A_61 = tpu.memref_slice %arg7[%scan3A_59, %dma_start3A] : memref<79x128xi32, #tpu.memory_space<vmem>> -> memref<1x128xi32, #tpu.memory_space<vmem>>
        %dma_start3A_62 = tpu.memref_squeeze %dma_start3A_61 : memref<1x128xi32, #tpu.memory_space<vmem>> -> memref<128xi32, #tpu.memory_space<vmem>>
        %dma_start3A_63 = arith.constant 0 : i32
        %dma_start3A_64 = arith.constant 0 : i32
        %dma_start3A_65 = tpu.memref_slice %arg2[%scan3A, %dma_start3A_63, %dma_start3A_64] : memref<4x10240x128xf32, #tpu.memory_space<hbm>> -> memref<1x10240x128xf32, #tpu.memory_space<hbm>>
        %dma_start3A_66 = tpu.memref_squeeze %dma_start3A_65 : memref<1x10240x128xf32, #tpu.memory_space<hbm>> -> memref<10240x128xf32, #tpu.memory_space<hbm>>
        %dma_start3A_67 = arith.constant 0 : i32
        %dma_start3A_68 = arith.constant 0 : i32
        %dma_start3A_69 = tpu.memref_slice %dma_start3A_66[%dma_start3A_67, %dma_start3A_68] : memref<10240x128xf32, #tpu.memory_space<hbm>> -> memref<10240x128xf32, #tpu.memory_space<hbm>>
        tpu.enqueue_indirect_dma source(%dma_start3A_69 : memref<10240x128xf32, #tpu.memory_space<hbm>>) target(%arg9 : memref<128x128xf32, #tpu.memory_space<vmem>>) offsets(%dma_start3A_62 : memref<128xi32, #tpu.memory_space<vmem>>) semaphore(%arg10 : memref<!tpu.dma_semaphore, #tpu.memory_space<semaphore_mem>>)
        %dma_wait3A = arith.constant 0 : i32
        %dma_wait3A_70 = tpu.memref_slice %arg7[%scan3A_59, %dma_wait3A] : memref<79x128xi32, #tpu.memory_space<vmem>> -> memref<1x128xi32, #tpu.memory_space<vmem>>
        %dma_wait3A_71 = tpu.memref_squeeze %dma_wait3A_70 : memref<1x128xi32, #tpu.memory_space<vmem>> -> memref<128xi32, #tpu.memory_space<vmem>>
        %dma_wait3A_72 = arith.constant 0 : i32
        %dma_wait3A_73 = arith.constant 0 : i32
        %dma_wait3A_74 = tpu.memref_slice %arg2[%scan3A, %dma_wait3A_72, %dma_wait3A_73] : memref<4x10240x128xf32, #tpu.memory_space<hbm>> -> memref<1x10240x128xf32, #tpu.memory_space<hbm>>
        %dma_wait3A_75 = tpu.memref_squeeze %dma_wait3A_74 : memref<1x10240x128xf32, #tpu.memory_space<hbm>> -> memref<10240x128xf32, #tpu.memory_space<hbm>>
        %dma_wait3A_76 = arith.constant 0 : i32
        %dma_wait3A_77 = arith.constant 0 : i32
        %dma_wait3A_78 = tpu.memref_slice %dma_wait3A_75[%dma_wait3A_76, %dma_wait3A_77] : memref<10240x128xf32, #tpu.memory_space<hbm>> -> memref<10240x128xf32, #tpu.memory_space<hbm>>
        tpu.wait_indirect_dma semaphore(%arg10 : memref<!tpu.dma_semaphore, #tpu.memory_space<semaphore_mem>>) src(%dma_wait3A_78 : memref<10240x128xf32, #tpu.memory_space<hbm>>) dst(%arg9 : memref<128x128xf32, #tpu.memory_space<vmem>>)
        "tpu.region"() ({
          %run_scoped3A = tpu.sem_alloc : memref<!tpu.dma_semaphore, #tpu.memory_space<semaphore_mem>>
          %dma_start3A_80 = arith.constant 0 : i32
          %dma_start3A_81 = tpu.memref_slice %arg8[%scan3A_59, %dma_start3A_80] : memref<79x128xi32, #tpu.memory_space<vmem>> -> memref<1x128xi32, #tpu.memory_space<vmem>>
          %dma_start3A_82 = tpu.memref_squeeze %dma_start3A_81 : memref<1x128xi32, #tpu.memory_space<vmem>> -> memref<128xi32, #tpu.memory_space<vmem>>
          %dma_start3A_83 = arith.constant 0 : i32
          %dma_start3A_84 = arith.constant 0 : i32
          %dma_start3A_85 = tpu.memref_slice %arg6[%dma_start3A_83, %dma_start3A_84] : memref<10240x128xf32, #tpu.memory_space<vmem_shared>> -> memref<10240x128xf32, #tpu.memory_space<vmem_shared>>
          tpu.enqueue_indirect_dma source(%arg9 : memref<128x128xf32, #tpu.memory_space<vmem>>) target(%dma_start3A_85 : memref<10240x128xf32, #tpu.memory_space<vmem_shared>>) offsets(%dma_start3A_82 : memref<128xi32, #tpu.memory_space<vmem>>) semaphore(%run_scoped3A : memref<!tpu.dma_semaphore, #tpu.memory_space<semaphore_mem>>) {add = true}
          %dma_wait3A_86 = arith.constant 0 : i32
          %dma_wait3A_87 = tpu.memref_slice %arg8[%scan3A_59, %dma_wait3A_86] : memref<79x128xi32, #tpu.memory_space<vmem>> -> memref<1x128xi32, #tpu.memory_space<vmem>>
          %dma_wait3A_88 = tpu.memref_squeeze %dma_wait3A_87 : memref<1x128xi32, #tpu.memory_space<vmem>> -> memref<128xi32, #tpu.memory_space<vmem>>
          %dma_wait3A_89 = arith.constant 0 : i32
          %dma_wait3A_90 = arith.constant 0 : i32
          %dma_wait3A_91 = tpu.memref_slice %arg6[%dma_wait3A_89, %dma_wait3A_90] : memref<10240x128xf32, #tpu.memory_space<vmem_shared>> -> memref<10240x128xf32, #tpu.memory_space<vmem_shared>>
          tpu.wait_indirect_dma semaphore(%run_scoped3A : memref<!tpu.dma_semaphore, #tpu.memory_space<semaphore_mem>>) src(%arg9 : memref<128x128xf32, #tpu.memory_space<vmem>>) dst(%dma_wait3A_91 : memref<10240x128xf32, #tpu.memory_space<vmem_shared>>)
          tpu.yield
        }) : () -> ()
        %scan3A_79 = arith.constant 0 : i32
        scf.yield %scan3A_79 : i32
      }
      %scan3A_58 = arith.constant 79 : i32
    } else {
    }
    %barrier3A_47 = arith.constant 0 : index
    tpu.barrier barrier_id(%barrier3A_47)
    %convert_element_type3A_48 = arith.extui %eq3A_39 : i1 to i32
    %cond3A_49 = arith.constant 0 : i32
    %cond3A_50 = arith.cmpi ne, %convert_element_type3A_48, %cond3A_49 : i32
    scf.if %cond3A_50 {
      %mul3A = arith.constant 640 : i32
      %mul3A_52 = arith.muli %arg1, %mul3A : i32
      %mul3A_53 = arith.constant 640 : i32
      %mul3A_54 = arith.muli %arg1, %mul3A_53 : i32
      %run_scoped3A = arith.constant 3 : i32
      "tpu.region"() ({
        %run_scoped3A_55 = tpu.sem_alloc : memref<!tpu.dma_semaphore, #tpu.memory_space<semaphore_mem>>
        %dma_start3A = arith.constant 0 : i32
        %dma_start3A_56 = arith.constant 0 : i32
        %dma_start3A_57 = tpu.memref_slice %arg5[%run_scoped3A, %dma_start3A, %dma_start3A_56] : memref<4x10240x128xf32, #tpu.memory_space<hbm>> -> memref<1x10240x128xf32, #tpu.memory_space<hbm>>
        %dma_start3A_58 = tpu.memref_squeeze %dma_start3A_57 : memref<1x10240x128xf32, #tpu.memory_space<hbm>> -> memref<10240x128xf32, #tpu.memory_space<hbm>>
        %dma_start3A_59 = arith.constant 0 : i32
        %dma_start3A_60 = tpu.memref_slice %dma_start3A_58[%mul3A_54, %dma_start3A_59] : memref<10240x128xf32, #tpu.memory_space<hbm>> -> memref<640x128xf32, #tpu.memory_space<hbm>>
        %dma_start3A_61 = arith.constant 0 : i32
        %dma_start3A_62 = tpu.memref_slice %arg6[%mul3A_52, %dma_start3A_61] : memref<10240x128xf32, #tpu.memory_space<vmem_shared>> -> memref<640x128xf32, #tpu.memory_space<vmem_shared>>
        tpu.enqueue_dma source(%dma_start3A_62 : memref<640x128xf32, #tpu.memory_space<vmem_shared>>) target(%dma_start3A_60 : memref<640x128xf32, #tpu.memory_space<hbm>>) target_semaphore(%run_scoped3A_55 : memref<!tpu.dma_semaphore, #tpu.memory_space<semaphore_mem>>)
        %dma_wait3A = arith.constant 0 : i32
        %dma_wait3A_63 = arith.constant 0 : i32
        %dma_wait3A_64 = tpu.memref_slice %arg5[%run_scoped3A, %dma_wait3A, %dma_wait3A_63] : memref<4x10240x128xf32, #tpu.memory_space<hbm>> -> memref<1x10240x128xf32, #tpu.memory_space<hbm>>
        %dma_wait3A_65 = tpu.memref_squeeze %dma_wait3A_64 : memref<1x10240x128xf32, #tpu.memory_space<hbm>> -> memref<10240x128xf32, #tpu.memory_space<hbm>>
        %dma_wait3A_66 = arith.constant 0 : i32
        %dma_wait3A_67 = tpu.memref_slice %dma_wait3A_65[%mul3A_54, %dma_wait3A_66] : memref<10240x128xf32, #tpu.memory_space<hbm>> -> memref<640x128xf32, #tpu.memory_space<hbm>>
        %dma_wait3A_68 = arith.constant 0 : i32
        %dma_wait3A_69 = tpu.memref_slice %arg6[%mul3A_52, %dma_wait3A_68] : memref<10240x128xf32, #tpu.memory_space<vmem_shared>> -> memref<640x128xf32, #tpu.memory_space<vmem_shared>>
        tpu.wait_dma2 semaphore(%run_scoped3A_55 : memref<!tpu.dma_semaphore, #tpu.memory_space<semaphore_mem>>) src(%dma_wait3A_69 : memref<640x128xf32, #tpu.memory_space<vmem_shared>>) dst(%dma_wait3A_67 : memref<640x128xf32, #tpu.memory_space<hbm>>)
        tpu.yield
      }) : () -> ()
    } else {
    }
    %barrier3A_51 = arith.constant 0 : index
    tpu.barrier barrier_id(%barrier3A_51)
    return
  }
}

#map = affine_map<(d0, d1) -> (0, 0, 0)>
#map1 = affine_map<(d0, d1) -> (0, 0)>
module attributes {stable_mosaic.version = 14 : i64} {
  func.func @_sc_degree_body(%arg0: i32, %arg1: i32, %arg2: memref<16x79x128xi32, #tpu.memory_space<hbm>>, %arg3: memref<10240x128xf32, #tpu.memory_space<hbm>>, %arg4: memref<10240x128xf32, #tpu.memory_space<vmem_shared>>, %arg5: memref<128x128xf32, #tpu.memory_space<vmem>>, %arg6: memref<79x128xi32, #tpu.memory_space<vmem>>) attributes {dimension_semantics = [#tpu.dimension_semantics<core_parallel>, #tpu.dimension_semantics<subcore_parallel>], iteration_bounds = array<i64: 2, 16>, scalar_prefetch = 0 : i64, scratch_operands = 3 : i64, tpu.core_type = #tpu.core_type<sc_vector_subcore>, window_params = [{transform_indices = #map}, {transform_indices = #map1}]} {
    %broadcast_in_dim3A = arith.constant 0.000000e+00 : f32
    %broadcast_in_dim3A_0 = vector.broadcast %broadcast_in_dim3A : f32 to vector<16xf32>
    %scan3A = arith.constant 0 : i32
    %scan3A_1 = arith.constant 0 : i32
    %scan3A_2 = arith.constant 128 : i32
    %scan3A_3 = arith.addi %scan3A_1, %scan3A_2 : i32
    %scan3A_4 = arith.constant 1 : i32
    %scan3A_5 = scf.for %scan3A_47 = %scan3A_1 to %scan3A_3 step %scan3A_4 iter_args(%scan3A_48 = %scan3A) -> (i32)  : i32 {
      %swap3A = arith.index_cast %scan3A_47 : i32 to index
      %swap3A_49 = arith.constant 0 : index
      %swap3A_50 = tpu.vector_load %arg5[%swap3A, %swap3A_49] {strides = array<i32>} : memref<128x128xf32, #tpu.memory_space<vmem>>, vector<1x16xf32>,
      %swap3A_51 = vector.shape_cast %swap3A_50 : vector<1x16xf32> to vector<16xf32>
      %swap3A_52 = vector.shape_cast %broadcast_in_dim3A_0 : vector<16xf32> to vector<1x16xf32>
      tpu.vector_store %arg5[%swap3A, %swap3A_49], %swap3A_52 {strides = array<i32>} : memref<128x128xf32, #tpu.memory_space<vmem>>, vector<1x16xf32>,
      %swap3A_53 = arith.index_cast %scan3A_47 : i32 to index
      %swap3A_54 = arith.constant 16 : index
      %swap3A_55 = tpu.vector_load %arg5[%swap3A_53, %swap3A_54] {strides = array<i32>} : memref<128x128xf32, #tpu.memory_space<vmem>>, vector<1x16xf32>,
      %swap3A_56 = vector.shape_cast %swap3A_55 : vector<1x16xf32> to vector<16xf32>
      %swap3A_57 = vector.shape_cast %broadcast_in_dim3A_0 : vector<16xf32> to vector<1x16xf32>
      tpu.vector_store %arg5[%swap3A_53, %swap3A_54], %swap3A_57 {strides = array<i32>} : memref<128x128xf32, #tpu.memory_space<vmem>>, vector<1x16xf32>,
      %swap3A_58 = arith.index_cast %scan3A_47 : i32 to index
      %swap3A_59 = arith.constant 32 : index
      %swap3A_60 = tpu.vector_load %arg5[%swap3A_58, %swap3A_59] {strides = array<i32>} : memref<128x128xf32, #tpu.memory_space<vmem>>, vector<1x16xf32>,
      %swap3A_61 = vector.shape_cast %swap3A_60 : vector<1x16xf32> to vector<16xf32>
      %swap3A_62 = vector.shape_cast %broadcast_in_dim3A_0 : vector<16xf32> to vector<1x16xf32>
      tpu.vector_store %arg5[%swap3A_58, %swap3A_59], %swap3A_62 {strides = array<i32>} : memref<128x128xf32, #tpu.memory_space<vmem>>, vector<1x16xf32>,
      %swap3A_63 = arith.index_cast %scan3A_47 : i32 to index
      %swap3A_64 = arith.constant 48 : index
      %swap3A_65 = tpu.vector_load %arg5[%swap3A_63, %swap3A_64] {strides = array<i32>} : memref<128x128xf32, #tpu.memory_space<vmem>>, vector<1x16xf32>,
      %swap3A_66 = vector.shape_cast %swap3A_65 : vector<1x16xf32> to vector<16xf32>
      %swap3A_67 = vector.shape_cast %broadcast_in_dim3A_0 : vector<16xf32> to vector<1x16xf32>
      tpu.vector_store %arg5[%swap3A_63, %swap3A_64], %swap3A_67 {strides = array<i32>} : memref<128x128xf32, #tpu.memory_space<vmem>>, vector<1x16xf32>,
      %swap3A_68 = arith.index_cast %scan3A_47 : i32 to index
      %swap3A_69 = arith.constant 64 : index
      %swap3A_70 = tpu.vector_load %arg5[%swap3A_68, %swap3A_69] {strides = array<i32>} : memref<128x128xf32, #tpu.memory_space<vmem>>, vector<1x16xf32>,
      %swap3A_71 = vector.shape_cast %swap3A_70 : vector<1x16xf32> to vector<16xf32>
      %swap3A_72 = vector.shape_cast %broadcast_in_dim3A_0 : vector<16xf32> to vector<1x16xf32>
      tpu.vector_store %arg5[%swap3A_68, %swap3A_69], %swap3A_72 {strides = array<i32>} : memref<128x128xf32, #tpu.memory_space<vmem>>, vector<1x16xf32>,
      %swap3A_73 = arith.index_cast %scan3A_47 : i32 to index
      %swap3A_74 = arith.constant 80 : index
      %swap3A_75 = tpu.vector_load %arg5[%swap3A_73, %swap3A_74] {strides = array<i32>} : memref<128x128xf32, #tpu.memory_space<vmem>>, vector<1x16xf32>,
      %swap3A_76 = vector.shape_cast %swap3A_75 : vector<1x16xf32> to vector<16xf32>
      %swap3A_77 = vector.shape_cast %broadcast_in_dim3A_0 : vector<16xf32> to vector<1x16xf32>
      tpu.vector_store %arg5[%swap3A_73, %swap3A_74], %swap3A_77 {strides = array<i32>} : memref<128x128xf32, #tpu.memory_space<vmem>>, vector<1x16xf32>,
      %swap3A_78 = arith.index_cast %scan3A_47 : i32 to index
      %swap3A_79 = arith.constant 96 : index
      %swap3A_80 = tpu.vector_load %arg5[%swap3A_78, %swap3A_79] {strides = array<i32>} : memref<128x128xf32, #tpu.memory_space<vmem>>, vector<1x16xf32>,
      %swap3A_81 = vector.shape_cast %swap3A_80 : vector<1x16xf32> to vector<16xf32>
      %swap3A_82 = vector.shape_cast %broadcast_in_dim3A_0 : vector<16xf32> to vector<1x16xf32>
      tpu.vector_store %arg5[%swap3A_78, %swap3A_79], %swap3A_82 {strides = array<i32>} : memref<128x128xf32, #tpu.memory_space<vmem>>, vector<1x16xf32>,
      %swap3A_83 = arith.index_cast %scan3A_47 : i32 to index
      %swap3A_84 = arith.constant 112 : index
      %swap3A_85 = tpu.vector_load %arg5[%swap3A_83, %swap3A_84] {strides = array<i32>} : memref<128x128xf32, #tpu.memory_space<vmem>>, vector<1x16xf32>,
      %swap3A_86 = vector.shape_cast %swap3A_85 : vector<1x16xf32> to vector<16xf32>
      %swap3A_87 = vector.shape_cast %broadcast_in_dim3A_0 : vector<16xf32> to vector<1x16xf32>
      tpu.vector_store %arg5[%swap3A_83, %swap3A_84], %swap3A_87 {strides = array<i32>} : memref<128x128xf32, #tpu.memory_space<vmem>>, vector<1x16xf32>,
      %scan3A_88 = arith.constant 0 : i32
      scf.yield %scan3A_88 : i32
    }
    %scan3A_6 = arith.constant 128 : i32
    %mul3A = arith.constant 640 : i32
    %mul3A_7 = arith.muli %arg1, %mul3A : i32
    %add3A = arith.constant 0 : i32
    %add3A_8 = arith.addi %mul3A_7, %add3A : i32
    "tpu.region"() ({
      %run_scoped3A = tpu.sem_alloc : memref<!tpu.dma_semaphore, #tpu.memory_space<semaphore_mem>>
      %dma_start3A = arith.constant 0 : i32
      %dma_start3A_47 = tpu.memref_slice %arg4[%add3A_8, %dma_start3A] : memref<10240x128xf32, #tpu.memory_space<vmem_shared>> -> memref<128x128xf32, #tpu.memory_space<vmem_shared>>
      %dma_start3A_48 = arith.constant 0 : i32
      %dma_start3A_49 = tpu.memref_slice %arg4[%add3A_8, %dma_start3A_48] : memref<10240x128xf32, #tpu.memory_space<vmem_shared>> -> memref<128x128xf32, #tpu.memory_space<vmem_shared>>
      tpu.enqueue_dma source(%arg5 : memref<128x128xf32, #tpu.memory_space<vmem>>) target(%dma_start3A_49 : memref<128x128xf32, #tpu.memory_space<vmem_shared>>) target_semaphore(%run_scoped3A : memref<!tpu.dma_semaphore, #tpu.memory_space<semaphore_mem>>)
      %dma_wait3A = arith.constant 0 : i32
      %dma_wait3A_50 = tpu.memref_slice %arg4[%add3A_8, %dma_wait3A] : memref<10240x128xf32, #tpu.memory_space<vmem_shared>> -> memref<128x128xf32, #tpu.memory_space<vmem_shared>>
      %dma_wait3A_51 = arith.constant 0 : i32
      %dma_wait3A_52 = tpu.memref_slice %arg4[%add3A_8, %dma_wait3A_51] : memref<10240x128xf32, #tpu.memory_space<vmem_shared>> -> memref<128x128xf32, #tpu.memory_space<vmem_shared>>
      tpu.wait_dma2 semaphore(%run_scoped3A : memref<!tpu.dma_semaphore, #tpu.memory_space<semaphore_mem>>) src(%arg5 : memref<128x128xf32, #tpu.memory_space<vmem>>) dst(%dma_wait3A_52 : memref<128x128xf32, #tpu.memory_space<vmem_shared>>)
      tpu.yield
    }) : () -> ()
    %mul3A_9 = arith.constant 640 : i32
    %mul3A_10 = arith.muli %arg1, %mul3A_9 : i32
    %add3A_11 = arith.constant 128 : i32
    %add3A_12 = arith.addi %mul3A_10, %add3A_11 : i32
    "tpu.region"() ({
      %run_scoped3A = tpu.sem_alloc : memref<!tpu.dma_semaphore, #tpu.memory_space<semaphore_mem>>
      %dma_start3A = arith.constant 0 : i32
      %dma_start3A_47 = tpu.memref_slice %arg4[%add3A_12, %dma_start3A] : memref<10240x128xf32, #tpu.memory_space<vmem_shared>> -> memref<128x128xf32, #tpu.memory_space<vmem_shared>>
      %dma_start3A_48 = arith.constant 0 : i32
      %dma_start3A_49 = tpu.memref_slice %arg4[%add3A_12, %dma_start3A_48] : memref<10240x128xf32, #tpu.memory_space<vmem_shared>> -> memref<128x128xf32, #tpu.memory_space<vmem_shared>>
      tpu.enqueue_dma source(%arg5 : memref<128x128xf32, #tpu.memory_space<vmem>>) target(%dma_start3A_49 : memref<128x128xf32, #tpu.memory_space<vmem_shared>>) target_semaphore(%run_scoped3A : memref<!tpu.dma_semaphore, #tpu.memory_space<semaphore_mem>>)
      %dma_wait3A = arith.constant 0 : i32
      %dma_wait3A_50 = tpu.memref_slice %arg4[%add3A_12, %dma_wait3A] : memref<10240x128xf32, #tpu.memory_space<vmem_shared>> -> memref<128x128xf32, #tpu.memory_space<vmem_shared>>
      %dma_wait3A_51 = arith.constant 0 : i32
      %dma_wait3A_52 = tpu.memref_slice %arg4[%add3A_12, %dma_wait3A_51] : memref<10240x128xf32, #tpu.memory_space<vmem_shared>> -> memref<128x128xf32, #tpu.memory_space<vmem_shared>>
      tpu.wait_dma2 semaphore(%run_scoped3A : memref<!tpu.dma_semaphore, #tpu.memory_space<semaphore_mem>>) src(%arg5 : memref<128x128xf32, #tpu.memory_space<vmem>>) dst(%dma_wait3A_52 : memref<128x128xf32, #tpu.memory_space<vmem_shared>>)
      tpu.yield
    }) : () -> ()
    %mul3A_13 = arith.constant 640 : i32
    %mul3A_14 = arith.muli %arg1, %mul3A_13 : i32
    %add3A_15 = arith.constant 256 : i32
    %add3A_16 = arith.addi %mul3A_14, %add3A_15 : i32
    "tpu.region"() ({
      %run_scoped3A = tpu.sem_alloc : memref<!tpu.dma_semaphore, #tpu.memory_space<semaphore_mem>>
      %dma_start3A = arith.constant 0 : i32
      %dma_start3A_47 = tpu.memref_slice %arg4[%add3A_16, %dma_start3A] : memref<10240x128xf32, #tpu.memory_space<vmem_shared>> -> memref<128x128xf32, #tpu.memory_space<vmem_shared>>
      %dma_start3A_48 = arith.constant 0 : i32
      %dma_start3A_49 = tpu.memref_slice %arg4[%add3A_16, %dma_start3A_48] : memref<10240x128xf32, #tpu.memory_space<vmem_shared>> -> memref<128x128xf32, #tpu.memory_space<vmem_shared>>
      tpu.enqueue_dma source(%arg5 : memref<128x128xf32, #tpu.memory_space<vmem>>) target(%dma_start3A_49 : memref<128x128xf32, #tpu.memory_space<vmem_shared>>) target_semaphore(%run_scoped3A : memref<!tpu.dma_semaphore, #tpu.memory_space<semaphore_mem>>)
      %dma_wait3A = arith.constant 0 : i32
      %dma_wait3A_50 = tpu.memref_slice %arg4[%add3A_16, %dma_wait3A] : memref<10240x128xf32, #tpu.memory_space<vmem_shared>> -> memref<128x128xf32, #tpu.memory_space<vmem_shared>>
      %dma_wait3A_51 = arith.constant 0 : i32
      %dma_wait3A_52 = tpu.memref_slice %arg4[%add3A_16, %dma_wait3A_51] : memref<10240x128xf32, #tpu.memory_space<vmem_shared>> -> memref<128x128xf32, #tpu.memory_space<vmem_shared>>
      tpu.wait_dma2 semaphore(%run_scoped3A : memref<!tpu.dma_semaphore, #tpu.memory_space<semaphore_mem>>) src(%arg5 : memref<128x128xf32, #tpu.memory_space<vmem>>) dst(%dma_wait3A_52 : memref<128x128xf32, #tpu.memory_space<vmem_shared>>)
      tpu.yield
    }) : () -> ()
    %mul3A_17 = arith.constant 640 : i32
    %mul3A_18 = arith.muli %arg1, %mul3A_17 : i32
    %add3A_19 = arith.constant 384 : i32
    %add3A_20 = arith.addi %mul3A_18, %add3A_19 : i32
    "tpu.region"() ({
      %run_scoped3A = tpu.sem_alloc : memref<!tpu.dma_semaphore, #tpu.memory_space<semaphore_mem>>
      %dma_start3A = arith.constant 0 : i32
      %dma_start3A_47 = tpu.memref_slice %arg4[%add3A_20, %dma_start3A] : memref<10240x128xf32, #tpu.memory_space<vmem_shared>> -> memref<128x128xf32, #tpu.memory_space<vmem_shared>>
      %dma_start3A_48 = arith.constant 0 : i32
      %dma_start3A_49 = tpu.memref_slice %arg4[%add3A_20, %dma_start3A_48] : memref<10240x128xf32, #tpu.memory_space<vmem_shared>> -> memref<128x128xf32, #tpu.memory_space<vmem_shared>>
      tpu.enqueue_dma source(%arg5 : memref<128x128xf32, #tpu.memory_space<vmem>>) target(%dma_start3A_49 : memref<128x128xf32, #tpu.memory_space<vmem_shared>>) target_semaphore(%run_scoped3A : memref<!tpu.dma_semaphore, #tpu.memory_space<semaphore_mem>>)
      %dma_wait3A = arith.constant 0 : i32
      %dma_wait3A_50 = tpu.memref_slice %arg4[%add3A_20, %dma_wait3A] : memref<10240x128xf32, #tpu.memory_space<vmem_shared>> -> memref<128x128xf32, #tpu.memory_space<vmem_shared>>
      %dma_wait3A_51 = arith.constant 0 : i32
      %dma_wait3A_52 = tpu.memref_slice %arg4[%add3A_20, %dma_wait3A_51] : memref<10240x128xf32, #tpu.memory_space<vmem_shared>> -> memref<128x128xf32, #tpu.memory_space<vmem_shared>>
      tpu.wait_dma2 semaphore(%run_scoped3A : memref<!tpu.dma_semaphore, #tpu.memory_space<semaphore_mem>>) src(%arg5 : memref<128x128xf32, #tpu.memory_space<vmem>>) dst(%dma_wait3A_52 : memref<128x128xf32, #tpu.memory_space<vmem_shared>>)
      tpu.yield
    }) : () -> ()
    %mul3A_21 = arith.constant 640 : i32
    %mul3A_22 = arith.muli %arg1, %mul3A_21 : i32
    %add3A_23 = arith.constant 512 : i32
    %add3A_24 = arith.addi %mul3A_22, %add3A_23 : i32
    "tpu.region"() ({
      %run_scoped3A = tpu.sem_alloc : memref<!tpu.dma_semaphore, #tpu.memory_space<semaphore_mem>>
      %dma_start3A = arith.constant 0 : i32
      %dma_start3A_47 = tpu.memref_slice %arg4[%add3A_24, %dma_start3A] : memref<10240x128xf32, #tpu.memory_space<vmem_shared>> -> memref<128x128xf32, #tpu.memory_space<vmem_shared>>
      %dma_start3A_48 = arith.constant 0 : i32
      %dma_start3A_49 = tpu.memref_slice %arg4[%add3A_24, %dma_start3A_48] : memref<10240x128xf32, #tpu.memory_space<vmem_shared>> -> memref<128x128xf32, #tpu.memory_space<vmem_shared>>
      tpu.enqueue_dma source(%arg5 : memref<128x128xf32, #tpu.memory_space<vmem>>) target(%dma_start3A_49 : memref<128x128xf32, #tpu.memory_space<vmem_shared>>) target_semaphore(%run_scoped3A : memref<!tpu.dma_semaphore, #tpu.memory_space<semaphore_mem>>)
      %dma_wait3A = arith.constant 0 : i32
      %dma_wait3A_50 = tpu.memref_slice %arg4[%add3A_24, %dma_wait3A] : memref<10240x128xf32, #tpu.memory_space<vmem_shared>> -> memref<128x128xf32, #tpu.memory_space<vmem_shared>>
      %dma_wait3A_51 = arith.constant 0 : i32
      %dma_wait3A_52 = tpu.memref_slice %arg4[%add3A_24, %dma_wait3A_51] : memref<10240x128xf32, #tpu.memory_space<vmem_shared>> -> memref<128x128xf32, #tpu.memory_space<vmem_shared>>
      tpu.wait_dma2 semaphore(%run_scoped3A : memref<!tpu.dma_semaphore, #tpu.memory_space<semaphore_mem>>) src(%arg5 : memref<128x128xf32, #tpu.memory_space<vmem>>) dst(%dma_wait3A_52 : memref<128x128xf32, #tpu.memory_space<vmem_shared>>)
      tpu.yield
    }) : () -> ()
    %broadcast_in_dim3A_25 = arith.constant 1.000000e+00 : f32
    %broadcast_in_dim3A_26 = vector.broadcast %broadcast_in_dim3A_25 : f32 to vector<16xf32>
    %scan3A_27 = arith.constant 0 : i32
    %scan3A_28 = arith.constant 0 : i32
    %scan3A_29 = arith.constant 128 : i32
    %scan3A_30 = arith.addi %scan3A_28, %scan3A_29 : i32
    %scan3A_31 = arith.constant 1 : i32
    %scan3A_32 = scf.for %scan3A_47 = %scan3A_28 to %scan3A_30 step %scan3A_31 iter_args(%scan3A_48 = %scan3A_27) -> (i32)  : i32 {
      %swap3A = arith.index_cast %scan3A_47 : i32 to index
      %swap3A_49 = arith.constant 0 : index
      %swap3A_50 = tpu.vector_load %arg5[%swap3A, %swap3A_49] {strides = array<i32>} : memref<128x128xf32, #tpu.memory_space<vmem>>, vector<1x16xf32>,
      %swap3A_51 = vector.shape_cast %swap3A_50 : vector<1x16xf32> to vector<16xf32>
      %swap3A_52 = vector.shape_cast %broadcast_in_dim3A_26 : vector<16xf32> to vector<1x16xf32>
      tpu.vector_store %arg5[%swap3A, %swap3A_49], %swap3A_52 {strides = array<i32>} : memref<128x128xf32, #tpu.memory_space<vmem>>, vector<1x16xf32>,
      %swap3A_53 = arith.index_cast %scan3A_47 : i32 to index
      %swap3A_54 = arith.constant 16 : index
      %swap3A_55 = tpu.vector_load %arg5[%swap3A_53, %swap3A_54] {strides = array<i32>} : memref<128x128xf32, #tpu.memory_space<vmem>>, vector<1x16xf32>,
      %swap3A_56 = vector.shape_cast %swap3A_55 : vector<1x16xf32> to vector<16xf32>
      %swap3A_57 = vector.shape_cast %broadcast_in_dim3A_26 : vector<16xf32> to vector<1x16xf32>
      tpu.vector_store %arg5[%swap3A_53, %swap3A_54], %swap3A_57 {strides = array<i32>} : memref<128x128xf32, #tpu.memory_space<vmem>>, vector<1x16xf32>,
      %swap3A_58 = arith.index_cast %scan3A_47 : i32 to index
      %swap3A_59 = arith.constant 32 : index
      %swap3A_60 = tpu.vector_load %arg5[%swap3A_58, %swap3A_59] {strides = array<i32>} : memref<128x128xf32, #tpu.memory_space<vmem>>, vector<1x16xf32>,
      %swap3A_61 = vector.shape_cast %swap3A_60 : vector<1x16xf32> to vector<16xf32>
      %swap3A_62 = vector.shape_cast %broadcast_in_dim3A_26 : vector<16xf32> to vector<1x16xf32>
      tpu.vector_store %arg5[%swap3A_58, %swap3A_59], %swap3A_62 {strides = array<i32>} : memref<128x128xf32, #tpu.memory_space<vmem>>, vector<1x16xf32>,
      %swap3A_63 = arith.index_cast %scan3A_47 : i32 to index
      %swap3A_64 = arith.constant 48 : index
      %swap3A_65 = tpu.vector_load %arg5[%swap3A_63, %swap3A_64] {strides = array<i32>} : memref<128x128xf32, #tpu.memory_space<vmem>>, vector<1x16xf32>,
      %swap3A_66 = vector.shape_cast %swap3A_65 : vector<1x16xf32> to vector<16xf32>
      %swap3A_67 = vector.shape_cast %broadcast_in_dim3A_26 : vector<16xf32> to vector<1x16xf32>
      tpu.vector_store %arg5[%swap3A_63, %swap3A_64], %swap3A_67 {strides = array<i32>} : memref<128x128xf32, #tpu.memory_space<vmem>>, vector<1x16xf32>,
      %swap3A_68 = arith.index_cast %scan3A_47 : i32 to index
      %swap3A_69 = arith.constant 64 : index
      %swap3A_70 = tpu.vector_load %arg5[%swap3A_68, %swap3A_69] {strides = array<i32>} : memref<128x128xf32, #tpu.memory_space<vmem>>, vector<1x16xf32>,
      %swap3A_71 = vector.shape_cast %swap3A_70 : vector<1x16xf32> to vector<16xf32>
      %swap3A_72 = vector.shape_cast %broadcast_in_dim3A_26 : vector<16xf32> to vector<1x16xf32>
      tpu.vector_store %arg5[%swap3A_68, %swap3A_69], %swap3A_72 {strides = array<i32>} : memref<128x128xf32, #tpu.memory_space<vmem>>, vector<1x16xf32>,
      %swap3A_73 = arith.index_cast %scan3A_47 : i32 to index
      %swap3A_74 = arith.constant 80 : index
      %swap3A_75 = tpu.vector_load %arg5[%swap3A_73, %swap3A_74] {strides = array<i32>} : memref<128x128xf32, #tpu.memory_space<vmem>>, vector<1x16xf32>,
      %swap3A_76 = vector.shape_cast %swap3A_75 : vector<1x16xf32> to vector<16xf32>
      %swap3A_77 = vector.shape_cast %broadcast_in_dim3A_26 : vector<16xf32> to vector<1x16xf32>
      tpu.vector_store %arg5[%swap3A_73, %swap3A_74], %swap3A_77 {strides = array<i32>} : memref<128x128xf32, #tpu.memory_space<vmem>>, vector<1x16xf32>,
      %swap3A_78 = arith.index_cast %scan3A_47 : i32 to index
      %swap3A_79 = arith.constant 96 : index
      %swap3A_80 = tpu.vector_load %arg5[%swap3A_78, %swap3A_79] {strides = array<i32>} : memref<128x128xf32, #tpu.memory_space<vmem>>, vector<1x16xf32>,
      %swap3A_81 = vector.shape_cast %swap3A_80 : vector<1x16xf32> to vector<16xf32>
      %swap3A_82 = vector.shape_cast %broadcast_in_dim3A_26 : vector<16xf32> to vector<1x16xf32>
      tpu.vector_store %arg5[%swap3A_78, %swap3A_79], %swap3A_82 {strides = array<i32>} : memref<128x128xf32, #tpu.memory_space<vmem>>, vector<1x16xf32>,
      %swap3A_83 = arith.index_cast %scan3A_47 : i32 to index
      %swap3A_84 = arith.constant 112 : index
      %swap3A_85 = tpu.vector_load %arg5[%swap3A_83, %swap3A_84] {strides = array<i32>} : memref<128x128xf32, #tpu.memory_space<vmem>>, vector<1x16xf32>,
      %swap3A_86 = vector.shape_cast %swap3A_85 : vector<1x16xf32> to vector<16xf32>
      %swap3A_87 = vector.shape_cast %broadcast_in_dim3A_26 : vector<16xf32> to vector<1x16xf32>
      tpu.vector_store %arg5[%swap3A_83, %swap3A_84], %swap3A_87 {strides = array<i32>} : memref<128x128xf32, #tpu.memory_space<vmem>>, vector<1x16xf32>,
      %scan3A_88 = arith.constant 0 : i32
      scf.yield %scan3A_88 : i32
    }
    %scan3A_33 = arith.constant 128 : i32
    %barrier3A = arith.constant 0 : index
    tpu.barrier barrier_id(%barrier3A)
    "tpu.region"() ({
      %run_scoped3A = tpu.sem_alloc : memref<!tpu.dma_semaphore, #tpu.memory_space<semaphore_mem>>
      %dma_start3A = arith.constant 0 : i32
      %dma_start3A_47 = arith.constant 0 : i32
      %dma_start3A_48 = tpu.memref_slice %arg2[%arg1, %dma_start3A, %dma_start3A_47] : memref<16x79x128xi32, #tpu.memory_space<hbm>> -> memref<1x79x128xi32, #tpu.memory_space<hbm>>
      %dma_start3A_49 = tpu.memref_squeeze %dma_start3A_48 : memref<1x79x128xi32, #tpu.memory_space<hbm>> -> memref<79x128xi32, #tpu.memory_space<hbm>>
      %dma_start3A_50 = arith.constant 0 : i32
      %dma_start3A_51 = arith.constant 0 : i32
      %dma_start3A_52 = tpu.memref_slice %arg2[%arg1, %dma_start3A_50, %dma_start3A_51] : memref<16x79x128xi32, #tpu.memory_space<hbm>> -> memref<1x79x128xi32, #tpu.memory_space<hbm>>
      %dma_start3A_53 = tpu.memref_squeeze %dma_start3A_52 : memref<1x79x128xi32, #tpu.memory_space<hbm>> -> memref<79x128xi32, #tpu.memory_space<hbm>>
      tpu.enqueue_dma source(%dma_start3A_53 : memref<79x128xi32, #tpu.memory_space<hbm>>) target(%arg6 : memref<79x128xi32, #tpu.memory_space<vmem>>) target_semaphore(%run_scoped3A : memref<!tpu.dma_semaphore, #tpu.memory_space<semaphore_mem>>)
      %dma_wait3A = arith.constant 0 : i32
      %dma_wait3A_54 = arith.constant 0 : i32
      %dma_wait3A_55 = tpu.memref_slice %arg2[%arg1, %dma_wait3A, %dma_wait3A_54] : memref<16x79x128xi32, #tpu.memory_space<hbm>> -> memref<1x79x128xi32, #tpu.memory_space<hbm>>
      %dma_wait3A_56 = tpu.memref_squeeze %dma_wait3A_55 : memref<1x79x128xi32, #tpu.memory_space<hbm>> -> memref<79x128xi32, #tpu.memory_space<hbm>>
      %dma_wait3A_57 = arith.constant 0 : i32
      %dma_wait3A_58 = arith.constant 0 : i32
      %dma_wait3A_59 = tpu.memref_slice %arg2[%arg1, %dma_wait3A_57, %dma_wait3A_58] : memref<16x79x128xi32, #tpu.memory_space<hbm>> -> memref<1x79x128xi32, #tpu.memory_space<hbm>>
      %dma_wait3A_60 = tpu.memref_squeeze %dma_wait3A_59 : memref<1x79x128xi32, #tpu.memory_space<hbm>> -> memref<79x128xi32, #tpu.memory_space<hbm>>
      tpu.wait_dma2 semaphore(%run_scoped3A : memref<!tpu.dma_semaphore, #tpu.memory_space<semaphore_mem>>) src(%dma_wait3A_60 : memref<79x128xi32, #tpu.memory_space<hbm>>) dst(%arg6 : memref<79x128xi32, #tpu.memory_space<vmem>>)
      tpu.yield
    }) : () -> ()
    %scan3A_34 = arith.constant 0 : i32
    %scan3A_35 = arith.constant 0 : i32
    %scan3A_36 = arith.constant 79 : i32
    %scan3A_37 = arith.addi %scan3A_35, %scan3A_36 : i32
    %scan3A_38 = arith.constant 1 : i32
    %scan3A_39 = scf.for %scan3A_47 = %scan3A_35 to %scan3A_37 step %scan3A_38 iter_args(%scan3A_48 = %scan3A_34) -> (i32)  : i32 {
      "tpu.region"() ({
        %run_scoped3A = tpu.sem_alloc : memref<!tpu.dma_semaphore, #tpu.memory_space<semaphore_mem>>
        %dma_start3A = arith.constant 0 : i32
        %dma_start3A_50 = tpu.memref_slice %arg6[%scan3A_47, %dma_start3A] : memref<79x128xi32, #tpu.memory_space<vmem>> -> memref<1x128xi32, #tpu.memory_space<vmem>>
        %dma_start3A_51 = tpu.memref_squeeze %dma_start3A_50 : memref<1x128xi32, #tpu.memory_space<vmem>> -> memref<128xi32, #tpu.memory_space<vmem>>
        %dma_start3A_52 = arith.constant 0 : i32
        %dma_start3A_53 = arith.constant 0 : i32
        %dma_start3A_54 = tpu.memref_slice %arg4[%dma_start3A_52, %dma_start3A_53] : memref<10240x128xf32, #tpu.memory_space<vmem_shared>> -> memref<10240x128xf32, #tpu.memory_space<vmem_shared>>
        tpu.enqueue_indirect_dma source(%arg5 : memref<128x128xf32, #tpu.memory_space<vmem>>) target(%dma_start3A_54 : memref<10240x128xf32, #tpu.memory_space<vmem_shared>>) offsets(%dma_start3A_51 : memref<128xi32, #tpu.memory_space<vmem>>) semaphore(%run_scoped3A : memref<!tpu.dma_semaphore, #tpu.memory_space<semaphore_mem>>) {add = true}
        %dma_wait3A = arith.constant 0 : i32
        %dma_wait3A_55 = tpu.memref_slice %arg6[%scan3A_47, %dma_wait3A] : memref<79x128xi32, #tpu.memory_space<vmem>> -> memref<1x128xi32, #tpu.memory_space<vmem>>
        %dma_wait3A_56 = tpu.memref_squeeze %dma_wait3A_55 : memref<1x128xi32, #tpu.memory_space<vmem>> -> memref<128xi32, #tpu.memory_space<vmem>>
        %dma_wait3A_57 = arith.constant 0 : i32
        %dma_wait3A_58 = arith.constant 0 : i32
        %dma_wait3A_59 = tpu.memref_slice %arg4[%dma_wait3A_57, %dma_wait3A_58] : memref<10240x128xf32, #tpu.memory_space<vmem_shared>> -> memref<10240x128xf32, #tpu.memory_space<vmem_shared>>
        tpu.wait_indirect_dma semaphore(%run_scoped3A : memref<!tpu.dma_semaphore, #tpu.memory_space<semaphore_mem>>) src(%arg5 : memref<128x128xf32, #tpu.memory_space<vmem>>) dst(%dma_wait3A_59 : memref<10240x128xf32, #tpu.memory_space<vmem_shared>>)
        tpu.yield
      }) : () -> ()
      %scan3A_49 = arith.constant 0 : i32
      scf.yield %scan3A_49 : i32
    }
    %scan3A_40 = arith.constant 79 : i32
    %barrier3A_41 = arith.constant 0 : index
    tpu.barrier barrier_id(%barrier3A_41)
    %mul3A_42 = arith.constant 16 : i32
    %mul3A_43 = arith.muli %arg0, %mul3A_42 : i32
    %add3A_44 = arith.addi %mul3A_43, %arg1 : i32
    %mul3A_45 = arith.constant 320 : i32
    %mul3A_46 = arith.muli %add3A_44, %mul3A_45 : i32
    "tpu.region"() ({
      %run_scoped3A = tpu.sem_alloc : memref<!tpu.dma_semaphore, #tpu.memory_space<semaphore_mem>>
      %dma_start3A = arith.constant 0 : i32
      %dma_start3A_47 = tpu.memref_slice %arg3[%mul3A_46, %dma_start3A] : memref<10240x128xf32, #tpu.memory_space<hbm>> -> memref<320x128xf32, #tpu.memory_space<hbm>>
      %dma_start3A_48 = arith.constant 0 : i32
      %dma_start3A_49 = tpu.memref_slice %arg4[%mul3A_46, %dma_start3A_48] : memref<10240x128xf32, #tpu.memory_space<vmem_shared>> -> memref<320x128xf32, #tpu.memory_space<vmem_shared>>
      tpu.enqueue_dma source(%dma_start3A_49 : memref<320x128xf32, #tpu.memory_space<vmem_shared>>) target(%dma_start3A_47 : memref<320x128xf32, #tpu.memory_space<hbm>>) target_semaphore(%run_scoped3A : memref<!tpu.dma_semaphore, #tpu.memory_space<semaphore_mem>>)
      %dma_wait3A = arith.constant 0 : i32
      %dma_wait3A_50 = tpu.memref_slice %arg3[%mul3A_46, %dma_wait3A] : memref<10240x128xf32, #tpu.memory_space<hbm>> -> memref<320x128xf32, #tpu.memory_space<hbm>>
      %dma_wait3A_51 = arith.constant 0 : i32
      %dma_wait3A_52 = tpu.memref_slice %arg4[%mul3A_46, %dma_wait3A_51] : memref<10240x128xf32, #tpu.memory_space<vmem_shared>> -> memref<320x128xf32, #tpu.memory_space<vmem_shared>>
      tpu.wait_dma2 semaphore(%run_scoped3A : memref<!tpu.dma_semaphore, #tpu.memory_space<semaphore_mem>>) src(%dma_wait3A_52 : memref<320x128xf32, #tpu.memory_space<vmem_shared>>) dst(%dma_wait3A_50 : memref<320x128xf32, #tpu.memory_space<hbm>>)
      tpu.yield
    }) : () -> ()
    return
  }
}

#map = affine_map<(d0, d1) -> (0, 0, 0)>
module attributes {stable_mosaic.version = 14 : i64} {
  func.func @_sc_aggregate_body(%arg0: i32, %arg1: i32, %arg2: memref<4x10240x128xf32, #tpu.memory_space<hbm>>, %arg3: memref<16x79x128xi32, #tpu.memory_space<hbm>>, %arg4: memref<16x79x128xi32, #tpu.memory_space<hbm>>, %arg5: memref<4x10240x128xf32, #tpu.memory_space<hbm>>, %arg6: memref<10240x128xf32, #tpu.memory_space<vmem_shared>>, %arg7: memref<79x128xi32, #tpu.memory_space<vmem>>, %arg8: memref<79x128xi32, #tpu.memory_space<vmem>>, %arg9: memref<128x128xf32, #tpu.memory_space<vmem>>, %arg10: memref<!tpu.dma_semaphore, #tpu.memory_space<semaphore_mem>>) attributes {dimension_semantics = [#tpu.dimension_semantics<core_parallel>, #tpu.dimension_semantics<subcore_parallel>], iteration_bounds = array<i64: 2, 16>, scalar_prefetch = 0 : i64, scratch_operands = 5 : i64, tpu.core_type = #tpu.core_type<sc_vector_subcore>, window_params = [{transform_indices = #map}, {transform_indices = #map}, {transform_indices = #map}, {transform_indices = #map}]} {
    "tpu.region"() ({
      %run_scoped3A = tpu.sem_alloc : memref<!tpu.dma_semaphore, #tpu.memory_space<semaphore_mem>>
      %dma_start3A = arith.constant 0 : i32
      %dma_start3A_52 = arith.constant 0 : i32
      %dma_start3A_53 = tpu.memref_slice %arg3[%arg1, %dma_start3A, %dma_start3A_52] : memref<16x79x128xi32, #tpu.memory_space<hbm>> -> memref<1x79x128xi32, #tpu.memory_space<hbm>>
      %dma_start3A_54 = tpu.memref_squeeze %dma_start3A_53 : memref<1x79x128xi32, #tpu.memory_space<hbm>> -> memref<79x128xi32, #tpu.memory_space<hbm>>
      %dma_start3A_55 = arith.constant 0 : i32
      %dma_start3A_56 = arith.constant 0 : i32
      %dma_start3A_57 = tpu.memref_slice %arg3[%arg1, %dma_start3A_55, %dma_start3A_56] : memref<16x79x128xi32, #tpu.memory_space<hbm>> -> memref<1x79x128xi32, #tpu.memory_space<hbm>>
      %dma_start3A_58 = tpu.memref_squeeze %dma_start3A_57 : memref<1x79x128xi32, #tpu.memory_space<hbm>> -> memref<79x128xi32, #tpu.memory_space<hbm>>
      tpu.enqueue_dma source(%dma_start3A_58 : memref<79x128xi32, #tpu.memory_space<hbm>>) target(%arg7 : memref<79x128xi32, #tpu.memory_space<vmem>>) target_semaphore(%run_scoped3A : memref<!tpu.dma_semaphore, #tpu.memory_space<semaphore_mem>>)
      %dma_wait3A = arith.constant 0 : i32
      %dma_wait3A_59 = arith.constant 0 : i32
      %dma_wait3A_60 = tpu.memref_slice %arg3[%arg1, %dma_wait3A, %dma_wait3A_59] : memref<16x79x128xi32, #tpu.memory_space<hbm>> -> memref<1x79x128xi32, #tpu.memory_space<hbm>>
      %dma_wait3A_61 = tpu.memref_squeeze %dma_wait3A_60 : memref<1x79x128xi32, #tpu.memory_space<hbm>> -> memref<79x128xi32, #tpu.memory_space<hbm>>
      %dma_wait3A_62 = arith.constant 0 : i32
      %dma_wait3A_63 = arith.constant 0 : i32
      %dma_wait3A_64 = tpu.memref_slice %arg3[%arg1, %dma_wait3A_62, %dma_wait3A_63] : memref<16x79x128xi32, #tpu.memory_space<hbm>> -> memref<1x79x128xi32, #tpu.memory_space<hbm>>
      %dma_wait3A_65 = tpu.memref_squeeze %dma_wait3A_64 : memref<1x79x128xi32, #tpu.memory_space<hbm>> -> memref<79x128xi32, #tpu.memory_space<hbm>>
      tpu.wait_dma2 semaphore(%run_scoped3A : memref<!tpu.dma_semaphore, #tpu.memory_space<semaphore_mem>>) src(%dma_wait3A_65 : memref<79x128xi32, #tpu.memory_space<hbm>>) dst(%arg7 : memref<79x128xi32, #tpu.memory_space<vmem>>)
      tpu.yield
    }) : () -> ()
    "tpu.region"() ({
      %run_scoped3A = tpu.sem_alloc : memref<!tpu.dma_semaphore, #tpu.memory_space<semaphore_mem>>
      %dma_start3A = arith.constant 0 : i32
      %dma_start3A_52 = arith.constant 0 : i32
      %dma_start3A_53 = tpu.memref_slice %arg4[%arg1, %dma_start3A, %dma_start3A_52] : memref<16x79x128xi32, #tpu.memory_space<hbm>> -> memref<1x79x128xi32, #tpu.memory_space<hbm>>
      %dma_start3A_54 = tpu.memref_squeeze %dma_start3A_53 : memref<1x79x128xi32, #tpu.memory_space<hbm>> -> memref<79x128xi32, #tpu.memory_space<hbm>>
      %dma_start3A_55 = arith.constant 0 : i32
      %dma_start3A_56 = arith.constant 0 : i32
      %dma_start3A_57 = tpu.memref_slice %arg4[%arg1, %dma_start3A_55, %dma_start3A_56] : memref<16x79x128xi32, #tpu.memory_space<hbm>> -> memref<1x79x128xi32, #tpu.memory_space<hbm>>
      %dma_start3A_58 = tpu.memref_squeeze %dma_start3A_57 : memref<1x79x128xi32, #tpu.memory_space<hbm>> -> memref<79x128xi32, #tpu.memory_space<hbm>>
      tpu.enqueue_dma source(%dma_start3A_58 : memref<79x128xi32, #tpu.memory_space<hbm>>) target(%arg8 : memref<79x128xi32, #tpu.memory_space<vmem>>) target_semaphore(%run_scoped3A : memref<!tpu.dma_semaphore, #tpu.memory_space<semaphore_mem>>)
      %dma_wait3A = arith.constant 0 : i32
      %dma_wait3A_59 = arith.constant 0 : i32
      %dma_wait3A_60 = tpu.memref_slice %arg4[%arg1, %dma_wait3A, %dma_wait3A_59] : memref<16x79x128xi32, #tpu.memory_space<hbm>> -> memref<1x79x128xi32, #tpu.memory_space<hbm>>
      %dma_wait3A_61 = tpu.memref_squeeze %dma_wait3A_60 : memref<1x79x128xi32, #tpu.memory_space<hbm>> -> memref<79x128xi32, #tpu.memory_space<hbm>>
      %dma_wait3A_62 = arith.constant 0 : i32
      %dma_wait3A_63 = arith.constant 0 : i32
      %dma_wait3A_64 = tpu.memref_slice %arg4[%arg1, %dma_wait3A_62, %dma_wait3A_63] : memref<16x79x128xi32, #tpu.memory_space<hbm>> -> memref<1x79x128xi32, #tpu.memory_space<hbm>>
      %dma_wait3A_65 = tpu.memref_squeeze %dma_wait3A_64 : memref<1x79x128xi32, #tpu.memory_space<hbm>> -> memref<79x128xi32, #tpu.memory_space<hbm>>
      tpu.wait_dma2 semaphore(%run_scoped3A : memref<!tpu.dma_semaphore, #tpu.memory_space<semaphore_mem>>) src(%dma_wait3A_65 : memref<79x128xi32, #tpu.memory_space<hbm>>) dst(%arg8 : memref<79x128xi32, #tpu.memory_space<vmem>>)
      tpu.yield
    }) : () -> ()
    %eq3A = arith.constant 0 : i32
    %eq3A_0 = arith.cmpi eq, %arg0, %eq3A : i32
    %convert_element_type3A = arith.extui %eq3A_0 : i1 to i32
    %cond3A = arith.constant 0 : i32
    %cond3A_1 = arith.cmpi ne, %convert_element_type3A, %cond3A : i32
    scf.if %cond3A_1 {
      %broadcast_in_dim3A = arith.constant 0.000000e+00 : f32
      %broadcast_in_dim3A_52 = vector.broadcast %broadcast_in_dim3A : f32 to vector<16xf32>
      %scan3A = arith.constant 0 : i32
      %scan3A_53 = arith.constant 0 : i32
      %scan3A_54 = arith.constant 128 : i32
      %scan3A_55 = arith.addi %scan3A_53, %scan3A_54 : i32
      %scan3A_56 = arith.constant 1 : i32
      %scan3A_57 = scf.for %scan3A_77 = %scan3A_53 to %scan3A_55 step %scan3A_56 iter_args(%scan3A_78 = %scan3A) -> (i32)  : i32 {
        %swap3A = arith.index_cast %scan3A_77 : i32 to index
        %swap3A_79 = arith.constant 0 : index
        %swap3A_80 = tpu.vector_load %arg9[%swap3A, %swap3A_79] {strides = array<i32>} : memref<128x128xf32, #tpu.memory_space<vmem>>, vector<1x16xf32>,
        %swap3A_81 = vector.shape_cast %swap3A_80 : vector<1x16xf32> to vector<16xf32>
        %swap3A_82 = vector.shape_cast %broadcast_in_dim3A_52 : vector<16xf32> to vector<1x16xf32>
        tpu.vector_store %arg9[%swap3A, %swap3A_79], %swap3A_82 {strides = array<i32>} : memref<128x128xf32, #tpu.memory_space<vmem>>, vector<1x16xf32>,
        %swap3A_83 = arith.index_cast %scan3A_77 : i32 to index
        %swap3A_84 = arith.constant 16 : index
        %swap3A_85 = tpu.vector_load %arg9[%swap3A_83, %swap3A_84] {strides = array<i32>} : memref<128x128xf32, #tpu.memory_space<vmem>>, vector<1x16xf32>,
        %swap3A_86 = vector.shape_cast %swap3A_85 : vector<1x16xf32> to vector<16xf32>
        %swap3A_87 = vector.shape_cast %broadcast_in_dim3A_52 : vector<16xf32> to vector<1x16xf32>
        tpu.vector_store %arg9[%swap3A_83, %swap3A_84], %swap3A_87 {strides = array<i32>} : memref<128x128xf32, #tpu.memory_space<vmem>>, vector<1x16xf32>,
        %swap3A_88 = arith.index_cast %scan3A_77 : i32 to index
        %swap3A_89 = arith.constant 32 : index
        %swap3A_90 = tpu.vector_load %arg9[%swap3A_88, %swap3A_89] {strides = array<i32>} : memref<128x128xf32, #tpu.memory_space<vmem>>, vector<1x16xf32>,
        %swap3A_91 = vector.shape_cast %swap3A_90 : vector<1x16xf32> to vector<16xf32>
        %swap3A_92 = vector.shape_cast %broadcast_in_dim3A_52 : vector<16xf32> to vector<1x16xf32>
        tpu.vector_store %arg9[%swap3A_88, %swap3A_89], %swap3A_92 {strides = array<i32>} : memref<128x128xf32, #tpu.memory_space<vmem>>, vector<1x16xf32>,
        %swap3A_93 = arith.index_cast %scan3A_77 : i32 to index
        %swap3A_94 = arith.constant 48 : index
        %swap3A_95 = tpu.vector_load %arg9[%swap3A_93, %swap3A_94] {strides = array<i32>} : memref<128x128xf32, #tpu.memory_space<vmem>>, vector<1x16xf32>,
        %swap3A_96 = vector.shape_cast %swap3A_95 : vector<1x16xf32> to vector<16xf32>
        %swap3A_97 = vector.shape_cast %broadcast_in_dim3A_52 : vector<16xf32> to vector<1x16xf32>
        tpu.vector_store %arg9[%swap3A_93, %swap3A_94], %swap3A_97 {strides = array<i32>} : memref<128x128xf32, #tpu.memory_space<vmem>>, vector<1x16xf32>,
        %swap3A_98 = arith.index_cast %scan3A_77 : i32 to index
        %swap3A_99 = arith.constant 64 : index
        %swap3A_100 = tpu.vector_load %arg9[%swap3A_98, %swap3A_99] {strides = array<i32>} : memref<128x128xf32, #tpu.memory_space<vmem>>, vector<1x16xf32>,
        %swap3A_101 = vector.shape_cast %swap3A_100 : vector<1x16xf32> to vector<16xf32>
        %swap3A_102 = vector.shape_cast %broadcast_in_dim3A_52 : vector<16xf32> to vector<1x16xf32>
        tpu.vector_store %arg9[%swap3A_98, %swap3A_99], %swap3A_102 {strides = array<i32>} : memref<128x128xf32, #tpu.memory_space<vmem>>, vector<1x16xf32>,
        %swap3A_103 = arith.index_cast %scan3A_77 : i32 to index
        %swap3A_104 = arith.constant 80 : index
        %swap3A_105 = tpu.vector_load %arg9[%swap3A_103, %swap3A_104] {strides = array<i32>} : memref<128x128xf32, #tpu.memory_space<vmem>>, vector<1x16xf32>,
        %swap3A_106 = vector.shape_cast %swap3A_105 : vector<1x16xf32> to vector<16xf32>
        %swap3A_107 = vector.shape_cast %broadcast_in_dim3A_52 : vector<16xf32> to vector<1x16xf32>
        tpu.vector_store %arg9[%swap3A_103, %swap3A_104], %swap3A_107 {strides = array<i32>} : memref<128x128xf32, #tpu.memory_space<vmem>>, vector<1x16xf32>,
        %swap3A_108 = arith.index_cast %scan3A_77 : i32 to index
        %swap3A_109 = arith.constant 96 : index
        %swap3A_110 = tpu.vector_load %arg9[%swap3A_108, %swap3A_109] {strides = array<i32>} : memref<128x128xf32, #tpu.memory_space<vmem>>, vector<1x16xf32>,
        %swap3A_111 = vector.shape_cast %swap3A_110 : vector<1x16xf32> to vector<16xf32>
        %swap3A_112 = vector.shape_cast %broadcast_in_dim3A_52 : vector<16xf32> to vector<1x16xf32>
        tpu.vector_store %arg9[%swap3A_108, %swap3A_109], %swap3A_112 {strides = array<i32>} : memref<128x128xf32, #tpu.memory_space<vmem>>, vector<1x16xf32>,
        %swap3A_113 = arith.index_cast %scan3A_77 : i32 to index
        %swap3A_114 = arith.constant 112 : index
        %swap3A_115 = tpu.vector_load %arg9[%swap3A_113, %swap3A_114] {strides = array<i32>} : memref<128x128xf32, #tpu.memory_space<vmem>>, vector<1x16xf32>,
        %swap3A_116 = vector.shape_cast %swap3A_115 : vector<1x16xf32> to vector<16xf32>
        %swap3A_117 = vector.shape_cast %broadcast_in_dim3A_52 : vector<16xf32> to vector<1x16xf32>
        tpu.vector_store %arg9[%swap3A_113, %swap3A_114], %swap3A_117 {strides = array<i32>} : memref<128x128xf32, #tpu.memory_space<vmem>>, vector<1x16xf32>,
        %scan3A_118 = arith.constant 0 : i32
        scf.yield %scan3A_118 : i32
      }
      %scan3A_58 = arith.constant 128 : i32
      %mul3A = arith.constant 640 : i32
      %mul3A_59 = arith.muli %arg1, %mul3A : i32
      %add3A = arith.constant 0 : i32
      %add3A_60 = arith.addi %mul3A_59, %add3A : i32
      "tpu.region"() ({
        %run_scoped3A = tpu.sem_alloc : memref<!tpu.dma_semaphore, #tpu.memory_space<semaphore_mem>>
        %dma_start3A = arith.constant 0 : i32
        %dma_start3A_77 = tpu.memref_slice %arg6[%add3A_60, %dma_start3A] : memref<10240x128xf32, #tpu.memory_space<vmem_shared>> -> memref<128x128xf32, #tpu.memory_space<vmem_shared>>
        %dma_start3A_78 = arith.constant 0 : i32
        %dma_start3A_79 = tpu.memref_slice %arg6[%add3A_60, %dma_start3A_78] : memref<10240x128xf32, #tpu.memory_space<vmem_shared>> -> memref<128x128xf32, #tpu.memory_space<vmem_shared>>
        tpu.enqueue_dma source(%arg9 : memref<128x128xf32, #tpu.memory_space<vmem>>) target(%dma_start3A_79 : memref<128x128xf32, #tpu.memory_space<vmem_shared>>) target_semaphore(%run_scoped3A : memref<!tpu.dma_semaphore, #tpu.memory_space<semaphore_mem>>)
        %dma_wait3A = arith.constant 0 : i32
        %dma_wait3A_80 = tpu.memref_slice %arg6[%add3A_60, %dma_wait3A] : memref<10240x128xf32, #tpu.memory_space<vmem_shared>> -> memref<128x128xf32, #tpu.memory_space<vmem_shared>>
        %dma_wait3A_81 = arith.constant 0 : i32
        %dma_wait3A_82 = tpu.memref_slice %arg6[%add3A_60, %dma_wait3A_81] : memref<10240x128xf32, #tpu.memory_space<vmem_shared>> -> memref<128x128xf32, #tpu.memory_space<vmem_shared>>
        tpu.wait_dma2 semaphore(%run_scoped3A : memref<!tpu.dma_semaphore, #tpu.memory_space<semaphore_mem>>) src(%arg9 : memref<128x128xf32, #tpu.memory_space<vmem>>) dst(%dma_wait3A_82 : memref<128x128xf32, #tpu.memory_space<vmem_shared>>)
        tpu.yield
      }) : () -> ()
      %mul3A_61 = arith.constant 640 : i32
      %mul3A_62 = arith.muli %arg1, %mul3A_61 : i32
      %add3A_63 = arith.constant 128 : i32
      %add3A_64 = arith.addi %mul3A_62, %add3A_63 : i32
      "tpu.region"() ({
        %run_scoped3A = tpu.sem_alloc : memref<!tpu.dma_semaphore, #tpu.memory_space<semaphore_mem>>
        %dma_start3A = arith.constant 0 : i32
        %dma_start3A_77 = tpu.memref_slice %arg6[%add3A_64, %dma_start3A] : memref<10240x128xf32, #tpu.memory_space<vmem_shared>> -> memref<128x128xf32, #tpu.memory_space<vmem_shared>>
        %dma_start3A_78 = arith.constant 0 : i32
        %dma_start3A_79 = tpu.memref_slice %arg6[%add3A_64, %dma_start3A_78] : memref<10240x128xf32, #tpu.memory_space<vmem_shared>> -> memref<128x128xf32, #tpu.memory_space<vmem_shared>>
        tpu.enqueue_dma source(%arg9 : memref<128x128xf32, #tpu.memory_space<vmem>>) target(%dma_start3A_79 : memref<128x128xf32, #tpu.memory_space<vmem_shared>>) target_semaphore(%run_scoped3A : memref<!tpu.dma_semaphore, #tpu.memory_space<semaphore_mem>>)
        %dma_wait3A = arith.constant 0 : i32
        %dma_wait3A_80 = tpu.memref_slice %arg6[%add3A_64, %dma_wait3A] : memref<10240x128xf32, #tpu.memory_space<vmem_shared>> -> memref<128x128xf32, #tpu.memory_space<vmem_shared>>
        %dma_wait3A_81 = arith.constant 0 : i32
        %dma_wait3A_82 = tpu.memref_slice %arg6[%add3A_64, %dma_wait3A_81] : memref<10240x128xf32, #tpu.memory_space<vmem_shared>> -> memref<128x128xf32, #tpu.memory_space<vmem_shared>>
        tpu.wait_dma2 semaphore(%run_scoped3A : memref<!tpu.dma_semaphore, #tpu.memory_space<semaphore_mem>>) src(%arg9 : memref<128x128xf32, #tpu.memory_space<vmem>>) dst(%dma_wait3A_82 : memref<128x128xf32, #tpu.memory_space<vmem_shared>>)
        tpu.yield
      }) : () -> ()
      %mul3A_65 = arith.constant 640 : i32
      %mul3A_66 = arith.muli %arg1, %mul3A_65 : i32
      %add3A_67 = arith.constant 256 : i32
      %add3A_68 = arith.addi %mul3A_66, %add3A_67 : i32
      "tpu.region"() ({
        %run_scoped3A = tpu.sem_alloc : memref<!tpu.dma_semaphore, #tpu.memory_space<semaphore_mem>>
        %dma_start3A = arith.constant 0 : i32
        %dma_start3A_77 = tpu.memref_slice %arg6[%add3A_68, %dma_start3A] : memref<10240x128xf32, #tpu.memory_space<vmem_shared>> -> memref<128x128xf32, #tpu.memory_space<vmem_shared>>
        %dma_start3A_78 = arith.constant 0 : i32
        %dma_start3A_79 = tpu.memref_slice %arg6[%add3A_68, %dma_start3A_78] : memref<10240x128xf32, #tpu.memory_space<vmem_shared>> -> memref<128x128xf32, #tpu.memory_space<vmem_shared>>
        tpu.enqueue_dma source(%arg9 : memref<128x128xf32, #tpu.memory_space<vmem>>) target(%dma_start3A_79 : memref<128x128xf32, #tpu.memory_space<vmem_shared>>) target_semaphore(%run_scoped3A : memref<!tpu.dma_semaphore, #tpu.memory_space<semaphore_mem>>)
        %dma_wait3A = arith.constant 0 : i32
        %dma_wait3A_80 = tpu.memref_slice %arg6[%add3A_68, %dma_wait3A] : memref<10240x128xf32, #tpu.memory_space<vmem_shared>> -> memref<128x128xf32, #tpu.memory_space<vmem_shared>>
        %dma_wait3A_81 = arith.constant 0 : i32
        %dma_wait3A_82 = tpu.memref_slice %arg6[%add3A_68, %dma_wait3A_81] : memref<10240x128xf32, #tpu.memory_space<vmem_shared>> -> memref<128x128xf32, #tpu.memory_space<vmem_shared>>
        tpu.wait_dma2 semaphore(%run_scoped3A : memref<!tpu.dma_semaphore, #tpu.memory_space<semaphore_mem>>) src(%arg9 : memref<128x128xf32, #tpu.memory_space<vmem>>) dst(%dma_wait3A_82 : memref<128x128xf32, #tpu.memory_space<vmem_shared>>)
        tpu.yield
      }) : () -> ()
      %mul3A_69 = arith.constant 640 : i32
      %mul3A_70 = arith.muli %arg1, %mul3A_69 : i32
      %add3A_71 = arith.constant 384 : i32
      %add3A_72 = arith.addi %mul3A_70, %add3A_71 : i32
      "tpu.region"() ({
        %run_scoped3A = tpu.sem_alloc : memref<!tpu.dma_semaphore, #tpu.memory_space<semaphore_mem>>
        %dma_start3A = arith.constant 0 : i32
        %dma_start3A_77 = tpu.memref_slice %arg6[%add3A_72, %dma_start3A] : memref<10240x128xf32, #tpu.memory_space<vmem_shared>> -> memref<128x128xf32, #tpu.memory_space<vmem_shared>>
        %dma_start3A_78 = arith.constant 0 : i32
        %dma_start3A_79 = tpu.memref_slice %arg6[%add3A_72, %dma_start3A_78] : memref<10240x128xf32, #tpu.memory_space<vmem_shared>> -> memref<128x128xf32, #tpu.memory_space<vmem_shared>>
        tpu.enqueue_dma source(%arg9 : memref<128x128xf32, #tpu.memory_space<vmem>>) target(%dma_start3A_79 : memref<128x128xf32, #tpu.memory_space<vmem_shared>>) target_semaphore(%run_scoped3A : memref<!tpu.dma_semaphore, #tpu.memory_space<semaphore_mem>>)
        %dma_wait3A = arith.constant 0 : i32
        %dma_wait3A_80 = tpu.memref_slice %arg6[%add3A_72, %dma_wait3A] : memref<10240x128xf32, #tpu.memory_space<vmem_shared>> -> memref<128x128xf32, #tpu.memory_space<vmem_shared>>
        %dma_wait3A_81 = arith.constant 0 : i32
        %dma_wait3A_82 = tpu.memref_slice %arg6[%add3A_72, %dma_wait3A_81] : memref<10240x128xf32, #tpu.memory_space<vmem_shared>> -> memref<128x128xf32, #tpu.memory_space<vmem_shared>>
        tpu.wait_dma2 semaphore(%run_scoped3A : memref<!tpu.dma_semaphore, #tpu.memory_space<semaphore_mem>>) src(%arg9 : memref<128x128xf32, #tpu.memory_space<vmem>>) dst(%dma_wait3A_82 : memref<128x128xf32, #tpu.memory_space<vmem_shared>>)
        tpu.yield
      }) : () -> ()
      %mul3A_73 = arith.constant 640 : i32
      %mul3A_74 = arith.muli %arg1, %mul3A_73 : i32
      %add3A_75 = arith.constant 512 : i32
      %add3A_76 = arith.addi %mul3A_74, %add3A_75 : i32
      "tpu.region"() ({
        %run_scoped3A = tpu.sem_alloc : memref<!tpu.dma_semaphore, #tpu.memory_space<semaphore_mem>>
        %dma_start3A = arith.constant 0 : i32
        %dma_start3A_77 = tpu.memref_slice %arg6[%add3A_76, %dma_start3A] : memref<10240x128xf32, #tpu.memory_space<vmem_shared>> -> memref<128x128xf32, #tpu.memory_space<vmem_shared>>
        %dma_start3A_78 = arith.constant 0 : i32
        %dma_start3A_79 = tpu.memref_slice %arg6[%add3A_76, %dma_start3A_78] : memref<10240x128xf32, #tpu.memory_space<vmem_shared>> -> memref<128x128xf32, #tpu.memory_space<vmem_shared>>
        tpu.enqueue_dma source(%arg9 : memref<128x128xf32, #tpu.memory_space<vmem>>) target(%dma_start3A_79 : memref<128x128xf32, #tpu.memory_space<vmem_shared>>) target_semaphore(%run_scoped3A : memref<!tpu.dma_semaphore, #tpu.memory_space<semaphore_mem>>)
        %dma_wait3A = arith.constant 0 : i32
        %dma_wait3A_80 = tpu.memref_slice %arg6[%add3A_76, %dma_wait3A] : memref<10240x128xf32, #tpu.memory_space<vmem_shared>> -> memref<128x128xf32, #tpu.memory_space<vmem_shared>>
        %dma_wait3A_81 = arith.constant 0 : i32
        %dma_wait3A_82 = tpu.memref_slice %arg6[%add3A_76, %dma_wait3A_81] : memref<10240x128xf32, #tpu.memory_space<vmem_shared>> -> memref<128x128xf32, #tpu.memory_space<vmem_shared>>
        tpu.wait_dma2 semaphore(%run_scoped3A : memref<!tpu.dma_semaphore, #tpu.memory_space<semaphore_mem>>) src(%arg9 : memref<128x128xf32, #tpu.memory_space<vmem>>) dst(%dma_wait3A_82 : memref<128x128xf32, #tpu.memory_space<vmem_shared>>)
        tpu.yield
      }) : () -> ()
    } else {
    }
    %barrier3A = arith.constant 0 : index
    tpu.barrier barrier_id(%barrier3A)
    %convert_element_type3A_2 = arith.extui %eq3A_0 : i1 to i32
    %cond3A_3 = arith.constant 0 : i32
    %cond3A_4 = arith.cmpi ne, %convert_element_type3A_2, %cond3A_3 : i32
    scf.if %cond3A_4 {
      %scan3A = arith.constant 0 : i32
      %scan3A_52 = arith.constant 0 : i32
      %scan3A_53 = arith.constant 0 : i32
      %scan3A_54 = arith.constant 79 : i32
      %scan3A_55 = arith.addi %scan3A_53, %scan3A_54 : i32
      %scan3A_56 = arith.constant 1 : i32
      %scan3A_57 = scf.for %scan3A_59 = %scan3A_53 to %scan3A_55 step %scan3A_56 iter_args(%scan3A_60 = %scan3A_52) -> (i32)  : i32 {
        %dma_start3A = arith.constant 0 : i32
        %dma_start3A_61 = tpu.memref_slice %arg7[%scan3A_59, %dma_start3A] : memref<79x128xi32, #tpu.memory_space<vmem>> -> memref<1x128xi32, #tpu.memory_space<vmem>>
        %dma_start3A_62 = tpu.memref_squeeze %dma_start3A_61 : memref<1x128xi32, #tpu.memory_space<vmem>> -> memref<128xi32, #tpu.memory_space<vmem>>
        %dma_start3A_63 = arith.constant 0 : i32
        %dma_start3A_64 = arith.constant 0 : i32
        %dma_start3A_65 = tpu.memref_slice %arg2[%scan3A, %dma_start3A_63, %dma_start3A_64] : memref<4x10240x128xf32, #tpu.memory_space<hbm>> -> memref<1x10240x128xf32, #tpu.memory_space<hbm>>
        %dma_start3A_66 = tpu.memref_squeeze %dma_start3A_65 : memref<1x10240x128xf32, #tpu.memory_space<hbm>> -> memref<10240x128xf32, #tpu.memory_space<hbm>>
        %dma_start3A_67 = arith.constant 0 : i32
        %dma_start3A_68 = arith.constant 0 : i32
        %dma_start3A_69 = tpu.memref_slice %dma_start3A_66[%dma_start3A_67, %dma_start3A_68] : memref<10240x128xf32, #tpu.memory_space<hbm>> -> memref<10240x128xf32, #tpu.memory_space<hbm>>
        tpu.enqueue_indirect_dma source(%dma_start3A_69 : memref<10240x128xf32, #tpu.memory_space<hbm>>) target(%arg9 : memref<128x128xf32, #tpu.memory_space<vmem>>) offsets(%dma_start3A_62 : memref<128xi32, #tpu.memory_space<vmem>>) semaphore(%arg10 : memref<!tpu.dma_semaphore, #tpu.memory_space<semaphore_mem>>)
        %dma_wait3A = arith.constant 0 : i32
        %dma_wait3A_70 = tpu.memref_slice %arg7[%scan3A_59, %dma_wait3A] : memref<79x128xi32, #tpu.memory_space<vmem>> -> memref<1x128xi32, #tpu.memory_space<vmem>>
        %dma_wait3A_71 = tpu.memref_squeeze %dma_wait3A_70 : memref<1x128xi32, #tpu.memory_space<vmem>> -> memref<128xi32, #tpu.memory_space<vmem>>
        %dma_wait3A_72 = arith.constant 0 : i32
        %dma_wait3A_73 = arith.constant 0 : i32
        %dma_wait3A_74 = tpu.memref_slice %arg2[%scan3A, %dma_wait3A_72, %dma_wait3A_73] : memref<4x10240x128xf32, #tpu.memory_space<hbm>> -> memref<1x10240x128xf32, #tpu.memory_space<hbm>>
        %dma_wait3A_75 = tpu.memref_squeeze %dma_wait3A_74 : memref<1x10240x128xf32, #tpu.memory_space<hbm>> -> memref<10240x128xf32, #tpu.memory_space<hbm>>
        %dma_wait3A_76 = arith.constant 0 : i32
        %dma_wait3A_77 = arith.constant 0 : i32
        %dma_wait3A_78 = tpu.memref_slice %dma_wait3A_75[%dma_wait3A_76, %dma_wait3A_77] : memref<10240x128xf32, #tpu.memory_space<hbm>> -> memref<10240x128xf32, #tpu.memory_space<hbm>>
        tpu.wait_indirect_dma semaphore(%arg10 : memref<!tpu.dma_semaphore, #tpu.memory_space<semaphore_mem>>) src(%dma_wait3A_78 : memref<10240x128xf32, #tpu.memory_space<hbm>>) dst(%arg9 : memref<128x128xf32, #tpu.memory_space<vmem>>)
        "tpu.region"() ({
          %run_scoped3A = tpu.sem_alloc : memref<!tpu.dma_semaphore, #tpu.memory_space<semaphore_mem>>
          %dma_start3A_80 = arith.constant 0 : i32
          %dma_start3A_81 = tpu.memref_slice %arg8[%scan3A_59, %dma_start3A_80] : memref<79x128xi32, #tpu.memory_space<vmem>> -> memref<1x128xi32, #tpu.memory_space<vmem>>
          %dma_start3A_82 = tpu.memref_squeeze %dma_start3A_81 : memref<1x128xi32, #tpu.memory_space<vmem>> -> memref<128xi32, #tpu.memory_space<vmem>>
          %dma_start3A_83 = arith.constant 0 : i32
          %dma_start3A_84 = arith.constant 0 : i32
          %dma_start3A_85 = tpu.memref_slice %arg6[%dma_start3A_83, %dma_start3A_84] : memref<10240x128xf32, #tpu.memory_space<vmem_shared>> -> memref<10240x128xf32, #tpu.memory_space<vmem_shared>>
          tpu.enqueue_indirect_dma source(%arg9 : memref<128x128xf32, #tpu.memory_space<vmem>>) target(%dma_start3A_85 : memref<10240x128xf32, #tpu.memory_space<vmem_shared>>) offsets(%dma_start3A_82 : memref<128xi32, #tpu.memory_space<vmem>>) semaphore(%run_scoped3A : memref<!tpu.dma_semaphore, #tpu.memory_space<semaphore_mem>>) {add = true}
          %dma_wait3A_86 = arith.constant 0 : i32
          %dma_wait3A_87 = tpu.memref_slice %arg8[%scan3A_59, %dma_wait3A_86] : memref<79x128xi32, #tpu.memory_space<vmem>> -> memref<1x128xi32, #tpu.memory_space<vmem>>
          %dma_wait3A_88 = tpu.memref_squeeze %dma_wait3A_87 : memref<1x128xi32, #tpu.memory_space<vmem>> -> memref<128xi32, #tpu.memory_space<vmem>>
          %dma_wait3A_89 = arith.constant 0 : i32
          %dma_wait3A_90 = arith.constant 0 : i32
          %dma_wait3A_91 = tpu.memref_slice %arg6[%dma_wait3A_89, %dma_wait3A_90] : memref<10240x128xf32, #tpu.memory_space<vmem_shared>> -> memref<10240x128xf32, #tpu.memory_space<vmem_shared>>
          tpu.wait_indirect_dma semaphore(%run_scoped3A : memref<!tpu.dma_semaphore, #tpu.memory_space<semaphore_mem>>) src(%arg9 : memref<128x128xf32, #tpu.memory_space<vmem>>) dst(%dma_wait3A_91 : memref<10240x128xf32, #tpu.memory_space<vmem_shared>>)
          tpu.yield
        }) : () -> ()
        %scan3A_79 = arith.constant 0 : i32
        scf.yield %scan3A_79 : i32
      }
      %scan3A_58 = arith.constant 79 : i32
    } else {
    }
    %barrier3A_5 = arith.constant 0 : index
    tpu.barrier barrier_id(%barrier3A_5)
    %convert_element_type3A_6 = arith.extui %eq3A_0 : i1 to i32
    %cond3A_7 = arith.constant 0 : i32
    %cond3A_8 = arith.cmpi ne, %convert_element_type3A_6, %cond3A_7 : i32
    scf.if %cond3A_8 {
      %mul3A = arith.constant 640 : i32
      %mul3A_52 = arith.muli %arg1, %mul3A : i32
      %mul3A_53 = arith.constant 640 : i32
      %mul3A_54 = arith.muli %arg1, %mul3A_53 : i32
      %run_scoped3A = arith.constant 0 : i32
      "tpu.region"() ({
        %run_scoped3A_55 = tpu.sem_alloc : memref<!tpu.dma_semaphore, #tpu.memory_space<semaphore_mem>>
        %dma_start3A = arith.constant 0 : i32
        %dma_start3A_56 = arith.constant 0 : i32
        %dma_start3A_57 = tpu.memref_slice %arg5[%run_scoped3A, %dma_start3A, %dma_start3A_56] : memref<4x10240x128xf32, #tpu.memory_space<hbm>> -> memref<1x10240x128xf32, #tpu.memory_space<hbm>>
        %dma_start3A_58 = tpu.memref_squeeze %dma_start3A_57 : memref<1x10240x128xf32, #tpu.memory_space<hbm>> -> memref<10240x128xf32, #tpu.memory_space<hbm>>
        %dma_start3A_59 = arith.constant 0 : i32
        %dma_start3A_60 = tpu.memref_slice %dma_start3A_58[%mul3A_54, %dma_start3A_59] : memref<10240x128xf32, #tpu.memory_space<hbm>> -> memref<640x128xf32, #tpu.memory_space<hbm>>
        %dma_start3A_61 = arith.constant 0 : i32
        %dma_start3A_62 = tpu.memref_slice %arg6[%mul3A_52, %dma_start3A_61] : memref<10240x128xf32, #tpu.memory_space<vmem_shared>> -> memref<640x128xf32, #tpu.memory_space<vmem_shared>>
        tpu.enqueue_dma source(%dma_start3A_62 : memref<640x128xf32, #tpu.memory_space<vmem_shared>>) target(%dma_start3A_60 : memref<640x128xf32, #tpu.memory_space<hbm>>) target_semaphore(%run_scoped3A_55 : memref<!tpu.dma_semaphore, #tpu.memory_space<semaphore_mem>>)
        %dma_wait3A = arith.constant 0 : i32
        %dma_wait3A_63 = arith.constant 0 : i32
        %dma_wait3A_64 = tpu.memref_slice %arg5[%run_scoped3A, %dma_wait3A, %dma_wait3A_63] : memref<4x10240x128xf32, #tpu.memory_space<hbm>> -> memref<1x10240x128xf32, #tpu.memory_space<hbm>>
        %dma_wait3A_65 = tpu.memref_squeeze %dma_wait3A_64 : memref<1x10240x128xf32, #tpu.memory_space<hbm>> -> memref<10240x128xf32, #tpu.memory_space<hbm>>
        %dma_wait3A_66 = arith.constant 0 : i32
        %dma_wait3A_67 = tpu.memref_slice %dma_wait3A_65[%mul3A_54, %dma_wait3A_66] : memref<10240x128xf32, #tpu.memory_space<hbm>> -> memref<640x128xf32, #tpu.memory_space<hbm>>
        %dma_wait3A_68 = arith.constant 0 : i32
        %dma_wait3A_69 = tpu.memref_slice %arg6[%mul3A_52, %dma_wait3A_68] : memref<10240x128xf32, #tpu.memory_space<vmem_shared>> -> memref<640x128xf32, #tpu.memory_space<vmem_shared>>
        tpu.wait_dma2 semaphore(%run_scoped3A_55 : memref<!tpu.dma_semaphore, #tpu.memory_space<semaphore_mem>>) src(%dma_wait3A_69 : memref<640x128xf32, #tpu.memory_space<vmem_shared>>) dst(%dma_wait3A_67 : memref<640x128xf32, #tpu.memory_space<hbm>>)
        tpu.yield
      }) : () -> ()
    } else {
    }
    %barrier3A_9 = arith.constant 0 : index
    tpu.barrier barrier_id(%barrier3A_9)
    %eq3A_10 = arith.constant 0 : i32
    %eq3A_11 = arith.cmpi eq, %arg0, %eq3A_10 : i32
    %convert_element_type3A_12 = arith.extui %eq3A_11 : i1 to i32
    %cond3A_13 = arith.constant 0 : i32
    %cond3A_14 = arith.cmpi ne, %convert_element_type3A_12, %cond3A_13 : i32
    scf.if %cond3A_14 {
      %broadcast_in_dim3A = arith.constant 0.000000e+00 : f32
      %broadcast_in_dim3A_52 = vector.broadcast %broadcast_in_dim3A : f32 to vector<16xf32>
      %scan3A = arith.constant 0 : i32
      %scan3A_53 = arith.constant 0 : i32
      %scan3A_54 = arith.constant 128 : i32
      %scan3A_55 = arith.addi %scan3A_53, %scan3A_54 : i32
      %scan3A_56 = arith.constant 1 : i32
      %scan3A_57 = scf.for %scan3A_77 = %scan3A_53 to %scan3A_55 step %scan3A_56 iter_args(%scan3A_78 = %scan3A) -> (i32)  : i32 {
        %swap3A = arith.index_cast %scan3A_77 : i32 to index
        %swap3A_79 = arith.constant 0 : index
        %swap3A_80 = tpu.vector_load %arg9[%swap3A, %swap3A_79] {strides = array<i32>} : memref<128x128xf32, #tpu.memory_space<vmem>>, vector<1x16xf32>,
        %swap3A_81 = vector.shape_cast %swap3A_80 : vector<1x16xf32> to vector<16xf32>
        %swap3A_82 = vector.shape_cast %broadcast_in_dim3A_52 : vector<16xf32> to vector<1x16xf32>
        tpu.vector_store %arg9[%swap3A, %swap3A_79], %swap3A_82 {strides = array<i32>} : memref<128x128xf32, #tpu.memory_space<vmem>>, vector<1x16xf32>,
        %swap3A_83 = arith.index_cast %scan3A_77 : i32 to index
        %swap3A_84 = arith.constant 16 : index
        %swap3A_85 = tpu.vector_load %arg9[%swap3A_83, %swap3A_84] {strides = array<i32>} : memref<128x128xf32, #tpu.memory_space<vmem>>, vector<1x16xf32>,
        %swap3A_86 = vector.shape_cast %swap3A_85 : vector<1x16xf32> to vector<16xf32>
        %swap3A_87 = vector.shape_cast %broadcast_in_dim3A_52 : vector<16xf32> to vector<1x16xf32>
        tpu.vector_store %arg9[%swap3A_83, %swap3A_84], %swap3A_87 {strides = array<i32>} : memref<128x128xf32, #tpu.memory_space<vmem>>, vector<1x16xf32>,
        %swap3A_88 = arith.index_cast %scan3A_77 : i32 to index
        %swap3A_89 = arith.constant 32 : index
        %swap3A_90 = tpu.vector_load %arg9[%swap3A_88, %swap3A_89] {strides = array<i32>} : memref<128x128xf32, #tpu.memory_space<vmem>>, vector<1x16xf32>,
        %swap3A_91 = vector.shape_cast %swap3A_90 : vector<1x16xf32> to vector<16xf32>
        %swap3A_92 = vector.shape_cast %broadcast_in_dim3A_52 : vector<16xf32> to vector<1x16xf32>
        tpu.vector_store %arg9[%swap3A_88, %swap3A_89], %swap3A_92 {strides = array<i32>} : memref<128x128xf32, #tpu.memory_space<vmem>>, vector<1x16xf32>,
        %swap3A_93 = arith.index_cast %scan3A_77 : i32 to index
        %swap3A_94 = arith.constant 48 : index
        %swap3A_95 = tpu.vector_load %arg9[%swap3A_93, %swap3A_94] {strides = array<i32>} : memref<128x128xf32, #tpu.memory_space<vmem>>, vector<1x16xf32>,
        %swap3A_96 = vector.shape_cast %swap3A_95 : vector<1x16xf32> to vector<16xf32>
        %swap3A_97 = vector.shape_cast %broadcast_in_dim3A_52 : vector<16xf32> to vector<1x16xf32>
        tpu.vector_store %arg9[%swap3A_93, %swap3A_94], %swap3A_97 {strides = array<i32>} : memref<128x128xf32, #tpu.memory_space<vmem>>, vector<1x16xf32>,
        %swap3A_98 = arith.index_cast %scan3A_77 : i32 to index
        %swap3A_99 = arith.constant 64 : index
        %swap3A_100 = tpu.vector_load %arg9[%swap3A_98, %swap3A_99] {strides = array<i32>} : memref<128x128xf32, #tpu.memory_space<vmem>>, vector<1x16xf32>,
        %swap3A_101 = vector.shape_cast %swap3A_100 : vector<1x16xf32> to vector<16xf32>
        %swap3A_102 = vector.shape_cast %broadcast_in_dim3A_52 : vector<16xf32> to vector<1x16xf32>
        tpu.vector_store %arg9[%swap3A_98, %swap3A_99], %swap3A_102 {strides = array<i32>} : memref<128x128xf32, #tpu.memory_space<vmem>>, vector<1x16xf32>,
        %swap3A_103 = arith.index_cast %scan3A_77 : i32 to index
        %swap3A_104 = arith.constant 80 : index
        %swap3A_105 = tpu.vector_load %arg9[%swap3A_103, %swap3A_104] {strides = array<i32>} : memref<128x128xf32, #tpu.memory_space<vmem>>, vector<1x16xf32>,
        %swap3A_106 = vector.shape_cast %swap3A_105 : vector<1x16xf32> to vector<16xf32>
        %swap3A_107 = vector.shape_cast %broadcast_in_dim3A_52 : vector<16xf32> to vector<1x16xf32>
        tpu.vector_store %arg9[%swap3A_103, %swap3A_104], %swap3A_107 {strides = array<i32>} : memref<128x128xf32, #tpu.memory_space<vmem>>, vector<1x16xf32>,
        %swap3A_108 = arith.index_cast %scan3A_77 : i32 to index
        %swap3A_109 = arith.constant 96 : index
        %swap3A_110 = tpu.vector_load %arg9[%swap3A_108, %swap3A_109] {strides = array<i32>} : memref<128x128xf32, #tpu.memory_space<vmem>>, vector<1x16xf32>,
        %swap3A_111 = vector.shape_cast %swap3A_110 : vector<1x16xf32> to vector<16xf32>
        %swap3A_112 = vector.shape_cast %broadcast_in_dim3A_52 : vector<16xf32> to vector<1x16xf32>
        tpu.vector_store %arg9[%swap3A_108, %swap3A_109], %swap3A_112 {strides = array<i32>} : memref<128x128xf32, #tpu.memory_space<vmem>>, vector<1x16xf32>,
        %swap3A_113 = arith.index_cast %scan3A_77 : i32 to index
        %swap3A_114 = arith.constant 112 : index
        %swap3A_115 = tpu.vector_load %arg9[%swap3A_113, %swap3A_114] {strides = array<i32>} : memref<128x128xf32, #tpu.memory_space<vmem>>, vector<1x16xf32>,
        %swap3A_116 = vector.shape_cast %swap3A_115 : vector<1x16xf32> to vector<16xf32>
        %swap3A_117 = vector.shape_cast %broadcast_in_dim3A_52 : vector<16xf32> to vector<1x16xf32>
        tpu.vector_store %arg9[%swap3A_113, %swap3A_114], %swap3A_117 {strides = array<i32>} : memref<128x128xf32, #tpu.memory_space<vmem>>, vector<1x16xf32>,
        %scan3A_118 = arith.constant 0 : i32
        scf.yield %scan3A_118 : i32
      }
      %scan3A_58 = arith.constant 128 : i32
      %mul3A = arith.constant 640 : i32
      %mul3A_59 = arith.muli %arg1, %mul3A : i32
      %add3A = arith.constant 0 : i32
      %add3A_60 = arith.addi %mul3A_59, %add3A : i32
      "tpu.region"() ({
        %run_scoped3A = tpu.sem_alloc : memref<!tpu.dma_semaphore, #tpu.memory_space<semaphore_mem>>
        %dma_start3A = arith.constant 0 : i32
        %dma_start3A_77 = tpu.memref_slice %arg6[%add3A_60, %dma_start3A] : memref<10240x128xf32, #tpu.memory_space<vmem_shared>> -> memref<128x128xf32, #tpu.memory_space<vmem_shared>>
        %dma_start3A_78 = arith.constant 0 : i32
        %dma_start3A_79 = tpu.memref_slice %arg6[%add3A_60, %dma_start3A_78] : memref<10240x128xf32, #tpu.memory_space<vmem_shared>> -> memref<128x128xf32, #tpu.memory_space<vmem_shared>>
        tpu.enqueue_dma source(%arg9 : memref<128x128xf32, #tpu.memory_space<vmem>>) target(%dma_start3A_79 : memref<128x128xf32, #tpu.memory_space<vmem_shared>>) target_semaphore(%run_scoped3A : memref<!tpu.dma_semaphore, #tpu.memory_space<semaphore_mem>>)
        %dma_wait3A = arith.constant 0 : i32
        %dma_wait3A_80 = tpu.memref_slice %arg6[%add3A_60, %dma_wait3A] : memref<10240x128xf32, #tpu.memory_space<vmem_shared>> -> memref<128x128xf32, #tpu.memory_space<vmem_shared>>
        %dma_wait3A_81 = arith.constant 0 : i32
        %dma_wait3A_82 = tpu.memref_slice %arg6[%add3A_60, %dma_wait3A_81] : memref<10240x128xf32, #tpu.memory_space<vmem_shared>> -> memref<128x128xf32, #tpu.memory_space<vmem_shared>>
        tpu.wait_dma2 semaphore(%run_scoped3A : memref<!tpu.dma_semaphore, #tpu.memory_space<semaphore_mem>>) src(%arg9 : memref<128x128xf32, #tpu.memory_space<vmem>>) dst(%dma_wait3A_82 : memref<128x128xf32, #tpu.memory_space<vmem_shared>>)
        tpu.yield
      }) : () -> ()
      %mul3A_61 = arith.constant 640 : i32
      %mul3A_62 = arith.muli %arg1, %mul3A_61 : i32
      %add3A_63 = arith.constant 128 : i32
      %add3A_64 = arith.addi %mul3A_62, %add3A_63 : i32
      "tpu.region"() ({
        %run_scoped3A = tpu.sem_alloc : memref<!tpu.dma_semaphore, #tpu.memory_space<semaphore_mem>>
        %dma_start3A = arith.constant 0 : i32
        %dma_start3A_77 = tpu.memref_slice %arg6[%add3A_64, %dma_start3A] : memref<10240x128xf32, #tpu.memory_space<vmem_shared>> -> memref<128x128xf32, #tpu.memory_space<vmem_shared>>
        %dma_start3A_78 = arith.constant 0 : i32
        %dma_start3A_79 = tpu.memref_slice %arg6[%add3A_64, %dma_start3A_78] : memref<10240x128xf32, #tpu.memory_space<vmem_shared>> -> memref<128x128xf32, #tpu.memory_space<vmem_shared>>
        tpu.enqueue_dma source(%arg9 : memref<128x128xf32, #tpu.memory_space<vmem>>) target(%dma_start3A_79 : memref<128x128xf32, #tpu.memory_space<vmem_shared>>) target_semaphore(%run_scoped3A : memref<!tpu.dma_semaphore, #tpu.memory_space<semaphore_mem>>)
        %dma_wait3A = arith.constant 0 : i32
        %dma_wait3A_80 = tpu.memref_slice %arg6[%add3A_64, %dma_wait3A] : memref<10240x128xf32, #tpu.memory_space<vmem_shared>> -> memref<128x128xf32, #tpu.memory_space<vmem_shared>>
        %dma_wait3A_81 = arith.constant 0 : i32
        %dma_wait3A_82 = tpu.memref_slice %arg6[%add3A_64, %dma_wait3A_81] : memref<10240x128xf32, #tpu.memory_space<vmem_shared>> -> memref<128x128xf32, #tpu.memory_space<vmem_shared>>
        tpu.wait_dma2 semaphore(%run_scoped3A : memref<!tpu.dma_semaphore, #tpu.memory_space<semaphore_mem>>) src(%arg9 : memref<128x128xf32, #tpu.memory_space<vmem>>) dst(%dma_wait3A_82 : memref<128x128xf32, #tpu.memory_space<vmem_shared>>)
        tpu.yield
      }) : () -> ()
      %mul3A_65 = arith.constant 640 : i32
      %mul3A_66 = arith.muli %arg1, %mul3A_65 : i32
      %add3A_67 = arith.constant 256 : i32
      %add3A_68 = arith.addi %mul3A_66, %add3A_67 : i32
      "tpu.region"() ({
        %run_scoped3A = tpu.sem_alloc : memref<!tpu.dma_semaphore, #tpu.memory_space<semaphore_mem>>
        %dma_start3A = arith.constant 0 : i32
        %dma_start3A_77 = tpu.memref_slice %arg6[%add3A_68, %dma_start3A] : memref<10240x128xf32, #tpu.memory_space<vmem_shared>> -> memref<128x128xf32, #tpu.memory_space<vmem_shared>>
        %dma_start3A_78 = arith.constant 0 : i32
        %dma_start3A_79 = tpu.memref_slice %arg6[%add3A_68, %dma_start3A_78] : memref<10240x128xf32, #tpu.memory_space<vmem_shared>> -> memref<128x128xf32, #tpu.memory_space<vmem_shared>>
        tpu.enqueue_dma source(%arg9 : memref<128x128xf32, #tpu.memory_space<vmem>>) target(%dma_start3A_79 : memref<128x128xf32, #tpu.memory_space<vmem_shared>>) target_semaphore(%run_scoped3A : memref<!tpu.dma_semaphore, #tpu.memory_space<semaphore_mem>>)
        %dma_wait3A = arith.constant 0 : i32
        %dma_wait3A_80 = tpu.memref_slice %arg6[%add3A_68, %dma_wait3A] : memref<10240x128xf32, #tpu.memory_space<vmem_shared>> -> memref<128x128xf32, #tpu.memory_space<vmem_shared>>
        %dma_wait3A_81 = arith.constant 0 : i32
        %dma_wait3A_82 = tpu.memref_slice %arg6[%add3A_68, %dma_wait3A_81] : memref<10240x128xf32, #tpu.memory_space<vmem_shared>> -> memref<128x128xf32, #tpu.memory_space<vmem_shared>>
        tpu.wait_dma2 semaphore(%run_scoped3A : memref<!tpu.dma_semaphore, #tpu.memory_space<semaphore_mem>>) src(%arg9 : memref<128x128xf32, #tpu.memory_space<vmem>>) dst(%dma_wait3A_82 : memref<128x128xf32, #tpu.memory_space<vmem_shared>>)
        tpu.yield
      }) : () -> ()
      %mul3A_69 = arith.constant 640 : i32
      %mul3A_70 = arith.muli %arg1, %mul3A_69 : i32
      %add3A_71 = arith.constant 384 : i32
      %add3A_72 = arith.addi %mul3A_70, %add3A_71 : i32
      "tpu.region"() ({
        %run_scoped3A = tpu.sem_alloc : memref<!tpu.dma_semaphore, #tpu.memory_space<semaphore_mem>>
        %dma_start3A = arith.constant 0 : i32
        %dma_start3A_77 = tpu.memref_slice %arg6[%add3A_72, %dma_start3A] : memref<10240x128xf32, #tpu.memory_space<vmem_shared>> -> memref<128x128xf32, #tpu.memory_space<vmem_shared>>
        %dma_start3A_78 = arith.constant 0 : i32
        %dma_start3A_79 = tpu.memref_slice %arg6[%add3A_72, %dma_start3A_78] : memref<10240x128xf32, #tpu.memory_space<vmem_shared>> -> memref<128x128xf32, #tpu.memory_space<vmem_shared>>
        tpu.enqueue_dma source(%arg9 : memref<128x128xf32, #tpu.memory_space<vmem>>) target(%dma_start3A_79 : memref<128x128xf32, #tpu.memory_space<vmem_shared>>) target_semaphore(%run_scoped3A : memref<!tpu.dma_semaphore, #tpu.memory_space<semaphore_mem>>)
        %dma_wait3A = arith.constant 0 : i32
        %dma_wait3A_80 = tpu.memref_slice %arg6[%add3A_72, %dma_wait3A] : memref<10240x128xf32, #tpu.memory_space<vmem_shared>> -> memref<128x128xf32, #tpu.memory_space<vmem_shared>>
        %dma_wait3A_81 = arith.constant 0 : i32
        %dma_wait3A_82 = tpu.memref_slice %arg6[%add3A_72, %dma_wait3A_81] : memref<10240x128xf32, #tpu.memory_space<vmem_shared>> -> memref<128x128xf32, #tpu.memory_space<vmem_shared>>
        tpu.wait_dma2 semaphore(%run_scoped3A : memref<!tpu.dma_semaphore, #tpu.memory_space<semaphore_mem>>) src(%arg9 : memref<128x128xf32, #tpu.memory_space<vmem>>) dst(%dma_wait3A_82 : memref<128x128xf32, #tpu.memory_space<vmem_shared>>)
        tpu.yield
      }) : () -> ()
      %mul3A_73 = arith.constant 640 : i32
      %mul3A_74 = arith.muli %arg1, %mul3A_73 : i32
      %add3A_75 = arith.constant 512 : i32
      %add3A_76 = arith.addi %mul3A_74, %add3A_75 : i32
      "tpu.region"() ({
        %run_scoped3A = tpu.sem_alloc : memref<!tpu.dma_semaphore, #tpu.memory_space<semaphore_mem>>
        %dma_start3A = arith.constant 0 : i32
        %dma_start3A_77 = tpu.memref_slice %arg6[%add3A_76, %dma_start3A] : memref<10240x128xf32, #tpu.memory_space<vmem_shared>> -> memref<128x128xf32, #tpu.memory_space<vmem_shared>>
        %dma_start3A_78 = arith.constant 0 : i32
        %dma_start3A_79 = tpu.memref_slice %arg6[%add3A_76, %dma_start3A_78] : memref<10240x128xf32, #tpu.memory_space<vmem_shared>> -> memref<128x128xf32, #tpu.memory_space<vmem_shared>>
        tpu.enqueue_dma source(%arg9 : memref<128x128xf32, #tpu.memory_space<vmem>>) target(%dma_start3A_79 : memref<128x128xf32, #tpu.memory_space<vmem_shared>>) target_semaphore(%run_scoped3A : memref<!tpu.dma_semaphore, #tpu.memory_space<semaphore_mem>>)
        %dma_wait3A = arith.constant 0 : i32
        %dma_wait3A_80 = tpu.memref_slice %arg6[%add3A_76, %dma_wait3A] : memref<10240x128xf32, #tpu.memory_space<vmem_shared>> -> memref<128x128xf32, #tpu.memory_space<vmem_shared>>
        %dma_wait3A_81 = arith.constant 0 : i32
        %dma_wait3A_82 = tpu.memref_slice %arg6[%add3A_76, %dma_wait3A_81] : memref<10240x128xf32, #tpu.memory_space<vmem_shared>> -> memref<128x128xf32, #tpu.memory_space<vmem_shared>>
        tpu.wait_dma2 semaphore(%run_scoped3A : memref<!tpu.dma_semaphore, #tpu.memory_space<semaphore_mem>>) src(%arg9 : memref<128x128xf32, #tpu.memory_space<vmem>>) dst(%dma_wait3A_82 : memref<128x128xf32, #tpu.memory_space<vmem_shared>>)
        tpu.yield
      }) : () -> ()
    } else {
    }
    %barrier3A_15 = arith.constant 0 : index
    tpu.barrier barrier_id(%barrier3A_15)
    %convert_element_type3A_16 = arith.extui %eq3A_11 : i1 to i32
    %cond3A_17 = arith.constant 0 : i32
    %cond3A_18 = arith.cmpi ne, %convert_element_type3A_16, %cond3A_17 : i32
    scf.if %cond3A_18 {
      %scan3A = arith.constant 1 : i32
      %scan3A_52 = arith.constant 0 : i32
      %scan3A_53 = arith.constant 0 : i32
      %scan3A_54 = arith.constant 79 : i32
      %scan3A_55 = arith.addi %scan3A_53, %scan3A_54 : i32
      %scan3A_56 = arith.constant 1 : i32
      %scan3A_57 = scf.for %scan3A_59 = %scan3A_53 to %scan3A_55 step %scan3A_56 iter_args(%scan3A_60 = %scan3A_52) -> (i32)  : i32 {
        %dma_start3A = arith.constant 0 : i32
        %dma_start3A_61 = tpu.memref_slice %arg7[%scan3A_59, %dma_start3A] : memref<79x128xi32, #tpu.memory_space<vmem>> -> memref<1x128xi32, #tpu.memory_space<vmem>>
        %dma_start3A_62 = tpu.memref_squeeze %dma_start3A_61 : memref<1x128xi32, #tpu.memory_space<vmem>> -> memref<128xi32, #tpu.memory_space<vmem>>
        %dma_start3A_63 = arith.constant 0 : i32
        %dma_start3A_64 = arith.constant 0 : i32
        %dma_start3A_65 = tpu.memref_slice %arg2[%scan3A, %dma_start3A_63, %dma_start3A_64] : memref<4x10240x128xf32, #tpu.memory_space<hbm>> -> memref<1x10240x128xf32, #tpu.memory_space<hbm>>
        %dma_start3A_66 = tpu.memref_squeeze %dma_start3A_65 : memref<1x10240x128xf32, #tpu.memory_space<hbm>> -> memref<10240x128xf32, #tpu.memory_space<hbm>>
        %dma_start3A_67 = arith.constant 0 : i32
        %dma_start3A_68 = arith.constant 0 : i32
        %dma_start3A_69 = tpu.memref_slice %dma_start3A_66[%dma_start3A_67, %dma_start3A_68] : memref<10240x128xf32, #tpu.memory_space<hbm>> -> memref<10240x128xf32, #tpu.memory_space<hbm>>
        tpu.enqueue_indirect_dma source(%dma_start3A_69 : memref<10240x128xf32, #tpu.memory_space<hbm>>) target(%arg9 : memref<128x128xf32, #tpu.memory_space<vmem>>) offsets(%dma_start3A_62 : memref<128xi32, #tpu.memory_space<vmem>>) semaphore(%arg10 : memref<!tpu.dma_semaphore, #tpu.memory_space<semaphore_mem>>)
        %dma_wait3A = arith.constant 0 : i32
        %dma_wait3A_70 = tpu.memref_slice %arg7[%scan3A_59, %dma_wait3A] : memref<79x128xi32, #tpu.memory_space<vmem>> -> memref<1x128xi32, #tpu.memory_space<vmem>>
        %dma_wait3A_71 = tpu.memref_squeeze %dma_wait3A_70 : memref<1x128xi32, #tpu.memory_space<vmem>> -> memref<128xi32, #tpu.memory_space<vmem>>
        %dma_wait3A_72 = arith.constant 0 : i32
        %dma_wait3A_73 = arith.constant 0 : i32
        %dma_wait3A_74 = tpu.memref_slice %arg2[%scan3A, %dma_wait3A_72, %dma_wait3A_73] : memref<4x10240x128xf32, #tpu.memory_space<hbm>> -> memref<1x10240x128xf32, #tpu.memory_space<hbm>>
        %dma_wait3A_75 = tpu.memref_squeeze %dma_wait3A_74 : memref<1x10240x128xf32, #tpu.memory_space<hbm>> -> memref<10240x128xf32, #tpu.memory_space<hbm>>
        %dma_wait3A_76 = arith.constant 0 : i32
        %dma_wait3A_77 = arith.constant 0 : i32
        %dma_wait3A_78 = tpu.memref_slice %dma_wait3A_75[%dma_wait3A_76, %dma_wait3A_77] : memref<10240x128xf32, #tpu.memory_space<hbm>> -> memref<10240x128xf32, #tpu.memory_space<hbm>>
        tpu.wait_indirect_dma semaphore(%arg10 : memref<!tpu.dma_semaphore, #tpu.memory_space<semaphore_mem>>) src(%dma_wait3A_78 : memref<10240x128xf32, #tpu.memory_space<hbm>>) dst(%arg9 : memref<128x128xf32, #tpu.memory_space<vmem>>)
        "tpu.region"() ({
          %run_scoped3A = tpu.sem_alloc : memref<!tpu.dma_semaphore, #tpu.memory_space<semaphore_mem>>
          %dma_start3A_80 = arith.constant 0 : i32
          %dma_start3A_81 = tpu.memref_slice %arg8[%scan3A_59, %dma_start3A_80] : memref<79x128xi32, #tpu.memory_space<vmem>> -> memref<1x128xi32, #tpu.memory_space<vmem>>
          %dma_start3A_82 = tpu.memref_squeeze %dma_start3A_81 : memref<1x128xi32, #tpu.memory_space<vmem>> -> memref<128xi32, #tpu.memory_space<vmem>>
          %dma_start3A_83 = arith.constant 0 : i32
          %dma_start3A_84 = arith.constant 0 : i32
          %dma_start3A_85 = tpu.memref_slice %arg6[%dma_start3A_83, %dma_start3A_84] : memref<10240x128xf32, #tpu.memory_space<vmem_shared>> -> memref<10240x128xf32, #tpu.memory_space<vmem_shared>>
          tpu.enqueue_indirect_dma source(%arg9 : memref<128x128xf32, #tpu.memory_space<vmem>>) target(%dma_start3A_85 : memref<10240x128xf32, #tpu.memory_space<vmem_shared>>) offsets(%dma_start3A_82 : memref<128xi32, #tpu.memory_space<vmem>>) semaphore(%run_scoped3A : memref<!tpu.dma_semaphore, #tpu.memory_space<semaphore_mem>>) {add = true}
          %dma_wait3A_86 = arith.constant 0 : i32
          %dma_wait3A_87 = tpu.memref_slice %arg8[%scan3A_59, %dma_wait3A_86] : memref<79x128xi32, #tpu.memory_space<vmem>> -> memref<1x128xi32, #tpu.memory_space<vmem>>
          %dma_wait3A_88 = tpu.memref_squeeze %dma_wait3A_87 : memref<1x128xi32, #tpu.memory_space<vmem>> -> memref<128xi32, #tpu.memory_space<vmem>>
          %dma_wait3A_89 = arith.constant 0 : i32
          %dma_wait3A_90 = arith.constant 0 : i32
          %dma_wait3A_91 = tpu.memref_slice %arg6[%dma_wait3A_89, %dma_wait3A_90] : memref<10240x128xf32, #tpu.memory_space<vmem_shared>> -> memref<10240x128xf32, #tpu.memory_space<vmem_shared>>
          tpu.wait_indirect_dma semaphore(%run_scoped3A : memref<!tpu.dma_semaphore, #tpu.memory_space<semaphore_mem>>) src(%arg9 : memref<128x128xf32, #tpu.memory_space<vmem>>) dst(%dma_wait3A_91 : memref<10240x128xf32, #tpu.memory_space<vmem_shared>>)
          tpu.yield
        }) : () -> ()
        %scan3A_79 = arith.constant 0 : i32
        scf.yield %scan3A_79 : i32
      }
      %scan3A_58 = arith.constant 79 : i32
    } else {
    }
    %barrier3A_19 = arith.constant 0 : index
    tpu.barrier barrier_id(%barrier3A_19)
    %convert_element_type3A_20 = arith.extui %eq3A_11 : i1 to i32
    %cond3A_21 = arith.constant 0 : i32
    %cond3A_22 = arith.cmpi ne, %convert_element_type3A_20, %cond3A_21 : i32
    scf.if %cond3A_22 {
      %mul3A = arith.constant 640 : i32
      %mul3A_52 = arith.muli %arg1, %mul3A : i32
      %mul3A_53 = arith.constant 640 : i32
      %mul3A_54 = arith.muli %arg1, %mul3A_53 : i32
      %run_scoped3A = arith.constant 1 : i32
      "tpu.region"() ({
        %run_scoped3A_55 = tpu.sem_alloc : memref<!tpu.dma_semaphore, #tpu.memory_space<semaphore_mem>>
        %dma_start3A = arith.constant 0 : i32
        %dma_start3A_56 = arith.constant 0 : i32
        %dma_start3A_57 = tpu.memref_slice %arg5[%run_scoped3A, %dma_start3A, %dma_start3A_56] : memref<4x10240x128xf32, #tpu.memory_space<hbm>> -> memref<1x10240x128xf32, #tpu.memory_space<hbm>>
        %dma_start3A_58 = tpu.memref_squeeze %dma_start3A_57 : memref<1x10240x128xf32, #tpu.memory_space<hbm>> -> memref<10240x128xf32, #tpu.memory_space<hbm>>
        %dma_start3A_59 = arith.constant 0 : i32
        %dma_start3A_60 = tpu.memref_slice %dma_start3A_58[%mul3A_54, %dma_start3A_59] : memref<10240x128xf32, #tpu.memory_space<hbm>> -> memref<640x128xf32, #tpu.memory_space<hbm>>
        %dma_start3A_61 = arith.constant 0 : i32
        %dma_start3A_62 = tpu.memref_slice %arg6[%mul3A_52, %dma_start3A_61] : memref<10240x128xf32, #tpu.memory_space<vmem_shared>> -> memref<640x128xf32, #tpu.memory_space<vmem_shared>>
        tpu.enqueue_dma source(%dma_start3A_62 : memref<640x128xf32, #tpu.memory_space<vmem_shared>>) target(%dma_start3A_60 : memref<640x128xf32, #tpu.memory_space<hbm>>) target_semaphore(%run_scoped3A_55 : memref<!tpu.dma_semaphore, #tpu.memory_space<semaphore_mem>>)
        %dma_wait3A = arith.constant 0 : i32
        %dma_wait3A_63 = arith.constant 0 : i32
        %dma_wait3A_64 = tpu.memref_slice %arg5[%run_scoped3A, %dma_wait3A, %dma_wait3A_63] : memref<4x10240x128xf32, #tpu.memory_space<hbm>> -> memref<1x10240x128xf32, #tpu.memory_space<hbm>>
        %dma_wait3A_65 = tpu.memref_squeeze %dma_wait3A_64 : memref<1x10240x128xf32, #tpu.memory_space<hbm>> -> memref<10240x128xf32, #tpu.memory_space<hbm>>
        %dma_wait3A_66 = arith.constant 0 : i32
        %dma_wait3A_67 = tpu.memref_slice %dma_wait3A_65[%mul3A_54, %dma_wait3A_66] : memref<10240x128xf32, #tpu.memory_space<hbm>> -> memref<640x128xf32, #tpu.memory_space<hbm>>
        %dma_wait3A_68 = arith.constant 0 : i32
        %dma_wait3A_69 = tpu.memref_slice %arg6[%mul3A_52, %dma_wait3A_68] : memref<10240x128xf32, #tpu.memory_space<vmem_shared>> -> memref<640x128xf32, #tpu.memory_space<vmem_shared>>
        tpu.wait_dma2 semaphore(%run_scoped3A_55 : memref<!tpu.dma_semaphore, #tpu.memory_space<semaphore_mem>>) src(%dma_wait3A_69 : memref<640x128xf32, #tpu.memory_space<vmem_shared>>) dst(%dma_wait3A_67 : memref<640x128xf32, #tpu.memory_space<hbm>>)
        tpu.yield
      }) : () -> ()
    } else {
    }
    %barrier3A_23 = arith.constant 0 : index
    tpu.barrier barrier_id(%barrier3A_23)
    %eq3A_24 = arith.constant 1 : i32
    %eq3A_25 = arith.cmpi eq, %arg0, %eq3A_24 : i32
    %convert_element_type3A_26 = arith.extui %eq3A_25 : i1 to i32
    %cond3A_27 = arith.constant 0 : i32
    %cond3A_28 = arith.cmpi ne, %convert_element_type3A_26, %cond3A_27 : i32
    scf.if %cond3A_28 {
      %broadcast_in_dim3A = arith.constant 0.000000e+00 : f32
      %broadcast_in_dim3A_52 = vector.broadcast %broadcast_in_dim3A : f32 to vector<16xf32>
      %scan3A = arith.constant 0 : i32
      %scan3A_53 = arith.constant 0 : i32
      %scan3A_54 = arith.constant 128 : i32
      %scan3A_55 = arith.addi %scan3A_53, %scan3A_54 : i32
      %scan3A_56 = arith.constant 1 : i32
      %scan3A_57 = scf.for %scan3A_77 = %scan3A_53 to %scan3A_55 step %scan3A_56 iter_args(%scan3A_78 = %scan3A) -> (i32)  : i32 {
        %swap3A = arith.index_cast %scan3A_77 : i32 to index
        %swap3A_79 = arith.constant 0 : index
        %swap3A_80 = tpu.vector_load %arg9[%swap3A, %swap3A_79] {strides = array<i32>} : memref<128x128xf32, #tpu.memory_space<vmem>>, vector<1x16xf32>,
        %swap3A_81 = vector.shape_cast %swap3A_80 : vector<1x16xf32> to vector<16xf32>
        %swap3A_82 = vector.shape_cast %broadcast_in_dim3A_52 : vector<16xf32> to vector<1x16xf32>
        tpu.vector_store %arg9[%swap3A, %swap3A_79], %swap3A_82 {strides = array<i32>} : memref<128x128xf32, #tpu.memory_space<vmem>>, vector<1x16xf32>,
        %swap3A_83 = arith.index_cast %scan3A_77 : i32 to index
        %swap3A_84 = arith.constant 16 : index
        %swap3A_85 = tpu.vector_load %arg9[%swap3A_83, %swap3A_84] {strides = array<i32>} : memref<128x128xf32, #tpu.memory_space<vmem>>, vector<1x16xf32>,
        %swap3A_86 = vector.shape_cast %swap3A_85 : vector<1x16xf32> to vector<16xf32>
        %swap3A_87 = vector.shape_cast %broadcast_in_dim3A_52 : vector<16xf32> to vector<1x16xf32>
        tpu.vector_store %arg9[%swap3A_83, %swap3A_84], %swap3A_87 {strides = array<i32>} : memref<128x128xf32, #tpu.memory_space<vmem>>, vector<1x16xf32>,
        %swap3A_88 = arith.index_cast %scan3A_77 : i32 to index
        %swap3A_89 = arith.constant 32 : index
        %swap3A_90 = tpu.vector_load %arg9[%swap3A_88, %swap3A_89] {strides = array<i32>} : memref<128x128xf32, #tpu.memory_space<vmem>>, vector<1x16xf32>,
        %swap3A_91 = vector.shape_cast %swap3A_90 : vector<1x16xf32> to vector<16xf32>
        %swap3A_92 = vector.shape_cast %broadcast_in_dim3A_52 : vector<16xf32> to vector<1x16xf32>
        tpu.vector_store %arg9[%swap3A_88, %swap3A_89], %swap3A_92 {strides = array<i32>} : memref<128x128xf32, #tpu.memory_space<vmem>>, vector<1x16xf32>,
        %swap3A_93 = arith.index_cast %scan3A_77 : i32 to index
        %swap3A_94 = arith.constant 48 : index
        %swap3A_95 = tpu.vector_load %arg9[%swap3A_93, %swap3A_94] {strides = array<i32>} : memref<128x128xf32, #tpu.memory_space<vmem>>, vector<1x16xf32>,
        %swap3A_96 = vector.shape_cast %swap3A_95 : vector<1x16xf32> to vector<16xf32>
        %swap3A_97 = vector.shape_cast %broadcast_in_dim3A_52 : vector<16xf32> to vector<1x16xf32>
        tpu.vector_store %arg9[%swap3A_93, %swap3A_94], %swap3A_97 {strides = array<i32>} : memref<128x128xf32, #tpu.memory_space<vmem>>, vector<1x16xf32>,
        %swap3A_98 = arith.index_cast %scan3A_77 : i32 to index
        %swap3A_99 = arith.constant 64 : index
        %swap3A_100 = tpu.vector_load %arg9[%swap3A_98, %swap3A_99] {strides = array<i32>} : memref<128x128xf32, #tpu.memory_space<vmem>>, vector<1x16xf32>,
        %swap3A_101 = vector.shape_cast %swap3A_100 : vector<1x16xf32> to vector<16xf32>
        %swap3A_102 = vector.shape_cast %broadcast_in_dim3A_52 : vector<16xf32> to vector<1x16xf32>
        tpu.vector_store %arg9[%swap3A_98, %swap3A_99], %swap3A_102 {strides = array<i32>} : memref<128x128xf32, #tpu.memory_space<vmem>>, vector<1x16xf32>,
        %swap3A_103 = arith.index_cast %scan3A_77 : i32 to index
        %swap3A_104 = arith.constant 80 : index
        %swap3A_105 = tpu.vector_load %arg9[%swap3A_103, %swap3A_104] {strides = array<i32>} : memref<128x128xf32, #tpu.memory_space<vmem>>, vector<1x16xf32>,
        %swap3A_106 = vector.shape_cast %swap3A_105 : vector<1x16xf32> to vector<16xf32>
        %swap3A_107 = vector.shape_cast %broadcast_in_dim3A_52 : vector<16xf32> to vector<1x16xf32>
        tpu.vector_store %arg9[%swap3A_103, %swap3A_104], %swap3A_107 {strides = array<i32>} : memref<128x128xf32, #tpu.memory_space<vmem>>, vector<1x16xf32>,
        %swap3A_108 = arith.index_cast %scan3A_77 : i32 to index
        %swap3A_109 = arith.constant 96 : index
        %swap3A_110 = tpu.vector_load %arg9[%swap3A_108, %swap3A_109] {strides = array<i32>} : memref<128x128xf32, #tpu.memory_space<vmem>>, vector<1x16xf32>,
        %swap3A_111 = vector.shape_cast %swap3A_110 : vector<1x16xf32> to vector<16xf32>
        %swap3A_112 = vector.shape_cast %broadcast_in_dim3A_52 : vector<16xf32> to vector<1x16xf32>
        tpu.vector_store %arg9[%swap3A_108, %swap3A_109], %swap3A_112 {strides = array<i32>} : memref<128x128xf32, #tpu.memory_space<vmem>>, vector<1x16xf32>,
        %swap3A_113 = arith.index_cast %scan3A_77 : i32 to index
        %swap3A_114 = arith.constant 112 : index
        %swap3A_115 = tpu.vector_load %arg9[%swap3A_113, %swap3A_114] {strides = array<i32>} : memref<128x128xf32, #tpu.memory_space<vmem>>, vector<1x16xf32>,
        %swap3A_116 = vector.shape_cast %swap3A_115 : vector<1x16xf32> to vector<16xf32>
        %swap3A_117 = vector.shape_cast %broadcast_in_dim3A_52 : vector<16xf32> to vector<1x16xf32>
        tpu.vector_store %arg9[%swap3A_113, %swap3A_114], %swap3A_117 {strides = array<i32>} : memref<128x128xf32, #tpu.memory_space<vmem>>, vector<1x16xf32>,
        %scan3A_118 = arith.constant 0 : i32
        scf.yield %scan3A_118 : i32
      }
      %scan3A_58 = arith.constant 128 : i32
      %mul3A = arith.constant 640 : i32
      %mul3A_59 = arith.muli %arg1, %mul3A : i32
      %add3A = arith.constant 0 : i32
      %add3A_60 = arith.addi %mul3A_59, %add3A : i32
      "tpu.region"() ({
        %run_scoped3A = tpu.sem_alloc : memref<!tpu.dma_semaphore, #tpu.memory_space<semaphore_mem>>
        %dma_start3A = arith.constant 0 : i32
        %dma_start3A_77 = tpu.memref_slice %arg6[%add3A_60, %dma_start3A] : memref<10240x128xf32, #tpu.memory_space<vmem_shared>> -> memref<128x128xf32, #tpu.memory_space<vmem_shared>>
        %dma_start3A_78 = arith.constant 0 : i32
        %dma_start3A_79 = tpu.memref_slice %arg6[%add3A_60, %dma_start3A_78] : memref<10240x128xf32, #tpu.memory_space<vmem_shared>> -> memref<128x128xf32, #tpu.memory_space<vmem_shared>>
        tpu.enqueue_dma source(%arg9 : memref<128x128xf32, #tpu.memory_space<vmem>>) target(%dma_start3A_79 : memref<128x128xf32, #tpu.memory_space<vmem_shared>>) target_semaphore(%run_scoped3A : memref<!tpu.dma_semaphore, #tpu.memory_space<semaphore_mem>>)
        %dma_wait3A = arith.constant 0 : i32
        %dma_wait3A_80 = tpu.memref_slice %arg6[%add3A_60, %dma_wait3A] : memref<10240x128xf32, #tpu.memory_space<vmem_shared>> -> memref<128x128xf32, #tpu.memory_space<vmem_shared>>
        %dma_wait3A_81 = arith.constant 0 : i32
        %dma_wait3A_82 = tpu.memref_slice %arg6[%add3A_60, %dma_wait3A_81] : memref<10240x128xf32, #tpu.memory_space<vmem_shared>> -> memref<128x128xf32, #tpu.memory_space<vmem_shared>>
        tpu.wait_dma2 semaphore(%run_scoped3A : memref<!tpu.dma_semaphore, #tpu.memory_space<semaphore_mem>>) src(%arg9 : memref<128x128xf32, #tpu.memory_space<vmem>>) dst(%dma_wait3A_82 : memref<128x128xf32, #tpu.memory_space<vmem_shared>>)
        tpu.yield
      }) : () -> ()
      %mul3A_61 = arith.constant 640 : i32
      %mul3A_62 = arith.muli %arg1, %mul3A_61 : i32
      %add3A_63 = arith.constant 128 : i32
      %add3A_64 = arith.addi %mul3A_62, %add3A_63 : i32
      "tpu.region"() ({
        %run_scoped3A = tpu.sem_alloc : memref<!tpu.dma_semaphore, #tpu.memory_space<semaphore_mem>>
        %dma_start3A = arith.constant 0 : i32
        %dma_start3A_77 = tpu.memref_slice %arg6[%add3A_64, %dma_start3A] : memref<10240x128xf32, #tpu.memory_space<vmem_shared>> -> memref<128x128xf32, #tpu.memory_space<vmem_shared>>
        %dma_start3A_78 = arith.constant 0 : i32
        %dma_start3A_79 = tpu.memref_slice %arg6[%add3A_64, %dma_start3A_78] : memref<10240x128xf32, #tpu.memory_space<vmem_shared>> -> memref<128x128xf32, #tpu.memory_space<vmem_shared>>
        tpu.enqueue_dma source(%arg9 : memref<128x128xf32, #tpu.memory_space<vmem>>) target(%dma_start3A_79 : memref<128x128xf32, #tpu.memory_space<vmem_shared>>) target_semaphore(%run_scoped3A : memref<!tpu.dma_semaphore, #tpu.memory_space<semaphore_mem>>)
        %dma_wait3A = arith.constant 0 : i32
        %dma_wait3A_80 = tpu.memref_slice %arg6[%add3A_64, %dma_wait3A] : memref<10240x128xf32, #tpu.memory_space<vmem_shared>> -> memref<128x128xf32, #tpu.memory_space<vmem_shared>>
        %dma_wait3A_81 = arith.constant 0 : i32
        %dma_wait3A_82 = tpu.memref_slice %arg6[%add3A_64, %dma_wait3A_81] : memref<10240x128xf32, #tpu.memory_space<vmem_shared>> -> memref<128x128xf32, #tpu.memory_space<vmem_shared>>
        tpu.wait_dma2 semaphore(%run_scoped3A : memref<!tpu.dma_semaphore, #tpu.memory_space<semaphore_mem>>) src(%arg9 : memref<128x128xf32, #tpu.memory_space<vmem>>) dst(%dma_wait3A_82 : memref<128x128xf32, #tpu.memory_space<vmem_shared>>)
        tpu.yield
      }) : () -> ()
      %mul3A_65 = arith.constant 640 : i32
      %mul3A_66 = arith.muli %arg1, %mul3A_65 : i32
      %add3A_67 = arith.constant 256 : i32
      %add3A_68 = arith.addi %mul3A_66, %add3A_67 : i32
      "tpu.region"() ({
        %run_scoped3A = tpu.sem_alloc : memref<!tpu.dma_semaphore, #tpu.memory_space<semaphore_mem>>
        %dma_start3A = arith.constant 0 : i32
        %dma_start3A_77 = tpu.memref_slice %arg6[%add3A_68, %dma_start3A] : memref<10240x128xf32, #tpu.memory_space<vmem_shared>> -> memref<128x128xf32, #tpu.memory_space<vmem_shared>>
        %dma_start3A_78 = arith.constant 0 : i32
        %dma_start3A_79 = tpu.memref_slice %arg6[%add3A_68, %dma_start3A_78] : memref<10240x128xf32, #tpu.memory_space<vmem_shared>> -> memref<128x128xf32, #tpu.memory_space<vmem_shared>>
        tpu.enqueue_dma source(%arg9 : memref<128x128xf32, #tpu.memory_space<vmem>>) target(%dma_start3A_79 : memref<128x128xf32, #tpu.memory_space<vmem_shared>>) target_semaphore(%run_scoped3A : memref<!tpu.dma_semaphore, #tpu.memory_space<semaphore_mem>>)
        %dma_wait3A = arith.constant 0 : i32
        %dma_wait3A_80 = tpu.memref_slice %arg6[%add3A_68, %dma_wait3A] : memref<10240x128xf32, #tpu.memory_space<vmem_shared>> -> memref<128x128xf32, #tpu.memory_space<vmem_shared>>
        %dma_wait3A_81 = arith.constant 0 : i32
        %dma_wait3A_82 = tpu.memref_slice %arg6[%add3A_68, %dma_wait3A_81] : memref<10240x128xf32, #tpu.memory_space<vmem_shared>> -> memref<128x128xf32, #tpu.memory_space<vmem_shared>>
        tpu.wait_dma2 semaphore(%run_scoped3A : memref<!tpu.dma_semaphore, #tpu.memory_space<semaphore_mem>>) src(%arg9 : memref<128x128xf32, #tpu.memory_space<vmem>>) dst(%dma_wait3A_82 : memref<128x128xf32, #tpu.memory_space<vmem_shared>>)
        tpu.yield
      }) : () -> ()
      %mul3A_69 = arith.constant 640 : i32
      %mul3A_70 = arith.muli %arg1, %mul3A_69 : i32
      %add3A_71 = arith.constant 384 : i32
      %add3A_72 = arith.addi %mul3A_70, %add3A_71 : i32
      "tpu.region"() ({
        %run_scoped3A = tpu.sem_alloc : memref<!tpu.dma_semaphore, #tpu.memory_space<semaphore_mem>>
        %dma_start3A = arith.constant 0 : i32
        %dma_start3A_77 = tpu.memref_slice %arg6[%add3A_72, %dma_start3A] : memref<10240x128xf32, #tpu.memory_space<vmem_shared>> -> memref<128x128xf32, #tpu.memory_space<vmem_shared>>
        %dma_start3A_78 = arith.constant 0 : i32
        %dma_start3A_79 = tpu.memref_slice %arg6[%add3A_72, %dma_start3A_78] : memref<10240x128xf32, #tpu.memory_space<vmem_shared>> -> memref<128x128xf32, #tpu.memory_space<vmem_shared>>
        tpu.enqueue_dma source(%arg9 : memref<128x128xf32, #tpu.memory_space<vmem>>) target(%dma_start3A_79 : memref<128x128xf32, #tpu.memory_space<vmem_shared>>) target_semaphore(%run_scoped3A : memref<!tpu.dma_semaphore, #tpu.memory_space<semaphore_mem>>)
        %dma_wait3A = arith.constant 0 : i32
        %dma_wait3A_80 = tpu.memref_slice %arg6[%add3A_72, %dma_wait3A] : memref<10240x128xf32, #tpu.memory_space<vmem_shared>> -> memref<128x128xf32, #tpu.memory_space<vmem_shared>>
        %dma_wait3A_81 = arith.constant 0 : i32
        %dma_wait3A_82 = tpu.memref_slice %arg6[%add3A_72, %dma_wait3A_81] : memref<10240x128xf32, #tpu.memory_space<vmem_shared>> -> memref<128x128xf32, #tpu.memory_space<vmem_shared>>
        tpu.wait_dma2 semaphore(%run_scoped3A : memref<!tpu.dma_semaphore, #tpu.memory_space<semaphore_mem>>) src(%arg9 : memref<128x128xf32, #tpu.memory_space<vmem>>) dst(%dma_wait3A_82 : memref<128x128xf32, #tpu.memory_space<vmem_shared>>)
        tpu.yield
      }) : () -> ()
      %mul3A_73 = arith.constant 640 : i32
      %mul3A_74 = arith.muli %arg1, %mul3A_73 : i32
      %add3A_75 = arith.constant 512 : i32
      %add3A_76 = arith.addi %mul3A_74, %add3A_75 : i32
      "tpu.region"() ({
        %run_scoped3A = tpu.sem_alloc : memref<!tpu.dma_semaphore, #tpu.memory_space<semaphore_mem>>
        %dma_start3A = arith.constant 0 : i32
        %dma_start3A_77 = tpu.memref_slice %arg6[%add3A_76, %dma_start3A] : memref<10240x128xf32, #tpu.memory_space<vmem_shared>> -> memref<128x128xf32, #tpu.memory_space<vmem_shared>>
        %dma_start3A_78 = arith.constant 0 : i32
        %dma_start3A_79 = tpu.memref_slice %arg6[%add3A_76, %dma_start3A_78] : memref<10240x128xf32, #tpu.memory_space<vmem_shared>> -> memref<128x128xf32, #tpu.memory_space<vmem_shared>>
        tpu.enqueue_dma source(%arg9 : memref<128x128xf32, #tpu.memory_space<vmem>>) target(%dma_start3A_79 : memref<128x128xf32, #tpu.memory_space<vmem_shared>>) target_semaphore(%run_scoped3A : memref<!tpu.dma_semaphore, #tpu.memory_space<semaphore_mem>>)
        %dma_wait3A = arith.constant 0 : i32
        %dma_wait3A_80 = tpu.memref_slice %arg6[%add3A_76, %dma_wait3A] : memref<10240x128xf32, #tpu.memory_space<vmem_shared>> -> memref<128x128xf32, #tpu.memory_space<vmem_shared>>
        %dma_wait3A_81 = arith.constant 0 : i32
        %dma_wait3A_82 = tpu.memref_slice %arg6[%add3A_76, %dma_wait3A_81] : memref<10240x128xf32, #tpu.memory_space<vmem_shared>> -> memref<128x128xf32, #tpu.memory_space<vmem_shared>>
        tpu.wait_dma2 semaphore(%run_scoped3A : memref<!tpu.dma_semaphore, #tpu.memory_space<semaphore_mem>>) src(%arg9 : memref<128x128xf32, #tpu.memory_space<vmem>>) dst(%dma_wait3A_82 : memref<128x128xf32, #tpu.memory_space<vmem_shared>>)
        tpu.yield
      }) : () -> ()
    } else {
    }
    %barrier3A_29 = arith.constant 0 : index
    tpu.barrier barrier_id(%barrier3A_29)
    %convert_element_type3A_30 = arith.extui %eq3A_25 : i1 to i32
    %cond3A_31 = arith.constant 0 : i32
    %cond3A_32 = arith.cmpi ne, %convert_element_type3A_30, %cond3A_31 : i32
    scf.if %cond3A_32 {
      %scan3A = arith.constant 2 : i32
      %scan3A_52 = arith.constant 0 : i32
      %scan3A_53 = arith.constant 0 : i32
      %scan3A_54 = arith.constant 79 : i32
      %scan3A_55 = arith.addi %scan3A_53, %scan3A_54 : i32
      %scan3A_56 = arith.constant 1 : i32
      %scan3A_57 = scf.for %scan3A_59 = %scan3A_53 to %scan3A_55 step %scan3A_56 iter_args(%scan3A_60 = %scan3A_52) -> (i32)  : i32 {
        %dma_start3A = arith.constant 0 : i32
        %dma_start3A_61 = tpu.memref_slice %arg7[%scan3A_59, %dma_start3A] : memref<79x128xi32, #tpu.memory_space<vmem>> -> memref<1x128xi32, #tpu.memory_space<vmem>>
        %dma_start3A_62 = tpu.memref_squeeze %dma_start3A_61 : memref<1x128xi32, #tpu.memory_space<vmem>> -> memref<128xi32, #tpu.memory_space<vmem>>
        %dma_start3A_63 = arith.constant 0 : i32
        %dma_start3A_64 = arith.constant 0 : i32
        %dma_start3A_65 = tpu.memref_slice %arg2[%scan3A, %dma_start3A_63, %dma_start3A_64] : memref<4x10240x128xf32, #tpu.memory_space<hbm>> -> memref<1x10240x128xf32, #tpu.memory_space<hbm>>
        %dma_start3A_66 = tpu.memref_squeeze %dma_start3A_65 : memref<1x10240x128xf32, #tpu.memory_space<hbm>> -> memref<10240x128xf32, #tpu.memory_space<hbm>>
        %dma_start3A_67 = arith.constant 0 : i32
        %dma_start3A_68 = arith.constant 0 : i32
        %dma_start3A_69 = tpu.memref_slice %dma_start3A_66[%dma_start3A_67, %dma_start3A_68] : memref<10240x128xf32, #tpu.memory_space<hbm>> -> memref<10240x128xf32, #tpu.memory_space<hbm>>
        tpu.enqueue_indirect_dma source(%dma_start3A_69 : memref<10240x128xf32, #tpu.memory_space<hbm>>) target(%arg9 : memref<128x128xf32, #tpu.memory_space<vmem>>) offsets(%dma_start3A_62 : memref<128xi32, #tpu.memory_space<vmem>>) semaphore(%arg10 : memref<!tpu.dma_semaphore, #tpu.memory_space<semaphore_mem>>)
        %dma_wait3A = arith.constant 0 : i32
        %dma_wait3A_70 = tpu.memref_slice %arg7[%scan3A_59, %dma_wait3A] : memref<79x128xi32, #tpu.memory_space<vmem>> -> memref<1x128xi32, #tpu.memory_space<vmem>>
        %dma_wait3A_71 = tpu.memref_squeeze %dma_wait3A_70 : memref<1x128xi32, #tpu.memory_space<vmem>> -> memref<128xi32, #tpu.memory_space<vmem>>
        %dma_wait3A_72 = arith.constant 0 : i32
        %dma_wait3A_73 = arith.constant 0 : i32
        %dma_wait3A_74 = tpu.memref_slice %arg2[%scan3A, %dma_wait3A_72, %dma_wait3A_73] : memref<4x10240x128xf32, #tpu.memory_space<hbm>> -> memref<1x10240x128xf32, #tpu.memory_space<hbm>>
        %dma_wait3A_75 = tpu.memref_squeeze %dma_wait3A_74 : memref<1x10240x128xf32, #tpu.memory_space<hbm>> -> memref<10240x128xf32, #tpu.memory_space<hbm>>
        %dma_wait3A_76 = arith.constant 0 : i32
        %dma_wait3A_77 = arith.constant 0 : i32
        %dma_wait3A_78 = tpu.memref_slice %dma_wait3A_75[%dma_wait3A_76, %dma_wait3A_77] : memref<10240x128xf32, #tpu.memory_space<hbm>> -> memref<10240x128xf32, #tpu.memory_space<hbm>>
        tpu.wait_indirect_dma semaphore(%arg10 : memref<!tpu.dma_semaphore, #tpu.memory_space<semaphore_mem>>) src(%dma_wait3A_78 : memref<10240x128xf32, #tpu.memory_space<hbm>>) dst(%arg9 : memref<128x128xf32, #tpu.memory_space<vmem>>)
        "tpu.region"() ({
          %run_scoped3A = tpu.sem_alloc : memref<!tpu.dma_semaphore, #tpu.memory_space<semaphore_mem>>
          %dma_start3A_80 = arith.constant 0 : i32
          %dma_start3A_81 = tpu.memref_slice %arg8[%scan3A_59, %dma_start3A_80] : memref<79x128xi32, #tpu.memory_space<vmem>> -> memref<1x128xi32, #tpu.memory_space<vmem>>
          %dma_start3A_82 = tpu.memref_squeeze %dma_start3A_81 : memref<1x128xi32, #tpu.memory_space<vmem>> -> memref<128xi32, #tpu.memory_space<vmem>>
          %dma_start3A_83 = arith.constant 0 : i32
          %dma_start3A_84 = arith.constant 0 : i32
          %dma_start3A_85 = tpu.memref_slice %arg6[%dma_start3A_83, %dma_start3A_84] : memref<10240x128xf32, #tpu.memory_space<vmem_shared>> -> memref<10240x128xf32, #tpu.memory_space<vmem_shared>>
          tpu.enqueue_indirect_dma source(%arg9 : memref<128x128xf32, #tpu.memory_space<vmem>>) target(%dma_start3A_85 : memref<10240x128xf32, #tpu.memory_space<vmem_shared>>) offsets(%dma_start3A_82 : memref<128xi32, #tpu.memory_space<vmem>>) semaphore(%run_scoped3A : memref<!tpu.dma_semaphore, #tpu.memory_space<semaphore_mem>>) {add = true}
          %dma_wait3A_86 = arith.constant 0 : i32
          %dma_wait3A_87 = tpu.memref_slice %arg8[%scan3A_59, %dma_wait3A_86] : memref<79x128xi32, #tpu.memory_space<vmem>> -> memref<1x128xi32, #tpu.memory_space<vmem>>
          %dma_wait3A_88 = tpu.memref_squeeze %dma_wait3A_87 : memref<1x128xi32, #tpu.memory_space<vmem>> -> memref<128xi32, #tpu.memory_space<vmem>>
          %dma_wait3A_89 = arith.constant 0 : i32
          %dma_wait3A_90 = arith.constant 0 : i32
          %dma_wait3A_91 = tpu.memref_slice %arg6[%dma_wait3A_89, %dma_wait3A_90] : memref<10240x128xf32, #tpu.memory_space<vmem_shared>> -> memref<10240x128xf32, #tpu.memory_space<vmem_shared>>
          tpu.wait_indirect_dma semaphore(%run_scoped3A : memref<!tpu.dma_semaphore, #tpu.memory_space<semaphore_mem>>) src(%arg9 : memref<128x128xf32, #tpu.memory_space<vmem>>) dst(%dma_wait3A_91 : memref<10240x128xf32, #tpu.memory_space<vmem_shared>>)
          tpu.yield
        }) : () -> ()
        %scan3A_79 = arith.constant 0 : i32
        scf.yield %scan3A_79 : i32
      }
      %scan3A_58 = arith.constant 79 : i32
    } else {
    }
    %barrier3A_33 = arith.constant 0 : index
    tpu.barrier barrier_id(%barrier3A_33)
    %convert_element_type3A_34 = arith.extui %eq3A_25 : i1 to i32
    %cond3A_35 = arith.constant 0 : i32
    %cond3A_36 = arith.cmpi ne, %convert_element_type3A_34, %cond3A_35 : i32
    scf.if %cond3A_36 {
      %mul3A = arith.constant 640 : i32
      %mul3A_52 = arith.muli %arg1, %mul3A : i32
      %mul3A_53 = arith.constant 640 : i32
      %mul3A_54 = arith.muli %arg1, %mul3A_53 : i32
      %run_scoped3A = arith.constant 2 : i32
      "tpu.region"() ({
        %run_scoped3A_55 = tpu.sem_alloc : memref<!tpu.dma_semaphore, #tpu.memory_space<semaphore_mem>>
        %dma_start3A = arith.constant 0 : i32
        %dma_start3A_56 = arith.constant 0 : i32
        %dma_start3A_57 = tpu.memref_slice %arg5[%run_scoped3A, %dma_start3A, %dma_start3A_56] : memref<4x10240x128xf32, #tpu.memory_space<hbm>> -> memref<1x10240x128xf32, #tpu.memory_space<hbm>>
        %dma_start3A_58 = tpu.memref_squeeze %dma_start3A_57 : memref<1x10240x128xf32, #tpu.memory_space<hbm>> -> memref<10240x128xf32, #tpu.memory_space<hbm>>
        %dma_start3A_59 = arith.constant 0 : i32
        %dma_start3A_60 = tpu.memref_slice %dma_start3A_58[%mul3A_54, %dma_start3A_59] : memref<10240x128xf32, #tpu.memory_space<hbm>> -> memref<640x128xf32, #tpu.memory_space<hbm>>
        %dma_start3A_61 = arith.constant 0 : i32
        %dma_start3A_62 = tpu.memref_slice %arg6[%mul3A_52, %dma_start3A_61] : memref<10240x128xf32, #tpu.memory_space<vmem_shared>> -> memref<640x128xf32, #tpu.memory_space<vmem_shared>>
        tpu.enqueue_dma source(%dma_start3A_62 : memref<640x128xf32, #tpu.memory_space<vmem_shared>>) target(%dma_start3A_60 : memref<640x128xf32, #tpu.memory_space<hbm>>) target_semaphore(%run_scoped3A_55 : memref<!tpu.dma_semaphore, #tpu.memory_space<semaphore_mem>>)
        %dma_wait3A = arith.constant 0 : i32
        %dma_wait3A_63 = arith.constant 0 : i32
        %dma_wait3A_64 = tpu.memref_slice %arg5[%run_scoped3A, %dma_wait3A, %dma_wait3A_63] : memref<4x10240x128xf32, #tpu.memory_space<hbm>> -> memref<1x10240x128xf32, #tpu.memory_space<hbm>>
        %dma_wait3A_65 = tpu.memref_squeeze %dma_wait3A_64 : memref<1x10240x128xf32, #tpu.memory_space<hbm>> -> memref<10240x128xf32, #tpu.memory_space<hbm>>
        %dma_wait3A_66 = arith.constant 0 : i32
        %dma_wait3A_67 = tpu.memref_slice %dma_wait3A_65[%mul3A_54, %dma_wait3A_66] : memref<10240x128xf32, #tpu.memory_space<hbm>> -> memref<640x128xf32, #tpu.memory_space<hbm>>
        %dma_wait3A_68 = arith.constant 0 : i32
        %dma_wait3A_69 = tpu.memref_slice %arg6[%mul3A_52, %dma_wait3A_68] : memref<10240x128xf32, #tpu.memory_space<vmem_shared>> -> memref<640x128xf32, #tpu.memory_space<vmem_shared>>
        tpu.wait_dma2 semaphore(%run_scoped3A_55 : memref<!tpu.dma_semaphore, #tpu.memory_space<semaphore_mem>>) src(%dma_wait3A_69 : memref<640x128xf32, #tpu.memory_space<vmem_shared>>) dst(%dma_wait3A_67 : memref<640x128xf32, #tpu.memory_space<hbm>>)
        tpu.yield
      }) : () -> ()
    } else {
    }
    %barrier3A_37 = arith.constant 0 : index
    tpu.barrier barrier_id(%barrier3A_37)
    %eq3A_38 = arith.constant 1 : i32
    %eq3A_39 = arith.cmpi eq, %arg0, %eq3A_38 : i32
    %convert_element_type3A_40 = arith.extui %eq3A_39 : i1 to i32
    %cond3A_41 = arith.constant 0 : i32
    %cond3A_42 = arith.cmpi ne, %convert_element_type3A_40, %cond3A_41 : i32
    scf.if %cond3A_42 {
      %broadcast_in_dim3A = arith.constant 0.000000e+00 : f32
      %broadcast_in_dim3A_52 = vector.broadcast %broadcast_in_dim3A : f32 to vector<16xf32>
      %scan3A = arith.constant 0 : i32
      %scan3A_53 = arith.constant 0 : i32
      %scan3A_54 = arith.constant 128 : i32
      %scan3A_55 = arith.addi %scan3A_53, %scan3A_54 : i32
      %scan3A_56 = arith.constant 1 : i32
      %scan3A_57 = scf.for %scan3A_77 = %scan3A_53 to %scan3A_55 step %scan3A_56 iter_args(%scan3A_78 = %scan3A) -> (i32)  : i32 {
        %swap3A = arith.index_cast %scan3A_77 : i32 to index
        %swap3A_79 = arith.constant 0 : index
        %swap3A_80 = tpu.vector_load %arg9[%swap3A, %swap3A_79] {strides = array<i32>} : memref<128x128xf32, #tpu.memory_space<vmem>>, vector<1x16xf32>,
        %swap3A_81 = vector.shape_cast %swap3A_80 : vector<1x16xf32> to vector<16xf32>
        %swap3A_82 = vector.shape_cast %broadcast_in_dim3A_52 : vector<16xf32> to vector<1x16xf32>
        tpu.vector_store %arg9[%swap3A, %swap3A_79], %swap3A_82 {strides = array<i32>} : memref<128x128xf32, #tpu.memory_space<vmem>>, vector<1x16xf32>,
        %swap3A_83 = arith.index_cast %scan3A_77 : i32 to index
        %swap3A_84 = arith.constant 16 : index
        %swap3A_85 = tpu.vector_load %arg9[%swap3A_83, %swap3A_84] {strides = array<i32>} : memref<128x128xf32, #tpu.memory_space<vmem>>, vector<1x16xf32>,
        %swap3A_86 = vector.shape_cast %swap3A_85 : vector<1x16xf32> to vector<16xf32>
        %swap3A_87 = vector.shape_cast %broadcast_in_dim3A_52 : vector<16xf32> to vector<1x16xf32>
        tpu.vector_store %arg9[%swap3A_83, %swap3A_84], %swap3A_87 {strides = array<i32>} : memref<128x128xf32, #tpu.memory_space<vmem>>, vector<1x16xf32>,
        %swap3A_88 = arith.index_cast %scan3A_77 : i32 to index
        %swap3A_89 = arith.constant 32 : index
        %swap3A_90 = tpu.vector_load %arg9[%swap3A_88, %swap3A_89] {strides = array<i32>} : memref<128x128xf32, #tpu.memory_space<vmem>>, vector<1x16xf32>,
        %swap3A_91 = vector.shape_cast %swap3A_90 : vector<1x16xf32> to vector<16xf32>
        %swap3A_92 = vector.shape_cast %broadcast_in_dim3A_52 : vector<16xf32> to vector<1x16xf32>
        tpu.vector_store %arg9[%swap3A_88, %swap3A_89], %swap3A_92 {strides = array<i32>} : memref<128x128xf32, #tpu.memory_space<vmem>>, vector<1x16xf32>,
        %swap3A_93 = arith.index_cast %scan3A_77 : i32 to index
        %swap3A_94 = arith.constant 48 : index
        %swap3A_95 = tpu.vector_load %arg9[%swap3A_93, %swap3A_94] {strides = array<i32>} : memref<128x128xf32, #tpu.memory_space<vmem>>, vector<1x16xf32>,
        %swap3A_96 = vector.shape_cast %swap3A_95 : vector<1x16xf32> to vector<16xf32>
        %swap3A_97 = vector.shape_cast %broadcast_in_dim3A_52 : vector<16xf32> to vector<1x16xf32>
        tpu.vector_store %arg9[%swap3A_93, %swap3A_94], %swap3A_97 {strides = array<i32>} : memref<128x128xf32, #tpu.memory_space<vmem>>, vector<1x16xf32>,
        %swap3A_98 = arith.index_cast %scan3A_77 : i32 to index
        %swap3A_99 = arith.constant 64 : index
        %swap3A_100 = tpu.vector_load %arg9[%swap3A_98, %swap3A_99] {strides = array<i32>} : memref<128x128xf32, #tpu.memory_space<vmem>>, vector<1x16xf32>,
        %swap3A_101 = vector.shape_cast %swap3A_100 : vector<1x16xf32> to vector<16xf32>
        %swap3A_102 = vector.shape_cast %broadcast_in_dim3A_52 : vector<16xf32> to vector<1x16xf32>
        tpu.vector_store %arg9[%swap3A_98, %swap3A_99], %swap3A_102 {strides = array<i32>} : memref<128x128xf32, #tpu.memory_space<vmem>>, vector<1x16xf32>,
        %swap3A_103 = arith.index_cast %scan3A_77 : i32 to index
        %swap3A_104 = arith.constant 80 : index
        %swap3A_105 = tpu.vector_load %arg9[%swap3A_103, %swap3A_104] {strides = array<i32>} : memref<128x128xf32, #tpu.memory_space<vmem>>, vector<1x16xf32>,
        %swap3A_106 = vector.shape_cast %swap3A_105 : vector<1x16xf32> to vector<16xf32>
        %swap3A_107 = vector.shape_cast %broadcast_in_dim3A_52 : vector<16xf32> to vector<1x16xf32>
        tpu.vector_store %arg9[%swap3A_103, %swap3A_104], %swap3A_107 {strides = array<i32>} : memref<128x128xf32, #tpu.memory_space<vmem>>, vector<1x16xf32>,
        %swap3A_108 = arith.index_cast %scan3A_77 : i32 to index
        %swap3A_109 = arith.constant 96 : index
        %swap3A_110 = tpu.vector_load %arg9[%swap3A_108, %swap3A_109] {strides = array<i32>} : memref<128x128xf32, #tpu.memory_space<vmem>>, vector<1x16xf32>,
        %swap3A_111 = vector.shape_cast %swap3A_110 : vector<1x16xf32> to vector<16xf32>
        %swap3A_112 = vector.shape_cast %broadcast_in_dim3A_52 : vector<16xf32> to vector<1x16xf32>
        tpu.vector_store %arg9[%swap3A_108, %swap3A_109], %swap3A_112 {strides = array<i32>} : memref<128x128xf32, #tpu.memory_space<vmem>>, vector<1x16xf32>,
        %swap3A_113 = arith.index_cast %scan3A_77 : i32 to index
        %swap3A_114 = arith.constant 112 : index
        %swap3A_115 = tpu.vector_load %arg9[%swap3A_113, %swap3A_114] {strides = array<i32>} : memref<128x128xf32, #tpu.memory_space<vmem>>, vector<1x16xf32>,
        %swap3A_116 = vector.shape_cast %swap3A_115 : vector<1x16xf32> to vector<16xf32>
        %swap3A_117 = vector.shape_cast %broadcast_in_dim3A_52 : vector<16xf32> to vector<1x16xf32>
        tpu.vector_store %arg9[%swap3A_113, %swap3A_114], %swap3A_117 {strides = array<i32>} : memref<128x128xf32, #tpu.memory_space<vmem>>, vector<1x16xf32>,
        %scan3A_118 = arith.constant 0 : i32
        scf.yield %scan3A_118 : i32
      }
      %scan3A_58 = arith.constant 128 : i32
      %mul3A = arith.constant 640 : i32
      %mul3A_59 = arith.muli %arg1, %mul3A : i32
      %add3A = arith.constant 0 : i32
      %add3A_60 = arith.addi %mul3A_59, %add3A : i32
      "tpu.region"() ({
        %run_scoped3A = tpu.sem_alloc : memref<!tpu.dma_semaphore, #tpu.memory_space<semaphore_mem>>
        %dma_start3A = arith.constant 0 : i32
        %dma_start3A_77 = tpu.memref_slice %arg6[%add3A_60, %dma_start3A] : memref<10240x128xf32, #tpu.memory_space<vmem_shared>> -> memref<128x128xf32, #tpu.memory_space<vmem_shared>>
        %dma_start3A_78 = arith.constant 0 : i32
        %dma_start3A_79 = tpu.memref_slice %arg6[%add3A_60, %dma_start3A_78] : memref<10240x128xf32, #tpu.memory_space<vmem_shared>> -> memref<128x128xf32, #tpu.memory_space<vmem_shared>>
        tpu.enqueue_dma source(%arg9 : memref<128x128xf32, #tpu.memory_space<vmem>>) target(%dma_start3A_79 : memref<128x128xf32, #tpu.memory_space<vmem_shared>>) target_semaphore(%run_scoped3A : memref<!tpu.dma_semaphore, #tpu.memory_space<semaphore_mem>>)
        %dma_wait3A = arith.constant 0 : i32
        %dma_wait3A_80 = tpu.memref_slice %arg6[%add3A_60, %dma_wait3A] : memref<10240x128xf32, #tpu.memory_space<vmem_shared>> -> memref<128x128xf32, #tpu.memory_space<vmem_shared>>
        %dma_wait3A_81 = arith.constant 0 : i32
        %dma_wait3A_82 = tpu.memref_slice %arg6[%add3A_60, %dma_wait3A_81] : memref<10240x128xf32, #tpu.memory_space<vmem_shared>> -> memref<128x128xf32, #tpu.memory_space<vmem_shared>>
        tpu.wait_dma2 semaphore(%run_scoped3A : memref<!tpu.dma_semaphore, #tpu.memory_space<semaphore_mem>>) src(%arg9 : memref<128x128xf32, #tpu.memory_space<vmem>>) dst(%dma_wait3A_82 : memref<128x128xf32, #tpu.memory_space<vmem_shared>>)
        tpu.yield
      }) : () -> ()
      %mul3A_61 = arith.constant 640 : i32
      %mul3A_62 = arith.muli %arg1, %mul3A_61 : i32
      %add3A_63 = arith.constant 128 : i32
      %add3A_64 = arith.addi %mul3A_62, %add3A_63 : i32
      "tpu.region"() ({
        %run_scoped3A = tpu.sem_alloc : memref<!tpu.dma_semaphore, #tpu.memory_space<semaphore_mem>>
        %dma_start3A = arith.constant 0 : i32
        %dma_start3A_77 = tpu.memref_slice %arg6[%add3A_64, %dma_start3A] : memref<10240x128xf32, #tpu.memory_space<vmem_shared>> -> memref<128x128xf32, #tpu.memory_space<vmem_shared>>
        %dma_start3A_78 = arith.constant 0 : i32
        %dma_start3A_79 = tpu.memref_slice %arg6[%add3A_64, %dma_start3A_78] : memref<10240x128xf32, #tpu.memory_space<vmem_shared>> -> memref<128x128xf32, #tpu.memory_space<vmem_shared>>
        tpu.enqueue_dma source(%arg9 : memref<128x128xf32, #tpu.memory_space<vmem>>) target(%dma_start3A_79 : memref<128x128xf32, #tpu.memory_space<vmem_shared>>) target_semaphore(%run_scoped3A : memref<!tpu.dma_semaphore, #tpu.memory_space<semaphore_mem>>)
        %dma_wait3A = arith.constant 0 : i32
        %dma_wait3A_80 = tpu.memref_slice %arg6[%add3A_64, %dma_wait3A] : memref<10240x128xf32, #tpu.memory_space<vmem_shared>> -> memref<128x128xf32, #tpu.memory_space<vmem_shared>>
        %dma_wait3A_81 = arith.constant 0 : i32
        %dma_wait3A_82 = tpu.memref_slice %arg6[%add3A_64, %dma_wait3A_81] : memref<10240x128xf32, #tpu.memory_space<vmem_shared>> -> memref<128x128xf32, #tpu.memory_space<vmem_shared>>
        tpu.wait_dma2 semaphore(%run_scoped3A : memref<!tpu.dma_semaphore, #tpu.memory_space<semaphore_mem>>) src(%arg9 : memref<128x128xf32, #tpu.memory_space<vmem>>) dst(%dma_wait3A_82 : memref<128x128xf32, #tpu.memory_space<vmem_shared>>)
        tpu.yield
      }) : () -> ()
      %mul3A_65 = arith.constant 640 : i32
      %mul3A_66 = arith.muli %arg1, %mul3A_65 : i32
      %add3A_67 = arith.constant 256 : i32
      %add3A_68 = arith.addi %mul3A_66, %add3A_67 : i32
      "tpu.region"() ({
        %run_scoped3A = tpu.sem_alloc : memref<!tpu.dma_semaphore, #tpu.memory_space<semaphore_mem>>
        %dma_start3A = arith.constant 0 : i32
        %dma_start3A_77 = tpu.memref_slice %arg6[%add3A_68, %dma_start3A] : memref<10240x128xf32, #tpu.memory_space<vmem_shared>> -> memref<128x128xf32, #tpu.memory_space<vmem_shared>>
        %dma_start3A_78 = arith.constant 0 : i32
        %dma_start3A_79 = tpu.memref_slice %arg6[%add3A_68, %dma_start3A_78] : memref<10240x128xf32, #tpu.memory_space<vmem_shared>> -> memref<128x128xf32, #tpu.memory_space<vmem_shared>>
        tpu.enqueue_dma source(%arg9 : memref<128x128xf32, #tpu.memory_space<vmem>>) target(%dma_start3A_79 : memref<128x128xf32, #tpu.memory_space<vmem_shared>>) target_semaphore(%run_scoped3A : memref<!tpu.dma_semaphore, #tpu.memory_space<semaphore_mem>>)
        %dma_wait3A = arith.constant 0 : i32
        %dma_wait3A_80 = tpu.memref_slice %arg6[%add3A_68, %dma_wait3A] : memref<10240x128xf32, #tpu.memory_space<vmem_shared>> -> memref<128x128xf32, #tpu.memory_space<vmem_shared>>
        %dma_wait3A_81 = arith.constant 0 : i32
        %dma_wait3A_82 = tpu.memref_slice %arg6[%add3A_68, %dma_wait3A_81] : memref<10240x128xf32, #tpu.memory_space<vmem_shared>> -> memref<128x128xf32, #tpu.memory_space<vmem_shared>>
        tpu.wait_dma2 semaphore(%run_scoped3A : memref<!tpu.dma_semaphore, #tpu.memory_space<semaphore_mem>>) src(%arg9 : memref<128x128xf32, #tpu.memory_space<vmem>>) dst(%dma_wait3A_82 : memref<128x128xf32, #tpu.memory_space<vmem_shared>>)
        tpu.yield
      }) : () -> ()
      %mul3A_69 = arith.constant 640 : i32
      %mul3A_70 = arith.muli %arg1, %mul3A_69 : i32
      %add3A_71 = arith.constant 384 : i32
      %add3A_72 = arith.addi %mul3A_70, %add3A_71 : i32
      "tpu.region"() ({
        %run_scoped3A = tpu.sem_alloc : memref<!tpu.dma_semaphore, #tpu.memory_space<semaphore_mem>>
        %dma_start3A = arith.constant 0 : i32
        %dma_start3A_77 = tpu.memref_slice %arg6[%add3A_72, %dma_start3A] : memref<10240x128xf32, #tpu.memory_space<vmem_shared>> -> memref<128x128xf32, #tpu.memory_space<vmem_shared>>
        %dma_start3A_78 = arith.constant 0 : i32
        %dma_start3A_79 = tpu.memref_slice %arg6[%add3A_72, %dma_start3A_78] : memref<10240x128xf32, #tpu.memory_space<vmem_shared>> -> memref<128x128xf32, #tpu.memory_space<vmem_shared>>
        tpu.enqueue_dma source(%arg9 : memref<128x128xf32, #tpu.memory_space<vmem>>) target(%dma_start3A_79 : memref<128x128xf32, #tpu.memory_space<vmem_shared>>) target_semaphore(%run_scoped3A : memref<!tpu.dma_semaphore, #tpu.memory_space<semaphore_mem>>)
        %dma_wait3A = arith.constant 0 : i32
        %dma_wait3A_80 = tpu.memref_slice %arg6[%add3A_72, %dma_wait3A] : memref<10240x128xf32, #tpu.memory_space<vmem_shared>> -> memref<128x128xf32, #tpu.memory_space<vmem_shared>>
        %dma_wait3A_81 = arith.constant 0 : i32
        %dma_wait3A_82 = tpu.memref_slice %arg6[%add3A_72, %dma_wait3A_81] : memref<10240x128xf32, #tpu.memory_space<vmem_shared>> -> memref<128x128xf32, #tpu.memory_space<vmem_shared>>
        tpu.wait_dma2 semaphore(%run_scoped3A : memref<!tpu.dma_semaphore, #tpu.memory_space<semaphore_mem>>) src(%arg9 : memref<128x128xf32, #tpu.memory_space<vmem>>) dst(%dma_wait3A_82 : memref<128x128xf32, #tpu.memory_space<vmem_shared>>)
        tpu.yield
      }) : () -> ()
      %mul3A_73 = arith.constant 640 : i32
      %mul3A_74 = arith.muli %arg1, %mul3A_73 : i32
      %add3A_75 = arith.constant 512 : i32
      %add3A_76 = arith.addi %mul3A_74, %add3A_75 : i32
      "tpu.region"() ({
        %run_scoped3A = tpu.sem_alloc : memref<!tpu.dma_semaphore, #tpu.memory_space<semaphore_mem>>
        %dma_start3A = arith.constant 0 : i32
        %dma_start3A_77 = tpu.memref_slice %arg6[%add3A_76, %dma_start3A] : memref<10240x128xf32, #tpu.memory_space<vmem_shared>> -> memref<128x128xf32, #tpu.memory_space<vmem_shared>>
        %dma_start3A_78 = arith.constant 0 : i32
        %dma_start3A_79 = tpu.memref_slice %arg6[%add3A_76, %dma_start3A_78] : memref<10240x128xf32, #tpu.memory_space<vmem_shared>> -> memref<128x128xf32, #tpu.memory_space<vmem_shared>>
        tpu.enqueue_dma source(%arg9 : memref<128x128xf32, #tpu.memory_space<vmem>>) target(%dma_start3A_79 : memref<128x128xf32, #tpu.memory_space<vmem_shared>>) target_semaphore(%run_scoped3A : memref<!tpu.dma_semaphore, #tpu.memory_space<semaphore_mem>>)
        %dma_wait3A = arith.constant 0 : i32
        %dma_wait3A_80 = tpu.memref_slice %arg6[%add3A_76, %dma_wait3A] : memref<10240x128xf32, #tpu.memory_space<vmem_shared>> -> memref<128x128xf32, #tpu.memory_space<vmem_shared>>
        %dma_wait3A_81 = arith.constant 0 : i32
        %dma_wait3A_82 = tpu.memref_slice %arg6[%add3A_76, %dma_wait3A_81] : memref<10240x128xf32, #tpu.memory_space<vmem_shared>> -> memref<128x128xf32, #tpu.memory_space<vmem_shared>>
        tpu.wait_dma2 semaphore(%run_scoped3A : memref<!tpu.dma_semaphore, #tpu.memory_space<semaphore_mem>>) src(%arg9 : memref<128x128xf32, #tpu.memory_space<vmem>>) dst(%dma_wait3A_82 : memref<128x128xf32, #tpu.memory_space<vmem_shared>>)
        tpu.yield
      }) : () -> ()
    } else {
    }
    %barrier3A_43 = arith.constant 0 : index
    tpu.barrier barrier_id(%barrier3A_43)
    %convert_element_type3A_44 = arith.extui %eq3A_39 : i1 to i32
    %cond3A_45 = arith.constant 0 : i32
    %cond3A_46 = arith.cmpi ne, %convert_element_type3A_44, %cond3A_45 : i32
    scf.if %cond3A_46 {
      %scan3A = arith.constant 3 : i32
      %scan3A_52 = arith.constant 0 : i32
      %scan3A_53 = arith.constant 0 : i32
      %scan3A_54 = arith.constant 79 : i32
      %scan3A_55 = arith.addi %scan3A_53, %scan3A_54 : i32
      %scan3A_56 = arith.constant 1 : i32
      %scan3A_57 = scf.for %scan3A_59 = %scan3A_53 to %scan3A_55 step %scan3A_56 iter_args(%scan3A_60 = %scan3A_52) -> (i32)  : i32 {
        %dma_start3A = arith.constant 0 : i32
        %dma_start3A_61 = tpu.memref_slice %arg7[%scan3A_59, %dma_start3A] : memref<79x128xi32, #tpu.memory_space<vmem>> -> memref<1x128xi32, #tpu.memory_space<vmem>>
        %dma_start3A_62 = tpu.memref_squeeze %dma_start3A_61 : memref<1x128xi32, #tpu.memory_space<vmem>> -> memref<128xi32, #tpu.memory_space<vmem>>
        %dma_start3A_63 = arith.constant 0 : i32
        %dma_start3A_64 = arith.constant 0 : i32
        %dma_start3A_65 = tpu.memref_slice %arg2[%scan3A, %dma_start3A_63, %dma_start3A_64] : memref<4x10240x128xf32, #tpu.memory_space<hbm>> -> memref<1x10240x128xf32, #tpu.memory_space<hbm>>
        %dma_start3A_66 = tpu.memref_squeeze %dma_start3A_65 : memref<1x10240x128xf32, #tpu.memory_space<hbm>> -> memref<10240x128xf32, #tpu.memory_space<hbm>>
        %dma_start3A_67 = arith.constant 0 : i32
        %dma_start3A_68 = arith.constant 0 : i32
        %dma_start3A_69 = tpu.memref_slice %dma_start3A_66[%dma_start3A_67, %dma_start3A_68] : memref<10240x128xf32, #tpu.memory_space<hbm>> -> memref<10240x128xf32, #tpu.memory_space<hbm>>
        tpu.enqueue_indirect_dma source(%dma_start3A_69 : memref<10240x128xf32, #tpu.memory_space<hbm>>) target(%arg9 : memref<128x128xf32, #tpu.memory_space<vmem>>) offsets(%dma_start3A_62 : memref<128xi32, #tpu.memory_space<vmem>>) semaphore(%arg10 : memref<!tpu.dma_semaphore, #tpu.memory_space<semaphore_mem>>)
        %dma_wait3A = arith.constant 0 : i32
        %dma_wait3A_70 = tpu.memref_slice %arg7[%scan3A_59, %dma_wait3A] : memref<79x128xi32, #tpu.memory_space<vmem>> -> memref<1x128xi32, #tpu.memory_space<vmem>>
        %dma_wait3A_71 = tpu.memref_squeeze %dma_wait3A_70 : memref<1x128xi32, #tpu.memory_space<vmem>> -> memref<128xi32, #tpu.memory_space<vmem>>
        %dma_wait3A_72 = arith.constant 0 : i32
        %dma_wait3A_73 = arith.constant 0 : i32
        %dma_wait3A_74 = tpu.memref_slice %arg2[%scan3A, %dma_wait3A_72, %dma_wait3A_73] : memref<4x10240x128xf32, #tpu.memory_space<hbm>> -> memref<1x10240x128xf32, #tpu.memory_space<hbm>>
        %dma_wait3A_75 = tpu.memref_squeeze %dma_wait3A_74 : memref<1x10240x128xf32, #tpu.memory_space<hbm>> -> memref<10240x128xf32, #tpu.memory_space<hbm>>
        %dma_wait3A_76 = arith.constant 0 : i32
        %dma_wait3A_77 = arith.constant 0 : i32
        %dma_wait3A_78 = tpu.memref_slice %dma_wait3A_75[%dma_wait3A_76, %dma_wait3A_77] : memref<10240x128xf32, #tpu.memory_space<hbm>> -> memref<10240x128xf32, #tpu.memory_space<hbm>>
        tpu.wait_indirect_dma semaphore(%arg10 : memref<!tpu.dma_semaphore, #tpu.memory_space<semaphore_mem>>) src(%dma_wait3A_78 : memref<10240x128xf32, #tpu.memory_space<hbm>>) dst(%arg9 : memref<128x128xf32, #tpu.memory_space<vmem>>)
        "tpu.region"() ({
          %run_scoped3A = tpu.sem_alloc : memref<!tpu.dma_semaphore, #tpu.memory_space<semaphore_mem>>
          %dma_start3A_80 = arith.constant 0 : i32
          %dma_start3A_81 = tpu.memref_slice %arg8[%scan3A_59, %dma_start3A_80] : memref<79x128xi32, #tpu.memory_space<vmem>> -> memref<1x128xi32, #tpu.memory_space<vmem>>
          %dma_start3A_82 = tpu.memref_squeeze %dma_start3A_81 : memref<1x128xi32, #tpu.memory_space<vmem>> -> memref<128xi32, #tpu.memory_space<vmem>>
          %dma_start3A_83 = arith.constant 0 : i32
          %dma_start3A_84 = arith.constant 0 : i32
          %dma_start3A_85 = tpu.memref_slice %arg6[%dma_start3A_83, %dma_start3A_84] : memref<10240x128xf32, #tpu.memory_space<vmem_shared>> -> memref<10240x128xf32, #tpu.memory_space<vmem_shared>>
          tpu.enqueue_indirect_dma source(%arg9 : memref<128x128xf32, #tpu.memory_space<vmem>>) target(%dma_start3A_85 : memref<10240x128xf32, #tpu.memory_space<vmem_shared>>) offsets(%dma_start3A_82 : memref<128xi32, #tpu.memory_space<vmem>>) semaphore(%run_scoped3A : memref<!tpu.dma_semaphore, #tpu.memory_space<semaphore_mem>>) {add = true}
          %dma_wait3A_86 = arith.constant 0 : i32
          %dma_wait3A_87 = tpu.memref_slice %arg8[%scan3A_59, %dma_wait3A_86] : memref<79x128xi32, #tpu.memory_space<vmem>> -> memref<1x128xi32, #tpu.memory_space<vmem>>
          %dma_wait3A_88 = tpu.memref_squeeze %dma_wait3A_87 : memref<1x128xi32, #tpu.memory_space<vmem>> -> memref<128xi32, #tpu.memory_space<vmem>>
          %dma_wait3A_89 = arith.constant 0 : i32
          %dma_wait3A_90 = arith.constant 0 : i32
          %dma_wait3A_91 = tpu.memref_slice %arg6[%dma_wait3A_89, %dma_wait3A_90] : memref<10240x128xf32, #tpu.memory_space<vmem_shared>> -> memref<10240x128xf32, #tpu.memory_space<vmem_shared>>
          tpu.wait_indirect_dma semaphore(%run_scoped3A : memref<!tpu.dma_semaphore, #tpu.memory_space<semaphore_mem>>) src(%arg9 : memref<128x128xf32, #tpu.memory_space<vmem>>) dst(%dma_wait3A_91 : memref<10240x128xf32, #tpu.memory_space<vmem_shared>>)
          tpu.yield
        }) : () -> ()
        %scan3A_79 = arith.constant 0 : i32
        scf.yield %scan3A_79 : i32
      }
      %scan3A_58 = arith.constant 79 : i32
    } else {
    }
    %barrier3A_47 = arith.constant 0 : index
    tpu.barrier barrier_id(%barrier3A_47)
    %convert_element_type3A_48 = arith.extui %eq3A_39 : i1 to i32
    %cond3A_49 = arith.constant 0 : i32
    %cond3A_50 = arith.cmpi ne, %convert_element_type3A_48, %cond3A_49 : i32
    scf.if %cond3A_50 {
      %mul3A = arith.constant 640 : i32
      %mul3A_52 = arith.muli %arg1, %mul3A : i32
      %mul3A_53 = arith.constant 640 : i32
      %mul3A_54 = arith.muli %arg1, %mul3A_53 : i32
      %run_scoped3A = arith.constant 3 : i32
      "tpu.region"() ({
        %run_scoped3A_55 = tpu.sem_alloc : memref<!tpu.dma_semaphore, #tpu.memory_space<semaphore_mem>>
        %dma_start3A = arith.constant 0 : i32
        %dma_start3A_56 = arith.constant 0 : i32
        %dma_start3A_57 = tpu.memref_slice %arg5[%run_scoped3A, %dma_start3A, %dma_start3A_56] : memref<4x10240x128xf32, #tpu.memory_space<hbm>> -> memref<1x10240x128xf32, #tpu.memory_space<hbm>>
        %dma_start3A_58 = tpu.memref_squeeze %dma_start3A_57 : memref<1x10240x128xf32, #tpu.memory_space<hbm>> -> memref<10240x128xf32, #tpu.memory_space<hbm>>
        %dma_start3A_59 = arith.constant 0 : i32
        %dma_start3A_60 = tpu.memref_slice %dma_start3A_58[%mul3A_54, %dma_start3A_59] : memref<10240x128xf32, #tpu.memory_space<hbm>> -> memref<640x128xf32, #tpu.memory_space<hbm>>
        %dma_start3A_61 = arith.constant 0 : i32
        %dma_start3A_62 = tpu.memref_slice %arg6[%mul3A_52, %dma_start3A_61] : memref<10240x128xf32, #tpu.memory_space<vmem_shared>> -> memref<640x128xf32, #tpu.memory_space<vmem_shared>>
        tpu.enqueue_dma source(%dma_start3A_62 : memref<640x128xf32, #tpu.memory_space<vmem_shared>>) target(%dma_start3A_60 : memref<640x128xf32, #tpu.memory_space<hbm>>) target_semaphore(%run_scoped3A_55 : memref<!tpu.dma_semaphore, #tpu.memory_space<semaphore_mem>>)
        %dma_wait3A = arith.constant 0 : i32
        %dma_wait3A_63 = arith.constant 0 : i32
        %dma_wait3A_64 = tpu.memref_slice %arg5[%run_scoped3A, %dma_wait3A, %dma_wait3A_63] : memref<4x10240x128xf32, #tpu.memory_space<hbm>> -> memref<1x10240x128xf32, #tpu.memory_space<hbm>>
        %dma_wait3A_65 = tpu.memref_squeeze %dma_wait3A_64 : memref<1x10240x128xf32, #tpu.memory_space<hbm>> -> memref<10240x128xf32, #tpu.memory_space<hbm>>
        %dma_wait3A_66 = arith.constant 0 : i32
        %dma_wait3A_67 = tpu.memref_slice %dma_wait3A_65[%mul3A_54, %dma_wait3A_66] : memref<10240x128xf32, #tpu.memory_space<hbm>> -> memref<640x128xf32, #tpu.memory_space<hbm>>
        %dma_wait3A_68 = arith.constant 0 : i32
        %dma_wait3A_69 = tpu.memref_slice %arg6[%mul3A_52, %dma_wait3A_68] : memref<10240x128xf32, #tpu.memory_space<vmem_shared>> -> memref<640x128xf32, #tpu.memory_space<vmem_shared>>
        tpu.wait_dma2 semaphore(%run_scoped3A_55 : memref<!tpu.dma_semaphore, #tpu.memory_space<semaphore_mem>>) src(%dma_wait3A_69 : memref<640x128xf32, #tpu.memory_space<vmem_shared>>) dst(%dma_wait3A_67 : memref<640x128xf32, #tpu.memory_space<hbm>>)
        tpu.yield
      }) : () -> ()
    } else {
    }
    %barrier3A_51 = arith.constant 0 : index
    tpu.barrier barrier_id(%barrier3A_51)
    return
  }
}

#map = affine_map<(d0, d1) -> (0, 0, 0)>
module attributes {stable_mosaic.version = 14 : i64} {
  func.func @_sc_aggregate_body(%arg0: i32, %arg1: i32, %arg2: memref<4x10240x128xf32, #tpu.memory_space<hbm>>, %arg3: memref<16x79x128xi32, #tpu.memory_space<hbm>>, %arg4: memref<16x79x128xi32, #tpu.memory_space<hbm>>, %arg5: memref<4x10240x128xf32, #tpu.memory_space<hbm>>, %arg6: memref<10240x128xf32, #tpu.memory_space<vmem_shared>>, %arg7: memref<79x128xi32, #tpu.memory_space<vmem>>, %arg8: memref<79x128xi32, #tpu.memory_space<vmem>>, %arg9: memref<128x128xf32, #tpu.memory_space<vmem>>, %arg10: memref<!tpu.dma_semaphore, #tpu.memory_space<semaphore_mem>>) attributes {dimension_semantics = [#tpu.dimension_semantics<core_parallel>, #tpu.dimension_semantics<subcore_parallel>], iteration_bounds = array<i64: 2, 16>, scalar_prefetch = 0 : i64, scratch_operands = 5 : i64, tpu.core_type = #tpu.core_type<sc_vector_subcore>, window_params = [{transform_indices = #map}, {transform_indices = #map}, {transform_indices = #map}, {transform_indices = #map}]} {
    "tpu.region"() ({
      %run_scoped3A = tpu.sem_alloc : memref<!tpu.dma_semaphore, #tpu.memory_space<semaphore_mem>>
      %dma_start3A = arith.constant 0 : i32
      %dma_start3A_52 = arith.constant 0 : i32
      %dma_start3A_53 = tpu.memref_slice %arg3[%arg1, %dma_start3A, %dma_start3A_52] : memref<16x79x128xi32, #tpu.memory_space<hbm>> -> memref<1x79x128xi32, #tpu.memory_space<hbm>>
      %dma_start3A_54 = tpu.memref_squeeze %dma_start3A_53 : memref<1x79x128xi32, #tpu.memory_space<hbm>> -> memref<79x128xi32, #tpu.memory_space<hbm>>
      %dma_start3A_55 = arith.constant 0 : i32
      %dma_start3A_56 = arith.constant 0 : i32
      %dma_start3A_57 = tpu.memref_slice %arg3[%arg1, %dma_start3A_55, %dma_start3A_56] : memref<16x79x128xi32, #tpu.memory_space<hbm>> -> memref<1x79x128xi32, #tpu.memory_space<hbm>>
      %dma_start3A_58 = tpu.memref_squeeze %dma_start3A_57 : memref<1x79x128xi32, #tpu.memory_space<hbm>> -> memref<79x128xi32, #tpu.memory_space<hbm>>
      tpu.enqueue_dma source(%dma_start3A_58 : memref<79x128xi32, #tpu.memory_space<hbm>>) target(%arg7 : memref<79x128xi32, #tpu.memory_space<vmem>>) target_semaphore(%run_scoped3A : memref<!tpu.dma_semaphore, #tpu.memory_space<semaphore_mem>>)
      %dma_wait3A = arith.constant 0 : i32
      %dma_wait3A_59 = arith.constant 0 : i32
      %dma_wait3A_60 = tpu.memref_slice %arg3[%arg1, %dma_wait3A, %dma_wait3A_59] : memref<16x79x128xi32, #tpu.memory_space<hbm>> -> memref<1x79x128xi32, #tpu.memory_space<hbm>>
      %dma_wait3A_61 = tpu.memref_squeeze %dma_wait3A_60 : memref<1x79x128xi32, #tpu.memory_space<hbm>> -> memref<79x128xi32, #tpu.memory_space<hbm>>
      %dma_wait3A_62 = arith.constant 0 : i32
      %dma_wait3A_63 = arith.constant 0 : i32
      %dma_wait3A_64 = tpu.memref_slice %arg3[%arg1, %dma_wait3A_62, %dma_wait3A_63] : memref<16x79x128xi32, #tpu.memory_space<hbm>> -> memref<1x79x128xi32, #tpu.memory_space<hbm>>
      %dma_wait3A_65 = tpu.memref_squeeze %dma_wait3A_64 : memref<1x79x128xi32, #tpu.memory_space<hbm>> -> memref<79x128xi32, #tpu.memory_space<hbm>>
      tpu.wait_dma2 semaphore(%run_scoped3A : memref<!tpu.dma_semaphore, #tpu.memory_space<semaphore_mem>>) src(%dma_wait3A_65 : memref<79x128xi32, #tpu.memory_space<hbm>>) dst(%arg7 : memref<79x128xi32, #tpu.memory_space<vmem>>)
      tpu.yield
    }) : () -> ()
    "tpu.region"() ({
      %run_scoped3A = tpu.sem_alloc : memref<!tpu.dma_semaphore, #tpu.memory_space<semaphore_mem>>
      %dma_start3A = arith.constant 0 : i32
      %dma_start3A_52 = arith.constant 0 : i32
      %dma_start3A_53 = tpu.memref_slice %arg4[%arg1, %dma_start3A, %dma_start3A_52] : memref<16x79x128xi32, #tpu.memory_space<hbm>> -> memref<1x79x128xi32, #tpu.memory_space<hbm>>
      %dma_start3A_54 = tpu.memref_squeeze %dma_start3A_53 : memref<1x79x128xi32, #tpu.memory_space<hbm>> -> memref<79x128xi32, #tpu.memory_space<hbm>>
      %dma_start3A_55 = arith.constant 0 : i32
      %dma_start3A_56 = arith.constant 0 : i32
      %dma_start3A_57 = tpu.memref_slice %arg4[%arg1, %dma_start3A_55, %dma_start3A_56] : memref<16x79x128xi32, #tpu.memory_space<hbm>> -> memref<1x79x128xi32, #tpu.memory_space<hbm>>
      %dma_start3A_58 = tpu.memref_squeeze %dma_start3A_57 : memref<1x79x128xi32, #tpu.memory_space<hbm>> -> memref<79x128xi32, #tpu.memory_space<hbm>>
      tpu.enqueue_dma source(%dma_start3A_58 : memref<79x128xi32, #tpu.memory_space<hbm>>) target(%arg8 : memref<79x128xi32, #tpu.memory_space<vmem>>) target_semaphore(%run_scoped3A : memref<!tpu.dma_semaphore, #tpu.memory_space<semaphore_mem>>)
      %dma_wait3A = arith.constant 0 : i32
      %dma_wait3A_59 = arith.constant 0 : i32
      %dma_wait3A_60 = tpu.memref_slice %arg4[%arg1, %dma_wait3A, %dma_wait3A_59] : memref<16x79x128xi32, #tpu.memory_space<hbm>> -> memref<1x79x128xi32, #tpu.memory_space<hbm>>
      %dma_wait3A_61 = tpu.memref_squeeze %dma_wait3A_60 : memref<1x79x128xi32, #tpu.memory_space<hbm>> -> memref<79x128xi32, #tpu.memory_space<hbm>>
      %dma_wait3A_62 = arith.constant 0 : i32
      %dma_wait3A_63 = arith.constant 0 : i32
      %dma_wait3A_64 = tpu.memref_slice %arg4[%arg1, %dma_wait3A_62, %dma_wait3A_63] : memref<16x79x128xi32, #tpu.memory_space<hbm>> -> memref<1x79x128xi32, #tpu.memory_space<hbm>>
      %dma_wait3A_65 = tpu.memref_squeeze %dma_wait3A_64 : memref<1x79x128xi32, #tpu.memory_space<hbm>> -> memref<79x128xi32, #tpu.memory_space<hbm>>
      tpu.wait_dma2 semaphore(%run_scoped3A : memref<!tpu.dma_semaphore, #tpu.memory_space<semaphore_mem>>) src(%dma_wait3A_65 : memref<79x128xi32, #tpu.memory_space<hbm>>) dst(%arg8 : memref<79x128xi32, #tpu.memory_space<vmem>>)
      tpu.yield
    }) : () -> ()
    %eq3A = arith.constant 0 : i32
    %eq3A_0 = arith.cmpi eq, %arg0, %eq3A : i32
    %convert_element_type3A = arith.extui %eq3A_0 : i1 to i32
    %cond3A = arith.constant 0 : i32
    %cond3A_1 = arith.cmpi ne, %convert_element_type3A, %cond3A : i32
    scf.if %cond3A_1 {
      %broadcast_in_dim3A = arith.constant 0.000000e+00 : f32
      %broadcast_in_dim3A_52 = vector.broadcast %broadcast_in_dim3A : f32 to vector<16xf32>
      %scan3A = arith.constant 0 : i32
      %scan3A_53 = arith.constant 0 : i32
      %scan3A_54 = arith.constant 128 : i32
      %scan3A_55 = arith.addi %scan3A_53, %scan3A_54 : i32
      %scan3A_56 = arith.constant 1 : i32
      %scan3A_57 = scf.for %scan3A_77 = %scan3A_53 to %scan3A_55 step %scan3A_56 iter_args(%scan3A_78 = %scan3A) -> (i32)  : i32 {
        %swap3A = arith.index_cast %scan3A_77 : i32 to index
        %swap3A_79 = arith.constant 0 : index
        %swap3A_80 = tpu.vector_load %arg9[%swap3A, %swap3A_79] {strides = array<i32>} : memref<128x128xf32, #tpu.memory_space<vmem>>, vector<1x16xf32>,
        %swap3A_81 = vector.shape_cast %swap3A_80 : vector<1x16xf32> to vector<16xf32>
        %swap3A_82 = vector.shape_cast %broadcast_in_dim3A_52 : vector<16xf32> to vector<1x16xf32>
        tpu.vector_store %arg9[%swap3A, %swap3A_79], %swap3A_82 {strides = array<i32>} : memref<128x128xf32, #tpu.memory_space<vmem>>, vector<1x16xf32>,
        %swap3A_83 = arith.index_cast %scan3A_77 : i32 to index
        %swap3A_84 = arith.constant 16 : index
        %swap3A_85 = tpu.vector_load %arg9[%swap3A_83, %swap3A_84] {strides = array<i32>} : memref<128x128xf32, #tpu.memory_space<vmem>>, vector<1x16xf32>,
        %swap3A_86 = vector.shape_cast %swap3A_85 : vector<1x16xf32> to vector<16xf32>
        %swap3A_87 = vector.shape_cast %broadcast_in_dim3A_52 : vector<16xf32> to vector<1x16xf32>
        tpu.vector_store %arg9[%swap3A_83, %swap3A_84], %swap3A_87 {strides = array<i32>} : memref<128x128xf32, #tpu.memory_space<vmem>>, vector<1x16xf32>,
        %swap3A_88 = arith.index_cast %scan3A_77 : i32 to index
        %swap3A_89 = arith.constant 32 : index
        %swap3A_90 = tpu.vector_load %arg9[%swap3A_88, %swap3A_89] {strides = array<i32>} : memref<128x128xf32, #tpu.memory_space<vmem>>, vector<1x16xf32>,
        %swap3A_91 = vector.shape_cast %swap3A_90 : vector<1x16xf32> to vector<16xf32>
        %swap3A_92 = vector.shape_cast %broadcast_in_dim3A_52 : vector<16xf32> to vector<1x16xf32>
        tpu.vector_store %arg9[%swap3A_88, %swap3A_89], %swap3A_92 {strides = array<i32>} : memref<128x128xf32, #tpu.memory_space<vmem>>, vector<1x16xf32>,
        %swap3A_93 = arith.index_cast %scan3A_77 : i32 to index
        %swap3A_94 = arith.constant 48 : index
        %swap3A_95 = tpu.vector_load %arg9[%swap3A_93, %swap3A_94] {strides = array<i32>} : memref<128x128xf32, #tpu.memory_space<vmem>>, vector<1x16xf32>,
        %swap3A_96 = vector.shape_cast %swap3A_95 : vector<1x16xf32> to vector<16xf32>
        %swap3A_97 = vector.shape_cast %broadcast_in_dim3A_52 : vector<16xf32> to vector<1x16xf32>
        tpu.vector_store %arg9[%swap3A_93, %swap3A_94], %swap3A_97 {strides = array<i32>} : memref<128x128xf32, #tpu.memory_space<vmem>>, vector<1x16xf32>,
        %swap3A_98 = arith.index_cast %scan3A_77 : i32 to index
        %swap3A_99 = arith.constant 64 : index
        %swap3A_100 = tpu.vector_load %arg9[%swap3A_98, %swap3A_99] {strides = array<i32>} : memref<128x128xf32, #tpu.memory_space<vmem>>, vector<1x16xf32>,
        %swap3A_101 = vector.shape_cast %swap3A_100 : vector<1x16xf32> to vector<16xf32>
        %swap3A_102 = vector.shape_cast %broadcast_in_dim3A_52 : vector<16xf32> to vector<1x16xf32>
        tpu.vector_store %arg9[%swap3A_98, %swap3A_99], %swap3A_102 {strides = array<i32>} : memref<128x128xf32, #tpu.memory_space<vmem>>, vector<1x16xf32>,
        %swap3A_103 = arith.index_cast %scan3A_77 : i32 to index
        %swap3A_104 = arith.constant 80 : index
        %swap3A_105 = tpu.vector_load %arg9[%swap3A_103, %swap3A_104] {strides = array<i32>} : memref<128x128xf32, #tpu.memory_space<vmem>>, vector<1x16xf32>,
        %swap3A_106 = vector.shape_cast %swap3A_105 : vector<1x16xf32> to vector<16xf32>
        %swap3A_107 = vector.shape_cast %broadcast_in_dim3A_52 : vector<16xf32> to vector<1x16xf32>
        tpu.vector_store %arg9[%swap3A_103, %swap3A_104], %swap3A_107 {strides = array<i32>} : memref<128x128xf32, #tpu.memory_space<vmem>>, vector<1x16xf32>,
        %swap3A_108 = arith.index_cast %scan3A_77 : i32 to index
        %swap3A_109 = arith.constant 96 : index
        %swap3A_110 = tpu.vector_load %arg9[%swap3A_108, %swap3A_109] {strides = array<i32>} : memref<128x128xf32, #tpu.memory_space<vmem>>, vector<1x16xf32>,
        %swap3A_111 = vector.shape_cast %swap3A_110 : vector<1x16xf32> to vector<16xf32>
        %swap3A_112 = vector.shape_cast %broadcast_in_dim3A_52 : vector<16xf32> to vector<1x16xf32>
        tpu.vector_store %arg9[%swap3A_108, %swap3A_109], %swap3A_112 {strides = array<i32>} : memref<128x128xf32, #tpu.memory_space<vmem>>, vector<1x16xf32>,
        %swap3A_113 = arith.index_cast %scan3A_77 : i32 to index
        %swap3A_114 = arith.constant 112 : index
        %swap3A_115 = tpu.vector_load %arg9[%swap3A_113, %swap3A_114] {strides = array<i32>} : memref<128x128xf32, #tpu.memory_space<vmem>>, vector<1x16xf32>,
        %swap3A_116 = vector.shape_cast %swap3A_115 : vector<1x16xf32> to vector<16xf32>
        %swap3A_117 = vector.shape_cast %broadcast_in_dim3A_52 : vector<16xf32> to vector<1x16xf32>
        tpu.vector_store %arg9[%swap3A_113, %swap3A_114], %swap3A_117 {strides = array<i32>} : memref<128x128xf32, #tpu.memory_space<vmem>>, vector<1x16xf32>,
        %scan3A_118 = arith.constant 0 : i32
        scf.yield %scan3A_118 : i32
      }
      %scan3A_58 = arith.constant 128 : i32
      %mul3A = arith.constant 640 : i32
      %mul3A_59 = arith.muli %arg1, %mul3A : i32
      %add3A = arith.constant 0 : i32
      %add3A_60 = arith.addi %mul3A_59, %add3A : i32
      "tpu.region"() ({
        %run_scoped3A = tpu.sem_alloc : memref<!tpu.dma_semaphore, #tpu.memory_space<semaphore_mem>>
        %dma_start3A = arith.constant 0 : i32
        %dma_start3A_77 = tpu.memref_slice %arg6[%add3A_60, %dma_start3A] : memref<10240x128xf32, #tpu.memory_space<vmem_shared>> -> memref<128x128xf32, #tpu.memory_space<vmem_shared>>
        %dma_start3A_78 = arith.constant 0 : i32
        %dma_start3A_79 = tpu.memref_slice %arg6[%add3A_60, %dma_start3A_78] : memref<10240x128xf32, #tpu.memory_space<vmem_shared>> -> memref<128x128xf32, #tpu.memory_space<vmem_shared>>
        tpu.enqueue_dma source(%arg9 : memref<128x128xf32, #tpu.memory_space<vmem>>) target(%dma_start3A_79 : memref<128x128xf32, #tpu.memory_space<vmem_shared>>) target_semaphore(%run_scoped3A : memref<!tpu.dma_semaphore, #tpu.memory_space<semaphore_mem>>)
        %dma_wait3A = arith.constant 0 : i32
        %dma_wait3A_80 = tpu.memref_slice %arg6[%add3A_60, %dma_wait3A] : memref<10240x128xf32, #tpu.memory_space<vmem_shared>> -> memref<128x128xf32, #tpu.memory_space<vmem_shared>>
        %dma_wait3A_81 = arith.constant 0 : i32
        %dma_wait3A_82 = tpu.memref_slice %arg6[%add3A_60, %dma_wait3A_81] : memref<10240x128xf32, #tpu.memory_space<vmem_shared>> -> memref<128x128xf32, #tpu.memory_space<vmem_shared>>
        tpu.wait_dma2 semaphore(%run_scoped3A : memref<!tpu.dma_semaphore, #tpu.memory_space<semaphore_mem>>) src(%arg9 : memref<128x128xf32, #tpu.memory_space<vmem>>) dst(%dma_wait3A_82 : memref<128x128xf32, #tpu.memory_space<vmem_shared>>)
        tpu.yield
      }) : () -> ()
      %mul3A_61 = arith.constant 640 : i32
      %mul3A_62 = arith.muli %arg1, %mul3A_61 : i32
      %add3A_63 = arith.constant 128 : i32
      %add3A_64 = arith.addi %mul3A_62, %add3A_63 : i32
      "tpu.region"() ({
        %run_scoped3A = tpu.sem_alloc : memref<!tpu.dma_semaphore, #tpu.memory_space<semaphore_mem>>
        %dma_start3A = arith.constant 0 : i32
        %dma_start3A_77 = tpu.memref_slice %arg6[%add3A_64, %dma_start3A] : memref<10240x128xf32, #tpu.memory_space<vmem_shared>> -> memref<128x128xf32, #tpu.memory_space<vmem_shared>>
        %dma_start3A_78 = arith.constant 0 : i32
        %dma_start3A_79 = tpu.memref_slice %arg6[%add3A_64, %dma_start3A_78] : memref<10240x128xf32, #tpu.memory_space<vmem_shared>> -> memref<128x128xf32, #tpu.memory_space<vmem_shared>>
        tpu.enqueue_dma source(%arg9 : memref<128x128xf32, #tpu.memory_space<vmem>>) target(%dma_start3A_79 : memref<128x128xf32, #tpu.memory_space<vmem_shared>>) target_semaphore(%run_scoped3A : memref<!tpu.dma_semaphore, #tpu.memory_space<semaphore_mem>>)
        %dma_wait3A = arith.constant 0 : i32
        %dma_wait3A_80 = tpu.memref_slice %arg6[%add3A_64, %dma_wait3A] : memref<10240x128xf32, #tpu.memory_space<vmem_shared>> -> memref<128x128xf32, #tpu.memory_space<vmem_shared>>
        %dma_wait3A_81 = arith.constant 0 : i32
        %dma_wait3A_82 = tpu.memref_slice %arg6[%add3A_64, %dma_wait3A_81] : memref<10240x128xf32, #tpu.memory_space<vmem_shared>> -> memref<128x128xf32, #tpu.memory_space<vmem_shared>>
        tpu.wait_dma2 semaphore(%run_scoped3A : memref<!tpu.dma_semaphore, #tpu.memory_space<semaphore_mem>>) src(%arg9 : memref<128x128xf32, #tpu.memory_space<vmem>>) dst(%dma_wait3A_82 : memref<128x128xf32, #tpu.memory_space<vmem_shared>>)
        tpu.yield
      }) : () -> ()
      %mul3A_65 = arith.constant 640 : i32
      %mul3A_66 = arith.muli %arg1, %mul3A_65 : i32
      %add3A_67 = arith.constant 256 : i32
      %add3A_68 = arith.addi %mul3A_66, %add3A_67 : i32
      "tpu.region"() ({
        %run_scoped3A = tpu.sem_alloc : memref<!tpu.dma_semaphore, #tpu.memory_space<semaphore_mem>>
        %dma_start3A = arith.constant 0 : i32
        %dma_start3A_77 = tpu.memref_slice %arg6[%add3A_68, %dma_start3A] : memref<10240x128xf32, #tpu.memory_space<vmem_shared>> -> memref<128x128xf32, #tpu.memory_space<vmem_shared>>
        %dma_start3A_78 = arith.constant 0 : i32
        %dma_start3A_79 = tpu.memref_slice %arg6[%add3A_68, %dma_start3A_78] : memref<10240x128xf32, #tpu.memory_space<vmem_shared>> -> memref<128x128xf32, #tpu.memory_space<vmem_shared>>
        tpu.enqueue_dma source(%arg9 : memref<128x128xf32, #tpu.memory_space<vmem>>) target(%dma_start3A_79 : memref<128x128xf32, #tpu.memory_space<vmem_shared>>) target_semaphore(%run_scoped3A : memref<!tpu.dma_semaphore, #tpu.memory_space<semaphore_mem>>)
        %dma_wait3A = arith.constant 0 : i32
        %dma_wait3A_80 = tpu.memref_slice %arg6[%add3A_68, %dma_wait3A] : memref<10240x128xf32, #tpu.memory_space<vmem_shared>> -> memref<128x128xf32, #tpu.memory_space<vmem_shared>>
        %dma_wait3A_81 = arith.constant 0 : i32
        %dma_wait3A_82 = tpu.memref_slice %arg6[%add3A_68, %dma_wait3A_81] : memref<10240x128xf32, #tpu.memory_space<vmem_shared>> -> memref<128x128xf32, #tpu.memory_space<vmem_shared>>
        tpu.wait_dma2 semaphore(%run_scoped3A : memref<!tpu.dma_semaphore, #tpu.memory_space<semaphore_mem>>) src(%arg9 : memref<128x128xf32, #tpu.memory_space<vmem>>) dst(%dma_wait3A_82 : memref<128x128xf32, #tpu.memory_space<vmem_shared>>)
        tpu.yield
      }) : () -> ()
      %mul3A_69 = arith.constant 640 : i32
      %mul3A_70 = arith.muli %arg1, %mul3A_69 : i32
      %add3A_71 = arith.constant 384 : i32
      %add3A_72 = arith.addi %mul3A_70, %add3A_71 : i32
      "tpu.region"() ({
        %run_scoped3A = tpu.sem_alloc : memref<!tpu.dma_semaphore, #tpu.memory_space<semaphore_mem>>
        %dma_start3A = arith.constant 0 : i32
        %dma_start3A_77 = tpu.memref_slice %arg6[%add3A_72, %dma_start3A] : memref<10240x128xf32, #tpu.memory_space<vmem_shared>> -> memref<128x128xf32, #tpu.memory_space<vmem_shared>>
        %dma_start3A_78 = arith.constant 0 : i32
        %dma_start3A_79 = tpu.memref_slice %arg6[%add3A_72, %dma_start3A_78] : memref<10240x128xf32, #tpu.memory_space<vmem_shared>> -> memref<128x128xf32, #tpu.memory_space<vmem_shared>>
        tpu.enqueue_dma source(%arg9 : memref<128x128xf32, #tpu.memory_space<vmem>>) target(%dma_start3A_79 : memref<128x128xf32, #tpu.memory_space<vmem_shared>>) target_semaphore(%run_scoped3A : memref<!tpu.dma_semaphore, #tpu.memory_space<semaphore_mem>>)
        %dma_wait3A = arith.constant 0 : i32
        %dma_wait3A_80 = tpu.memref_slice %arg6[%add3A_72, %dma_wait3A] : memref<10240x128xf32, #tpu.memory_space<vmem_shared>> -> memref<128x128xf32, #tpu.memory_space<vmem_shared>>
        %dma_wait3A_81 = arith.constant 0 : i32
        %dma_wait3A_82 = tpu.memref_slice %arg6[%add3A_72, %dma_wait3A_81] : memref<10240x128xf32, #tpu.memory_space<vmem_shared>> -> memref<128x128xf32, #tpu.memory_space<vmem_shared>>
        tpu.wait_dma2 semaphore(%run_scoped3A : memref<!tpu.dma_semaphore, #tpu.memory_space<semaphore_mem>>) src(%arg9 : memref<128x128xf32, #tpu.memory_space<vmem>>) dst(%dma_wait3A_82 : memref<128x128xf32, #tpu.memory_space<vmem_shared>>)
        tpu.yield
      }) : () -> ()
      %mul3A_73 = arith.constant 640 : i32
      %mul3A_74 = arith.muli %arg1, %mul3A_73 : i32
      %add3A_75 = arith.constant 512 : i32
      %add3A_76 = arith.addi %mul3A_74, %add3A_75 : i32
      "tpu.region"() ({
        %run_scoped3A = tpu.sem_alloc : memref<!tpu.dma_semaphore, #tpu.memory_space<semaphore_mem>>
        %dma_start3A = arith.constant 0 : i32
        %dma_start3A_77 = tpu.memref_slice %arg6[%add3A_76, %dma_start3A] : memref<10240x128xf32, #tpu.memory_space<vmem_shared>> -> memref<128x128xf32, #tpu.memory_space<vmem_shared>>
        %dma_start3A_78 = arith.constant 0 : i32
        %dma_start3A_79 = tpu.memref_slice %arg6[%add3A_76, %dma_start3A_78] : memref<10240x128xf32, #tpu.memory_space<vmem_shared>> -> memref<128x128xf32, #tpu.memory_space<vmem_shared>>
        tpu.enqueue_dma source(%arg9 : memref<128x128xf32, #tpu.memory_space<vmem>>) target(%dma_start3A_79 : memref<128x128xf32, #tpu.memory_space<vmem_shared>>) target_semaphore(%run_scoped3A : memref<!tpu.dma_semaphore, #tpu.memory_space<semaphore_mem>>)
        %dma_wait3A = arith.constant 0 : i32
        %dma_wait3A_80 = tpu.memref_slice %arg6[%add3A_76, %dma_wait3A] : memref<10240x128xf32, #tpu.memory_space<vmem_shared>> -> memref<128x128xf32, #tpu.memory_space<vmem_shared>>
        %dma_wait3A_81 = arith.constant 0 : i32
        %dma_wait3A_82 = tpu.memref_slice %arg6[%add3A_76, %dma_wait3A_81] : memref<10240x128xf32, #tpu.memory_space<vmem_shared>> -> memref<128x128xf32, #tpu.memory_space<vmem_shared>>
        tpu.wait_dma2 semaphore(%run_scoped3A : memref<!tpu.dma_semaphore, #tpu.memory_space<semaphore_mem>>) src(%arg9 : memref<128x128xf32, #tpu.memory_space<vmem>>) dst(%dma_wait3A_82 : memref<128x128xf32, #tpu.memory_space<vmem_shared>>)
        tpu.yield
      }) : () -> ()
    } else {
    }
    %barrier3A = arith.constant 0 : index
    tpu.barrier barrier_id(%barrier3A)
    %convert_element_type3A_2 = arith.extui %eq3A_0 : i1 to i32
    %cond3A_3 = arith.constant 0 : i32
    %cond3A_4 = arith.cmpi ne, %convert_element_type3A_2, %cond3A_3 : i32
    scf.if %cond3A_4 {
      %scan3A = arith.constant 0 : i32
      %scan3A_52 = arith.constant 0 : i32
      %scan3A_53 = arith.constant 0 : i32
      %scan3A_54 = arith.constant 79 : i32
      %scan3A_55 = arith.addi %scan3A_53, %scan3A_54 : i32
      %scan3A_56 = arith.constant 1 : i32
      %scan3A_57 = scf.for %scan3A_59 = %scan3A_53 to %scan3A_55 step %scan3A_56 iter_args(%scan3A_60 = %scan3A_52) -> (i32)  : i32 {
        %dma_start3A = arith.constant 0 : i32
        %dma_start3A_61 = tpu.memref_slice %arg7[%scan3A_59, %dma_start3A] : memref<79x128xi32, #tpu.memory_space<vmem>> -> memref<1x128xi32, #tpu.memory_space<vmem>>
        %dma_start3A_62 = tpu.memref_squeeze %dma_start3A_61 : memref<1x128xi32, #tpu.memory_space<vmem>> -> memref<128xi32, #tpu.memory_space<vmem>>
        %dma_start3A_63 = arith.constant 0 : i32
        %dma_start3A_64 = arith.constant 0 : i32
        %dma_start3A_65 = tpu.memref_slice %arg2[%scan3A, %dma_start3A_63, %dma_start3A_64] : memref<4x10240x128xf32, #tpu.memory_space<hbm>> -> memref<1x10240x128xf32, #tpu.memory_space<hbm>>
        %dma_start3A_66 = tpu.memref_squeeze %dma_start3A_65 : memref<1x10240x128xf32, #tpu.memory_space<hbm>> -> memref<10240x128xf32, #tpu.memory_space<hbm>>
        %dma_start3A_67 = arith.constant 0 : i32
        %dma_start3A_68 = arith.constant 0 : i32
        %dma_start3A_69 = tpu.memref_slice %dma_start3A_66[%dma_start3A_67, %dma_start3A_68] : memref<10240x128xf32, #tpu.memory_space<hbm>> -> memref<10240x128xf32, #tpu.memory_space<hbm>>
        tpu.enqueue_indirect_dma source(%dma_start3A_69 : memref<10240x128xf32, #tpu.memory_space<hbm>>) target(%arg9 : memref<128x128xf32, #tpu.memory_space<vmem>>) offsets(%dma_start3A_62 : memref<128xi32, #tpu.memory_space<vmem>>) semaphore(%arg10 : memref<!tpu.dma_semaphore, #tpu.memory_space<semaphore_mem>>)
        %dma_wait3A = arith.constant 0 : i32
        %dma_wait3A_70 = tpu.memref_slice %arg7[%scan3A_59, %dma_wait3A] : memref<79x128xi32, #tpu.memory_space<vmem>> -> memref<1x128xi32, #tpu.memory_space<vmem>>
        %dma_wait3A_71 = tpu.memref_squeeze %dma_wait3A_70 : memref<1x128xi32, #tpu.memory_space<vmem>> -> memref<128xi32, #tpu.memory_space<vmem>>
        %dma_wait3A_72 = arith.constant 0 : i32
        %dma_wait3A_73 = arith.constant 0 : i32
        %dma_wait3A_74 = tpu.memref_slice %arg2[%scan3A, %dma_wait3A_72, %dma_wait3A_73] : memref<4x10240x128xf32, #tpu.memory_space<hbm>> -> memref<1x10240x128xf32, #tpu.memory_space<hbm>>
        %dma_wait3A_75 = tpu.memref_squeeze %dma_wait3A_74 : memref<1x10240x128xf32, #tpu.memory_space<hbm>> -> memref<10240x128xf32, #tpu.memory_space<hbm>>
        %dma_wait3A_76 = arith.constant 0 : i32
        %dma_wait3A_77 = arith.constant 0 : i32
        %dma_wait3A_78 = tpu.memref_slice %dma_wait3A_75[%dma_wait3A_76, %dma_wait3A_77] : memref<10240x128xf32, #tpu.memory_space<hbm>> -> memref<10240x128xf32, #tpu.memory_space<hbm>>
        tpu.wait_indirect_dma semaphore(%arg10 : memref<!tpu.dma_semaphore, #tpu.memory_space<semaphore_mem>>) src(%dma_wait3A_78 : memref<10240x128xf32, #tpu.memory_space<hbm>>) dst(%arg9 : memref<128x128xf32, #tpu.memory_space<vmem>>)
        "tpu.region"() ({
          %run_scoped3A = tpu.sem_alloc : memref<!tpu.dma_semaphore, #tpu.memory_space<semaphore_mem>>
          %dma_start3A_80 = arith.constant 0 : i32
          %dma_start3A_81 = tpu.memref_slice %arg8[%scan3A_59, %dma_start3A_80] : memref<79x128xi32, #tpu.memory_space<vmem>> -> memref<1x128xi32, #tpu.memory_space<vmem>>
          %dma_start3A_82 = tpu.memref_squeeze %dma_start3A_81 : memref<1x128xi32, #tpu.memory_space<vmem>> -> memref<128xi32, #tpu.memory_space<vmem>>
          %dma_start3A_83 = arith.constant 0 : i32
          %dma_start3A_84 = arith.constant 0 : i32
          %dma_start3A_85 = tpu.memref_slice %arg6[%dma_start3A_83, %dma_start3A_84] : memref<10240x128xf32, #tpu.memory_space<vmem_shared>> -> memref<10240x128xf32, #tpu.memory_space<vmem_shared>>
          tpu.enqueue_indirect_dma source(%arg9 : memref<128x128xf32, #tpu.memory_space<vmem>>) target(%dma_start3A_85 : memref<10240x128xf32, #tpu.memory_space<vmem_shared>>) offsets(%dma_start3A_82 : memref<128xi32, #tpu.memory_space<vmem>>) semaphore(%run_scoped3A : memref<!tpu.dma_semaphore, #tpu.memory_space<semaphore_mem>>) {add = true}
          %dma_wait3A_86 = arith.constant 0 : i32
          %dma_wait3A_87 = tpu.memref_slice %arg8[%scan3A_59, %dma_wait3A_86] : memref<79x128xi32, #tpu.memory_space<vmem>> -> memref<1x128xi32, #tpu.memory_space<vmem>>
          %dma_wait3A_88 = tpu.memref_squeeze %dma_wait3A_87 : memref<1x128xi32, #tpu.memory_space<vmem>> -> memref<128xi32, #tpu.memory_space<vmem>>
          %dma_wait3A_89 = arith.constant 0 : i32
          %dma_wait3A_90 = arith.constant 0 : i32
          %dma_wait3A_91 = tpu.memref_slice %arg6[%dma_wait3A_89, %dma_wait3A_90] : memref<10240x128xf32, #tpu.memory_space<vmem_shared>> -> memref<10240x128xf32, #tpu.memory_space<vmem_shared>>
          tpu.wait_indirect_dma semaphore(%run_scoped3A : memref<!tpu.dma_semaphore, #tpu.memory_space<semaphore_mem>>) src(%arg9 : memref<128x128xf32, #tpu.memory_space<vmem>>) dst(%dma_wait3A_91 : memref<10240x128xf32, #tpu.memory_space<vmem_shared>>)
          tpu.yield
        }) : () -> ()
        %scan3A_79 = arith.constant 0 : i32
        scf.yield %scan3A_79 : i32
      }
      %scan3A_58 = arith.constant 79 : i32
    } else {
    }
    %barrier3A_5 = arith.constant 0 : index
    tpu.barrier barrier_id(%barrier3A_5)
    %convert_element_type3A_6 = arith.extui %eq3A_0 : i1 to i32
    %cond3A_7 = arith.constant 0 : i32
    %cond3A_8 = arith.cmpi ne, %convert_element_type3A_6, %cond3A_7 : i32
    scf.if %cond3A_8 {
      %mul3A = arith.constant 640 : i32
      %mul3A_52 = arith.muli %arg1, %mul3A : i32
      %mul3A_53 = arith.constant 640 : i32
      %mul3A_54 = arith.muli %arg1, %mul3A_53 : i32
      %run_scoped3A = arith.constant 0 : i32
      "tpu.region"() ({
        %run_scoped3A_55 = tpu.sem_alloc : memref<!tpu.dma_semaphore, #tpu.memory_space<semaphore_mem>>
        %dma_start3A = arith.constant 0 : i32
        %dma_start3A_56 = arith.constant 0 : i32
        %dma_start3A_57 = tpu.memref_slice %arg5[%run_scoped3A, %dma_start3A, %dma_start3A_56] : memref<4x10240x128xf32, #tpu.memory_space<hbm>> -> memref<1x10240x128xf32, #tpu.memory_space<hbm>>
        %dma_start3A_58 = tpu.memref_squeeze %dma_start3A_57 : memref<1x10240x128xf32, #tpu.memory_space<hbm>> -> memref<10240x128xf32, #tpu.memory_space<hbm>>
        %dma_start3A_59 = arith.constant 0 : i32
        %dma_start3A_60 = tpu.memref_slice %dma_start3A_58[%mul3A_54, %dma_start3A_59] : memref<10240x128xf32, #tpu.memory_space<hbm>> -> memref<640x128xf32, #tpu.memory_space<hbm>>
        %dma_start3A_61 = arith.constant 0 : i32
        %dma_start3A_62 = tpu.memref_slice %arg6[%mul3A_52, %dma_start3A_61] : memref<10240x128xf32, #tpu.memory_space<vmem_shared>> -> memref<640x128xf32, #tpu.memory_space<vmem_shared>>
        tpu.enqueue_dma source(%dma_start3A_62 : memref<640x128xf32, #tpu.memory_space<vmem_shared>>) target(%dma_start3A_60 : memref<640x128xf32, #tpu.memory_space<hbm>>) target_semaphore(%run_scoped3A_55 : memref<!tpu.dma_semaphore, #tpu.memory_space<semaphore_mem>>)
        %dma_wait3A = arith.constant 0 : i32
        %dma_wait3A_63 = arith.constant 0 : i32
        %dma_wait3A_64 = tpu.memref_slice %arg5[%run_scoped3A, %dma_wait3A, %dma_wait3A_63] : memref<4x10240x128xf32, #tpu.memory_space<hbm>> -> memref<1x10240x128xf32, #tpu.memory_space<hbm>>
        %dma_wait3A_65 = tpu.memref_squeeze %dma_wait3A_64 : memref<1x10240x128xf32, #tpu.memory_space<hbm>> -> memref<10240x128xf32, #tpu.memory_space<hbm>>
        %dma_wait3A_66 = arith.constant 0 : i32
        %dma_wait3A_67 = tpu.memref_slice %dma_wait3A_65[%mul3A_54, %dma_wait3A_66] : memref<10240x128xf32, #tpu.memory_space<hbm>> -> memref<640x128xf32, #tpu.memory_space<hbm>>
        %dma_wait3A_68 = arith.constant 0 : i32
        %dma_wait3A_69 = tpu.memref_slice %arg6[%mul3A_52, %dma_wait3A_68] : memref<10240x128xf32, #tpu.memory_space<vmem_shared>> -> memref<640x128xf32, #tpu.memory_space<vmem_shared>>
        tpu.wait_dma2 semaphore(%run_scoped3A_55 : memref<!tpu.dma_semaphore, #tpu.memory_space<semaphore_mem>>) src(%dma_wait3A_69 : memref<640x128xf32, #tpu.memory_space<vmem_shared>>) dst(%dma_wait3A_67 : memref<640x128xf32, #tpu.memory_space<hbm>>)
        tpu.yield
      }) : () -> ()
    } else {
    }
    %barrier3A_9 = arith.constant 0 : index
    tpu.barrier barrier_id(%barrier3A_9)
    %eq3A_10 = arith.constant 0 : i32
    %eq3A_11 = arith.cmpi eq, %arg0, %eq3A_10 : i32
    %convert_element_type3A_12 = arith.extui %eq3A_11 : i1 to i32
    %cond3A_13 = arith.constant 0 : i32
    %cond3A_14 = arith.cmpi ne, %convert_element_type3A_12, %cond3A_13 : i32
    scf.if %cond3A_14 {
      %broadcast_in_dim3A = arith.constant 0.000000e+00 : f32
      %broadcast_in_dim3A_52 = vector.broadcast %broadcast_in_dim3A : f32 to vector<16xf32>
      %scan3A = arith.constant 0 : i32
      %scan3A_53 = arith.constant 0 : i32
      %scan3A_54 = arith.constant 128 : i32
      %scan3A_55 = arith.addi %scan3A_53, %scan3A_54 : i32
      %scan3A_56 = arith.constant 1 : i32
      %scan3A_57 = scf.for %scan3A_77 = %scan3A_53 to %scan3A_55 step %scan3A_56 iter_args(%scan3A_78 = %scan3A) -> (i32)  : i32 {
        %swap3A = arith.index_cast %scan3A_77 : i32 to index
        %swap3A_79 = arith.constant 0 : index
        %swap3A_80 = tpu.vector_load %arg9[%swap3A, %swap3A_79] {strides = array<i32>} : memref<128x128xf32, #tpu.memory_space<vmem>>, vector<1x16xf32>,
        %swap3A_81 = vector.shape_cast %swap3A_80 : vector<1x16xf32> to vector<16xf32>
        %swap3A_82 = vector.shape_cast %broadcast_in_dim3A_52 : vector<16xf32> to vector<1x16xf32>
        tpu.vector_store %arg9[%swap3A, %swap3A_79], %swap3A_82 {strides = array<i32>} : memref<128x128xf32, #tpu.memory_space<vmem>>, vector<1x16xf32>,
        %swap3A_83 = arith.index_cast %scan3A_77 : i32 to index
        %swap3A_84 = arith.constant 16 : index
        %swap3A_85 = tpu.vector_load %arg9[%swap3A_83, %swap3A_84] {strides = array<i32>} : memref<128x128xf32, #tpu.memory_space<vmem>>, vector<1x16xf32>,
        %swap3A_86 = vector.shape_cast %swap3A_85 : vector<1x16xf32> to vector<16xf32>
        %swap3A_87 = vector.shape_cast %broadcast_in_dim3A_52 : vector<16xf32> to vector<1x16xf32>
        tpu.vector_store %arg9[%swap3A_83, %swap3A_84], %swap3A_87 {strides = array<i32>} : memref<128x128xf32, #tpu.memory_space<vmem>>, vector<1x16xf32>,
        %swap3A_88 = arith.index_cast %scan3A_77 : i32 to index
        %swap3A_89 = arith.constant 32 : index
        %swap3A_90 = tpu.vector_load %arg9[%swap3A_88, %swap3A_89] {strides = array<i32>} : memref<128x128xf32, #tpu.memory_space<vmem>>, vector<1x16xf32>,
        %swap3A_91 = vector.shape_cast %swap3A_90 : vector<1x16xf32> to vector<16xf32>
        %swap3A_92 = vector.shape_cast %broadcast_in_dim3A_52 : vector<16xf32> to vector<1x16xf32>
        tpu.vector_store %arg9[%swap3A_88, %swap3A_89], %swap3A_92 {strides = array<i32>} : memref<128x128xf32, #tpu.memory_space<vmem>>, vector<1x16xf32>,
        %swap3A_93 = arith.index_cast %scan3A_77 : i32 to index
        %swap3A_94 = arith.constant 48 : index
        %swap3A_95 = tpu.vector_load %arg9[%swap3A_93, %swap3A_94] {strides = array<i32>} : memref<128x128xf32, #tpu.memory_space<vmem>>, vector<1x16xf32>,
        %swap3A_96 = vector.shape_cast %swap3A_95 : vector<1x16xf32> to vector<16xf32>
        %swap3A_97 = vector.shape_cast %broadcast_in_dim3A_52 : vector<16xf32> to vector<1x16xf32>
        tpu.vector_store %arg9[%swap3A_93, %swap3A_94], %swap3A_97 {strides = array<i32>} : memref<128x128xf32, #tpu.memory_space<vmem>>, vector<1x16xf32>,
        %swap3A_98 = arith.index_cast %scan3A_77 : i32 to index
        %swap3A_99 = arith.constant 64 : index
        %swap3A_100 = tpu.vector_load %arg9[%swap3A_98, %swap3A_99] {strides = array<i32>} : memref<128x128xf32, #tpu.memory_space<vmem>>, vector<1x16xf32>,
        %swap3A_101 = vector.shape_cast %swap3A_100 : vector<1x16xf32> to vector<16xf32>
        %swap3A_102 = vector.shape_cast %broadcast_in_dim3A_52 : vector<16xf32> to vector<1x16xf32>
        tpu.vector_store %arg9[%swap3A_98, %swap3A_99], %swap3A_102 {strides = array<i32>} : memref<128x128xf32, #tpu.memory_space<vmem>>, vector<1x16xf32>,
        %swap3A_103 = arith.index_cast %scan3A_77 : i32 to index
        %swap3A_104 = arith.constant 80 : index
        %swap3A_105 = tpu.vector_load %arg9[%swap3A_103, %swap3A_104] {strides = array<i32>} : memref<128x128xf32, #tpu.memory_space<vmem>>, vector<1x16xf32>,
        %swap3A_106 = vector.shape_cast %swap3A_105 : vector<1x16xf32> to vector<16xf32>
        %swap3A_107 = vector.shape_cast %broadcast_in_dim3A_52 : vector<16xf32> to vector<1x16xf32>
        tpu.vector_store %arg9[%swap3A_103, %swap3A_104], %swap3A_107 {strides = array<i32>} : memref<128x128xf32, #tpu.memory_space<vmem>>, vector<1x16xf32>,
        %swap3A_108 = arith.index_cast %scan3A_77 : i32 to index
        %swap3A_109 = arith.constant 96 : index
        %swap3A_110 = tpu.vector_load %arg9[%swap3A_108, %swap3A_109] {strides = array<i32>} : memref<128x128xf32, #tpu.memory_space<vmem>>, vector<1x16xf32>,
        %swap3A_111 = vector.shape_cast %swap3A_110 : vector<1x16xf32> to vector<16xf32>
        %swap3A_112 = vector.shape_cast %broadcast_in_dim3A_52 : vector<16xf32> to vector<1x16xf32>
        tpu.vector_store %arg9[%swap3A_108, %swap3A_109], %swap3A_112 {strides = array<i32>} : memref<128x128xf32, #tpu.memory_space<vmem>>, vector<1x16xf32>,
        %swap3A_113 = arith.index_cast %scan3A_77 : i32 to index
        %swap3A_114 = arith.constant 112 : index
        %swap3A_115 = tpu.vector_load %arg9[%swap3A_113, %swap3A_114] {strides = array<i32>} : memref<128x128xf32, #tpu.memory_space<vmem>>, vector<1x16xf32>,
        %swap3A_116 = vector.shape_cast %swap3A_115 : vector<1x16xf32> to vector<16xf32>
        %swap3A_117 = vector.shape_cast %broadcast_in_dim3A_52 : vector<16xf32> to vector<1x16xf32>
        tpu.vector_store %arg9[%swap3A_113, %swap3A_114], %swap3A_117 {strides = array<i32>} : memref<128x128xf32, #tpu.memory_space<vmem>>, vector<1x16xf32>,
        %scan3A_118 = arith.constant 0 : i32
        scf.yield %scan3A_118 : i32
      }
      %scan3A_58 = arith.constant 128 : i32
      %mul3A = arith.constant 640 : i32
      %mul3A_59 = arith.muli %arg1, %mul3A : i32
      %add3A = arith.constant 0 : i32
      %add3A_60 = arith.addi %mul3A_59, %add3A : i32
      "tpu.region"() ({
        %run_scoped3A = tpu.sem_alloc : memref<!tpu.dma_semaphore, #tpu.memory_space<semaphore_mem>>
        %dma_start3A = arith.constant 0 : i32
        %dma_start3A_77 = tpu.memref_slice %arg6[%add3A_60, %dma_start3A] : memref<10240x128xf32, #tpu.memory_space<vmem_shared>> -> memref<128x128xf32, #tpu.memory_space<vmem_shared>>
        %dma_start3A_78 = arith.constant 0 : i32
        %dma_start3A_79 = tpu.memref_slice %arg6[%add3A_60, %dma_start3A_78] : memref<10240x128xf32, #tpu.memory_space<vmem_shared>> -> memref<128x128xf32, #tpu.memory_space<vmem_shared>>
        tpu.enqueue_dma source(%arg9 : memref<128x128xf32, #tpu.memory_space<vmem>>) target(%dma_start3A_79 : memref<128x128xf32, #tpu.memory_space<vmem_shared>>) target_semaphore(%run_scoped3A : memref<!tpu.dma_semaphore, #tpu.memory_space<semaphore_mem>>)
        %dma_wait3A = arith.constant 0 : i32
        %dma_wait3A_80 = tpu.memref_slice %arg6[%add3A_60, %dma_wait3A] : memref<10240x128xf32, #tpu.memory_space<vmem_shared>> -> memref<128x128xf32, #tpu.memory_space<vmem_shared>>
        %dma_wait3A_81 = arith.constant 0 : i32
        %dma_wait3A_82 = tpu.memref_slice %arg6[%add3A_60, %dma_wait3A_81] : memref<10240x128xf32, #tpu.memory_space<vmem_shared>> -> memref<128x128xf32, #tpu.memory_space<vmem_shared>>
        tpu.wait_dma2 semaphore(%run_scoped3A : memref<!tpu.dma_semaphore, #tpu.memory_space<semaphore_mem>>) src(%arg9 : memref<128x128xf32, #tpu.memory_space<vmem>>) dst(%dma_wait3A_82 : memref<128x128xf32, #tpu.memory_space<vmem_shared>>)
        tpu.yield
      }) : () -> ()
      %mul3A_61 = arith.constant 640 : i32
      %mul3A_62 = arith.muli %arg1, %mul3A_61 : i32
      %add3A_63 = arith.constant 128 : i32
      %add3A_64 = arith.addi %mul3A_62, %add3A_63 : i32
      "tpu.region"() ({
        %run_scoped3A = tpu.sem_alloc : memref<!tpu.dma_semaphore, #tpu.memory_space<semaphore_mem>>
        %dma_start3A = arith.constant 0 : i32
        %dma_start3A_77 = tpu.memref_slice %arg6[%add3A_64, %dma_start3A] : memref<10240x128xf32, #tpu.memory_space<vmem_shared>> -> memref<128x128xf32, #tpu.memory_space<vmem_shared>>
        %dma_start3A_78 = arith.constant 0 : i32
        %dma_start3A_79 = tpu.memref_slice %arg6[%add3A_64, %dma_start3A_78] : memref<10240x128xf32, #tpu.memory_space<vmem_shared>> -> memref<128x128xf32, #tpu.memory_space<vmem_shared>>
        tpu.enqueue_dma source(%arg9 : memref<128x128xf32, #tpu.memory_space<vmem>>) target(%dma_start3A_79 : memref<128x128xf32, #tpu.memory_space<vmem_shared>>) target_semaphore(%run_scoped3A : memref<!tpu.dma_semaphore, #tpu.memory_space<semaphore_mem>>)
        %dma_wait3A = arith.constant 0 : i32
        %dma_wait3A_80 = tpu.memref_slice %arg6[%add3A_64, %dma_wait3A] : memref<10240x128xf32, #tpu.memory_space<vmem_shared>> -> memref<128x128xf32, #tpu.memory_space<vmem_shared>>
        %dma_wait3A_81 = arith.constant 0 : i32
        %dma_wait3A_82 = tpu.memref_slice %arg6[%add3A_64, %dma_wait3A_81] : memref<10240x128xf32, #tpu.memory_space<vmem_shared>> -> memref<128x128xf32, #tpu.memory_space<vmem_shared>>
        tpu.wait_dma2 semaphore(%run_scoped3A : memref<!tpu.dma_semaphore, #tpu.memory_space<semaphore_mem>>) src(%arg9 : memref<128x128xf32, #tpu.memory_space<vmem>>) dst(%dma_wait3A_82 : memref<128x128xf32, #tpu.memory_space<vmem_shared>>)
        tpu.yield
      }) : () -> ()
      %mul3A_65 = arith.constant 640 : i32
      %mul3A_66 = arith.muli %arg1, %mul3A_65 : i32
      %add3A_67 = arith.constant 256 : i32
      %add3A_68 = arith.addi %mul3A_66, %add3A_67 : i32
      "tpu.region"() ({
        %run_scoped3A = tpu.sem_alloc : memref<!tpu.dma_semaphore, #tpu.memory_space<semaphore_mem>>
        %dma_start3A = arith.constant 0 : i32
        %dma_start3A_77 = tpu.memref_slice %arg6[%add3A_68, %dma_start3A] : memref<10240x128xf32, #tpu.memory_space<vmem_shared>> -> memref<128x128xf32, #tpu.memory_space<vmem_shared>>
        %dma_start3A_78 = arith.constant 0 : i32
        %dma_start3A_79 = tpu.memref_slice %arg6[%add3A_68, %dma_start3A_78] : memref<10240x128xf32, #tpu.memory_space<vmem_shared>> -> memref<128x128xf32, #tpu.memory_space<vmem_shared>>
        tpu.enqueue_dma source(%arg9 : memref<128x128xf32, #tpu.memory_space<vmem>>) target(%dma_start3A_79 : memref<128x128xf32, #tpu.memory_space<vmem_shared>>) target_semaphore(%run_scoped3A : memref<!tpu.dma_semaphore, #tpu.memory_space<semaphore_mem>>)
        %dma_wait3A = arith.constant 0 : i32
        %dma_wait3A_80 = tpu.memref_slice %arg6[%add3A_68, %dma_wait3A] : memref<10240x128xf32, #tpu.memory_space<vmem_shared>> -> memref<128x128xf32, #tpu.memory_space<vmem_shared>>
        %dma_wait3A_81 = arith.constant 0 : i32
        %dma_wait3A_82 = tpu.memref_slice %arg6[%add3A_68, %dma_wait3A_81] : memref<10240x128xf32, #tpu.memory_space<vmem_shared>> -> memref<128x128xf32, #tpu.memory_space<vmem_shared>>
        tpu.wait_dma2 semaphore(%run_scoped3A : memref<!tpu.dma_semaphore, #tpu.memory_space<semaphore_mem>>) src(%arg9 : memref<128x128xf32, #tpu.memory_space<vmem>>) dst(%dma_wait3A_82 : memref<128x128xf32, #tpu.memory_space<vmem_shared>>)
        tpu.yield
      }) : () -> ()
      %mul3A_69 = arith.constant 640 : i32
      %mul3A_70 = arith.muli %arg1, %mul3A_69 : i32
      %add3A_71 = arith.constant 384 : i32
      %add3A_72 = arith.addi %mul3A_70, %add3A_71 : i32
      "tpu.region"() ({
        %run_scoped3A = tpu.sem_alloc : memref<!tpu.dma_semaphore, #tpu.memory_space<semaphore_mem>>
        %dma_start3A = arith.constant 0 : i32
        %dma_start3A_77 = tpu.memref_slice %arg6[%add3A_72, %dma_start3A] : memref<10240x128xf32, #tpu.memory_space<vmem_shared>> -> memref<128x128xf32, #tpu.memory_space<vmem_shared>>
        %dma_start3A_78 = arith.constant 0 : i32
        %dma_start3A_79 = tpu.memref_slice %arg6[%add3A_72, %dma_start3A_78] : memref<10240x128xf32, #tpu.memory_space<vmem_shared>> -> memref<128x128xf32, #tpu.memory_space<vmem_shared>>
        tpu.enqueue_dma source(%arg9 : memref<128x128xf32, #tpu.memory_space<vmem>>) target(%dma_start3A_79 : memref<128x128xf32, #tpu.memory_space<vmem_shared>>) target_semaphore(%run_scoped3A : memref<!tpu.dma_semaphore, #tpu.memory_space<semaphore_mem>>)
        %dma_wait3A = arith.constant 0 : i32
        %dma_wait3A_80 = tpu.memref_slice %arg6[%add3A_72, %dma_wait3A] : memref<10240x128xf32, #tpu.memory_space<vmem_shared>> -> memref<128x128xf32, #tpu.memory_space<vmem_shared>>
        %dma_wait3A_81 = arith.constant 0 : i32
        %dma_wait3A_82 = tpu.memref_slice %arg6[%add3A_72, %dma_wait3A_81] : memref<10240x128xf32, #tpu.memory_space<vmem_shared>> -> memref<128x128xf32, #tpu.memory_space<vmem_shared>>
        tpu.wait_dma2 semaphore(%run_scoped3A : memref<!tpu.dma_semaphore, #tpu.memory_space<semaphore_mem>>) src(%arg9 : memref<128x128xf32, #tpu.memory_space<vmem>>) dst(%dma_wait3A_82 : memref<128x128xf32, #tpu.memory_space<vmem_shared>>)
        tpu.yield
      }) : () -> ()
      %mul3A_73 = arith.constant 640 : i32
      %mul3A_74 = arith.muli %arg1, %mul3A_73 : i32
      %add3A_75 = arith.constant 512 : i32
      %add3A_76 = arith.addi %mul3A_74, %add3A_75 : i32
      "tpu.region"() ({
        %run_scoped3A = tpu.sem_alloc : memref<!tpu.dma_semaphore, #tpu.memory_space<semaphore_mem>>
        %dma_start3A = arith.constant 0 : i32
        %dma_start3A_77 = tpu.memref_slice %arg6[%add3A_76, %dma_start3A] : memref<10240x128xf32, #tpu.memory_space<vmem_shared>> -> memref<128x128xf32, #tpu.memory_space<vmem_shared>>
        %dma_start3A_78 = arith.constant 0 : i32
        %dma_start3A_79 = tpu.memref_slice %arg6[%add3A_76, %dma_start3A_78] : memref<10240x128xf32, #tpu.memory_space<vmem_shared>> -> memref<128x128xf32, #tpu.memory_space<vmem_shared>>
        tpu.enqueue_dma source(%arg9 : memref<128x128xf32, #tpu.memory_space<vmem>>) target(%dma_start3A_79 : memref<128x128xf32, #tpu.memory_space<vmem_shared>>) target_semaphore(%run_scoped3A : memref<!tpu.dma_semaphore, #tpu.memory_space<semaphore_mem>>)
        %dma_wait3A = arith.constant 0 : i32
        %dma_wait3A_80 = tpu.memref_slice %arg6[%add3A_76, %dma_wait3A] : memref<10240x128xf32, #tpu.memory_space<vmem_shared>> -> memref<128x128xf32, #tpu.memory_space<vmem_shared>>
        %dma_wait3A_81 = arith.constant 0 : i32
        %dma_wait3A_82 = tpu.memref_slice %arg6[%add3A_76, %dma_wait3A_81] : memref<10240x128xf32, #tpu.memory_space<vmem_shared>> -> memref<128x128xf32, #tpu.memory_space<vmem_shared>>
        tpu.wait_dma2 semaphore(%run_scoped3A : memref<!tpu.dma_semaphore, #tpu.memory_space<semaphore_mem>>) src(%arg9 : memref<128x128xf32, #tpu.memory_space<vmem>>) dst(%dma_wait3A_82 : memref<128x128xf32, #tpu.memory_space<vmem_shared>>)
        tpu.yield
      }) : () -> ()
    } else {
    }
    %barrier3A_15 = arith.constant 0 : index
    tpu.barrier barrier_id(%barrier3A_15)
    %convert_element_type3A_16 = arith.extui %eq3A_11 : i1 to i32
    %cond3A_17 = arith.constant 0 : i32
    %cond3A_18 = arith.cmpi ne, %convert_element_type3A_16, %cond3A_17 : i32
    scf.if %cond3A_18 {
      %scan3A = arith.constant 1 : i32
      %scan3A_52 = arith.constant 0 : i32
      %scan3A_53 = arith.constant 0 : i32
      %scan3A_54 = arith.constant 79 : i32
      %scan3A_55 = arith.addi %scan3A_53, %scan3A_54 : i32
      %scan3A_56 = arith.constant 1 : i32
      %scan3A_57 = scf.for %scan3A_59 = %scan3A_53 to %scan3A_55 step %scan3A_56 iter_args(%scan3A_60 = %scan3A_52) -> (i32)  : i32 {
        %dma_start3A = arith.constant 0 : i32
        %dma_start3A_61 = tpu.memref_slice %arg7[%scan3A_59, %dma_start3A] : memref<79x128xi32, #tpu.memory_space<vmem>> -> memref<1x128xi32, #tpu.memory_space<vmem>>
        %dma_start3A_62 = tpu.memref_squeeze %dma_start3A_61 : memref<1x128xi32, #tpu.memory_space<vmem>> -> memref<128xi32, #tpu.memory_space<vmem>>
        %dma_start3A_63 = arith.constant 0 : i32
        %dma_start3A_64 = arith.constant 0 : i32
        %dma_start3A_65 = tpu.memref_slice %arg2[%scan3A, %dma_start3A_63, %dma_start3A_64] : memref<4x10240x128xf32, #tpu.memory_space<hbm>> -> memref<1x10240x128xf32, #tpu.memory_space<hbm>>
        %dma_start3A_66 = tpu.memref_squeeze %dma_start3A_65 : memref<1x10240x128xf32, #tpu.memory_space<hbm>> -> memref<10240x128xf32, #tpu.memory_space<hbm>>
        %dma_start3A_67 = arith.constant 0 : i32
        %dma_start3A_68 = arith.constant 0 : i32
        %dma_start3A_69 = tpu.memref_slice %dma_start3A_66[%dma_start3A_67, %dma_start3A_68] : memref<10240x128xf32, #tpu.memory_space<hbm>> -> memref<10240x128xf32, #tpu.memory_space<hbm>>
        tpu.enqueue_indirect_dma source(%dma_start3A_69 : memref<10240x128xf32, #tpu.memory_space<hbm>>) target(%arg9 : memref<128x128xf32, #tpu.memory_space<vmem>>) offsets(%dma_start3A_62 : memref<128xi32, #tpu.memory_space<vmem>>) semaphore(%arg10 : memref<!tpu.dma_semaphore, #tpu.memory_space<semaphore_mem>>)
        %dma_wait3A = arith.constant 0 : i32
        %dma_wait3A_70 = tpu.memref_slice %arg7[%scan3A_59, %dma_wait3A] : memref<79x128xi32, #tpu.memory_space<vmem>> -> memref<1x128xi32, #tpu.memory_space<vmem>>
        %dma_wait3A_71 = tpu.memref_squeeze %dma_wait3A_70 : memref<1x128xi32, #tpu.memory_space<vmem>> -> memref<128xi32, #tpu.memory_space<vmem>>
        %dma_wait3A_72 = arith.constant 0 : i32
        %dma_wait3A_73 = arith.constant 0 : i32
        %dma_wait3A_74 = tpu.memref_slice %arg2[%scan3A, %dma_wait3A_72, %dma_wait3A_73] : memref<4x10240x128xf32, #tpu.memory_space<hbm>> -> memref<1x10240x128xf32, #tpu.memory_space<hbm>>
        %dma_wait3A_75 = tpu.memref_squeeze %dma_wait3A_74 : memref<1x10240x128xf32, #tpu.memory_space<hbm>> -> memref<10240x128xf32, #tpu.memory_space<hbm>>
        %dma_wait3A_76 = arith.constant 0 : i32
        %dma_wait3A_77 = arith.constant 0 : i32
        %dma_wait3A_78 = tpu.memref_slice %dma_wait3A_75[%dma_wait3A_76, %dma_wait3A_77] : memref<10240x128xf32, #tpu.memory_space<hbm>> -> memref<10240x128xf32, #tpu.memory_space<hbm>>
        tpu.wait_indirect_dma semaphore(%arg10 : memref<!tpu.dma_semaphore, #tpu.memory_space<semaphore_mem>>) src(%dma_wait3A_78 : memref<10240x128xf32, #tpu.memory_space<hbm>>) dst(%arg9 : memref<128x128xf32, #tpu.memory_space<vmem>>)
        "tpu.region"() ({
          %run_scoped3A = tpu.sem_alloc : memref<!tpu.dma_semaphore, #tpu.memory_space<semaphore_mem>>
          %dma_start3A_80 = arith.constant 0 : i32
          %dma_start3A_81 = tpu.memref_slice %arg8[%scan3A_59, %dma_start3A_80] : memref<79x128xi32, #tpu.memory_space<vmem>> -> memref<1x128xi32, #tpu.memory_space<vmem>>
          %dma_start3A_82 = tpu.memref_squeeze %dma_start3A_81 : memref<1x128xi32, #tpu.memory_space<vmem>> -> memref<128xi32, #tpu.memory_space<vmem>>
          %dma_start3A_83 = arith.constant 0 : i32
          %dma_start3A_84 = arith.constant 0 : i32
          %dma_start3A_85 = tpu.memref_slice %arg6[%dma_start3A_83, %dma_start3A_84] : memref<10240x128xf32, #tpu.memory_space<vmem_shared>> -> memref<10240x128xf32, #tpu.memory_space<vmem_shared>>
          tpu.enqueue_indirect_dma source(%arg9 : memref<128x128xf32, #tpu.memory_space<vmem>>) target(%dma_start3A_85 : memref<10240x128xf32, #tpu.memory_space<vmem_shared>>) offsets(%dma_start3A_82 : memref<128xi32, #tpu.memory_space<vmem>>) semaphore(%run_scoped3A : memref<!tpu.dma_semaphore, #tpu.memory_space<semaphore_mem>>) {add = true}
          %dma_wait3A_86 = arith.constant 0 : i32
          %dma_wait3A_87 = tpu.memref_slice %arg8[%scan3A_59, %dma_wait3A_86] : memref<79x128xi32, #tpu.memory_space<vmem>> -> memref<1x128xi32, #tpu.memory_space<vmem>>
          %dma_wait3A_88 = tpu.memref_squeeze %dma_wait3A_87 : memref<1x128xi32, #tpu.memory_space<vmem>> -> memref<128xi32, #tpu.memory_space<vmem>>
          %dma_wait3A_89 = arith.constant 0 : i32
          %dma_wait3A_90 = arith.constant 0 : i32
          %dma_wait3A_91 = tpu.memref_slice %arg6[%dma_wait3A_89, %dma_wait3A_90] : memref<10240x128xf32, #tpu.memory_space<vmem_shared>> -> memref<10240x128xf32, #tpu.memory_space<vmem_shared>>
          tpu.wait_indirect_dma semaphore(%run_scoped3A : memref<!tpu.dma_semaphore, #tpu.memory_space<semaphore_mem>>) src(%arg9 : memref<128x128xf32, #tpu.memory_space<vmem>>) dst(%dma_wait3A_91 : memref<10240x128xf32, #tpu.memory_space<vmem_shared>>)
          tpu.yield
        }) : () -> ()
        %scan3A_79 = arith.constant 0 : i32
        scf.yield %scan3A_79 : i32
      }
      %scan3A_58 = arith.constant 79 : i32
    } else {
    }
    %barrier3A_19 = arith.constant 0 : index
    tpu.barrier barrier_id(%barrier3A_19)
    %convert_element_type3A_20 = arith.extui %eq3A_11 : i1 to i32
    %cond3A_21 = arith.constant 0 : i32
    %cond3A_22 = arith.cmpi ne, %convert_element_type3A_20, %cond3A_21 : i32
    scf.if %cond3A_22 {
      %mul3A = arith.constant 640 : i32
      %mul3A_52 = arith.muli %arg1, %mul3A : i32
      %mul3A_53 = arith.constant 640 : i32
      %mul3A_54 = arith.muli %arg1, %mul3A_53 : i32
      %run_scoped3A = arith.constant 1 : i32
      "tpu.region"() ({
        %run_scoped3A_55 = tpu.sem_alloc : memref<!tpu.dma_semaphore, #tpu.memory_space<semaphore_mem>>
        %dma_start3A = arith.constant 0 : i32
        %dma_start3A_56 = arith.constant 0 : i32
        %dma_start3A_57 = tpu.memref_slice %arg5[%run_scoped3A, %dma_start3A, %dma_start3A_56] : memref<4x10240x128xf32, #tpu.memory_space<hbm>> -> memref<1x10240x128xf32, #tpu.memory_space<hbm>>
        %dma_start3A_58 = tpu.memref_squeeze %dma_start3A_57 : memref<1x10240x128xf32, #tpu.memory_space<hbm>> -> memref<10240x128xf32, #tpu.memory_space<hbm>>
        %dma_start3A_59 = arith.constant 0 : i32
        %dma_start3A_60 = tpu.memref_slice %dma_start3A_58[%mul3A_54, %dma_start3A_59] : memref<10240x128xf32, #tpu.memory_space<hbm>> -> memref<640x128xf32, #tpu.memory_space<hbm>>
        %dma_start3A_61 = arith.constant 0 : i32
        %dma_start3A_62 = tpu.memref_slice %arg6[%mul3A_52, %dma_start3A_61] : memref<10240x128xf32, #tpu.memory_space<vmem_shared>> -> memref<640x128xf32, #tpu.memory_space<vmem_shared>>
        tpu.enqueue_dma source(%dma_start3A_62 : memref<640x128xf32, #tpu.memory_space<vmem_shared>>) target(%dma_start3A_60 : memref<640x128xf32, #tpu.memory_space<hbm>>) target_semaphore(%run_scoped3A_55 : memref<!tpu.dma_semaphore, #tpu.memory_space<semaphore_mem>>)
        %dma_wait3A = arith.constant 0 : i32
        %dma_wait3A_63 = arith.constant 0 : i32
        %dma_wait3A_64 = tpu.memref_slice %arg5[%run_scoped3A, %dma_wait3A, %dma_wait3A_63] : memref<4x10240x128xf32, #tpu.memory_space<hbm>> -> memref<1x10240x128xf32, #tpu.memory_space<hbm>>
        %dma_wait3A_65 = tpu.memref_squeeze %dma_wait3A_64 : memref<1x10240x128xf32, #tpu.memory_space<hbm>> -> memref<10240x128xf32, #tpu.memory_space<hbm>>
        %dma_wait3A_66 = arith.constant 0 : i32
        %dma_wait3A_67 = tpu.memref_slice %dma_wait3A_65[%mul3A_54, %dma_wait3A_66] : memref<10240x128xf32, #tpu.memory_space<hbm>> -> memref<640x128xf32, #tpu.memory_space<hbm>>
        %dma_wait3A_68 = arith.constant 0 : i32
        %dma_wait3A_69 = tpu.memref_slice %arg6[%mul3A_52, %dma_wait3A_68] : memref<10240x128xf32, #tpu.memory_space<vmem_shared>> -> memref<640x128xf32, #tpu.memory_space<vmem_shared>>
        tpu.wait_dma2 semaphore(%run_scoped3A_55 : memref<!tpu.dma_semaphore, #tpu.memory_space<semaphore_mem>>) src(%dma_wait3A_69 : memref<640x128xf32, #tpu.memory_space<vmem_shared>>) dst(%dma_wait3A_67 : memref<640x128xf32, #tpu.memory_space<hbm>>)
        tpu.yield
      }) : () -> ()
    } else {
    }
    %barrier3A_23 = arith.constant 0 : index
    tpu.barrier barrier_id(%barrier3A_23)
    %eq3A_24 = arith.constant 1 : i32
    %eq3A_25 = arith.cmpi eq, %arg0, %eq3A_24 : i32
    %convert_element_type3A_26 = arith.extui %eq3A_25 : i1 to i32
    %cond3A_27 = arith.constant 0 : i32
    %cond3A_28 = arith.cmpi ne, %convert_element_type3A_26, %cond3A_27 : i32
    scf.if %cond3A_28 {
      %broadcast_in_dim3A = arith.constant 0.000000e+00 : f32
      %broadcast_in_dim3A_52 = vector.broadcast %broadcast_in_dim3A : f32 to vector<16xf32>
      %scan3A = arith.constant 0 : i32
      %scan3A_53 = arith.constant 0 : i32
      %scan3A_54 = arith.constant 128 : i32
      %scan3A_55 = arith.addi %scan3A_53, %scan3A_54 : i32
      %scan3A_56 = arith.constant 1 : i32
      %scan3A_57 = scf.for %scan3A_77 = %scan3A_53 to %scan3A_55 step %scan3A_56 iter_args(%scan3A_78 = %scan3A) -> (i32)  : i32 {
        %swap3A = arith.index_cast %scan3A_77 : i32 to index
        %swap3A_79 = arith.constant 0 : index
        %swap3A_80 = tpu.vector_load %arg9[%swap3A, %swap3A_79] {strides = array<i32>} : memref<128x128xf32, #tpu.memory_space<vmem>>, vector<1x16xf32>,
        %swap3A_81 = vector.shape_cast %swap3A_80 : vector<1x16xf32> to vector<16xf32>
        %swap3A_82 = vector.shape_cast %broadcast_in_dim3A_52 : vector<16xf32> to vector<1x16xf32>
        tpu.vector_store %arg9[%swap3A, %swap3A_79], %swap3A_82 {strides = array<i32>} : memref<128x128xf32, #tpu.memory_space<vmem>>, vector<1x16xf32>,
        %swap3A_83 = arith.index_cast %scan3A_77 : i32 to index
        %swap3A_84 = arith.constant 16 : index
        %swap3A_85 = tpu.vector_load %arg9[%swap3A_83, %swap3A_84] {strides = array<i32>} : memref<128x128xf32, #tpu.memory_space<vmem>>, vector<1x16xf32>,
        %swap3A_86 = vector.shape_cast %swap3A_85 : vector<1x16xf32> to vector<16xf32>
        %swap3A_87 = vector.shape_cast %broadcast_in_dim3A_52 : vector<16xf32> to vector<1x16xf32>
        tpu.vector_store %arg9[%swap3A_83, %swap3A_84], %swap3A_87 {strides = array<i32>} : memref<128x128xf32, #tpu.memory_space<vmem>>, vector<1x16xf32>,
        %swap3A_88 = arith.index_cast %scan3A_77 : i32 to index
        %swap3A_89 = arith.constant 32 : index
        %swap3A_90 = tpu.vector_load %arg9[%swap3A_88, %swap3A_89] {strides = array<i32>} : memref<128x128xf32, #tpu.memory_space<vmem>>, vector<1x16xf32>,
        %swap3A_91 = vector.shape_cast %swap3A_90 : vector<1x16xf32> to vector<16xf32>
        %swap3A_92 = vector.shape_cast %broadcast_in_dim3A_52 : vector<16xf32> to vector<1x16xf32>
        tpu.vector_store %arg9[%swap3A_88, %swap3A_89], %swap3A_92 {strides = array<i32>} : memref<128x128xf32, #tpu.memory_space<vmem>>, vector<1x16xf32>,
        %swap3A_93 = arith.index_cast %scan3A_77 : i32 to index
        %swap3A_94 = arith.constant 48 : index
        %swap3A_95 = tpu.vector_load %arg9[%swap3A_93, %swap3A_94] {strides = array<i32>} : memref<128x128xf32, #tpu.memory_space<vmem>>, vector<1x16xf32>,
        %swap3A_96 = vector.shape_cast %swap3A_95 : vector<1x16xf32> to vector<16xf32>
        %swap3A_97 = vector.shape_cast %broadcast_in_dim3A_52 : vector<16xf32> to vector<1x16xf32>
        tpu.vector_store %arg9[%swap3A_93, %swap3A_94], %swap3A_97 {strides = array<i32>} : memref<128x128xf32, #tpu.memory_space<vmem>>, vector<1x16xf32>,
        %swap3A_98 = arith.index_cast %scan3A_77 : i32 to index
        %swap3A_99 = arith.constant 64 : index
        %swap3A_100 = tpu.vector_load %arg9[%swap3A_98, %swap3A_99] {strides = array<i32>} : memref<128x128xf32, #tpu.memory_space<vmem>>, vector<1x16xf32>,
        %swap3A_101 = vector.shape_cast %swap3A_100 : vector<1x16xf32> to vector<16xf32>
        %swap3A_102 = vector.shape_cast %broadcast_in_dim3A_52 : vector<16xf32> to vector<1x16xf32>
        tpu.vector_store %arg9[%swap3A_98, %swap3A_99], %swap3A_102 {strides = array<i32>} : memref<128x128xf32, #tpu.memory_space<vmem>>, vector<1x16xf32>,
        %swap3A_103 = arith.index_cast %scan3A_77 : i32 to index
        %swap3A_104 = arith.constant 80 : index
        %swap3A_105 = tpu.vector_load %arg9[%swap3A_103, %swap3A_104] {strides = array<i32>} : memref<128x128xf32, #tpu.memory_space<vmem>>, vector<1x16xf32>,
        %swap3A_106 = vector.shape_cast %swap3A_105 : vector<1x16xf32> to vector<16xf32>
        %swap3A_107 = vector.shape_cast %broadcast_in_dim3A_52 : vector<16xf32> to vector<1x16xf32>
        tpu.vector_store %arg9[%swap3A_103, %swap3A_104], %swap3A_107 {strides = array<i32>} : memref<128x128xf32, #tpu.memory_space<vmem>>, vector<1x16xf32>,
        %swap3A_108 = arith.index_cast %scan3A_77 : i32 to index
        %swap3A_109 = arith.constant 96 : index
        %swap3A_110 = tpu.vector_load %arg9[%swap3A_108, %swap3A_109] {strides = array<i32>} : memref<128x128xf32, #tpu.memory_space<vmem>>, vector<1x16xf32>,
        %swap3A_111 = vector.shape_cast %swap3A_110 : vector<1x16xf32> to vector<16xf32>
        %swap3A_112 = vector.shape_cast %broadcast_in_dim3A_52 : vector<16xf32> to vector<1x16xf32>
        tpu.vector_store %arg9[%swap3A_108, %swap3A_109], %swap3A_112 {strides = array<i32>} : memref<128x128xf32, #tpu.memory_space<vmem>>, vector<1x16xf32>,
        %swap3A_113 = arith.index_cast %scan3A_77 : i32 to index
        %swap3A_114 = arith.constant 112 : index
        %swap3A_115 = tpu.vector_load %arg9[%swap3A_113, %swap3A_114] {strides = array<i32>} : memref<128x128xf32, #tpu.memory_space<vmem>>, vector<1x16xf32>,
        %swap3A_116 = vector.shape_cast %swap3A_115 : vector<1x16xf32> to vector<16xf32>
        %swap3A_117 = vector.shape_cast %broadcast_in_dim3A_52 : vector<16xf32> to vector<1x16xf32>
        tpu.vector_store %arg9[%swap3A_113, %swap3A_114], %swap3A_117 {strides = array<i32>} : memref<128x128xf32, #tpu.memory_space<vmem>>, vector<1x16xf32>,
        %scan3A_118 = arith.constant 0 : i32
        scf.yield %scan3A_118 : i32
      }
      %scan3A_58 = arith.constant 128 : i32
      %mul3A = arith.constant 640 : i32
      %mul3A_59 = arith.muli %arg1, %mul3A : i32
      %add3A = arith.constant 0 : i32
      %add3A_60 = arith.addi %mul3A_59, %add3A : i32
      "tpu.region"() ({
        %run_scoped3A = tpu.sem_alloc : memref<!tpu.dma_semaphore, #tpu.memory_space<semaphore_mem>>
        %dma_start3A = arith.constant 0 : i32
        %dma_start3A_77 = tpu.memref_slice %arg6[%add3A_60, %dma_start3A] : memref<10240x128xf32, #tpu.memory_space<vmem_shared>> -> memref<128x128xf32, #tpu.memory_space<vmem_shared>>
        %dma_start3A_78 = arith.constant 0 : i32
        %dma_start3A_79 = tpu.memref_slice %arg6[%add3A_60, %dma_start3A_78] : memref<10240x128xf32, #tpu.memory_space<vmem_shared>> -> memref<128x128xf32, #tpu.memory_space<vmem_shared>>
        tpu.enqueue_dma source(%arg9 : memref<128x128xf32, #tpu.memory_space<vmem>>) target(%dma_start3A_79 : memref<128x128xf32, #tpu.memory_space<vmem_shared>>) target_semaphore(%run_scoped3A : memref<!tpu.dma_semaphore, #tpu.memory_space<semaphore_mem>>)
        %dma_wait3A = arith.constant 0 : i32
        %dma_wait3A_80 = tpu.memref_slice %arg6[%add3A_60, %dma_wait3A] : memref<10240x128xf32, #tpu.memory_space<vmem_shared>> -> memref<128x128xf32, #tpu.memory_space<vmem_shared>>
        %dma_wait3A_81 = arith.constant 0 : i32
        %dma_wait3A_82 = tpu.memref_slice %arg6[%add3A_60, %dma_wait3A_81] : memref<10240x128xf32, #tpu.memory_space<vmem_shared>> -> memref<128x128xf32, #tpu.memory_space<vmem_shared>>
        tpu.wait_dma2 semaphore(%run_scoped3A : memref<!tpu.dma_semaphore, #tpu.memory_space<semaphore_mem>>) src(%arg9 : memref<128x128xf32, #tpu.memory_space<vmem>>) dst(%dma_wait3A_82 : memref<128x128xf32, #tpu.memory_space<vmem_shared>>)
        tpu.yield
      }) : () -> ()
      %mul3A_61 = arith.constant 640 : i32
      %mul3A_62 = arith.muli %arg1, %mul3A_61 : i32
      %add3A_63 = arith.constant 128 : i32
      %add3A_64 = arith.addi %mul3A_62, %add3A_63 : i32
      "tpu.region"() ({
        %run_scoped3A = tpu.sem_alloc : memref<!tpu.dma_semaphore, #tpu.memory_space<semaphore_mem>>
        %dma_start3A = arith.constant 0 : i32
        %dma_start3A_77 = tpu.memref_slice %arg6[%add3A_64, %dma_start3A] : memref<10240x128xf32, #tpu.memory_space<vmem_shared>> -> memref<128x128xf32, #tpu.memory_space<vmem_shared>>
        %dma_start3A_78 = arith.constant 0 : i32
        %dma_start3A_79 = tpu.memref_slice %arg6[%add3A_64, %dma_start3A_78] : memref<10240x128xf32, #tpu.memory_space<vmem_shared>> -> memref<128x128xf32, #tpu.memory_space<vmem_shared>>
        tpu.enqueue_dma source(%arg9 : memref<128x128xf32, #tpu.memory_space<vmem>>) target(%dma_start3A_79 : memref<128x128xf32, #tpu.memory_space<vmem_shared>>) target_semaphore(%run_scoped3A : memref<!tpu.dma_semaphore, #tpu.memory_space<semaphore_mem>>)
        %dma_wait3A = arith.constant 0 : i32
        %dma_wait3A_80 = tpu.memref_slice %arg6[%add3A_64, %dma_wait3A] : memref<10240x128xf32, #tpu.memory_space<vmem_shared>> -> memref<128x128xf32, #tpu.memory_space<vmem_shared>>
        %dma_wait3A_81 = arith.constant 0 : i32
        %dma_wait3A_82 = tpu.memref_slice %arg6[%add3A_64, %dma_wait3A_81] : memref<10240x128xf32, #tpu.memory_space<vmem_shared>> -> memref<128x128xf32, #tpu.memory_space<vmem_shared>>
        tpu.wait_dma2 semaphore(%run_scoped3A : memref<!tpu.dma_semaphore, #tpu.memory_space<semaphore_mem>>) src(%arg9 : memref<128x128xf32, #tpu.memory_space<vmem>>) dst(%dma_wait3A_82 : memref<128x128xf32, #tpu.memory_space<vmem_shared>>)
        tpu.yield
      }) : () -> ()
      %mul3A_65 = arith.constant 640 : i32
      %mul3A_66 = arith.muli %arg1, %mul3A_65 : i32
      %add3A_67 = arith.constant 256 : i32
      %add3A_68 = arith.addi %mul3A_66, %add3A_67 : i32
      "tpu.region"() ({
        %run_scoped3A = tpu.sem_alloc : memref<!tpu.dma_semaphore, #tpu.memory_space<semaphore_mem>>
        %dma_start3A = arith.constant 0 : i32
        %dma_start3A_77 = tpu.memref_slice %arg6[%add3A_68, %dma_start3A] : memref<10240x128xf32, #tpu.memory_space<vmem_shared>> -> memref<128x128xf32, #tpu.memory_space<vmem_shared>>
        %dma_start3A_78 = arith.constant 0 : i32
        %dma_start3A_79 = tpu.memref_slice %arg6[%add3A_68, %dma_start3A_78] : memref<10240x128xf32, #tpu.memory_space<vmem_shared>> -> memref<128x128xf32, #tpu.memory_space<vmem_shared>>
        tpu.enqueue_dma source(%arg9 : memref<128x128xf32, #tpu.memory_space<vmem>>) target(%dma_start3A_79 : memref<128x128xf32, #tpu.memory_space<vmem_shared>>) target_semaphore(%run_scoped3A : memref<!tpu.dma_semaphore, #tpu.memory_space<semaphore_mem>>)
        %dma_wait3A = arith.constant 0 : i32
        %dma_wait3A_80 = tpu.memref_slice %arg6[%add3A_68, %dma_wait3A] : memref<10240x128xf32, #tpu.memory_space<vmem_shared>> -> memref<128x128xf32, #tpu.memory_space<vmem_shared>>
        %dma_wait3A_81 = arith.constant 0 : i32
        %dma_wait3A_82 = tpu.memref_slice %arg6[%add3A_68, %dma_wait3A_81] : memref<10240x128xf32, #tpu.memory_space<vmem_shared>> -> memref<128x128xf32, #tpu.memory_space<vmem_shared>>
        tpu.wait_dma2 semaphore(%run_scoped3A : memref<!tpu.dma_semaphore, #tpu.memory_space<semaphore_mem>>) src(%arg9 : memref<128x128xf32, #tpu.memory_space<vmem>>) dst(%dma_wait3A_82 : memref<128x128xf32, #tpu.memory_space<vmem_shared>>)
        tpu.yield
      }) : () -> ()
      %mul3A_69 = arith.constant 640 : i32
      %mul3A_70 = arith.muli %arg1, %mul3A_69 : i32
      %add3A_71 = arith.constant 384 : i32
      %add3A_72 = arith.addi %mul3A_70, %add3A_71 : i32
      "tpu.region"() ({
        %run_scoped3A = tpu.sem_alloc : memref<!tpu.dma_semaphore, #tpu.memory_space<semaphore_mem>>
        %dma_start3A = arith.constant 0 : i32
        %dma_start3A_77 = tpu.memref_slice %arg6[%add3A_72, %dma_start3A] : memref<10240x128xf32, #tpu.memory_space<vmem_shared>> -> memref<128x128xf32, #tpu.memory_space<vmem_shared>>
        %dma_start3A_78 = arith.constant 0 : i32
        %dma_start3A_79 = tpu.memref_slice %arg6[%add3A_72, %dma_start3A_78] : memref<10240x128xf32, #tpu.memory_space<vmem_shared>> -> memref<128x128xf32, #tpu.memory_space<vmem_shared>>
        tpu.enqueue_dma source(%arg9 : memref<128x128xf32, #tpu.memory_space<vmem>>) target(%dma_start3A_79 : memref<128x128xf32, #tpu.memory_space<vmem_shared>>) target_semaphore(%run_scoped3A : memref<!tpu.dma_semaphore, #tpu.memory_space<semaphore_mem>>)
        %dma_wait3A = arith.constant 0 : i32
        %dma_wait3A_80 = tpu.memref_slice %arg6[%add3A_72, %dma_wait3A] : memref<10240x128xf32, #tpu.memory_space<vmem_shared>> -> memref<128x128xf32, #tpu.memory_space<vmem_shared>>
        %dma_wait3A_81 = arith.constant 0 : i32
        %dma_wait3A_82 = tpu.memref_slice %arg6[%add3A_72, %dma_wait3A_81] : memref<10240x128xf32, #tpu.memory_space<vmem_shared>> -> memref<128x128xf32, #tpu.memory_space<vmem_shared>>
        tpu.wait_dma2 semaphore(%run_scoped3A : memref<!tpu.dma_semaphore, #tpu.memory_space<semaphore_mem>>) src(%arg9 : memref<128x128xf32, #tpu.memory_space<vmem>>) dst(%dma_wait3A_82 : memref<128x128xf32, #tpu.memory_space<vmem_shared>>)
        tpu.yield
      }) : () -> ()
      %mul3A_73 = arith.constant 640 : i32
      %mul3A_74 = arith.muli %arg1, %mul3A_73 : i32
      %add3A_75 = arith.constant 512 : i32
      %add3A_76 = arith.addi %mul3A_74, %add3A_75 : i32
      "tpu.region"() ({
        %run_scoped3A = tpu.sem_alloc : memref<!tpu.dma_semaphore, #tpu.memory_space<semaphore_mem>>
        %dma_start3A = arith.constant 0 : i32
        %dma_start3A_77 = tpu.memref_slice %arg6[%add3A_76, %dma_start3A] : memref<10240x128xf32, #tpu.memory_space<vmem_shared>> -> memref<128x128xf32, #tpu.memory_space<vmem_shared>>
        %dma_start3A_78 = arith.constant 0 : i32
        %dma_start3A_79 = tpu.memref_slice %arg6[%add3A_76, %dma_start3A_78] : memref<10240x128xf32, #tpu.memory_space<vmem_shared>> -> memref<128x128xf32, #tpu.memory_space<vmem_shared>>
        tpu.enqueue_dma source(%arg9 : memref<128x128xf32, #tpu.memory_space<vmem>>) target(%dma_start3A_79 : memref<128x128xf32, #tpu.memory_space<vmem_shared>>) target_semaphore(%run_scoped3A : memref<!tpu.dma_semaphore, #tpu.memory_space<semaphore_mem>>)
        %dma_wait3A = arith.constant 0 : i32
        %dma_wait3A_80 = tpu.memref_slice %arg6[%add3A_76, %dma_wait3A] : memref<10240x128xf32, #tpu.memory_space<vmem_shared>> -> memref<128x128xf32, #tpu.memory_space<vmem_shared>>
        %dma_wait3A_81 = arith.constant 0 : i32
        %dma_wait3A_82 = tpu.memref_slice %arg6[%add3A_76, %dma_wait3A_81] : memref<10240x128xf32, #tpu.memory_space<vmem_shared>> -> memref<128x128xf32, #tpu.memory_space<vmem_shared>>
        tpu.wait_dma2 semaphore(%run_scoped3A : memref<!tpu.dma_semaphore, #tpu.memory_space<semaphore_mem>>) src(%arg9 : memref<128x128xf32, #tpu.memory_space<vmem>>) dst(%dma_wait3A_82 : memref<128x128xf32, #tpu.memory_space<vmem_shared>>)
        tpu.yield
      }) : () -> ()
    } else {
    }
    %barrier3A_29 = arith.constant 0 : index
    tpu.barrier barrier_id(%barrier3A_29)
    %convert_element_type3A_30 = arith.extui %eq3A_25 : i1 to i32
    %cond3A_31 = arith.constant 0 : i32
    %cond3A_32 = arith.cmpi ne, %convert_element_type3A_30, %cond3A_31 : i32
    scf.if %cond3A_32 {
      %scan3A = arith.constant 2 : i32
      %scan3A_52 = arith.constant 0 : i32
      %scan3A_53 = arith.constant 0 : i32
      %scan3A_54 = arith.constant 79 : i32
      %scan3A_55 = arith.addi %scan3A_53, %scan3A_54 : i32
      %scan3A_56 = arith.constant 1 : i32
      %scan3A_57 = scf.for %scan3A_59 = %scan3A_53 to %scan3A_55 step %scan3A_56 iter_args(%scan3A_60 = %scan3A_52) -> (i32)  : i32 {
        %dma_start3A = arith.constant 0 : i32
        %dma_start3A_61 = tpu.memref_slice %arg7[%scan3A_59, %dma_start3A] : memref<79x128xi32, #tpu.memory_space<vmem>> -> memref<1x128xi32, #tpu.memory_space<vmem>>
        %dma_start3A_62 = tpu.memref_squeeze %dma_start3A_61 : memref<1x128xi32, #tpu.memory_space<vmem>> -> memref<128xi32, #tpu.memory_space<vmem>>
        %dma_start3A_63 = arith.constant 0 : i32
        %dma_start3A_64 = arith.constant 0 : i32
        %dma_start3A_65 = tpu.memref_slice %arg2[%scan3A, %dma_start3A_63, %dma_start3A_64] : memref<4x10240x128xf32, #tpu.memory_space<hbm>> -> memref<1x10240x128xf32, #tpu.memory_space<hbm>>
        %dma_start3A_66 = tpu.memref_squeeze %dma_start3A_65 : memref<1x10240x128xf32, #tpu.memory_space<hbm>> -> memref<10240x128xf32, #tpu.memory_space<hbm>>
        %dma_start3A_67 = arith.constant 0 : i32
        %dma_start3A_68 = arith.constant 0 : i32
        %dma_start3A_69 = tpu.memref_slice %dma_start3A_66[%dma_start3A_67, %dma_start3A_68] : memref<10240x128xf32, #tpu.memory_space<hbm>> -> memref<10240x128xf32, #tpu.memory_space<hbm>>
        tpu.enqueue_indirect_dma source(%dma_start3A_69 : memref<10240x128xf32, #tpu.memory_space<hbm>>) target(%arg9 : memref<128x128xf32, #tpu.memory_space<vmem>>) offsets(%dma_start3A_62 : memref<128xi32, #tpu.memory_space<vmem>>) semaphore(%arg10 : memref<!tpu.dma_semaphore, #tpu.memory_space<semaphore_mem>>)
        %dma_wait3A = arith.constant 0 : i32
        %dma_wait3A_70 = tpu.memref_slice %arg7[%scan3A_59, %dma_wait3A] : memref<79x128xi32, #tpu.memory_space<vmem>> -> memref<1x128xi32, #tpu.memory_space<vmem>>
        %dma_wait3A_71 = tpu.memref_squeeze %dma_wait3A_70 : memref<1x128xi32, #tpu.memory_space<vmem>> -> memref<128xi32, #tpu.memory_space<vmem>>
        %dma_wait3A_72 = arith.constant 0 : i32
        %dma_wait3A_73 = arith.constant 0 : i32
        %dma_wait3A_74 = tpu.memref_slice %arg2[%scan3A, %dma_wait3A_72, %dma_wait3A_73] : memref<4x10240x128xf32, #tpu.memory_space<hbm>> -> memref<1x10240x128xf32, #tpu.memory_space<hbm>>
        %dma_wait3A_75 = tpu.memref_squeeze %dma_wait3A_74 : memref<1x10240x128xf32, #tpu.memory_space<hbm>> -> memref<10240x128xf32, #tpu.memory_space<hbm>>
        %dma_wait3A_76 = arith.constant 0 : i32
        %dma_wait3A_77 = arith.constant 0 : i32
        %dma_wait3A_78 = tpu.memref_slice %dma_wait3A_75[%dma_wait3A_76, %dma_wait3A_77] : memref<10240x128xf32, #tpu.memory_space<hbm>> -> memref<10240x128xf32, #tpu.memory_space<hbm>>
        tpu.wait_indirect_dma semaphore(%arg10 : memref<!tpu.dma_semaphore, #tpu.memory_space<semaphore_mem>>) src(%dma_wait3A_78 : memref<10240x128xf32, #tpu.memory_space<hbm>>) dst(%arg9 : memref<128x128xf32, #tpu.memory_space<vmem>>)
        "tpu.region"() ({
          %run_scoped3A = tpu.sem_alloc : memref<!tpu.dma_semaphore, #tpu.memory_space<semaphore_mem>>
          %dma_start3A_80 = arith.constant 0 : i32
          %dma_start3A_81 = tpu.memref_slice %arg8[%scan3A_59, %dma_start3A_80] : memref<79x128xi32, #tpu.memory_space<vmem>> -> memref<1x128xi32, #tpu.memory_space<vmem>>
          %dma_start3A_82 = tpu.memref_squeeze %dma_start3A_81 : memref<1x128xi32, #tpu.memory_space<vmem>> -> memref<128xi32, #tpu.memory_space<vmem>>
          %dma_start3A_83 = arith.constant 0 : i32
          %dma_start3A_84 = arith.constant 0 : i32
          %dma_start3A_85 = tpu.memref_slice %arg6[%dma_start3A_83, %dma_start3A_84] : memref<10240x128xf32, #tpu.memory_space<vmem_shared>> -> memref<10240x128xf32, #tpu.memory_space<vmem_shared>>
          tpu.enqueue_indirect_dma source(%arg9 : memref<128x128xf32, #tpu.memory_space<vmem>>) target(%dma_start3A_85 : memref<10240x128xf32, #tpu.memory_space<vmem_shared>>) offsets(%dma_start3A_82 : memref<128xi32, #tpu.memory_space<vmem>>) semaphore(%run_scoped3A : memref<!tpu.dma_semaphore, #tpu.memory_space<semaphore_mem>>) {add = true}
          %dma_wait3A_86 = arith.constant 0 : i32
          %dma_wait3A_87 = tpu.memref_slice %arg8[%scan3A_59, %dma_wait3A_86] : memref<79x128xi32, #tpu.memory_space<vmem>> -> memref<1x128xi32, #tpu.memory_space<vmem>>
          %dma_wait3A_88 = tpu.memref_squeeze %dma_wait3A_87 : memref<1x128xi32, #tpu.memory_space<vmem>> -> memref<128xi32, #tpu.memory_space<vmem>>
          %dma_wait3A_89 = arith.constant 0 : i32
          %dma_wait3A_90 = arith.constant 0 : i32
          %dma_wait3A_91 = tpu.memref_slice %arg6[%dma_wait3A_89, %dma_wait3A_90] : memref<10240x128xf32, #tpu.memory_space<vmem_shared>> -> memref<10240x128xf32, #tpu.memory_space<vmem_shared>>
          tpu.wait_indirect_dma semaphore(%run_scoped3A : memref<!tpu.dma_semaphore, #tpu.memory_space<semaphore_mem>>) src(%arg9 : memref<128x128xf32, #tpu.memory_space<vmem>>) dst(%dma_wait3A_91 : memref<10240x128xf32, #tpu.memory_space<vmem_shared>>)
          tpu.yield
        }) : () -> ()
        %scan3A_79 = arith.constant 0 : i32
        scf.yield %scan3A_79 : i32
      }
      %scan3A_58 = arith.constant 79 : i32
    } else {
    }
    %barrier3A_33 = arith.constant 0 : index
    tpu.barrier barrier_id(%barrier3A_33)
    %convert_element_type3A_34 = arith.extui %eq3A_25 : i1 to i32
    %cond3A_35 = arith.constant 0 : i32
    %cond3A_36 = arith.cmpi ne, %convert_element_type3A_34, %cond3A_35 : i32
    scf.if %cond3A_36 {
      %mul3A = arith.constant 640 : i32
      %mul3A_52 = arith.muli %arg1, %mul3A : i32
      %mul3A_53 = arith.constant 640 : i32
      %mul3A_54 = arith.muli %arg1, %mul3A_53 : i32
      %run_scoped3A = arith.constant 2 : i32
      "tpu.region"() ({
        %run_scoped3A_55 = tpu.sem_alloc : memref<!tpu.dma_semaphore, #tpu.memory_space<semaphore_mem>>
        %dma_start3A = arith.constant 0 : i32
        %dma_start3A_56 = arith.constant 0 : i32
        %dma_start3A_57 = tpu.memref_slice %arg5[%run_scoped3A, %dma_start3A, %dma_start3A_56] : memref<4x10240x128xf32, #tpu.memory_space<hbm>> -> memref<1x10240x128xf32, #tpu.memory_space<hbm>>
        %dma_start3A_58 = tpu.memref_squeeze %dma_start3A_57 : memref<1x10240x128xf32, #tpu.memory_space<hbm>> -> memref<10240x128xf32, #tpu.memory_space<hbm>>
        %dma_start3A_59 = arith.constant 0 : i32
        %dma_start3A_60 = tpu.memref_slice %dma_start3A_58[%mul3A_54, %dma_start3A_59] : memref<10240x128xf32, #tpu.memory_space<hbm>> -> memref<640x128xf32, #tpu.memory_space<hbm>>
        %dma_start3A_61 = arith.constant 0 : i32
        %dma_start3A_62 = tpu.memref_slice %arg6[%mul3A_52, %dma_start3A_61] : memref<10240x128xf32, #tpu.memory_space<vmem_shared>> -> memref<640x128xf32, #tpu.memory_space<vmem_shared>>
        tpu.enqueue_dma source(%dma_start3A_62 : memref<640x128xf32, #tpu.memory_space<vmem_shared>>) target(%dma_start3A_60 : memref<640x128xf32, #tpu.memory_space<hbm>>) target_semaphore(%run_scoped3A_55 : memref<!tpu.dma_semaphore, #tpu.memory_space<semaphore_mem>>)
        %dma_wait3A = arith.constant 0 : i32
        %dma_wait3A_63 = arith.constant 0 : i32
        %dma_wait3A_64 = tpu.memref_slice %arg5[%run_scoped3A, %dma_wait3A, %dma_wait3A_63] : memref<4x10240x128xf32, #tpu.memory_space<hbm>> -> memref<1x10240x128xf32, #tpu.memory_space<hbm>>
        %dma_wait3A_65 = tpu.memref_squeeze %dma_wait3A_64 : memref<1x10240x128xf32, #tpu.memory_space<hbm>> -> memref<10240x128xf32, #tpu.memory_space<hbm>>
        %dma_wait3A_66 = arith.constant 0 : i32
        %dma_wait3A_67 = tpu.memref_slice %dma_wait3A_65[%mul3A_54, %dma_wait3A_66] : memref<10240x128xf32, #tpu.memory_space<hbm>> -> memref<640x128xf32, #tpu.memory_space<hbm>>
        %dma_wait3A_68 = arith.constant 0 : i32
        %dma_wait3A_69 = tpu.memref_slice %arg6[%mul3A_52, %dma_wait3A_68] : memref<10240x128xf32, #tpu.memory_space<vmem_shared>> -> memref<640x128xf32, #tpu.memory_space<vmem_shared>>
        tpu.wait_dma2 semaphore(%run_scoped3A_55 : memref<!tpu.dma_semaphore, #tpu.memory_space<semaphore_mem>>) src(%dma_wait3A_69 : memref<640x128xf32, #tpu.memory_space<vmem_shared>>) dst(%dma_wait3A_67 : memref<640x128xf32, #tpu.memory_space<hbm>>)
        tpu.yield
      }) : () -> ()
    } else {
    }
    %barrier3A_37 = arith.constant 0 : index
    tpu.barrier barrier_id(%barrier3A_37)
    %eq3A_38 = arith.constant 1 : i32
    %eq3A_39 = arith.cmpi eq, %arg0, %eq3A_38 : i32
    %convert_element_type3A_40 = arith.extui %eq3A_39 : i1 to i32
    %cond3A_41 = arith.constant 0 : i32
    %cond3A_42 = arith.cmpi ne, %convert_element_type3A_40, %cond3A_41 : i32
    scf.if %cond3A_42 {
      %broadcast_in_dim3A = arith.constant 0.000000e+00 : f32
      %broadcast_in_dim3A_52 = vector.broadcast %broadcast_in_dim3A : f32 to vector<16xf32>
      %scan3A = arith.constant 0 : i32
      %scan3A_53 = arith.constant 0 : i32
      %scan3A_54 = arith.constant 128 : i32
      %scan3A_55 = arith.addi %scan3A_53, %scan3A_54 : i32
      %scan3A_56 = arith.constant 1 : i32
      %scan3A_57 = scf.for %scan3A_77 = %scan3A_53 to %scan3A_55 step %scan3A_56 iter_args(%scan3A_78 = %scan3A) -> (i32)  : i32 {
        %swap3A = arith.index_cast %scan3A_77 : i32 to index
        %swap3A_79 = arith.constant 0 : index
        %swap3A_80 = tpu.vector_load %arg9[%swap3A, %swap3A_79] {strides = array<i32>} : memref<128x128xf32, #tpu.memory_space<vmem>>, vector<1x16xf32>,
        %swap3A_81 = vector.shape_cast %swap3A_80 : vector<1x16xf32> to vector<16xf32>
        %swap3A_82 = vector.shape_cast %broadcast_in_dim3A_52 : vector<16xf32> to vector<1x16xf32>
        tpu.vector_store %arg9[%swap3A, %swap3A_79], %swap3A_82 {strides = array<i32>} : memref<128x128xf32, #tpu.memory_space<vmem>>, vector<1x16xf32>,
        %swap3A_83 = arith.index_cast %scan3A_77 : i32 to index
        %swap3A_84 = arith.constant 16 : index
        %swap3A_85 = tpu.vector_load %arg9[%swap3A_83, %swap3A_84] {strides = array<i32>} : memref<128x128xf32, #tpu.memory_space<vmem>>, vector<1x16xf32>,
        %swap3A_86 = vector.shape_cast %swap3A_85 : vector<1x16xf32> to vector<16xf32>
        %swap3A_87 = vector.shape_cast %broadcast_in_dim3A_52 : vector<16xf32> to vector<1x16xf32>
        tpu.vector_store %arg9[%swap3A_83, %swap3A_84], %swap3A_87 {strides = array<i32>} : memref<128x128xf32, #tpu.memory_space<vmem>>, vector<1x16xf32>,
        %swap3A_88 = arith.index_cast %scan3A_77 : i32 to index
        %swap3A_89 = arith.constant 32 : index
        %swap3A_90 = tpu.vector_load %arg9[%swap3A_88, %swap3A_89] {strides = array<i32>} : memref<128x128xf32, #tpu.memory_space<vmem>>, vector<1x16xf32>,
        %swap3A_91 = vector.shape_cast %swap3A_90 : vector<1x16xf32> to vector<16xf32>
        %swap3A_92 = vector.shape_cast %broadcast_in_dim3A_52 : vector<16xf32> to vector<1x16xf32>
        tpu.vector_store %arg9[%swap3A_88, %swap3A_89], %swap3A_92 {strides = array<i32>} : memref<128x128xf32, #tpu.memory_space<vmem>>, vector<1x16xf32>,
        %swap3A_93 = arith.index_cast %scan3A_77 : i32 to index
        %swap3A_94 = arith.constant 48 : index
        %swap3A_95 = tpu.vector_load %arg9[%swap3A_93, %swap3A_94] {strides = array<i32>} : memref<128x128xf32, #tpu.memory_space<vmem>>, vector<1x16xf32>,
        %swap3A_96 = vector.shape_cast %swap3A_95 : vector<1x16xf32> to vector<16xf32>
        %swap3A_97 = vector.shape_cast %broadcast_in_dim3A_52 : vector<16xf32> to vector<1x16xf32>
        tpu.vector_store %arg9[%swap3A_93, %swap3A_94], %swap3A_97 {strides = array<i32>} : memref<128x128xf32, #tpu.memory_space<vmem>>, vector<1x16xf32>,
        %swap3A_98 = arith.index_cast %scan3A_77 : i32 to index
        %swap3A_99 = arith.constant 64 : index
        %swap3A_100 = tpu.vector_load %arg9[%swap3A_98, %swap3A_99] {strides = array<i32>} : memref<128x128xf32, #tpu.memory_space<vmem>>, vector<1x16xf32>,
        %swap3A_101 = vector.shape_cast %swap3A_100 : vector<1x16xf32> to vector<16xf32>
        %swap3A_102 = vector.shape_cast %broadcast_in_dim3A_52 : vector<16xf32> to vector<1x16xf32>
        tpu.vector_store %arg9[%swap3A_98, %swap3A_99], %swap3A_102 {strides = array<i32>} : memref<128x128xf32, #tpu.memory_space<vmem>>, vector<1x16xf32>,
        %swap3A_103 = arith.index_cast %scan3A_77 : i32 to index
        %swap3A_104 = arith.constant 80 : index
        %swap3A_105 = tpu.vector_load %arg9[%swap3A_103, %swap3A_104] {strides = array<i32>} : memref<128x128xf32, #tpu.memory_space<vmem>>, vector<1x16xf32>,
        %swap3A_106 = vector.shape_cast %swap3A_105 : vector<1x16xf32> to vector<16xf32>
        %swap3A_107 = vector.shape_cast %broadcast_in_dim3A_52 : vector<16xf32> to vector<1x16xf32>
        tpu.vector_store %arg9[%swap3A_103, %swap3A_104], %swap3A_107 {strides = array<i32>} : memref<128x128xf32, #tpu.memory_space<vmem>>, vector<1x16xf32>,
        %swap3A_108 = arith.index_cast %scan3A_77 : i32 to index
        %swap3A_109 = arith.constant 96 : index
        %swap3A_110 = tpu.vector_load %arg9[%swap3A_108, %swap3A_109] {strides = array<i32>} : memref<128x128xf32, #tpu.memory_space<vmem>>, vector<1x16xf32>,
        %swap3A_111 = vector.shape_cast %swap3A_110 : vector<1x16xf32> to vector<16xf32>
        %swap3A_112 = vector.shape_cast %broadcast_in_dim3A_52 : vector<16xf32> to vector<1x16xf32>
        tpu.vector_store %arg9[%swap3A_108, %swap3A_109], %swap3A_112 {strides = array<i32>} : memref<128x128xf32, #tpu.memory_space<vmem>>, vector<1x16xf32>,
        %swap3A_113 = arith.index_cast %scan3A_77 : i32 to index
        %swap3A_114 = arith.constant 112 : index
        %swap3A_115 = tpu.vector_load %arg9[%swap3A_113, %swap3A_114] {strides = array<i32>} : memref<128x128xf32, #tpu.memory_space<vmem>>, vector<1x16xf32>,
        %swap3A_116 = vector.shape_cast %swap3A_115 : vector<1x16xf32> to vector<16xf32>
        %swap3A_117 = vector.shape_cast %broadcast_in_dim3A_52 : vector<16xf32> to vector<1x16xf32>
        tpu.vector_store %arg9[%swap3A_113, %swap3A_114], %swap3A_117 {strides = array<i32>} : memref<128x128xf32, #tpu.memory_space<vmem>>, vector<1x16xf32>,
        %scan3A_118 = arith.constant 0 : i32
        scf.yield %scan3A_118 : i32
      }
      %scan3A_58 = arith.constant 128 : i32
      %mul3A = arith.constant 640 : i32
      %mul3A_59 = arith.muli %arg1, %mul3A : i32
      %add3A = arith.constant 0 : i32
      %add3A_60 = arith.addi %mul3A_59, %add3A : i32
      "tpu.region"() ({
        %run_scoped3A = tpu.sem_alloc : memref<!tpu.dma_semaphore, #tpu.memory_space<semaphore_mem>>
        %dma_start3A = arith.constant 0 : i32
        %dma_start3A_77 = tpu.memref_slice %arg6[%add3A_60, %dma_start3A] : memref<10240x128xf32, #tpu.memory_space<vmem_shared>> -> memref<128x128xf32, #tpu.memory_space<vmem_shared>>
        %dma_start3A_78 = arith.constant 0 : i32
        %dma_start3A_79 = tpu.memref_slice %arg6[%add3A_60, %dma_start3A_78] : memref<10240x128xf32, #tpu.memory_space<vmem_shared>> -> memref<128x128xf32, #tpu.memory_space<vmem_shared>>
        tpu.enqueue_dma source(%arg9 : memref<128x128xf32, #tpu.memory_space<vmem>>) target(%dma_start3A_79 : memref<128x128xf32, #tpu.memory_space<vmem_shared>>) target_semaphore(%run_scoped3A : memref<!tpu.dma_semaphore, #tpu.memory_space<semaphore_mem>>)
        %dma_wait3A = arith.constant 0 : i32
        %dma_wait3A_80 = tpu.memref_slice %arg6[%add3A_60, %dma_wait3A] : memref<10240x128xf32, #tpu.memory_space<vmem_shared>> -> memref<128x128xf32, #tpu.memory_space<vmem_shared>>
        %dma_wait3A_81 = arith.constant 0 : i32
        %dma_wait3A_82 = tpu.memref_slice %arg6[%add3A_60, %dma_wait3A_81] : memref<10240x128xf32, #tpu.memory_space<vmem_shared>> -> memref<128x128xf32, #tpu.memory_space<vmem_shared>>
        tpu.wait_dma2 semaphore(%run_scoped3A : memref<!tpu.dma_semaphore, #tpu.memory_space<semaphore_mem>>) src(%arg9 : memref<128x128xf32, #tpu.memory_space<vmem>>) dst(%dma_wait3A_82 : memref<128x128xf32, #tpu.memory_space<vmem_shared>>)
        tpu.yield
      }) : () -> ()
      %mul3A_61 = arith.constant 640 : i32
      %mul3A_62 = arith.muli %arg1, %mul3A_61 : i32
      %add3A_63 = arith.constant 128 : i32
      %add3A_64 = arith.addi %mul3A_62, %add3A_63 : i32
      "tpu.region"() ({
        %run_scoped3A = tpu.sem_alloc : memref<!tpu.dma_semaphore, #tpu.memory_space<semaphore_mem>>
        %dma_start3A = arith.constant 0 : i32
        %dma_start3A_77 = tpu.memref_slice %arg6[%add3A_64, %dma_start3A] : memref<10240x128xf32, #tpu.memory_space<vmem_shared>> -> memref<128x128xf32, #tpu.memory_space<vmem_shared>>
        %dma_start3A_78 = arith.constant 0 : i32
        %dma_start3A_79 = tpu.memref_slice %arg6[%add3A_64, %dma_start3A_78] : memref<10240x128xf32, #tpu.memory_space<vmem_shared>> -> memref<128x128xf32, #tpu.memory_space<vmem_shared>>
        tpu.enqueue_dma source(%arg9 : memref<128x128xf32, #tpu.memory_space<vmem>>) target(%dma_start3A_79 : memref<128x128xf32, #tpu.memory_space<vmem_shared>>) target_semaphore(%run_scoped3A : memref<!tpu.dma_semaphore, #tpu.memory_space<semaphore_mem>>)
        %dma_wait3A = arith.constant 0 : i32
        %dma_wait3A_80 = tpu.memref_slice %arg6[%add3A_64, %dma_wait3A] : memref<10240x128xf32, #tpu.memory_space<vmem_shared>> -> memref<128x128xf32, #tpu.memory_space<vmem_shared>>
        %dma_wait3A_81 = arith.constant 0 : i32
        %dma_wait3A_82 = tpu.memref_slice %arg6[%add3A_64, %dma_wait3A_81] : memref<10240x128xf32, #tpu.memory_space<vmem_shared>> -> memref<128x128xf32, #tpu.memory_space<vmem_shared>>
        tpu.wait_dma2 semaphore(%run_scoped3A : memref<!tpu.dma_semaphore, #tpu.memory_space<semaphore_mem>>) src(%arg9 : memref<128x128xf32, #tpu.memory_space<vmem>>) dst(%dma_wait3A_82 : memref<128x128xf32, #tpu.memory_space<vmem_shared>>)
        tpu.yield
      }) : () -> ()
      %mul3A_65 = arith.constant 640 : i32
      %mul3A_66 = arith.muli %arg1, %mul3A_65 : i32
      %add3A_67 = arith.constant 256 : i32
      %add3A_68 = arith.addi %mul3A_66, %add3A_67 : i32
      "tpu.region"() ({
        %run_scoped3A = tpu.sem_alloc : memref<!tpu.dma_semaphore, #tpu.memory_space<semaphore_mem>>
        %dma_start3A = arith.constant 0 : i32
        %dma_start3A_77 = tpu.memref_slice %arg6[%add3A_68, %dma_start3A] : memref<10240x128xf32, #tpu.memory_space<vmem_shared>> -> memref<128x128xf32, #tpu.memory_space<vmem_shared>>
        %dma_start3A_78 = arith.constant 0 : i32
        %dma_start3A_79 = tpu.memref_slice %arg6[%add3A_68, %dma_start3A_78] : memref<10240x128xf32, #tpu.memory_space<vmem_shared>> -> memref<128x128xf32, #tpu.memory_space<vmem_shared>>
        tpu.enqueue_dma source(%arg9 : memref<128x128xf32, #tpu.memory_space<vmem>>) target(%dma_start3A_79 : memref<128x128xf32, #tpu.memory_space<vmem_shared>>) target_semaphore(%run_scoped3A : memref<!tpu.dma_semaphore, #tpu.memory_space<semaphore_mem>>)
        %dma_wait3A = arith.constant 0 : i32
        %dma_wait3A_80 = tpu.memref_slice %arg6[%add3A_68, %dma_wait3A] : memref<10240x128xf32, #tpu.memory_space<vmem_shared>> -> memref<128x128xf32, #tpu.memory_space<vmem_shared>>
        %dma_wait3A_81 = arith.constant 0 : i32
        %dma_wait3A_82 = tpu.memref_slice %arg6[%add3A_68, %dma_wait3A_81] : memref<10240x128xf32, #tpu.memory_space<vmem_shared>> -> memref<128x128xf32, #tpu.memory_space<vmem_shared>>
        tpu.wait_dma2 semaphore(%run_scoped3A : memref<!tpu.dma_semaphore, #tpu.memory_space<semaphore_mem>>) src(%arg9 : memref<128x128xf32, #tpu.memory_space<vmem>>) dst(%dma_wait3A_82 : memref<128x128xf32, #tpu.memory_space<vmem_shared>>)
        tpu.yield
      }) : () -> ()
      %mul3A_69 = arith.constant 640 : i32
      %mul3A_70 = arith.muli %arg1, %mul3A_69 : i32
      %add3A_71 = arith.constant 384 : i32
      %add3A_72 = arith.addi %mul3A_70, %add3A_71 : i32
      "tpu.region"() ({
        %run_scoped3A = tpu.sem_alloc : memref<!tpu.dma_semaphore, #tpu.memory_space<semaphore_mem>>
        %dma_start3A = arith.constant 0 : i32
        %dma_start3A_77 = tpu.memref_slice %arg6[%add3A_72, %dma_start3A] : memref<10240x128xf32, #tpu.memory_space<vmem_shared>> -> memref<128x128xf32, #tpu.memory_space<vmem_shared>>
        %dma_start3A_78 = arith.constant 0 : i32
        %dma_start3A_79 = tpu.memref_slice %arg6[%add3A_72, %dma_start3A_78] : memref<10240x128xf32, #tpu.memory_space<vmem_shared>> -> memref<128x128xf32, #tpu.memory_space<vmem_shared>>
        tpu.enqueue_dma source(%arg9 : memref<128x128xf32, #tpu.memory_space<vmem>>) target(%dma_start3A_79 : memref<128x128xf32, #tpu.memory_space<vmem_shared>>) target_semaphore(%run_scoped3A : memref<!tpu.dma_semaphore, #tpu.memory_space<semaphore_mem>>)
        %dma_wait3A = arith.constant 0 : i32
        %dma_wait3A_80 = tpu.memref_slice %arg6[%add3A_72, %dma_wait3A] : memref<10240x128xf32, #tpu.memory_space<vmem_shared>> -> memref<128x128xf32, #tpu.memory_space<vmem_shared>>
        %dma_wait3A_81 = arith.constant 0 : i32
        %dma_wait3A_82 = tpu.memref_slice %arg6[%add3A_72, %dma_wait3A_81] : memref<10240x128xf32, #tpu.memory_space<vmem_shared>> -> memref<128x128xf32, #tpu.memory_space<vmem_shared>>
        tpu.wait_dma2 semaphore(%run_scoped3A : memref<!tpu.dma_semaphore, #tpu.memory_space<semaphore_mem>>) src(%arg9 : memref<128x128xf32, #tpu.memory_space<vmem>>) dst(%dma_wait3A_82 : memref<128x128xf32, #tpu.memory_space<vmem_shared>>)
        tpu.yield
      }) : () -> ()
      %mul3A_73 = arith.constant 640 : i32
      %mul3A_74 = arith.muli %arg1, %mul3A_73 : i32
      %add3A_75 = arith.constant 512 : i32
      %add3A_76 = arith.addi %mul3A_74, %add3A_75 : i32
      "tpu.region"() ({
        %run_scoped3A = tpu.sem_alloc : memref<!tpu.dma_semaphore, #tpu.memory_space<semaphore_mem>>
        %dma_start3A = arith.constant 0 : i32
        %dma_start3A_77 = tpu.memref_slice %arg6[%add3A_76, %dma_start3A] : memref<10240x128xf32, #tpu.memory_space<vmem_shared>> -> memref<128x128xf32, #tpu.memory_space<vmem_shared>>
        %dma_start3A_78 = arith.constant 0 : i32
        %dma_start3A_79 = tpu.memref_slice %arg6[%add3A_76, %dma_start3A_78] : memref<10240x128xf32, #tpu.memory_space<vmem_shared>> -> memref<128x128xf32, #tpu.memory_space<vmem_shared>>
        tpu.enqueue_dma source(%arg9 : memref<128x128xf32, #tpu.memory_space<vmem>>) target(%dma_start3A_79 : memref<128x128xf32, #tpu.memory_space<vmem_shared>>) target_semaphore(%run_scoped3A : memref<!tpu.dma_semaphore, #tpu.memory_space<semaphore_mem>>)
        %dma_wait3A = arith.constant 0 : i32
        %dma_wait3A_80 = tpu.memref_slice %arg6[%add3A_76, %dma_wait3A] : memref<10240x128xf32, #tpu.memory_space<vmem_shared>> -> memref<128x128xf32, #tpu.memory_space<vmem_shared>>
        %dma_wait3A_81 = arith.constant 0 : i32
        %dma_wait3A_82 = tpu.memref_slice %arg6[%add3A_76, %dma_wait3A_81] : memref<10240x128xf32, #tpu.memory_space<vmem_shared>> -> memref<128x128xf32, #tpu.memory_space<vmem_shared>>
        tpu.wait_dma2 semaphore(%run_scoped3A : memref<!tpu.dma_semaphore, #tpu.memory_space<semaphore_mem>>) src(%arg9 : memref<128x128xf32, #tpu.memory_space<vmem>>) dst(%dma_wait3A_82 : memref<128x128xf32, #tpu.memory_space<vmem_shared>>)
        tpu.yield
      }) : () -> ()
    } else {
    }
    %barrier3A_43 = arith.constant 0 : index
    tpu.barrier barrier_id(%barrier3A_43)
    %convert_element_type3A_44 = arith.extui %eq3A_39 : i1 to i32
    %cond3A_45 = arith.constant 0 : i32
    %cond3A_46 = arith.cmpi ne, %convert_element_type3A_44, %cond3A_45 : i32
    scf.if %cond3A_46 {
      %scan3A = arith.constant 3 : i32
      %scan3A_52 = arith.constant 0 : i32
      %scan3A_53 = arith.constant 0 : i32
      %scan3A_54 = arith.constant 79 : i32
      %scan3A_55 = arith.addi %scan3A_53, %scan3A_54 : i32
      %scan3A_56 = arith.constant 1 : i32
      %scan3A_57 = scf.for %scan3A_59 = %scan3A_53 to %scan3A_55 step %scan3A_56 iter_args(%scan3A_60 = %scan3A_52) -> (i32)  : i32 {
        %dma_start3A = arith.constant 0 : i32
        %dma_start3A_61 = tpu.memref_slice %arg7[%scan3A_59, %dma_start3A] : memref<79x128xi32, #tpu.memory_space<vmem>> -> memref<1x128xi32, #tpu.memory_space<vmem>>
        %dma_start3A_62 = tpu.memref_squeeze %dma_start3A_61 : memref<1x128xi32, #tpu.memory_space<vmem>> -> memref<128xi32, #tpu.memory_space<vmem>>
        %dma_start3A_63 = arith.constant 0 : i32
        %dma_start3A_64 = arith.constant 0 : i32
        %dma_start3A_65 = tpu.memref_slice %arg2[%scan3A, %dma_start3A_63, %dma_start3A_64] : memref<4x10240x128xf32, #tpu.memory_space<hbm>> -> memref<1x10240x128xf32, #tpu.memory_space<hbm>>
        %dma_start3A_66 = tpu.memref_squeeze %dma_start3A_65 : memref<1x10240x128xf32, #tpu.memory_space<hbm>> -> memref<10240x128xf32, #tpu.memory_space<hbm>>
        %dma_start3A_67 = arith.constant 0 : i32
        %dma_start3A_68 = arith.constant 0 : i32
        %dma_start3A_69 = tpu.memref_slice %dma_start3A_66[%dma_start3A_67, %dma_start3A_68] : memref<10240x128xf32, #tpu.memory_space<hbm>> -> memref<10240x128xf32, #tpu.memory_space<hbm>>
        tpu.enqueue_indirect_dma source(%dma_start3A_69 : memref<10240x128xf32, #tpu.memory_space<hbm>>) target(%arg9 : memref<128x128xf32, #tpu.memory_space<vmem>>) offsets(%dma_start3A_62 : memref<128xi32, #tpu.memory_space<vmem>>) semaphore(%arg10 : memref<!tpu.dma_semaphore, #tpu.memory_space<semaphore_mem>>)
        %dma_wait3A = arith.constant 0 : i32
        %dma_wait3A_70 = tpu.memref_slice %arg7[%scan3A_59, %dma_wait3A] : memref<79x128xi32, #tpu.memory_space<vmem>> -> memref<1x128xi32, #tpu.memory_space<vmem>>
        %dma_wait3A_71 = tpu.memref_squeeze %dma_wait3A_70 : memref<1x128xi32, #tpu.memory_space<vmem>> -> memref<128xi32, #tpu.memory_space<vmem>>
        %dma_wait3A_72 = arith.constant 0 : i32
        %dma_wait3A_73 = arith.constant 0 : i32
        %dma_wait3A_74 = tpu.memref_slice %arg2[%scan3A, %dma_wait3A_72, %dma_wait3A_73] : memref<4x10240x128xf32, #tpu.memory_space<hbm>> -> memref<1x10240x128xf32, #tpu.memory_space<hbm>>
        %dma_wait3A_75 = tpu.memref_squeeze %dma_wait3A_74 : memref<1x10240x128xf32, #tpu.memory_space<hbm>> -> memref<10240x128xf32, #tpu.memory_space<hbm>>
        %dma_wait3A_76 = arith.constant 0 : i32
        %dma_wait3A_77 = arith.constant 0 : i32
        %dma_wait3A_78 = tpu.memref_slice %dma_wait3A_75[%dma_wait3A_76, %dma_wait3A_77] : memref<10240x128xf32, #tpu.memory_space<hbm>> -> memref<10240x128xf32, #tpu.memory_space<hbm>>
        tpu.wait_indirect_dma semaphore(%arg10 : memref<!tpu.dma_semaphore, #tpu.memory_space<semaphore_mem>>) src(%dma_wait3A_78 : memref<10240x128xf32, #tpu.memory_space<hbm>>) dst(%arg9 : memref<128x128xf32, #tpu.memory_space<vmem>>)
        "tpu.region"() ({
          %run_scoped3A = tpu.sem_alloc : memref<!tpu.dma_semaphore, #tpu.memory_space<semaphore_mem>>
          %dma_start3A_80 = arith.constant 0 : i32
          %dma_start3A_81 = tpu.memref_slice %arg8[%scan3A_59, %dma_start3A_80] : memref<79x128xi32, #tpu.memory_space<vmem>> -> memref<1x128xi32, #tpu.memory_space<vmem>>
          %dma_start3A_82 = tpu.memref_squeeze %dma_start3A_81 : memref<1x128xi32, #tpu.memory_space<vmem>> -> memref<128xi32, #tpu.memory_space<vmem>>
          %dma_start3A_83 = arith.constant 0 : i32
          %dma_start3A_84 = arith.constant 0 : i32
          %dma_start3A_85 = tpu.memref_slice %arg6[%dma_start3A_83, %dma_start3A_84] : memref<10240x128xf32, #tpu.memory_space<vmem_shared>> -> memref<10240x128xf32, #tpu.memory_space<vmem_shared>>
          tpu.enqueue_indirect_dma source(%arg9 : memref<128x128xf32, #tpu.memory_space<vmem>>) target(%dma_start3A_85 : memref<10240x128xf32, #tpu.memory_space<vmem_shared>>) offsets(%dma_start3A_82 : memref<128xi32, #tpu.memory_space<vmem>>) semaphore(%run_scoped3A : memref<!tpu.dma_semaphore, #tpu.memory_space<semaphore_mem>>) {add = true}
          %dma_wait3A_86 = arith.constant 0 : i32
          %dma_wait3A_87 = tpu.memref_slice %arg8[%scan3A_59, %dma_wait3A_86] : memref<79x128xi32, #tpu.memory_space<vmem>> -> memref<1x128xi32, #tpu.memory_space<vmem>>
          %dma_wait3A_88 = tpu.memref_squeeze %dma_wait3A_87 : memref<1x128xi32, #tpu.memory_space<vmem>> -> memref<128xi32, #tpu.memory_space<vmem>>
          %dma_wait3A_89 = arith.constant 0 : i32
          %dma_wait3A_90 = arith.constant 0 : i32
          %dma_wait3A_91 = tpu.memref_slice %arg6[%dma_wait3A_89, %dma_wait3A_90] : memref<10240x128xf32, #tpu.memory_space<vmem_shared>> -> memref<10240x128xf32, #tpu.memory_space<vmem_shared>>
          tpu.wait_indirect_dma semaphore(%run_scoped3A : memref<!tpu.dma_semaphore, #tpu.memory_space<semaphore_mem>>) src(%arg9 : memref<128x128xf32, #tpu.memory_space<vmem>>) dst(%dma_wait3A_91 : memref<10240x128xf32, #tpu.memory_space<vmem_shared>>)
          tpu.yield
        }) : () -> ()
        %scan3A_79 = arith.constant 0 : i32
        scf.yield %scan3A_79 : i32
      }
      %scan3A_58 = arith.constant 79 : i32
    } else {
    }
    %barrier3A_47 = arith.constant 0 : index
    tpu.barrier barrier_id(%barrier3A_47)
    %convert_element_type3A_48 = arith.extui %eq3A_39 : i1 to i32
    %cond3A_49 = arith.constant 0 : i32
    %cond3A_50 = arith.cmpi ne, %convert_element_type3A_48, %cond3A_49 : i32
    scf.if %cond3A_50 {
      %mul3A = arith.constant 640 : i32
      %mul3A_52 = arith.muli %arg1, %mul3A : i32
      %mul3A_53 = arith.constant 640 : i32
      %mul3A_54 = arith.muli %arg1, %mul3A_53 : i32
      %run_scoped3A = arith.constant 3 : i32
      "tpu.region"() ({
        %run_scoped3A_55 = tpu.sem_alloc : memref<!tpu.dma_semaphore, #tpu.memory_space<semaphore_mem>>
        %dma_start3A = arith.constant 0 : i32
        %dma_start3A_56 = arith.constant 0 : i32
        %dma_start3A_57 = tpu.memref_slice %arg5[%run_scoped3A, %dma_start3A, %dma_start3A_56] : memref<4x10240x128xf32, #tpu.memory_space<hbm>> -> memref<1x10240x128xf32, #tpu.memory_space<hbm>>
        %dma_start3A_58 = tpu.memref_squeeze %dma_start3A_57 : memref<1x10240x128xf32, #tpu.memory_space<hbm>> -> memref<10240x128xf32, #tpu.memory_space<hbm>>
        %dma_start3A_59 = arith.constant 0 : i32
        %dma_start3A_60 = tpu.memref_slice %dma_start3A_58[%mul3A_54, %dma_start3A_59] : memref<10240x128xf32, #tpu.memory_space<hbm>> -> memref<640x128xf32, #tpu.memory_space<hbm>>
        %dma_start3A_61 = arith.constant 0 : i32
        %dma_start3A_62 = tpu.memref_slice %arg6[%mul3A_52, %dma_start3A_61] : memref<10240x128xf32, #tpu.memory_space<vmem_shared>> -> memref<640x128xf32, #tpu.memory_space<vmem_shared>>
        tpu.enqueue_dma source(%dma_start3A_62 : memref<640x128xf32, #tpu.memory_space<vmem_shared>>) target(%dma_start3A_60 : memref<640x128xf32, #tpu.memory_space<hbm>>) target_semaphore(%run_scoped3A_55 : memref<!tpu.dma_semaphore, #tpu.memory_space<semaphore_mem>>)
        %dma_wait3A = arith.constant 0 : i32
        %dma_wait3A_63 = arith.constant 0 : i32
        %dma_wait3A_64 = tpu.memref_slice %arg5[%run_scoped3A, %dma_wait3A, %dma_wait3A_63] : memref<4x10240x128xf32, #tpu.memory_space<hbm>> -> memref<1x10240x128xf32, #tpu.memory_space<hbm>>
        %dma_wait3A_65 = tpu.memref_squeeze %dma_wait3A_64 : memref<1x10240x128xf32, #tpu.memory_space<hbm>> -> memref<10240x128xf32, #tpu.memory_space<hbm>>
        %dma_wait3A_66 = arith.constant 0 : i32
        %dma_wait3A_67 = tpu.memref_slice %dma_wait3A_65[%mul3A_54, %dma_wait3A_66] : memref<10240x128xf32, #tpu.memory_space<hbm>> -> memref<640x128xf32, #tpu.memory_space<hbm>>
        %dma_wait3A_68 = arith.constant 0 : i32
        %dma_wait3A_69 = tpu.memref_slice %arg6[%mul3A_52, %dma_wait3A_68] : memref<10240x128xf32, #tpu.memory_space<vmem_shared>> -> memref<640x128xf32, #tpu.memory_space<vmem_shared>>
        tpu.wait_dma2 semaphore(%run_scoped3A_55 : memref<!tpu.dma_semaphore, #tpu.memory_space<semaphore_mem>>) src(%dma_wait3A_69 : memref<640x128xf32, #tpu.memory_space<vmem_shared>>) dst(%dma_wait3A_67 : memref<640x128xf32, #tpu.memory_space<hbm>>)
        tpu.yield
      }) : () -> ()
    } else {
    }
    %barrier3A_51 = arith.constant 0 : index
    tpu.barrier barrier_id(%barrier3A_51)
    return
  }
}

module attributes {stable_mosaic.version = 14 : i64} {
  func.func @_tc_pre_body(%arg0: i32, %arg1: i32, %arg2: memref<1024x256xf32, #tpu.memory_space<vmem>>, %arg3: memref<256x128xf32, #tpu.memory_space<vmem>>, %arg4: memref<1x1x128xf32, #tpu.memory_space<vmem>>, %arg5: memref<1x1024x128xf32, #tpu.memory_space<vmem>>) attributes {dimension_semantics = [#tpu.dimension_semantics<arbitrary>, #tpu.dimension_semantics<arbitrary>], iteration_bounds = array<i64: 4, 10>, scalar_prefetch = 0 : i64, scratch_operands = 0 : i64, tpu.core_type = #tpu.core_type<tc>, window_params = [{transform_indices = @transform_0, window_bounds = array<i64: 1024, 256>}, {transform_indices = @transform_1, window_bounds = array<i64: 256, 128>}, {transform_indices = @transform_2, window_bounds = array<i64: 1, 1, 128>}, {transform_indices = @transform_3, window_bounds = array<i64: 1, 1024, 128>}]} {
    %get3A = arith.constant 0 : index
    %get3A_0 = arith.constant 0 : index
    %get3A_1 = vector.load %arg2[%get3A, %get3A_0] : memref<1024x256xf32, #tpu.memory_space<vmem>>, vector<1024x256xf32>
    %get3A_2 = arith.constant 0 : index
    %get3A_3 = arith.constant 0 : index
    %get3A_4 = vector.load %arg3[%get3A_2, %get3A_3] : memref<256x128xf32, #tpu.memory_space<vmem>>, vector<256x128xf32>
    %dot_general3A = arith.constant dense<0.000000e+00> : vector<1024x128xf32>
    %dot_general3A_5 = tpu.matmul %get3A_1, %get3A_4, %dot_general3A {dimension_numbers = #tpu.dot_dimension_numbers<[1], [0], [0], [1], [0, 0, 1, 1], [], []>, transpose_lhs_hint = false} : vector<1024x256xf32>, vector<256x128xf32>, vector<1024x128xf32> -> vector<1024x128xf32>
    %get3A_6 = arith.constant 0 : index
    %get3A_7 = arith.constant 0 : index
    %get3A_8 = arith.constant 0 : index
    %get3A_9 = vector.load %arg4[%get3A_6, %get3A_7, %get3A_8] : memref<1x1x128xf32, #tpu.memory_space<vmem>>, vector<1x1x128xf32>
    %get3A_10 = vector.shape_cast %get3A_9 : vector<1x1x128xf32> to vector<1x128xf32>
    %add3A = vector.broadcast %get3A_10 : vector<1x128xf32> to vector<1024x128xf32>
    %add3A_11 = arith.addf %dot_general3A_5, %add3A : vector<1024x128xf32>
    %max3A = arith.constant 0.000000e+00 : f32
    %max3A_12 = vector.broadcast %max3A : f32 to vector<1024x128xf32>
    %max3A_13 = arith.maximumf %add3A_11, %max3A_12 : vector<1024x128xf32>
    %swap3A = arith.constant 0 : index
    %swap3A_14 = arith.constant 0 : index
    %swap3A_15 = arith.constant 0 : index
    %swap3A_16 = vector.load %arg5[%swap3A, %swap3A_14, %swap3A_15] : memref<1x1024x128xf32, #tpu.memory_space<vmem>>, vector<1x1024x128xf32>
    %swap3A_17 = vector.shape_cast %swap3A_16 : vector<1x1024x128xf32> to vector<1024x128xf32>
    %swap3A_18 = vector.shape_cast %max3A_13 : vector<1024x128xf32> to vector<1x1024x128xf32>
    tpu.vector_store %arg5[%swap3A, %swap3A_14, %swap3A_15], %swap3A_18 {strides = array<i32>} : memref<1x1024x128xf32, #tpu.memory_space<vmem>>, vector<1x1024x128xf32>,
    return
  }
  func.func @transform_0(%arg0: i32, %arg1: i32) -> (i32, i32) {
    %c0_i32 = arith.constant 0 : i32
    %c0_i32_0 = arith.constant 0 : i32
    return %arg1, %c0_i32 : i32, i32
  }
  func.func @transform_1(%arg0: i32, %arg1: i32) -> (i32, i32) {
    %c0_i32 = arith.constant 0 : i32
    %c0_i32_0 = arith.constant 0 : i32
    return %c0_i32, %arg0 : i32, i32
  }
  func.func @transform_2(%arg0: i32, %arg1: i32) -> (i32, i32, i32) {
    %c0_i32 = arith.constant 0 : i32
    %c0_i32_0 = arith.constant 0 : i32
    %c0_i32_1 = arith.constant 0 : i32
    return %arg0, %c0_i32, %c0_i32_0 : i32, i32, i32
  }
  func.func @transform_3(%arg0: i32, %arg1: i32) -> (i32, i32, i32) {
    %c0_i32 = arith.constant 0 : i32
    %c0_i32_0 = arith.constant 0 : i32
    return %arg0, %arg1, %c0_i32 : i32, i32, i32
  }
}

module attributes {stable_mosaic.version = 14 : i64} {
  func.func @_tc_layer_body(%arg0: i32, %arg1: i32, %arg2: i32, %arg3: memref<1x1024x128xf32, #tpu.memory_space<vmem>>, %arg4: memref<1024x1xf32, #tpu.memory_space<vmem>>, %arg5: memref<1x128x128xf32, #tpu.memory_space<vmem>>, %arg6: memref<1x1x128xf32, #tpu.memory_space<vmem>>, %arg7: memref<1x1024x128xf32, #tpu.memory_space<vmem>>) attributes {dimension_semantics = [#tpu.dimension_semantics<arbitrary>, #tpu.dimension_semantics<arbitrary>, #tpu.dimension_semantics<arbitrary>], iteration_bounds = array<i64: 4, 10, 4>, scalar_prefetch = 0 : i64, scratch_operands = 0 : i64, tpu.core_type = #tpu.core_type<tc>, window_params = [{transform_indices = @transform_0, window_bounds = array<i64: 1, 1024, 128>}, {transform_indices = @transform_1, window_bounds = array<i64: 1024, 1>}, {transform_indices = @transform_2, window_bounds = array<i64: 1, 128, 128>}, {transform_indices = @transform_3, window_bounds = array<i64: 1, 1, 128>}, {transform_indices = @transform_4, window_bounds = array<i64: 1, 1024, 128>}]} {
    %eq3A = arith.constant 0 : i32
    %eq3A_0 = arith.cmpi eq, %arg2, %eq3A : i32
    %convert_element_type3A = arith.extui %eq3A_0 : i1 to i32
    %cond3A = arith.constant 0 : i32
    %cond3A_1 = arith.cmpi ne, %convert_element_type3A, %cond3A : i32
    scf.if %cond3A_1 {
      %broadcast_in_dim3A = arith.constant 0.000000e+00 : f32
      %broadcast_in_dim3A_35 = vector.broadcast %broadcast_in_dim3A : f32 to vector<1x1024x128xf32>
      %swap3A_36 = arith.constant 0 : index
      %swap3A_37 = arith.constant 0 : index
      %swap3A_38 = arith.constant 0 : index
      %swap3A_39 = vector.load %arg7[%swap3A_36, %swap3A_37, %swap3A_38] : memref<1x1024x128xf32, #tpu.memory_space<vmem>>, vector<1x1024x128xf32>
      tpu.vector_store %arg7[%swap3A_36, %swap3A_37, %swap3A_38], %broadcast_in_dim3A_35 {strides = array<i32>} : memref<1x1024x128xf32, #tpu.memory_space<vmem>>, vector<1x1024x128xf32>,
    } else {
    }
    %get3A = arith.constant 0 : index
    %get3A_2 = arith.constant 0 : index
    %get3A_3 = arith.constant 0 : index
    %get3A_4 = vector.load %arg3[%get3A, %get3A_2, %get3A_3] : memref<1x1024x128xf32, #tpu.memory_space<vmem>>, vector<1x1024x128xf32>
    %get3A_5 = vector.shape_cast %get3A_4 : vector<1x1024x128xf32> to vector<1024x128xf32>
    %get3A_6 = arith.constant 0 : index
    %get3A_7 = arith.constant 0 : index
    %get3A_8 = vector.load %arg4[%get3A_6, %get3A_7] : memref<1024x1xf32, #tpu.memory_space<vmem>>, vector<1024x1xf32>
    %max3A = arith.constant 1.000000e+00 : f32
    %max3A_9 = vector.broadcast %max3A : f32 to vector<1024x1xf32>
    %max3A_10 = arith.maximumf %get3A_8, %max3A_9 : vector<1024x1xf32>
    %div3A = arith.constant 1.000000e+00 : f32
    %div3A_11 = vector.broadcast %div3A : f32 to vector<1024x1xf32>
    %div3A_12 = arith.divf %div3A_11, %max3A_10 : vector<1024x1xf32>
    %mul3A = vector.broadcast %div3A_12 : vector<1024x1xf32> to vector<1024x128xf32>
    %mul3A_13 = arith.mulf %get3A_5, %mul3A : vector<1024x128xf32>
    %get3A_14 = arith.constant 0 : index
    %get3A_15 = arith.constant 0 : index
    %get3A_16 = arith.constant 0 : index
    %get3A_17 = vector.load %arg7[%get3A_14, %get3A_15, %get3A_16] : memref<1x1024x128xf32, #tpu.memory_space<vmem>>, vector<1x1024x128xf32>
    %get3A_18 = vector.shape_cast %get3A_17 : vector<1x1024x128xf32> to vector<1024x128xf32>
    %get3A_19 = arith.constant 0 : index
    %get3A_20 = arith.constant 0 : index
    %get3A_21 = arith.constant 0 : index
    %get3A_22 = vector.load %arg5[%get3A_19, %get3A_20, %get3A_21] : memref<1x128x128xf32, #tpu.memory_space<vmem>>, vector<1x128x128xf32>
    %get3A_23 = vector.shape_cast %get3A_22 : vector<1x128x128xf32> to vector<128x128xf32>
    %dot_general3A = arith.constant dense<0.000000e+00> : vector<1024x128xf32>
    %dot_general3A_24 = tpu.matmul %mul3A_13, %get3A_23, %dot_general3A {dimension_numbers = #tpu.dot_dimension_numbers<[1], [0], [0], [1], [0, 0, 1, 1], [], []>, transpose_lhs_hint = false} : vector<1024x128xf32>, vector<128x128xf32>, vector<1024x128xf32> -> vector<1024x128xf32>
    %add3A = arith.addf %get3A_18, %dot_general3A_24 : vector<1024x128xf32>
    %swap3A = arith.constant 0 : index
    %swap3A_25 = arith.constant 0 : index
    %swap3A_26 = arith.constant 0 : index
    %swap3A_27 = vector.load %arg7[%swap3A, %swap3A_25, %swap3A_26] : memref<1x1024x128xf32, #tpu.memory_space<vmem>>, vector<1x1024x128xf32>
    %swap3A_28 = vector.shape_cast %swap3A_27 : vector<1x1024x128xf32> to vector<1024x128xf32>
    %swap3A_29 = vector.shape_cast %add3A : vector<1024x128xf32> to vector<1x1024x128xf32>
    tpu.vector_store %arg7[%swap3A, %swap3A_25, %swap3A_26], %swap3A_29 {strides = array<i32>} : memref<1x1024x128xf32, #tpu.memory_space<vmem>>, vector<1x1024x128xf32>,
    %eq3A_30 = arith.constant 3 : i32
    %eq3A_31 = arith.cmpi eq, %arg2, %eq3A_30 : i32
    %convert_element_type3A_32 = arith.extui %eq3A_31 : i1 to i32
    %cond3A_33 = arith.constant 0 : i32
    %cond3A_34 = arith.cmpi ne, %convert_element_type3A_32, %cond3A_33 : i32
    scf.if %cond3A_34 {
      %get3A_35 = arith.constant 0 : index
      %get3A_36 = arith.constant 0 : index
      %get3A_37 = arith.constant 0 : index
      %get3A_38 = vector.load %arg7[%get3A_35, %get3A_36, %get3A_37] : memref<1x1024x128xf32, #tpu.memory_space<vmem>>, vector<1x1024x128xf32>
      %get3A_39 = vector.shape_cast %get3A_38 : vector<1x1024x128xf32> to vector<1024x128xf32>
      %get3A_40 = arith.constant 0 : index
      %get3A_41 = arith.constant 0 : index
      %get3A_42 = arith.constant 0 : index
      %get3A_43 = vector.load %arg6[%get3A_40, %get3A_41, %get3A_42] : memref<1x1x128xf32, #tpu.memory_space<vmem>>, vector<1x1x128xf32>
      %get3A_44 = vector.shape_cast %get3A_43 : vector<1x1x128xf32> to vector<1x128xf32>
      %add3A_45 = vector.broadcast %get3A_44 : vector<1x128xf32> to vector<1024x128xf32>
      %add3A_46 = arith.addf %get3A_39, %add3A_45 : vector<1024x128xf32>
      %max3A_47 = arith.constant 0.000000e+00 : f32
      %max3A_48 = vector.broadcast %max3A_47 : f32 to vector<1024x128xf32>
      %max3A_49 = arith.maximumf %add3A_46, %max3A_48 : vector<1024x128xf32>
      %swap3A_50 = arith.constant 0 : index
      %swap3A_51 = arith.constant 0 : index
      %swap3A_52 = arith.constant 0 : index
      %swap3A_53 = vector.load %arg7[%swap3A_50, %swap3A_51, %swap3A_52] : memref<1x1024x128xf32, #tpu.memory_space<vmem>>, vector<1x1024x128xf32>
      %swap3A_54 = vector.shape_cast %swap3A_53 : vector<1x1024x128xf32> to vector<1024x128xf32>
      %swap3A_55 = vector.shape_cast %max3A_49 : vector<1024x128xf32> to vector<1x1024x128xf32>
      tpu.vector_store %arg7[%swap3A_50, %swap3A_51, %swap3A_52], %swap3A_55 {strides = array<i32>} : memref<1x1024x128xf32, #tpu.memory_space<vmem>>, vector<1x1024x128xf32>,
    } else {
    }
    return
  }
  func.func @transform_0(%arg0: i32, %arg1: i32, %arg2: i32) -> (i32, i32, i32) {
    %c0_i32 = arith.constant 0 : i32
    %c0_i32_0 = arith.constant 0 : i32
    return %arg2, %arg1, %c0_i32 : i32, i32, i32
  }
  func.func @transform_1(%arg0: i32, %arg1: i32, %arg2: i32) -> (i32, i32) {
    %c0_i32 = arith.constant 0 : i32
    %c0_i32_0 = arith.constant 0 : i32
    return %arg1, %c0_i32 : i32, i32
  }
  func.func @transform_2(%arg0: i32, %arg1: i32, %arg2: i32) -> (i32, i32, i32) {
    %c0_i32 = arith.constant 0 : i32
    %c0_i32_0 = arith.constant 0 : i32
    return %arg2, %c0_i32, %arg0 : i32, i32, i32
  }
  func.func @transform_3(%arg0: i32, %arg1: i32, %arg2: i32) -> (i32, i32, i32) {
    %c0_i32 = arith.constant 0 : i32
    %c0_i32_0 = arith.constant 0 : i32
    %c0_i32_1 = arith.constant 0 : i32
    return %arg0, %c0_i32, %c0_i32_0 : i32, i32, i32
  }
  func.func @transform_4(%arg0: i32, %arg1: i32, %arg2: i32) -> (i32, i32, i32) {
    %c0_i32 = arith.constant 0 : i32
    %c0_i32_0 = arith.constant 0 : i32
    return %arg0, %arg1, %c0_i32 : i32, i32, i32
  }
}

module attributes {stable_mosaic.version = 14 : i64} {
  func.func @_tc_post_body(%arg0: i32, %arg1: i32, %arg2: memref<1x1024x128xf32, #tpu.memory_space<vmem>>, %arg3: memref<1x128x256xf32, #tpu.memory_space<vmem>>, %arg4: memref<1x256xf32, #tpu.memory_space<vmem>>, %arg5: memref<1024x256xf32, #tpu.memory_space<vmem>>) attributes {dimension_semantics = [#tpu.dimension_semantics<arbitrary>, #tpu.dimension_semantics<arbitrary>], iteration_bounds = array<i64: 10, 4>, scalar_prefetch = 0 : i64, scratch_operands = 0 : i64, tpu.core_type = #tpu.core_type<tc>, window_params = [{transform_indices = @transform_0, window_bounds = array<i64: 1, 1024, 128>}, {transform_indices = @transform_1, window_bounds = array<i64: 1, 128, 256>}, {pipeline_mode = #tpu.pipeline_mode<synchronous>, transform_indices = @transform_2, window_bounds = array<i64: 1, 256>}, {transform_indices = @transform_3, window_bounds = array<i64: 1024, 256>}]} {
    %eq3A = arith.constant 0 : i32
    %eq3A_0 = arith.cmpi eq, %arg1, %eq3A : i32
    %convert_element_type3A = arith.extui %eq3A_0 : i1 to i32
    %cond3A = arith.constant 0 : i32
    %cond3A_1 = arith.cmpi ne, %convert_element_type3A, %cond3A : i32
    scf.if %cond3A_1 {
      %broadcast_in_dim3A = arith.constant 0.000000e+00 : f32
      %broadcast_in_dim3A_22 = vector.broadcast %broadcast_in_dim3A : f32 to vector<1024x256xf32>
      %swap3A_23 = arith.constant 0 : index
      %swap3A_24 = arith.constant 0 : index
      %swap3A_25 = vector.load %arg5[%swap3A_23, %swap3A_24] : memref<1024x256xf32, #tpu.memory_space<vmem>>, vector<1024x256xf32>
      tpu.vector_store %arg5[%swap3A_23, %swap3A_24], %broadcast_in_dim3A_22 {strides = array<i32>} : memref<1024x256xf32, #tpu.memory_space<vmem>>, vector<1024x256xf32>,
    } else {
    }
    %get3A = arith.constant 0 : index
    %get3A_2 = arith.constant 0 : index
    %get3A_3 = vector.load %arg5[%get3A, %get3A_2] : memref<1024x256xf32, #tpu.memory_space<vmem>>, vector<1024x256xf32>
    %get3A_4 = arith.constant 0 : index
    %get3A_5 = arith.constant 0 : index
    %get3A_6 = arith.constant 0 : index
    %get3A_7 = vector.load %arg2[%get3A_4, %get3A_5, %get3A_6] : memref<1x1024x128xf32, #tpu.memory_space<vmem>>, vector<1x1024x128xf32>
    %get3A_8 = vector.shape_cast %get3A_7 : vector<1x1024x128xf32> to vector<1024x128xf32>
    %get3A_9 = arith.constant 0 : index
    %get3A_10 = arith.constant 0 : index
    %get3A_11 = arith.constant 0 : index
    %get3A_12 = vector.load %arg3[%get3A_9, %get3A_10, %get3A_11] : memref<1x128x256xf32, #tpu.memory_space<vmem>>, vector<1x128x256xf32>
    %get3A_13 = vector.shape_cast %get3A_12 : vector<1x128x256xf32> to vector<128x256xf32>
    %dot_general3A = arith.constant dense<0.000000e+00> : vector<1024x256xf32>
    %dot_general3A_14 = tpu.matmul %get3A_8, %get3A_13, %dot_general3A {dimension_numbers = #tpu.dot_dimension_numbers<[1], [0], [0], [1], [0, 0, 1, 1], [], []>, transpose_lhs_hint = false} : vector<1024x128xf32>, vector<128x256xf32>, vector<1024x256xf32> -> vector<1024x256xf32>
    %add3A = arith.addf %get3A_3, %dot_general3A_14 : vector<1024x256xf32>
    %swap3A = arith.constant 0 : index
    %swap3A_15 = arith.constant 0 : index
    %swap3A_16 = vector.load %arg5[%swap3A, %swap3A_15] : memref<1024x256xf32, #tpu.memory_space<vmem>>, vector<1024x256xf32>
    tpu.vector_store %arg5[%swap3A, %swap3A_15], %add3A {strides = array<i32>} : memref<1024x256xf32, #tpu.memory_space<vmem>>, vector<1024x256xf32>,
    %eq3A_17 = arith.constant 3 : i32
    %eq3A_18 = arith.cmpi eq, %arg1, %eq3A_17 : i32
    %convert_element_type3A_19 = arith.extui %eq3A_18 : i1 to i32
    %cond3A_20 = arith.constant 0 : i32
    %cond3A_21 = arith.cmpi ne, %convert_element_type3A_19, %cond3A_20 : i32
    scf.if %cond3A_21 {
      %get3A_22 = arith.constant 0 : index
      %get3A_23 = arith.constant 0 : index
      %get3A_24 = vector.load %arg5[%get3A_22, %get3A_23] : memref<1024x256xf32, #tpu.memory_space<vmem>>, vector<1024x256xf32>
      %get3A_25 = arith.constant 0 : index
      %get3A_26 = arith.constant 0 : index
      %get3A_27 = vector.load %arg4[%get3A_25, %get3A_26] : memref<1x256xf32, #tpu.memory_space<vmem>>, vector<1x256xf32>
      %add3A_28 = vector.broadcast %get3A_27 : vector<1x256xf32> to vector<1024x256xf32>
      %add3A_29 = arith.addf %get3A_24, %add3A_28 : vector<1024x256xf32>
      %swap3A_30 = arith.constant 0 : index
      %swap3A_31 = arith.constant 0 : index
      %swap3A_32 = vector.load %arg5[%swap3A_30, %swap3A_31] : memref<1024x256xf32, #tpu.memory_space<vmem>>, vector<1024x256xf32>
      tpu.vector_store %arg5[%swap3A_30, %swap3A_31], %add3A_29 {strides = array<i32>} : memref<1024x256xf32, #tpu.memory_space<vmem>>, vector<1024x256xf32>,
    } else {
    }
    return
  }
  func.func @transform_0(%arg0: i32, %arg1: i32) -> (i32, i32, i32) {
    %c0_i32 = arith.constant 0 : i32
    %c0_i32_0 = arith.constant 0 : i32
    return %arg1, %arg0, %c0_i32 : i32, i32, i32
  }
  func.func @transform_1(%arg0: i32, %arg1: i32) -> (i32, i32, i32) {
    %c0_i32 = arith.constant 0 : i32
    %c0_i32_0 = arith.constant 0 : i32
    %c0_i32_1 = arith.constant 0 : i32
    return %arg1, %c0_i32, %c0_i32_0 : i32, i32, i32
  }
  func.func @transform_2(%arg0: i32, %arg1: i32) -> (i32, i32) {
    %c0_i32 = arith.constant 0 : i32
    %c0_i32_0 = arith.constant 0 : i32
    %c0_i32_1 = arith.constant 0 : i32
    return %c0_i32, %c0_i32_0 : i32, i32
  }
  func.func @transform_3(%arg0: i32, %arg1: i32) -> (i32, i32) {
    %c0_i32 = arith.constant 0 : i32
    %c0_i32_0 = arith.constant 0 : i32
    return %arg0, %c0_i32 : i32, i32
  }
}

</mosaic_0001>

<sc_bundles>
// kernel: kernel.11.cloned.1.call-start
scs
__scs_entry_jumppad:
0x0: {  	(pc) =	sbr.rel $0x88, $3  }
0x1: {  	(tag) =	ssettag $0x0;
	lr =	simm.s32 $0x1  }
0x2: {  	[smem:$0x3F95] =	sst lr;
	_ =	strace $0xD0000000  }
0x3: {  	_ = 	snop  }
0x4: {  	_ = 	snop  }
0x5: {  	_ = 	snop  }
0x6: {  	_ = 	snop  }
0x7: {  	_ = 	snop  }
__scs_overlays_trampoline_lowered:
0x8: {  	[smem:$0x3FA4] =	sst s0  }
0x9: {  	[smem:$0x3FA5] =	sst s1  }
0xa: {  	[smem:$0x3FA6] =	sst s2  }
0xb: {  	[smem:$0x3FA7] =	sst s3  }
0xc: {  	[smem:$0x3FA8] =	sst s4  }
0xd: {  	[smem:$0x3FA9] =	sst s5  }
0xe: {  	[smem:$0x3FAA] =	sst s6  }
0xf: {  	[smem:$0x3FAB] =	sst s7  }
0x10: {  	[smem:$0x3FAC] =	sst s8  }
0x11: {  	[smem:$0x3FAD] =	sst s9;
	s0 =	simm.s32 @!p0 $0x0  }
0x12: {  	s1 =	sld [smem:$0x3F93];
	s0 =	simm.s32 @p0 $0x1  }
0x13: {  	[smem:$0x3FAE] =	sst s0;
	s0 =	simm.s32 @!p1 $0x0  }
0x14: {  	s2 =	sld [smem:$0x3F92];
	s0 =	simm.s32 @p1 $0x1  }
0x15: {  	[smem:$0x3FAF] =	sst s0;
	s0 =	simm.s32 @!p2 $0x0  }
0x16: {  	s3 =	sld [smem:$0x3FDB];
	s0 =	simm.s32 @p2 $0x1  }
0x17: {  	s4 =	simm.s32 $0x1BF5;
	[smem:$0x3FB1] =	sst s0  }
0x18: {  	s0 =	sld [smem:$0x3F94];
	_ =	swait.ge [sflag:s4], $0x0  }
0x19: {  	s7 =	sld [smem:$0x3F95]  }
0x1a: {  	s8 =	sadd.s32 $0xFFFFE003, lr  }
0x1b: {  	s9 =	sadd.s32 $0xFFFFFEF7, lr;
	s5 =	simm.s32 $0xFFFFFFFF;
	p2 =	slt.u32 s8, $0xFFFFF086  }
0x1c: {  	p1 =	slt.u32 s9, $0xF7A;
	s5 =	simm.s32 @!p2 $0x0  }
0x1d: {  	s5 =	simm.s32 @p1 $0x1;
	p0 =	seq.s32 s7, s2  }
0x1e: {  	s7 =	smul.u32 @!p0 $0xF7A, s2;
	p2 =	seq.s32 @!p0 s5, $0x0  }
0x1f: {  	s9 =	smul.u32 $0xF7A, s1;
	s8 =	simm.s32 @!p0 $0x1BF5;
	p2 =	por !p2, p0  }
0x20: {  	[sflag:s8] =	ssyncset.s32 @!p0 $0xFFFFF086;
	s6 =	sadd.s32 @!p0 s3, s7;
	s7 =	simm.s32 @!p0 $0x108  }
0x21: {  	s3 =	sadd.s32 s3, s9;
	s6 =	sadd.s32 @!p0 $0x88, s6;
	s7 =	simm.s32 @p2 $0x1082  }
0x22: {  	[simem:s7], [sflag:s8] =	dma.local @!p0 [hbm:s6], $0xF7A  }
0x23: {  	s9 =	sor.u32 $0xD0000000, s2;
	s6 =	simm.s32 $0x108;
	_ =	swait.ge @!p0 [sflag:s8], $0x0  }
0x24: {  	s3 =	sadd.s32 $0x88, s3;
	s6 =	simm.s32 @!p1 $0x1082;
	[sflag:s4] =	ssyncset.s32 $0xFFFFF086  }
0x25: {  	[simem:s6], [sflag:s4] =	dma.local [hbm:s3], $0xF7A  }
0x26: {  	[smem:$0x3F95] =	sst s1;
	(tag) =	ssettag s2;
	_ =	strace s9  }
0x27: {  	s1 =	sld [smem:$0x3FA5]  }
0x28: {  	s2 =	sld [smem:$0x3FA6]  }
0x29: {  	s4 =	sld [smem:$0x3FA8]  }
0x2a: {  	p0 =	seq.s32 s5, $0x0;
	s5 =	sld [smem:$0x3FA9]  }
0x2b: {  	s6 =	sld [smem:$0x3FAA]  }
0x2c: {  	s7 =	sld [smem:$0x3FAB]  }
0x2d: {  	s3 =	simm.s32 $0x108;
	s8 =	sld [smem:$0x3FAC]  }
0x2e: {  	s3 =	simm.s32 @!p0 $0x1082;
	s9 =	sld [smem:$0x3FAD]  }
0x2f: {  	lr =	sadd.s32 s0, s3;
	s0 =	sld [smem:$0x3FA4]  }
0x30: {  	s3 =	sld [smem:$0x3FA7]  }
0x31: {  	[smem:$0x3FB0] =	sst s10  }
0x32: {  	s10 =	sld [smem:$0x3FAE];
	_ =	sdelay $0x3  }
0x33: {  	p0 =	seq.s32 s10, $0x1;
	s10 =	sld [smem:$0x3FB0];
	_ =	sdelay $0x3  }
0x34: {  	[smem:$0x3FB0] =	sst s10  }
0x35: {  	s10 =	sld [smem:$0x3FAF];
	_ =	sdelay $0x3  }
0x36: {  	p1 =	seq.s32 s10, $0x1;
	s10 =	sld [smem:$0x3FB0];
	_ =	sdelay $0x3  }
0x37: {  	[smem:$0x3FB0] =	sst s10  }
0x38: {  	s10 =	sld [smem:$0x3FB1]  }
0x39: {  	_ = 	snop;
	(pc) =	sbr.ind lr, $3  }
0x3a: {  	_ = 	snop  }
0x3b: {  	_ = 	snop  }
0x3c: {  	p2 =	seq.s32 s10, $0x1;
	s10 =	sld [smem:$0x3FB0]  }
0x3d: {  	_ =	shalt  }
0x3e: {  	_ =	shalt  }
0x3f: {  	_ =	shalt  }
0x40: {  	_ =	shalt  }
0x41: {  	_ =	shalt  }
0x42: {  	_ =	shalt  }
0x43: {  	_ =	shalt  }
0x44: {  	_ =	shalt  }
0x45: {  	_ =	shalt  }
0x46: {  	_ =	shalt  }
0x47: {  	_ =	shalt  }
0x48: {  	_ =	shalt  }
0x49: {  	_ =	shalt  }
0x4a: {  	_ =	shalt  }
0x4b: {  	_ =	shalt  }
0x4c: {  	_ =	shalt  }
0x4d: {  	_ =	shalt  }
0x4e: {  	_ =	shalt  }
0x4f: {  	_ =	shalt  }
0x50: {  	_ =	shalt  }
0x51: {  	_ =	shalt  }
0x52: {  	_ =	shalt  }
0x53: {  	_ =	shalt  }
0x54: {  	_ =	shalt  }
0x55: {  	_ =	shalt  }
0x56: {  	_ =	shalt  }
0x57: {  	_ =	shalt  }
0x58: {  	_ =	shalt  }
0x59: {  	_ =	shalt  }
0x5a: {  	_ =	shalt  }
0x5b: {  	_ =	shalt  }
0x5c: {  	_ =	shalt  }
0x5d: {  	_ =	shalt  }
0x5e: {  	_ =	shalt  }
0x5f: {  	_ =	shalt  }
0x60: {  	_ =	shalt  }
0x61: {  	_ =	shalt  }
0x62: {  	_ =	shalt  }
0x63: {  	_ =	shalt  }
0x64: {  	_ =	shalt  }
0x65: {  	_ =	shalt  }
0x66: {  	_ =	shalt  }
0x67: {  	_ =	shalt  }
0x68: {  	_ =	shalt  }
0x69: {  	_ =	shalt  }
0x6a: {  	_ =	shalt  }
0x6b: {  	_ =	shalt  }
0x6c: {  	_ =	shalt  }
0x6d: {  	_ =	shalt  }
0x6e: {  	_ =	shalt  }
0x6f: {  	_ =	shalt  }
0x70: {  	_ =	shalt  }
0x71: {  	_ =	shalt  }
0x72: {  	_ =	shalt  }
0x73: {  	_ =	shalt  }
0x74: {  	_ =	shalt  }
0x75: {  	_ =	shalt  }
0x76: {  	_ =	shalt  }
0x77: {  	_ =	shalt  }
0x78: {  	_ =	shalt  }
0x79: {  	_ =	shalt  }
0x7a: {  	_ =	shalt  }
0x7b: {  	_ =	shalt  }
0x7c: {  	_ =	shalt  }
0x7d: {  	_ =	shalt  }
0x7e: {  	_ =	shalt  }
0x7f: {  	_ =	shalt  }
0x80: {  	_ =	shalt  }
0x81: {  	_ =	shalt  }
0x82: {  	_ =	shalt  }
0x83: {  	_ =	shalt  }
0x84: {  	_ =	shalt  }
0x85: {  	_ =	shalt  }
0x86: {  	_ =	shalt  }
0x87: {  	_ =	shalt  }
.Lfunc_end0:
.L_simem_size_0:
called_computation_lowered:
.L_overlay_start_0:
0x88: {  	s2 =	sld [smem:$0x3FD9]  }
0x89: {  	s3 =	sld [smem:$0x3FFE];
	_ =	sdelay $0x1  }
0x8a: {  	s1 =	srdreg.scid  }
0x8b: {  	s0 =	sand.u32 $0x1, s1  }
0x8c: {  	s17 =	sshll.u32 s0, $0xA;
	s2 =	sadd.s32 s3, s2  }
0x8d: {  	s2 =	sadd.s32 s2, s17  }
0x8e: {  	[smem:$0x3FBC] =	sst s2  }
0x8f: {  	_ = 	snop  }
0x90: {  	s2 =	sld [smem:$0x3FD0];
	(tm) =	ssettm $0x1  }
0x91: {  	s18 =	sld [smem:$0x3FFB];
	_ =	sdelay $0x3  }
0x92: {  	_ =	strace s18  }
0x93: {  	s3 =	sld [smem:$0x3FFC];
	_ =	sdelay $0x3  }
0x94: {  	_ =	strace s3  }
0x95: {  	s3 =	sld [smem:$0x3FFD];
	_ =	sdelay $0x3  }
0x96: {  	_ =	strace s3  }
0x97: {  	_ =	strace $0x8FFFFFFF  }
0x98: {  	s19 =	sld [smem:$0x3FDB];
	_ =	sdelay $0x1  }
0x99: {  	s4 =	simm.s32 $_scs_section_size  }
0x9a: {  	s5 =	simm.s32 $_size__tile_overlayer_lowered;
	s6 =	simm.s32 $_tile_overlayer_lowered  }
0x9b: {  	s22 =	simm.s32 $0x1BFF;
	s21 =	sshll.u32 s6, $0x1;
	s3 =	sadd.s32 s4, s19  }
0x9c: {  	s7 =	simm.s32 $0x0;
	s20 =	sshll.u32 s5, $0x1;
	s5 =	sadd.s32 s21, s3  }
0x9d: {  	[timem:s7], [sflag:s22] =	dma.local [hbm:s5], s20  }
0x9e: {  	_ =	swait.ge [sflag:s22], s20  }
0x9f: {  	s4 =	ssub.s32 $0x0, s20;
	[sflag:s22] =	ssyncset.done $0x0  }
0xa0: {  	[sflag:s22] =	ssyncadd.s32 s4;
	_ =	sdelay $0x1  }
0xa1: {  	s23 =	simm.s32 $0x1B8B  }
0xa2: {  	_ =	swait.ge [sflag:s23], $0x1  }
0xa3: {  	[sflag:s23] =	ssyncset.done $0x0  }
0xa4: {  	s25 =	simm.s32 $0x1B8E;
	s24 =	sld [smem:$0x3FFE];
	[sflag:s23] =	ssyncadd.s32 $0xFFFFFFFF  }
0xa5: {  	s26 =	simm.s32 $execute0_lowered;
	[smem:$0x3FD2] =	sst s25  }
0xa6: {  	s5 =	sshll.u32 s26, $0x1;
	_ =	strace $0x80000046;
	[dreg:$0x1] =	wrdreg $0xFFFFFFFF  }
0xa7: {  	s28 =	simm.s32 $_size_execute0_lowered;
	s3 =	sadd.s32 s3, s5;
	[dreg:$0x0] =	wrdreg $0x0  }
0xa8: {  	s5 =	sshll.u32 s28, $0x1;
	[dreg:$0x2] =	wrdreg s3  }
0xa9: {  	[dreg:$0x3] =	wrdreg s5  }
0xaa: {  	[dreg:$0x4] =	wrdreg $0xC0  }
0xab: {  	_ =	task [dreg:s7], $0x5FFFF  }
0xac: {  	[dreg:$0x1] =	wrdreg $0xFFFFFFFF  }
0xad: {  	[dreg:$0x0] =	wrdreg $0x60  }
0xae: {  	[dreg:$0x2] =	wrdreg s24  }
0xaf: {  	[dreg:$0x3] =	wrdreg s2  }
0xb0: {  	[dreg:$0x4] =	wrdreg $0x0  }
0xb1: {  	[dreg:$0x5] =	wrdreg $0x9  }
0xb2: {  	_ =	task.clear_ibuf [dreg:s7], $0x6FFFF;
	_ =	strace $0x90000046  }
0xb3: {  	s29 =	simm.s32 $0x9;
	_ =	strace $0x80000048  }
0xb4: {  	_ =	swait.ge [sflag:s29], $0x1  }
0xb5: {  	[sflag:s29] =	ssyncadd.s32 $0xFFFFFFFF  }
0xb6: {  	_ =	strace $0x90000048  }
0xb7: {  	_ =	sfence  }
0xb8: {  	s30 =	sld [smem:$0x0];
	_ =	sdelay $0x2  }
0xb9: {  	s31 =	sshll.u32 s1, $0xD;
	s1 =	sshrl.u32 s1, $0x2  }
0xba: {  	s3 =	sand.u32 $0x4000, s31;
	s1 =	sadd.s32 s1, s30  }
0xbb: {  	s0 =	sor.u32 s3, s0;
	s1 =	sshll.u32 s1, $0x11  }
0xbc: {  	s0 =	sor.u32 s1, s0  }
0xbd: {  	s0 =	sadd.s32 $0x8F2B, s0  }
0xbe: {  	[sflag:s0] =	ssyncadd.remote.s32 $0x1  }
0xbf: {  	_ =	sfence.sel $0xFFFF  }
0xc0: {  	[dreg:$0x0] =	wrdreg $0xFFFFFFFF;
	(pc) =	sbr.abs _section_cstart, $3  }
0xc1: {  	[dreg:$0x1] =	wrdreg $0xFFFFFFFF  }
0xc2: {  	_ =	task.clear_ibuf [dreg:s7], $0x2FFFF;
	_ =	strace $0x9FFFFFFF  }
0xc3: {  	(tm) =	ssettm $0x7FFFFFFF  }
tec
execute0_lowered:
.L_overlay_start_1:
0x0: {  	(tag) =	ssettag $0x1  }
0x1: {  	s4 =	rddreg [dreg:$0x0]  }
0x2: {  	s10 =	rddreg [dreg:$0x1]  }
0x3: {  	s2 =	rddreg [dreg:$0x2]  }
0x4: {  	s0 =	rddreg [dreg:$0x3];
	s1 =	stileid.u32  }
0x5: {  	s3 =	simm.s32 $0x0;
	s6 =	srdreg.scid;
	s14 =	simm.s32 $0x18000  }
0x6: {  	s15 =	simm.s32 $0x80;
	s5 =	smul.u32 $0x500, s1;
	[smem:$0x7FF] =	sst s3  }
0x7: {  	s6 =	sand.u32 $0x1, s6;
	s7 =	smul.u32 $0x50000, s1;
	s16 =	sshll.u32 s1, $0x6  }
0x8: {  	_ =	strace $0x80000047;
	s28 =	sshll.u32 s6, $0x4;
	s29 =	ssub.s32 $0x2, s6  }
0x9: {  	s16 =	sor.u32 $0x1C01, s16;
	s9 =	sadd.s32 s5, s4;
	s8 =	sor.u32 s1, s28  }
0xa: {  	s30 =	sshrl.u32 s7, $0x2;
	s31 =	sshrl.u32 s29, $0x1;
	s11 =	smul.u32 $0x28000, s8  }
0xb: {  	s4 =	sadd.s32 s30, s2;
	s12 =	ssub.s32 s29, s31;
	s13 =	smul.u32 $0x1400, s8  }
0xc: {  	s9 =	sadd.s32 $0x2A00, s9;
	s5 =	sadd.s32 $0x4000, s4;
	s6 =	sadd.s32 $0x8000, s4  }
0xd: {  	s7 =	sadd.s32 $0xC000, s4;
	s8 =	sadd.s32 $0x10000, s4;
	s11 =	sshrl.u32 s11, $0x2  }
0xe: {  	s10 =	sadd.s32 s10, s13;
	s13 =	simm.s32 $0x1;
	s17 =	sadd.s32 s11, s2  }
0xf: {  	v0 =	vimm.f32 $0.0e+00;
	v1 =	vimm.f32 $1.000000000e+00;
	s11 =	smax.u32 s12, $0x1;
	s12 =	simm.s32 $0x14000;
	s17 =	sshrl.u32 s17, $0x3  }
.LBB2_1:
0x10: {  	s18 =	simm.s32 $0x0;
	s19 =	simm.s32 $0x200  }
.LBB2_2:
0x11: {  	p0 =	sne.s32 s19, $0xFE00;
	[tilespmem:s18+$0x14070] =	vst v0  }
0x12: {  	[tilespmem:s18+$0x14000] =	vst v0  }
0x13: {  	[tilespmem:s18+$0x14010] =	vst v0  }
.Ltmp0:
0x14: {  	[tilespmem:s18+$0x14020] =	vst v0;
	(pc) =	sbr.rel @p0 .LBB2_2-.Ltmp0, $4  }
0x15: {  	[tilespmem:s18+$0x14030] =	vst v0  }
0x16: {  	[tilespmem:s18+$0x14040] =	vst v0  }
0x17: {  	[tilespmem:s18+$0x14050] =	vst v0  }
0x18: {  	[tilespmem:s18+$0x14060] =	vst v0;
	s18 =	sshra.s32 s19, $0x2;
	s19 =	sadd.s32 $0x200, s19  }
0x19: {  	[tilespmem:s18+$0x14070] =	vst v0  }
0x1a: {  	[tilespmem:s18+$0x14000] =	vst v0  }
0x1b: {  	[tilespmem:s18+$0x14010] =	vst v0  }
0x1c: {  	[tilespmem:s18+$0x14020] =	vst v0  }
0x1d: {  	[tilespmem:s18+$0x14030] =	vst v0  }
0x1e: {  	[tilespmem:s18+$0x14040] =	vst v0  }
0x1f: {  	[tilespmem:s18+$0x14050] =	vst v0  }
0x20: {  	[tilespmem:s18+$0x14060] =	vst v0  }
0x21: {  	[spmem:s4] =	stream.linear.scatter [tilespmem:s12], [sflag:$0x1], $0x4000, $0x38;
	[tilespmem:$0x1A800] =	vst v63  }
0x22: {  	_ =	swait.ge [sflag:s13], $0x4000  }
0x23: {  	[sflag:s13] =	ssyncset.done $0x0  }
0x24: {  	[sflag:s13] =	ssyncadd.s32 $0xFFFFC000  }
0x25: {  	[spmem:s5] =	stream.linear.scatter [tilespmem:s12], [sflag:$0x1], $0x4000, $0x38;
	[tilespmem:$0x1A800] =	vst v63  }
0x26: {  	_ =	swait.ge [sflag:s13], $0x4000  }
0x27: {  	[sflag:s13] =	ssyncset.done $0x0  }
0x28: {  	[sflag:s13] =	ssyncadd.s32 $0xFFFFC000  }
0x29: {  	[spmem:s6] =	stream.linear.scatter [tilespmem:s12], [sflag:$0x1], $0x4000, $0x38;
	[tilespmem:$0x1A800] =	vst v63  }
0x2a: {  	_ =	swait.ge [sflag:s13], $0x4000  }
0x2b: {  	[sflag:s13] =	ssyncset.done $0x0  }
0x2c: {  	[sflag:s13] =	ssyncadd.s32 $0xFFFFC000  }
0x2d: {  	[spmem:s7] =	stream.linear.scatter [tilespmem:s12], [sflag:$0x1], $0x4000, $0x38;
	[tilespmem:$0x1A800] =	vst v63  }
0x2e: {  	_ =	swait.ge [sflag:s13], $0x4000  }
0x2f: {  	[sflag:s13] =	ssyncset.done $0x0  }
0x30: {  	[sflag:s13] =	ssyncadd.s32 $0xFFFFC000  }
0x31: {  	[spmem:s8] =	stream.linear.scatter [tilespmem:s12], [sflag:$0x1], $0x4000, $0x38;
	[tilespmem:$0x1A800] =	vst v63  }
0x32: {  	_ =	swait.ge [sflag:s13], $0x4000  }
0x33: {  	[sflag:s13] =	ssyncset.done $0x0  }
0x34: {  	s18 =	simm.s32 $0x0;
	s19 =	simm.s32 $0x200;
	[sflag:s13] =	ssyncadd.s32 $0xFFFFC000  }
.LBB2_4:
0x35: {  	p0 =	sne.s32 s19, $0xFE00;
	[tilespmem:s18+$0x14070] =	vst v1  }
0x36: {  	[tilespmem:s18+$0x14000] =	vst v1  }
0x37: {  	[tilespmem:s18+$0x14010] =	vst v1  }
.Ltmp1:
0x38: {  	[tilespmem:s18+$0x14020] =	vst v1;
	(pc) =	sbr.rel @p0 .LBB2_4-.Ltmp1, $4  }
0x39: {  	[tilespmem:s18+$0x14030] =	vst v1  }
0x3a: {  	[tilespmem:s18+$0x14040] =	vst v1  }
0x3b: {  	[tilespmem:s18+$0x14050] =	vst v1  }
0x3c: {  	[tilespmem:s18+$0x14060] =	vst v1;
	s18 =	sshra.s32 s19, $0x2;
	s19 =	sadd.s32 $0x200, s19  }
0x3d: {  	[tilespmem:s18+$0x14070] =	vst v1  }
0x3e: {  	[tilespmem:s18+$0x14000] =	vst v1  }
0x3f: {  	[tilespmem:s18+$0x14010] =	vst v1  }
0x40: {  	[tilespmem:s18+$0x14020] =	vst v1  }
0x41: {  	[tilespmem:s18+$0x14030] =	vst v1  }
0x42: {  	[tilespmem:s18+$0x14040] =	vst v1  }
0x43: {  	[tilespmem:s18+$0x14050] =	vst v1  }
0x44: {  	[tilespmem:s18+$0x14060] =	vst v1  }
0x45: {  	s30 =	simm.s32 $0x0;
	[bflag:$0x0] =	sbarrier.arrive $0xFFFF  }
0x46: {  	[tilespmem:s14], [sflag:$0x1] =	stream.linear.gather [hbm4b:s9+s30], $0x2780, $0x38;
	[tilespmem:$0x1A800] =	vst v63  }
0x47: {  	_ =	swait.ge [sflag:s13], $0x2780  }
0x48: {  	[sflag:s13] =	ssyncset.done $0x0  }
0x49: {  	s31 =	simm.s32 $0x18000;
	[sflag:s13] =	ssyncadd.s32 $0xFFFFD880  }
0x4a: {  	[spmem:s2] =	stream.indirect.scatter.add.f32 [tilespmem:s12], [sflag:$0x1], $0x80, s31, s15, $0xb8;
	[tilespmem:$0x1A800] =	vst v63  }
0x4b: {  	s18 =	simm.s32 $0x200;
	_ =	swait.ge [sflag:s13], $0x4000  }
.LBB2_6:
0x4c: {  	s19 =	sshra.s32 s18, $0x2;
	[sflag:s13] =	ssyncset.done $0x0;
	p0 =	sne.s32 s18, $0x9C00  }
.Ltmp2:
0x4d: {  	s19 =	sadd.s32 $0x18000, s19;
	[sflag:s13] =	ssyncadd.s32 $0xFFFFC000;
	(pc) =	sbr.rel @p0 .LBB2_6-.Ltmp2, $3  }
0x4e: {  	[spmem:s2] =	stream.indirect.scatter.add.f32 [tilespmem:s12], [sflag:$0x1], $0x80, s19, s15, $0xb8;
	[tilespmem:$0x1A800] =	vst v63  }
0x4f: {  	s18 =	sadd.s32 $0x200, s18;
	_ =	sdelay $0x1  }
0x50: {  	_ =	swait.ge [sflag:s13], $0x4000  }
0x51: {  	[sflag:s13] =	ssyncset.done $0x0;
	s3 =	sadd.s32 $0x1, s3  }
0x52: {  	[sflag:s13] =	ssyncadd.s32 $0xFFFFC000;
	p0 =	sne.s32 s3, s11  }
.Ltmp3:
0x53: {  	[bflag:$0x0] =	sbarrier.arrive $0xFFFF;
	(pc) =	sbr.rel @p0 .LBB2_1-.Ltmp3, $4  }
0x54: {  	[hbm:s10], [sflag:s16] =	dma.local [spmem:s17], $0x1400  }
0x55: {  	_ =	swait.ge [sflag:s13], $0x1400  }
0x56: {  	[sflag:s13] =	ssyncset.done $0x0  }
0x57: {  	[sflag:s13] =	ssyncadd.s32 $0xFFFFEC00  }
0x58: {  	_ =	sfence.sel $0x180000  }
0x59: {  	[bflag:$0x0] =	sbarrier.arrive $0xFFFF  }
0x5a: {  	p0 =	sne.s32 s1, $0x0;
	_ =	strace $0x90000047  }
0x5b: {  	s0 =	sadd.s32 @!p0 $0x100000, s0;
	[bflag:$0x2] =	sbarrier.arrive $0xFFFF  }
0x5c: {  	[sflag:s0] =	ssyncadd.tile.s32 @!p0 $0x1;
	_ =	shalt  }
.Lfunc_end2:
_tile_overlayer_lowered:
.L_overlay_start_2:
0x5d: {  	(tag) =	ssettag $0x2  }
0x5e: {  	s0 =	rddreg [dreg:$0x0];
	s2 =	stileid.u32  }
0x5f: {  	s1 =	rddreg [dreg:$0x1];
	p0 =	sne.s32 s2, $0x0  }
0x60: {  	s3 =	rddreg [dreg:$0x2];
	[bflag:$0x3] =	sbarrier.arrive $0xFFFF;
	s2 =	simm.s32 @!p0 $0x1C01  }
0x61: {  	[timem:s3], [sflag:s2] =	dma.local @!p0 [hbm:s0], s1  }
0x62: {  	s0 =	simm.s32 @!p0 $0x1  }
0x63: {  	_ =	swait.ge @!p0 [sflag:s0], s1  }
0x64: {  	s1 =	ssub.s32 @!p0 $0x0, s1;
	[sflag:s0] =	ssyncset.done @!p0 $0x0  }
0x65: {  	[sflag:s0] =	ssyncadd.s32 @!p0 s1  }
0x66: {  	[bflag:$0x3] =	sbarrier.arrive $0xFFFF  }
0x67: {  	_ =	shalt  }

// kernel: kernel.14.cloned.1.call-start
scs
__scs_entry_jumppad:
0x0: {  	(pc) =	sbr.rel $0x88, $3  }
0x1: {  	(tag) =	ssettag $0x0;
	lr =	simm.s32 $0x1  }
0x2: {  	[smem:$0x3F95] =	sst lr;
	_ =	strace $0xD0000000  }
0x3: {  	_ = 	snop  }
0x4: {  	_ = 	snop  }
0x5: {  	_ = 	snop  }
0x6: {  	_ = 	snop  }
0x7: {  	_ = 	snop  }
__scs_overlays_trampoline_lowered:
0x8: {  	[smem:$0x3FA4] =	sst s0  }
0x9: {  	[smem:$0x3FA5] =	sst s1  }
0xa: {  	[smem:$0x3FA6] =	sst s2  }
0xb: {  	[smem:$0x3FA7] =	sst s3  }
0xc: {  	[smem:$0x3FA8] =	sst s4  }
0xd: {  	[smem:$0x3FA9] =	sst s5  }
0xe: {  	[smem:$0x3FAA] =	sst s6  }
0xf: {  	[smem:$0x3FAB] =	sst s7  }
0x10: {  	[smem:$0x3FAC] =	sst s8  }
0x11: {  	[smem:$0x3FAD] =	sst s9;
	s0 =	simm.s32 @!p0 $0x0  }
0x12: {  	s1 =	sld [smem:$0x3F93];
	s0 =	simm.s32 @p0 $0x1  }
0x13: {  	[smem:$0x3FAE] =	sst s0;
	s0 =	simm.s32 @!p1 $0x0  }
0x14: {  	s2 =	sld [smem:$0x3F92];
	s0 =	simm.s32 @p1 $0x1  }
0x15: {  	[smem:$0x3FAF] =	sst s0;
	s0 =	simm.s32 @!p2 $0x0  }
0x16: {  	s3 =	sld [smem:$0x3FDB];
	s0 =	simm.s32 @p2 $0x1  }
0x17: {  	s4 =	simm.s32 $0x1BF5;
	[smem:$0x3FB1] =	sst s0  }
0x18: {  	s0 =	sld [smem:$0x3F94];
	_ =	swait.ge [sflag:s4], $0x0  }
0x19: {  	s7 =	sld [smem:$0x3F95]  }
0x1a: {  	s8 =	sadd.s32 $0xFFFFE003, lr  }
0x1b: {  	s9 =	sadd.s32 $0xFFFFFEF7, lr;
	s5 =	simm.s32 $0xFFFFFFFF;
	p2 =	slt.u32 s8, $0xFFFFF086  }
0x1c: {  	p1 =	slt.u32 s9, $0xF7A;
	s5 =	simm.s32 @!p2 $0x0  }
0x1d: {  	s5 =	simm.s32 @p1 $0x1;
	p0 =	seq.s32 s7, s2  }
0x1e: {  	s7 =	smul.u32 @!p0 $0xF7A, s2;
	p2 =	seq.s32 @!p0 s5, $0x0  }
0x1f: {  	s9 =	smul.u32 $0xF7A, s1;
	s8 =	simm.s32 @!p0 $0x1BF5;
	p2 =	por !p2, p0  }
0x20: {  	[sflag:s8] =	ssyncset.s32 @!p0 $0xFFFFF086;
	s6 =	sadd.s32 @!p0 s3, s7;
	s7 =	simm.s32 @!p0 $0x108  }
0x21: {  	s3 =	sadd.s32 s3, s9;
	s6 =	sadd.s32 @!p0 $0x88, s6;
	s7 =	simm.s32 @p2 $0x1082  }
0x22: {  	[simem:s7], [sflag:s8] =	dma.local @!p0 [hbm:s6], $0xF7A  }
0x23: {  	s9 =	sor.u32 $0xD0000000, s2;
	s6 =	simm.s32 $0x108;
	_ =	swait.ge @!p0 [sflag:s8], $0x0  }
0x24: {  	s3 =	sadd.s32 $0x88, s3;
	s6 =	simm.s32 @!p1 $0x1082;
	[sflag:s4] =	ssyncset.s32 $0xFFFFF086  }
0x25: {  	[simem:s6], [sflag:s4] =	dma.local [hbm:s3], $0xF7A  }
0x26: {  	[smem:$0x3F95] =	sst s1;
	(tag) =	ssettag s2;
	_ =	strace s9  }
0x27: {  	s1 =	sld [smem:$0x3FA5]  }
0x28: {  	s2 =	sld [smem:$0x3FA6]  }
0x29: {  	s4 =	sld [smem:$0x3FA8]  }
0x2a: {  	p0 =	seq.s32 s5, $0x0;
	s5 =	sld [smem:$0x3FA9]  }
0x2b: {  	s6 =	sld [smem:$0x3FAA]  }
0x2c: {  	s7 =	sld [smem:$0x3FAB]  }
0x2d: {  	s3 =	simm.s32 $0x108;
	s8 =	sld [smem:$0x3FAC]  }
0x2e: {  	s3 =	simm.s32 @!p0 $0x1082;
	s9 =	sld [smem:$0x3FAD]  }
0x2f: {  	lr =	sadd.s32 s0, s3;
	s0 =	sld [smem:$0x3FA4]  }
0x30: {  	s3 =	sld [smem:$0x3FA7]  }
0x31: {  	[smem:$0x3FB0] =	sst s10  }
0x32: {  	s10 =	sld [smem:$0x3FAE];
	_ =	sdelay $0x3  }
0x33: {  	p0 =	seq.s32 s10, $0x1;
	s10 =	sld [smem:$0x3FB0];
	_ =	sdelay $0x3  }
0x34: {  	[smem:$0x3FB0] =	sst s10  }
0x35: {  	s10 =	sld [smem:$0x3FAF];
	_ =	sdelay $0x3  }
0x36: {  	p1 =	seq.s32 s10, $0x1;
	s10 =	sld [smem:$0x3FB0];
	_ =	sdelay $0x3  }
0x37: {  	[smem:$0x3FB0] =	sst s10  }
0x38: {  	s10 =	sld [smem:$0x3FB1]  }
0x39: {  	_ = 	snop;
	(pc) =	sbr.ind lr, $3  }
0x3a: {  	_ = 	snop  }
0x3b: {  	_ = 	snop  }
0x3c: {  	p2 =	seq.s32 s10, $0x1;
	s10 =	sld [smem:$0x3FB0]  }
0x3d: {  	_ =	shalt  }
0x3e: {  	_ =	shalt  }
0x3f: {  	_ =	shalt  }
0x40: {  	_ =	shalt  }
0x41: {  	_ =	shalt  }
0x42: {  	_ =	shalt  }
0x43: {  	_ =	shalt  }
0x44: {  	_ =	shalt  }
0x45: {  	_ =	shalt  }
0x46: {  	_ =	shalt  }
0x47: {  	_ =	shalt  }
0x48: {  	_ =	shalt  }
0x49: {  	_ =	shalt  }
0x4a: {  	_ =	shalt  }
0x4b: {  	_ =	shalt  }
0x4c: {  	_ =	shalt  }
0x4d: {  	_ =	shalt  }
0x4e: {  	_ =	shalt  }
0x4f: {  	_ =	shalt  }
0x50: {  	_ =	shalt  }
0x51: {  	_ =	shalt  }
0x52: {  	_ =	shalt  }
0x53: {  	_ =	shalt  }
0x54: {  	_ =	shalt  }
0x55: {  	_ =	shalt  }
0x56: {  	_ =	shalt  }
0x57: {  	_ =	shalt  }
0x58: {  	_ =	shalt  }
0x59: {  	_ =	shalt  }
0x5a: {  	_ =	shalt  }
0x5b: {  	_ =	shalt  }
0x5c: {  	_ =	shalt  }
0x5d: {  	_ =	shalt  }
0x5e: {  	_ =	shalt  }
0x5f: {  	_ =	shalt  }
0x60: {  	_ =	shalt  }
0x61: {  	_ =	shalt  }
0x62: {  	_ =	shalt  }
0x63: {  	_ =	shalt  }
0x64: {  	_ =	shalt  }
0x65: {  	_ =	shalt  }
0x66: {  	_ =	shalt  }
0x67: {  	_ =	shalt  }
0x68: {  	_ =	shalt  }
0x69: {  	_ =	shalt  }
0x6a: {  	_ =	shalt  }
0x6b: {  	_ =	shalt  }
0x6c: {  	_ =	shalt  }
0x6d: {  	_ =	shalt  }
0x6e: {  	_ =	shalt  }
0x6f: {  	_ =	shalt  }
0x70: {  	_ =	shalt  }
0x71: {  	_ =	shalt  }
0x72: {  	_ =	shalt  }
0x73: {  	_ =	shalt  }
0x74: {  	_ =	shalt  }
0x75: {  	_ =	shalt  }
0x76: {  	_ =	shalt  }
0x77: {  	_ =	shalt  }
0x78: {  	_ =	shalt  }
0x79: {  	_ =	shalt  }
0x7a: {  	_ =	shalt  }
0x7b: {  	_ =	shalt  }
0x7c: {  	_ =	shalt  }
0x7d: {  	_ =	shalt  }
0x7e: {  	_ =	shalt  }
0x7f: {  	_ =	shalt  }
0x80: {  	_ =	shalt  }
0x81: {  	_ =	shalt  }
0x82: {  	_ =	shalt  }
0x83: {  	_ =	shalt  }
0x84: {  	_ =	shalt  }
0x85: {  	_ =	shalt  }
0x86: {  	_ =	shalt  }
0x87: {  	_ =	shalt  }
.Lfunc_end0:
.L_simem_size_0:
called_computation.1_lowered:
.L_overlay_start_0:
0x88: {  	s2 =	sld [smem:$0x3FD9]  }
0x89: {  	s3 =	sld [smem:$0x3FFE];
	_ =	sdelay $0x1  }
0x8a: {  	s1 =	srdreg.scid  }
0x8b: {  	s0 =	sand.u32 $0x1, s1  }
0x8c: {  	s17 =	sshll.u32 s0, $0xA;
	s2 =	sadd.s32 s3, s2  }
0x8d: {  	s2 =	sadd.s32 s2, s17  }
0x8e: {  	[smem:$0x3FBC] =	sst s2  }
0x8f: {  	_ = 	snop  }
0x90: {  	(tm) =	ssettm $0x1  }
0x91: {  	s18 =	sld [smem:$0x3FFB];
	_ =	sdelay $0x3  }
0x92: {  	_ =	strace s18  }
0x93: {  	s2 =	sld [smem:$0x3FFC];
	_ =	sdelay $0x3  }
0x94: {  	_ =	strace s2  }
0x95: {  	s2 =	sld [smem:$0x3FFD];
	_ =	sdelay $0x3  }
0x96: {  	_ =	strace s2  }
0x97: {  	_ =	strace $0x8FFFFFFF  }
0x98: {  	s19 =	sld [smem:$0x3FDB];
	_ =	sdelay $0x1  }
0x99: {  	s20 =	simm.s32 $_scs_section_size  }
0x9a: {  	s4 =	simm.s32 $_size__tile_overlayer_lowered;
	s5 =	simm.s32 $_tile_overlayer_lowered  }
0x9b: {  	s6 =	simm.s32 $0x1BFF;
	s21 =	sshll.u32 s5, $0x1;
	s3 =	sadd.s32 s20, s19  }
0x9c: {  	s22 =	simm.s32 $0x0;
	s4 =	sshll.u32 s4, $0x1;
	s5 =	sadd.s32 s21, s3  }
0x9d: {  	[timem:s22], [sflag:s6] =	dma.local [hbm:s5], s4  }
0x9e: {  	_ =	swait.ge [sflag:s6], s4  }
0x9f: {  	s4 =	ssub.s32 $0x0, s4;
	[sflag:s6] =	ssyncset.done $0x0  }
0xa0: {  	[sflag:s6] =	ssyncadd.s32 s4;
	_ =	sdelay $0x1  }
0xa1: {  	s23 =	simm.s32 $0x1B8B  }
0xa2: {  	_ =	swait.ge [sflag:s23], $0x1  }
0xa3: {  	[sflag:s23] =	ssyncset.done $0x0  }
0xa4: {  	[sflag:s23] =	ssyncadd.s32 $0xFFFFFFFF  }
0xa5: {  	s4 =	sld [smem:$0x0]  }
0xa6: {  	s5 =	sand.u32 $0xFFFFFFFE, s1  }
0xa7: {  	p0 =	sne.s32 s1, s5  }
0xa8: {  	s5 =	sshll.u32 @p0 s5, $0xE  }
0xa9: {  	s5 =	sadd.s32 @p0 $0x11B8D, s5;
	s6 =	sshll.u32 @p0 s4, $0x11  }
0xaa: {  	s5 =	sor.u32 @p0 s6, s5  }
0xab: {  	[sflag:s5] =	ssyncadd.remote.s32 @p0 $0x1;
	_ =	sdelay $0x1  }
0xac: {  	s5 =	simm.s32 @p0 $0x1B8D  }
0xad: {  	_ =	swait.eq @p0 [sflag:s5], $0x1  }
0xae: {  	[sflag:s5] =	ssyncadd.s32 @p0 $0xFFFFFFFF  }
0xaf: {  	s6 =	sshll.u32 @!p0 s1, $0xE  }
0xb0: {  	s6 =	sor.u32 @!p0 $0x4000, s6;
	s5 =	simm.s32 @!p0 $0x1B8D  }
0xb1: {  	s4 =	sshll.u32 @!p0 s4, $0x11;
	s6 =	sadd.s32 @!p0 $0x11B8D, s6;
	_ =	swait.eq @!p0 [sflag:s5], $0x1  }
0xb2: {  	s4 =	sor.u32 @!p0 s4, s6;
	[sflag:s5] =	ssyncadd.s32 @!p0 $0xFFFFFFFF  }
0xb3: {  	s25 =	simm.s32 $0x1B8E;
	s24 =	sld [smem:$0x3FFE];
	[sflag:s4] =	ssyncadd.remote.s32 @!p0 $0x1  }
0xb4: {  	s26 =	simm.s32 $execute0_lowered;
	[smem:$0x3FD2] =	sst s25  }
0xb5: {  	s5 =	sshll.u32 s26, $0x1;
	_ =	strace $0x80000049;
	[dreg:$0x1] =	wrdreg $0xFFFFFFFF  }
0xb6: {  	s28 =	simm.s32 $_size_execute0_lowered;
	s3 =	sadd.s32 s3, s5;
	[dreg:$0x0] =	wrdreg $0x0  }
0xb7: {  	s5 =	sshll.u32 s28, $0x1;
	[dreg:$0x2] =	wrdreg s3  }
0xb8: {  	[dreg:$0x3] =	wrdreg s5  }
0xb9: {  	[dreg:$0x4] =	wrdreg $0xC0  }
0xba: {  	_ =	task [dreg:s22], $0x5FFFF  }
0xbb: {  	[dreg:$0x1] =	wrdreg $0xFFFFFFFF  }
0xbc: {  	[dreg:$0x0] =	wrdreg $0x60  }
0xbd: {  	[dreg:$0x2] =	wrdreg s24  }
0xbe: {  	[dreg:$0x3] =	wrdreg $0x0  }
0xbf: {  	[dreg:$0x4] =	wrdreg $0xA  }
0xc0: {  	_ =	task.clear_ibuf [dreg:s22], $0x5FFFF;
	_ =	strace $0x90000049  }
0xc1: {  	s29 =	simm.s32 $0xA;
	_ =	strace $0x8000004B  }
0xc2: {  	_ =	swait.ge [sflag:s29], $0x1  }
0xc3: {  	[sflag:s29] =	ssyncadd.s32 $0xFFFFFFFF  }
0xc4: {  	_ =	strace $0x9000004B  }
0xc5: {  	_ =	sfence  }
0xc6: {  	s30 =	sld [smem:$0x0];
	_ =	sdelay $0x2  }
0xc7: {  	s31 =	sshll.u32 s1, $0xD;
	s1 =	sshrl.u32 s1, $0x2  }
0xc8: {  	s4 =	sand.u32 $0x4000, s31;
	s1 =	sadd.s32 s1, s30  }
0xc9: {  	s0 =	sor.u32 s4, s0;
	s1 =	sshll.u32 s1, $0x11  }
0xca: {  	s0 =	sor.u32 s1, s0  }
0xcb: {  	s0 =	sadd.s32 $0x8F2B, s0  }
0xcc: {  	[sflag:s0] =	ssyncadd.remote.s32 $0x1  }
0xcd: {  	_ =	sfence.sel $0xFFFF  }
0xce: {  	[dreg:$0x0] =	wrdreg $0xFFFFFFFF;
	(pc) =	sbr.abs _section_cstart, $3  }
0xcf: {  	[dreg:$0x1] =	wrdreg $0xFFFFFFFF  }
0xd0: {  	_ =	task.clear_ibuf [dreg:s22], $0x2FFFF;
	_ =	strace $0x9FFFFFFF  }
0xd1: {  	(tm) =	ssettm $0x7FFFFFFF  }
tec
execute0_lowered:
.L_overlay_start_1:
0x0: {  	(tag) =	ssettag $0x1  }
0x1: {  	s16 =	rddreg [dreg:$0x0]  }
0x2: {  	s2 =	rddreg [dreg:$0x1];
	s3 =	simm.s32 $0x0;
	s1 =	stileid.u32  }
0x3: {  	s4 =	srdreg.scid;
	s20 =	simm.s32 $0x19000;
	s5 =	smul.u32 $0x500, s1  }
0x4: {  	s21 =	simm.s32 $0x80;
	s26 =	simm.s32 $0x0;
	s24 =	smul.u32 $0x2800, s1  }
0x5: {  	[smem:$0x7FF] =	sst s3;
	s17 =	sand.u32 $0x1, s4;
	s6 =	smul.u32 $0x50000, s1  }
0x6: {  	s4 =	sadd.s32 $0xCA00, s16;
	s12 =	sadd.s32 $0x5CA00, s16;
	s23 =	sadd.s32 $0xFCA00, s16  }
0x7: {  	s13 =	sadd.s32 $0x84A00, s16;
	s25 =	sadd.s32 $0x124A00, s16;
	s15 =	sadd.s32 $0x34A00, s16  }
0x8: {  	s22 =	sadd.s32 $0xD4A00, s16;
	_ =	strace $0x8000004A;
	s31 =	ssub.s32 $0x2, s17  }
0x9: {  	p0 =	sne.s32 s17, $0x0;
	s7 =	sadd.s32 s5, s16;
	s14 =	sadd.s32 s24, s16  }
0xa: {  	s8 =	sshrl.u32 s31, $0x1;
	s6 =	sshrl.u32 s6, $0x2;
	s22 =	sadd.s32 s24, s22  }
.Ltmp0:
0xb: {  	s23 =	sadd.s32 s24, s23;
	s24 =	sadd.s32 s24, s25;
	(pc) =	sbr.rel .LBB2_1-.Ltmp0, $4  }
0xc: {  	s25 =	simm.s32 $0x1;
	s18 =	ssub.s32 s31, s8;
	s5 =	sadd.s32 $0x7A00, s7  }
0xd: {  	s6 =	sadd.s32 s6, s2;
	s7 =	sadd.s32 $0x2A00, s7;
	s14 =	sadd.s32 $0xACA00, s14  }
0xe: {  	s8 =	sadd.s32 $0x4000, s6;
	s9 =	sadd.s32 $0x8000, s6;
	s10 =	sadd.s32 $0xC000, s6  }
0xf: {  	v0 =	vimm.f32 $0.0e+00;
	s11 =	sadd.s32 $0x10000, s6;
	s16 =	smax.u32 s18, $0x1;
	s18 =	simm.s32 $0x2  }
.LBB2_19:
0x10: {  	s0 =	sadd.s32 $0x14000, s30;
	[sflag:s18] =	ssyncadd.s32 $0xFFFFC000  }
0x11: {  	[tilespmem:s20], [sflag:$0x1] =	stream.indirect.gather [hbm4b:s13+s21], $0x80, s0, s21, $0xb8;
	[tilespmem:$0x1D000] =	vst v63  }
0x12: {  	_ =	swait.ge [sflag:s25], $0x4000  }
0x13: {  	[sflag:s25] =	ssyncset.done $0x0  }
0x14: {  	s31 =	sadd.s32 $0x16800, s30;
	[sflag:s25] =	ssyncadd.s32 $0xFFFFC000  }
0x15: {  	[spmem:s2] =	stream.indirect.scatter.add.f32 [tilespmem:s20], [sflag:$0x2], $0x80, s31, s21, $0xb8;
	[tilespmem:$0x1D000] =	vst v63  }
0x16: {  	_ =	swait.ge [sflag:s18], $0x4000  }
0x17: {  	[sflag:s18] =	ssyncset.done $0x0  }
0x18: {  	[sflag:s18] =	ssyncadd.s32 $0xFFFFC000  }
0x19: {  	[bflag:$0x0] =	sbarrier.arrive $0xFFFF  }
0x1a: {  	[hbm:s24], [sflag:s28] =	dma.local [spmem:s29], $0x2800  }
0x1b: {  	_ =	swait.ge [sflag:s18], $0x2800  }
0x1c: {  	[sflag:s18] =	ssyncset.done $0x0  }
0x1d: {  	[sflag:s18] =	ssyncadd.s32 $0xFFFFD800  }
.LBB2_20:
0x1e: {  	s26 =	sadd.s32 $0x1, s26  }
0x1f: {  	p1 =	sne.s32 s26, s16  }
.Ltmp1:
0x20: {  	_ = 	snop;
	(pc) =	sbr.rel @!p1 .LBB2_21-.Ltmp1, $2  }
0x21: {  	_ =	sdelay $0x1  }
0x22: {  	[bflag:$0x0] =	sbarrier.arrive $0xFFFF;
	_ =	sdelay $0x1  }
.LBB2_1:
0x23: {  	s0 =	simm.s32 $0x14000  }
0x24: {  	[tilespmem:s0], [sflag:$0x2] =	stream.linear.gather [hbm4b:s5+s3], $0x2780, $0x38;
	[tilespmem:$0x1D000] =	vst v63  }
0x25: {  	_ =	swait.ge [sflag:s18], $0x2780  }
0x26: {  	[sflag:s18] =	ssyncset.done $0x0  }
.Ltmp2:
0x27: {  	s31 =	simm.s32 $0x16800;
	[sflag:s18] =	ssyncadd.s32 $0xFFFFD880;
	(pc) =	sbr.rel @p0 .LBB2_11-.Ltmp2, $4  }
0x28: {  	[tilespmem:s31], [sflag:$0x2] =	stream.linear.gather [hbm4b:s7+s3], $0x2780, $0x38;
	[tilespmem:$0x1D000] =	vst v63  }
0x29: {  	_ =	swait.ge [sflag:s18], $0x2780  }
0x2a: {  	[sflag:s18] =	ssyncset.done $0x0  }
0x2b: {  	[sflag:s18] =	ssyncadd.s32 $0xFFFFD880  }
0x2c: {  	s28 =	sshra.s32 s3, $0x2;
	s29 =	sadd.s32 $0x200, s3  }
.LBB2_3:
0x2d: {  	p1 =	sne.s32 s29, $0xFE00;
	[tilespmem:s28+$0x19070] =	vst v0  }
0x2e: {  	[tilespmem:s28+$0x19000] =	vst v0  }
0x2f: {  	[tilespmem:s28+$0x19010] =	vst v0  }
.Ltmp3:
0x30: {  	[tilespmem:s28+$0x19020] =	vst v0;
	(pc) =	sbr.rel @p1 .LBB2_3-.Ltmp3, $4  }
0x31: {  	[tilespmem:s28+$0x19030] =	vst v0  }
0x32: {  	[tilespmem:s28+$0x19040] =	vst v0  }
0x33: {  	[tilespmem:s28+$0x19050] =	vst v0  }
0x34: {  	[tilespmem:s28+$0x19060] =	vst v0;
	s28 =	sshra.s32 s29, $0x2;
	s29 =	sadd.s32 $0x200, s29  }
0x35: {  	[tilespmem:s28+$0x19070] =	vst v0  }
0x36: {  	[tilespmem:s28+$0x19000] =	vst v0  }
0x37: {  	[tilespmem:s28+$0x19010] =	vst v0  }
0x38: {  	[tilespmem:s28+$0x19020] =	vst v0  }
0x39: {  	[tilespmem:s28+$0x19030] =	vst v0  }
0x3a: {  	[tilespmem:s28+$0x19040] =	vst v0  }
0x3b: {  	[tilespmem:s28+$0x19050] =	vst v0  }
0x3c: {  	[tilespmem:s28+$0x19060] =	vst v0  }
0x3d: {  	[spmem:s6] =	stream.linear.scatter [tilespmem:s20], [sflag:$0x2], $0x4000, $0x38;
	[tilespmem:$0x1D000] =	vst v63  }
0x3e: {  	_ =	swait.ge [sflag:s18], $0x4000  }
0x3f: {  	[sflag:s18] =	ssyncset.done $0x0  }
0x40: {  	[sflag:s18] =	ssyncadd.s32 $0xFFFFC000  }
0x41: {  	[spmem:s8] =	stream.linear.scatter [tilespmem:s20], [sflag:$0x2], $0x4000, $0x38;
	[tilespmem:$0x1D000] =	vst v63  }
0x42: {  	_ =	swait.ge [sflag:s18], $0x4000  }
0x43: {  	[sflag:s18] =	ssyncset.done $0x0  }
0x44: {  	[sflag:s18] =	ssyncadd.s32 $0xFFFFC000  }
0x45: {  	[spmem:s9] =	stream.linear.scatter [tilespmem:s20], [sflag:$0x2], $0x4000, $0x38;
	[tilespmem:$0x1D000] =	vst v63  }
0x46: {  	_ =	swait.ge [sflag:s18], $0x4000  }
0x47: {  	[sflag:s18] =	ssyncset.done $0x0  }
0x48: {  	[sflag:s18] =	ssyncadd.s32 $0xFFFFC000  }
0x49: {  	[spmem:s10] =	stream.linear.scatter [tilespmem:s20], [sflag:$0x2], $0x4000, $0x38;
	[tilespmem:$0x1D000] =	vst v63  }
0x4a: {  	_ =	swait.ge [sflag:s18], $0x4000  }
0x4b: {  	[sflag:s18] =	ssyncset.done $0x0  }
0x4c: {  	[sflag:s18] =	ssyncadd.s32 $0xFFFFC000  }
0x4d: {  	[spmem:s11] =	stream.linear.scatter [tilespmem:s20], [sflag:$0x2], $0x4000, $0x38;
	[tilespmem:$0x1D000] =	vst v63  }
0x4e: {  	_ =	swait.ge [sflag:s18], $0x4000  }
0x4f: {  	[sflag:s18] =	ssyncset.done $0x0  }
0x50: {  	[sflag:s18] =	ssyncadd.s32 $0xFFFFC000  }
0x51: {  	s28 =	simm.s32 $0x14000;
	[bflag:$0x0] =	sbarrier.arrive $0xFFFF  }
0x52: {  	[tilespmem:s20], [sflag:$0x1] =	stream.indirect.gather [hbm4b:s4+s21], $0x80, s28, s21, $0xb8;
	[tilespmem:$0x1D000] =	vst v63  }
0x53: {  	_ =	swait.ge [sflag:s25], $0x4000  }
0x54: {  	[sflag:s25] =	ssyncset.done $0x0  }
0x55: {  	s28 =	simm.s32 $0x16800;
	[sflag:s25] =	ssyncadd.s32 $0xFFFFC000  }
0x56: {  	[spmem:s2] =	stream.indirect.scatter.add.f32 [tilespmem:s20], [sflag:$0x2], $0x80, s28, s21, $0xb8;
	[tilespmem:$0x1D000] =	vst v63  }
0x57: {  	_ =	swait.ge [sflag:s18], $0x4000  }
0x58: {  	s29 =	simm.s32 $0x400;
	s28 =	simm.s32 $0x80;
	[sflag:s18] =	ssyncset.done $0x0  }
.LBB2_5:
0x59: {  	s30 =	sadd.s32 $0x14000, s28  }
0x5a: {  	[sflag:s18] =	ssyncadd.s32 $0xFFFFC000;
	s31 =	smov.u32 s29;
	s0 =	sadd.s32 $0x200, s29  }
0x5b: {  	[tilespmem:s20], [sflag:$0x1] =	stream.indirect.gather [hbm4b:s4+s21], $0x80, s30, s21, $0xb8;
	[tilespmem:$0x1D000] =	vst v63  }
0x5c: {  	p1 =	seq.s32 s29, $0x9C00;
	_ =	swait.ge [sflag:s25], $0x4000  }
.Ltmp4:
0x5d: {  	[sflag:s25] =	ssyncset.done $0x0;
	(pc) =	sbr.rel @!p1 .LBB2_5-.Ltmp4, $4  }
0x5e: {  	s28 =	sadd.s32 $0x16800, s28;
	[sflag:s25] =	ssyncadd.s32 $0xFFFFC000  }
0x5f: {  	[spmem:s2] =	stream.indirect.scatter.add.f32 [tilespmem:s20], [sflag:$0x2], $0x80, s28, s21, $0xb8;
	[tilespmem:$0x1D000] =	vst v63  }
0x60: {  	_ =	swait.ge [sflag:s18], $0x4000  }
0x61: {  	s29 =	smov.u32 s0;
	s28 =	sshra.s32 s31, $0x2;
	[sflag:s18] =	ssyncset.done $0x0  }
0x62: {  	s0 =	sadd.s32 $0x14000, s28;
	[sflag:s18] =	ssyncadd.s32 $0xFFFFC000  }
0x63: {  	[tilespmem:s20], [sflag:$0x1] =	stream.indirect.gather [hbm4b:s4+s21], $0x80, s0, s21, $0xb8;
	[tilespmem:$0x1D000] =	vst v63  }
0x64: {  	_ =	swait.ge [sflag:s25], $0x4000  }
0x65: {  	[sflag:s25] =	ssyncset.done $0x0  }
0x66: {  	s17 =	sadd.s32 $0x16800, s28;
	[sflag:s25] =	ssyncadd.s32 $0xFFFFC000  }
0x67: {  	[spmem:s2] =	stream.indirect.scatter.add.f32 [tilespmem:s20], [sflag:$0x2], $0x80, s17, s21, $0xb8;
	[tilespmem:$0x1D000] =	vst v63  }
0x68: {  	_ =	swait.ge [sflag:s18], $0x4000  }
0x69: {  	[sflag:s18] =	ssyncset.done $0x0  }
0x6a: {  	s19 =	sshll.u32 s1, $0x6;
	[sflag:s18] =	ssyncadd.s32 $0xFFFFC000  }
0x6b: {  	s29 =	sshrl.u32 s6, $0x3;
	s28 =	sor.u32 $0x1C02, s19;
	[bflag:$0x0] =	sbarrier.arrive $0xFFFF  }
0x6c: {  	[hbm:s14], [sflag:s28] =	dma.local [spmem:s29], $0x2800  }
0x6d: {  	_ =	swait.ge [sflag:s18], $0x2800  }
0x6e: {  	[sflag:s18] =	ssyncset.done $0x0  }
0x6f: {  	[sflag:s18] =	ssyncadd.s32 $0xFFFFD800  }
0x70: {  	s30 =	simm.s32 $0x0;
	s31 =	simm.s32 $0x200;
	[bflag:$0x0] =	sbarrier.arrive $0xFFFF  }
.LBB2_7:
0x71: {  	p1 =	sne.s32 s31, $0xFE00;
	[tilespmem:s30+$0x19070] =	vst v0  }
0x72: {  	[tilespmem:s30+$0x19000] =	vst v0  }
0x73: {  	[tilespmem:s30+$0x19010] =	vst v0  }
.Ltmp5:
0x74: {  	[tilespmem:s30+$0x19020] =	vst v0;
	(pc) =	sbr.rel @p1 .LBB2_7-.Ltmp5, $4  }
0x75: {  	[tilespmem:s30+$0x19030] =	vst v0  }
0x76: {  	[tilespmem:s30+$0x19040] =	vst v0  }
0x77: {  	[tilespmem:s30+$0x19050] =	vst v0  }
0x78: {  	[tilespmem:s30+$0x19060] =	vst v0;
	s30 =	sshra.s32 s31, $0x2;
	s31 =	sadd.s32 $0x200, s31  }
0x79: {  	[tilespmem:s30+$0x19070] =	vst v0  }
0x7a: {  	[tilespmem:s30+$0x19000] =	vst v0  }
0x7b: {  	[tilespmem:s30+$0x19010] =	vst v0  }
0x7c: {  	[tilespmem:s30+$0x19020] =	vst v0  }
0x7d: {  	[tilespmem:s30+$0x19030] =	vst v0  }
0x7e: {  	[tilespmem:s30+$0x19040] =	vst v0  }
0x7f: {  	[tilespmem:s30+$0x19050] =	vst v0  }
0x80: {  	[tilespmem:s30+$0x19060] =	vst v0  }
0x81: {  	[spmem:s6] =	stream.linear.scatter [tilespmem:s20], [sflag:$0x2], $0x4000, $0x38;
	[tilespmem:$0x1D000] =	vst v63  }
0x82: {  	_ =	swait.ge [sflag:s18], $0x4000  }
0x83: {  	[sflag:s18] =	ssyncset.done $0x0  }
0x84: {  	[sflag:s18] =	ssyncadd.s32 $0xFFFFC000  }
0x85: {  	[spmem:s8] =	stream.linear.scatter [tilespmem:s20], [sflag:$0x2], $0x4000, $0x38;
	[tilespmem:$0x1D000] =	vst v63  }
0x86: {  	_ =	swait.ge [sflag:s18], $0x4000  }
0x87: {  	[sflag:s18] =	ssyncset.done $0x0  }
0x88: {  	[sflag:s18] =	ssyncadd.s32 $0xFFFFC000  }
0x89: {  	[spmem:s9] =	stream.linear.scatter [tilespmem:s20], [sflag:$0x2], $0x4000, $0x38;
	[tilespmem:$0x1D000] =	vst v63  }
0x8a: {  	_ =	swait.ge [sflag:s18], $0x4000  }
0x8b: {  	[sflag:s18] =	ssyncset.done $0x0  }
0x8c: {  	[sflag:s18] =	ssyncadd.s32 $0xFFFFC000  }
0x8d: {  	[spmem:s10] =	stream.linear.scatter [tilespmem:s20], [sflag:$0x2], $0x4000, $0x38;
	[tilespmem:$0x1D000] =	vst v63  }
0x8e: {  	_ =	swait.ge [sflag:s18], $0x4000  }
0x8f: {  	[sflag:s18] =	ssyncset.done $0x0  }
0x90: {  	[sflag:s18] =	ssyncadd.s32 $0xFFFFC000  }
0x91: {  	[spmem:s11] =	stream.linear.scatter [tilespmem:s20], [sflag:$0x2], $0x4000, $0x38;
	[tilespmem:$0x1D000] =	vst v63  }
0x92: {  	_ =	swait.ge [sflag:s18], $0x4000  }
0x93: {  	[sflag:s18] =	ssyncset.done $0x0  }
0x94: {  	[sflag:s18] =	ssyncadd.s32 $0xFFFFC000  }
0x95: {  	s0 =	simm.s32 $0x14000;
	[bflag:$0x0] =	sbarrier.arrive $0xFFFF  }
0x96: {  	[tilespmem:s20], [sflag:$0x1] =	stream.indirect.gather [hbm4b:s15+s21], $0x80, s0, s21, $0xb8;
	[tilespmem:$0x1D000] =	vst v63  }
0x97: {  	_ =	swait.ge [sflag:s25], $0x4000  }
0x98: {  	[sflag:s25] =	ssyncset.done $0x0  }
0x99: {  	s19 =	simm.s32 $0x16800;
	[sflag:s25] =	ssyncadd.s32 $0xFFFFC000  }
0x9a: {  	[spmem:s2] =	stream.indirect.scatter.add.f32 [tilespmem:s20], [sflag:$0x2], $0x80, s19, s21, $0xb8;
	[tilespmem:$0x1D000] =	vst v63  }
0x9b: {  	_ =	swait.ge [sflag:s18], $0x4000  }
0x9c: {  	s31 =	simm.s32 $0x400;
	s30 =	simm.s32 $0x80;
	[sflag:s18] =	ssyncset.done $0x0  }
.LBB2_9:
0x9d: {  	s0 =	sadd.s32 $0x14000, s30  }
0x9e: {  	[sflag:s18] =	ssyncadd.s32 $0xFFFFC000;
	s17 =	smov.u32 s31;
	s19 =	sadd.s32 $0x200, s31  }
0x9f: {  	[tilespmem:s20], [sflag:$0x1] =	stream.indirect.gather [hbm4b:s15+s21], $0x80, s0, s21, $0xb8;
	[tilespmem:$0x1D000] =	vst v63  }
0xa0: {  	p1 =	sne.s32 s31, $0x9C00;
	_ =	swait.ge [sflag:s25], $0x4000  }
.Ltmp6:
0xa1: {  	[sflag:s25] =	ssyncset.done $0x0;
	(pc) =	sbr.rel @p1 .LBB2_9-.Ltmp6, $4  }
0xa2: {  	s0 =	sadd.s32 $0x16800, s30;
	[sflag:s25] =	ssyncadd.s32 $0xFFFFC000  }
0xa3: {  	[spmem:s2] =	stream.indirect.scatter.add.f32 [tilespmem:s20], [sflag:$0x2], $0x80, s0, s21, $0xb8;
	[tilespmem:$0x1D000] =	vst v63  }
0xa4: {  	_ =	swait.ge [sflag:s18], $0x4000  }
0xa5: {  	s30 =	sshra.s32 s17, $0x2;
	s31 =	smov.u32 s19;
	[sflag:s18] =	ssyncset.done $0x0  }
0xa6: {  	s0 =	sadd.s32 $0x14000, s30;
	[sflag:s18] =	ssyncadd.s32 $0xFFFFC000  }
0xa7: {  	[tilespmem:s20], [sflag:$0x1] =	stream.indirect.gather [hbm4b:s15+s21], $0x80, s0, s21, $0xb8;
	[tilespmem:$0x1D000] =	vst v63  }
0xa8: {  	_ =	swait.ge [sflag:s25], $0x4000  }
0xa9: {  	[sflag:s25] =	ssyncset.done $0x0  }
0xaa: {  	s31 =	sadd.s32 $0x16800, s30;
	[sflag:s25] =	ssyncadd.s32 $0xFFFFC000  }
0xab: {  	[spmem:s2] =	stream.indirect.scatter.add.f32 [tilespmem:s20], [sflag:$0x2], $0x80, s31, s21, $0xb8;
	[tilespmem:$0x1D000] =	vst v63  }
0xac: {  	_ =	swait.ge [sflag:s18], $0x4000  }
0xad: {  	[sflag:s18] =	ssyncset.done $0x0  }
0xae: {  	[sflag:s18] =	ssyncadd.s32 $0xFFFFC000  }
0xaf: {  	[bflag:$0x0] =	sbarrier.arrive $0xFFFF  }
0xb0: {  	[hbm:s22], [sflag:s28] =	dma.local [spmem:s29], $0x2800  }
0xb1: {  	_ =	swait.ge [sflag:s18], $0x2800  }
0xb2: {  	[sflag:s18] =	ssyncset.done $0x0  }
0xb3: {  	[sflag:s18] =	ssyncadd.s32 $0xFFFFD800  }
0xb4: {  	[bflag:$0x0] =	sbarrier.arrive $0xFFFF  }
0xb5: {  	[bflag:$0x0] =	sbarrier.arrive $0xFFFF  }
.Ltmp7:
0xb6: {  	[bflag:$0x0] =	sbarrier.arrive $0xFFFF;
	(pc) =	sbr.rel .LBB2_20-.Ltmp7, $3  }
0xb7: {  	[bflag:$0x0] =	sbarrier.arrive $0xFFFF  }
0xb8: {  	[bflag:$0x0] =	sbarrier.arrive $0xFFFF  }
0xb9: {  	[bflag:$0x0] =	sbarrier.arrive $0xFFFF;
	_ =	sdelay $0x1  }
.LBB2_11:
0xba: {  	[bflag:$0x0] =	sbarrier.arrive $0xFFFF  }
0xbb: {  	[bflag:$0x0] =	sbarrier.arrive $0xFFFF  }
0xbc: {  	[bflag:$0x0] =	sbarrier.arrive $0xFFFF  }
0xbd: {  	[bflag:$0x0] =	sbarrier.arrive $0xFFFF  }
0xbe: {  	[bflag:$0x0] =	sbarrier.arrive $0xFFFF  }
0xbf: {  	s28 =	simm.s32 $0x0;
	s29 =	simm.s32 $0x200;
	[bflag:$0x0] =	sbarrier.arrive $0xFFFF  }
.LBB2_12:
0xc0: {  	p1 =	sne.s32 s29, $0xFE00;
	[tilespmem:s28+$0x19070] =	vst v0  }
0xc1: {  	[tilespmem:s28+$0x19000] =	vst v0  }
0xc2: {  	[tilespmem:s28+$0x19010] =	vst v0  }
.Ltmp8:
0xc3: {  	[tilespmem:s28+$0x19020] =	vst v0;
	(pc) =	sbr.rel @p1 .LBB2_12-.Ltmp8, $4  }
0xc4: {  	[tilespmem:s28+$0x19030] =	vst v0  }
0xc5: {  	[tilespmem:s28+$0x19040] =	vst v0  }
0xc6: {  	[tilespmem:s28+$0x19050] =	vst v0  }
0xc7: {  	[tilespmem:s28+$0x19060] =	vst v0;
	s28 =	sshra.s32 s29, $0x2;
	s29 =	sadd.s32 $0x200, s29  }
0xc8: {  	[tilespmem:s28+$0x19070] =	vst v0  }
0xc9: {  	[tilespmem:s28+$0x19000] =	vst v0  }
0xca: {  	[tilespmem:s28+$0x19010] =	vst v0  }
0xcb: {  	[tilespmem:s28+$0x19020] =	vst v0  }
0xcc: {  	[tilespmem:s28+$0x19030] =	vst v0  }
0xcd: {  	[tilespmem:s28+$0x19040] =	vst v0  }
0xce: {  	[tilespmem:s28+$0x19050] =	vst v0  }
0xcf: {  	[tilespmem:s28+$0x19060] =	vst v0  }
0xd0: {  	[spmem:s6] =	stream.linear.scatter [tilespmem:s20], [sflag:$0x2], $0x4000, $0x38;
	[tilespmem:$0x1D000] =	vst v63  }
0xd1: {  	_ =	swait.ge [sflag:s18], $0x4000  }
0xd2: {  	[sflag:s18] =	ssyncset.done $0x0  }
0xd3: {  	[sflag:s18] =	ssyncadd.s32 $0xFFFFC000  }
0xd4: {  	[spmem:s8] =	stream.linear.scatter [tilespmem:s20], [sflag:$0x2], $0x4000, $0x38;
	[tilespmem:$0x1D000] =	vst v63  }
0xd5: {  	_ =	swait.ge [sflag:s18], $0x4000  }
0xd6: {  	[sflag:s18] =	ssyncset.done $0x0  }
0xd7: {  	[sflag:s18] =	ssyncadd.s32 $0xFFFFC000  }
0xd8: {  	[spmem:s9] =	stream.linear.scatter [tilespmem:s20], [sflag:$0x2], $0x4000, $0x38;
	[tilespmem:$0x1D000] =	vst v63  }
0xd9: {  	_ =	swait.ge [sflag:s18], $0x4000  }
0xda: {  	[sflag:s18] =	ssyncset.done $0x0  }
0xdb: {  	[sflag:s18] =	ssyncadd.s32 $0xFFFFC000  }
0xdc: {  	[spmem:s10] =	stream.linear.scatter [tilespmem:s20], [sflag:$0x2], $0x4000, $0x38;
	[tilespmem:$0x1D000] =	vst v63  }
0xdd: {  	_ =	swait.ge [sflag:s18], $0x4000  }
0xde: {  	[sflag:s18] =	ssyncset.done $0x0  }
0xdf: {  	[sflag:s18] =	ssyncadd.s32 $0xFFFFC000  }
0xe0: {  	[spmem:s11] =	stream.linear.scatter [tilespmem:s20], [sflag:$0x2], $0x4000, $0x38;
	[tilespmem:$0x1D000] =	vst v63  }
0xe1: {  	_ =	swait.ge [sflag:s18], $0x4000  }
0xe2: {  	[sflag:s18] =	ssyncset.done $0x0  }
0xe3: {  	[sflag:s18] =	ssyncadd.s32 $0xFFFFC000  }
0xe4: {  	s0 =	simm.s32 $0x14000;
	[bflag:$0x0] =	sbarrier.arrive $0xFFFF  }
0xe5: {  	[tilespmem:s20], [sflag:$0x1] =	stream.indirect.gather [hbm4b:s12+s21], $0x80, s0, s21, $0xb8;
	[tilespmem:$0x1D000] =	vst v63  }
0xe6: {  	_ =	swait.ge [sflag:s25], $0x4000  }
0xe7: {  	[sflag:s25] =	ssyncset.done $0x0  }
0xe8: {  	s31 =	simm.s32 $0x16800;
	[sflag:s25] =	ssyncadd.s32 $0xFFFFC000  }
0xe9: {  	[spmem:s2] =	stream.indirect.scatter.add.f32 [tilespmem:s20], [sflag:$0x2], $0x80, s31, s21, $0xb8;
	[tilespmem:$0x1D000] =	vst v63  }
0xea: {  	_ =	swait.ge [sflag:s18], $0x4000  }
0xeb: {  	s29 =	simm.s32 $0x400;
	s28 =	simm.s32 $0x80;
	[sflag:s18] =	ssyncset.done $0x0  }
.LBB2_14:
0xec: {  	s0 =	sadd.s32 $0x14000, s28  }
0xed: {  	[sflag:s18] =	ssyncadd.s32 $0xFFFFC000;
	s17 =	smov.u32 s29;
	s19 =	sadd.s32 $0x200, s29  }
0xee: {  	[tilespmem:s20], [sflag:$0x1] =	stream.indirect.gather [hbm4b:s12+s21], $0x80, s0, s21, $0xb8;
	[tilespmem:$0x1D000] =	vst v63  }
0xef: {  	p1 =	sne.s32 s29, $0x9C00;
	_ =	swait.ge [sflag:s25], $0x4000  }
.Ltmp9:
0xf0: {  	[sflag:s25] =	ssyncset.done $0x0;
	(pc) =	sbr.rel @p1 .LBB2_14-.Ltmp9, $4  }
0xf1: {  	s0 =	sadd.s32 $0x16800, s28;
	[sflag:s25] =	ssyncadd.s32 $0xFFFFC000  }
0xf2: {  	[spmem:s2] =	stream.indirect.scatter.add.f32 [tilespmem:s20], [sflag:$0x2], $0x80, s0, s21, $0xb8;
	[tilespmem:$0x1D000] =	vst v63  }
0xf3: {  	_ =	swait.ge [sflag:s18], $0x4000  }
0xf4: {  	s28 =	sshra.s32 s17, $0x2;
	s29 =	smov.u32 s19;
	[sflag:s18] =	ssyncset.done $0x0  }
0xf5: {  	s0 =	sadd.s32 $0x14000, s28;
	[sflag:s18] =	ssyncadd.s32 $0xFFFFC000  }
0xf6: {  	[tilespmem:s20], [sflag:$0x1] =	stream.indirect.gather [hbm4b:s12+s21], $0x80, s0, s21, $0xb8;
	[tilespmem:$0x1D000] =	vst v63  }
0xf7: {  	_ =	swait.ge [sflag:s25], $0x4000  }
0xf8: {  	[sflag:s25] =	ssyncset.done $0x0  }
0xf9: {  	s17 =	sadd.s32 $0x16800, s28;
	[sflag:s25] =	ssyncadd.s32 $0xFFFFC000  }
0xfa: {  	[spmem:s2] =	stream.indirect.scatter.add.f32 [tilespmem:s20], [sflag:$0x2], $0x80, s17, s21, $0xb8;
	[tilespmem:$0x1D000] =	vst v63  }
0xfb: {  	_ =	swait.ge [sflag:s18], $0x4000  }
0xfc: {  	[sflag:s18] =	ssyncset.done $0x0  }
0xfd: {  	s19 =	sshll.u32 s1, $0x6;
	[sflag:s18] =	ssyncadd.s32 $0xFFFFC000  }
0xfe: {  	s29 =	sshrl.u32 s6, $0x3;
	s28 =	sor.u32 $0x1C02, s19;
	[bflag:$0x0] =	sbarrier.arrive $0xFFFF  }
0xff: {  	[hbm:s23], [sflag:s28] =	dma.local [spmem:s29], $0x2800  }
0x100: {  	_ =	swait.ge [sflag:s18], $0x2800  }
0x101: {  	[sflag:s18] =	ssyncset.done $0x0  }
0x102: {  	[sflag:s18] =	ssyncadd.s32 $0xFFFFD800  }
0x103: {  	s30 =	simm.s32 $0x0;
	s31 =	simm.s32 $0x200;
	[bflag:$0x0] =	sbarrier.arrive $0xFFFF  }
.LBB2_16:
0x104: {  	p1 =	sne.s32 s31, $0xFE00;
	[tilespmem:s30+$0x19070] =	vst v0  }
0x105: {  	[tilespmem:s30+$0x19000] =	vst v0  }
0x106: {  	[tilespmem:s30+$0x19010] =	vst v0  }
.Ltmp10:
0x107: {  	[tilespmem:s30+$0x19020] =	vst v0;
	(pc) =	sbr.rel @p1 .LBB2_16-.Ltmp10, $4  }
0x108: {  	[tilespmem:s30+$0x19030] =	vst v0  }
0x109: {  	[tilespmem:s30+$0x19040] =	vst v0  }
0x10a: {  	[tilespmem:s30+$0x19050] =	vst v0  }
0x10b: {  	[tilespmem:s30+$0x19060] =	vst v0;
	s30 =	sshra.s32 s31, $0x2;
	s31 =	sadd.s32 $0x200, s31  }
0x10c: {  	[tilespmem:s30+$0x19070] =	vst v0  }
0x10d: {  	[tilespmem:s30+$0x19000] =	vst v0  }
0x10e: {  	[tilespmem:s30+$0x19010] =	vst v0  }
0x10f: {  	[tilespmem:s30+$0x19020] =	vst v0  }
0x110: {  	[tilespmem:s30+$0x19030] =	vst v0  }
0x111: {  	[tilespmem:s30+$0x19040] =	vst v0  }
0x112: {  	[tilespmem:s30+$0x19050] =	vst v0  }
0x113: {  	[tilespmem:s30+$0x19060] =	vst v0  }
0x114: {  	[spmem:s6] =	stream.linear.scatter [tilespmem:s20], [sflag:$0x2], $0x4000, $0x38;
	[tilespmem:$0x1D000] =	vst v63  }
0x115: {  	_ =	swait.ge [sflag:s18], $0x4000  }
0x116: {  	[sflag:s18] =	ssyncset.done $0x0  }
0x117: {  	[sflag:s18] =	ssyncadd.s32 $0xFFFFC000  }
0x118: {  	[spmem:s8] =	stream.linear.scatter [tilespmem:s20], [sflag:$0x2], $0x4000, $0x38;
	[tilespmem:$0x1D000] =	vst v63  }
0x119: {  	_ =	swait.ge [sflag:s18], $0x4000  }
0x11a: {  	[sflag:s18] =	ssyncset.done $0x0  }
0x11b: {  	[sflag:s18] =	ssyncadd.s32 $0xFFFFC000  }
0x11c: {  	[spmem:s9] =	stream.linear.scatter [tilespmem:s20], [sflag:$0x2], $0x4000, $0x38;
	[tilespmem:$0x1D000] =	vst v63  }
0x11d: {  	_ =	swait.ge [sflag:s18], $0x4000  }
0x11e: {  	[sflag:s18] =	ssyncset.done $0x0  }
0x11f: {  	[sflag:s18] =	ssyncadd.s32 $0xFFFFC000  }
0x120: {  	[spmem:s10] =	stream.linear.scatter [tilespmem:s20], [sflag:$0x2], $0x4000, $0x38;
	[tilespmem:$0x1D000] =	vst v63  }
0x121: {  	_ =	swait.ge [sflag:s18], $0x4000  }
0x122: {  	[sflag:s18] =	ssyncset.done $0x0  }
0x123: {  	[sflag:s18] =	ssyncadd.s32 $0xFFFFC000  }
0x124: {  	[spmem:s11] =	stream.linear.scatter [tilespmem:s20], [sflag:$0x2], $0x4000, $0x38;
	[tilespmem:$0x1D000] =	vst v63  }
0x125: {  	_ =	swait.ge [sflag:s18], $0x4000  }
0x126: {  	[sflag:s18] =	ssyncset.done $0x0  }
0x127: {  	[sflag:s18] =	ssyncadd.s32 $0xFFFFC000  }
0x128: {  	s0 =	simm.s32 $0x14000;
	[bflag:$0x0] =	sbarrier.arrive $0xFFFF  }
0x129: {  	[tilespmem:s20], [sflag:$0x1] =	stream.indirect.gather [hbm4b:s13+s21], $0x80, s0, s21, $0xb8;
	[tilespmem:$0x1D000] =	vst v63  }
0x12a: {  	_ =	swait.ge [sflag:s25], $0x4000  }
0x12b: {  	[sflag:s25] =	ssyncset.done $0x0  }
0x12c: {  	s19 =	simm.s32 $0x16800;
	[sflag:s25] =	ssyncadd.s32 $0xFFFFC000  }
0x12d: {  	[spmem:s2] =	stream.indirect.scatter.add.f32 [tilespmem:s20], [sflag:$0x2], $0x80, s19, s21, $0xb8;
	[tilespmem:$0x1D000] =	vst v63  }
0x12e: {  	_ =	swait.ge [sflag:s18], $0x4000  }
0x12f: {  	s31 =	simm.s32 $0x400;
	s30 =	simm.s32 $0x80;
	[sflag:s18] =	ssyncset.done $0x0  }
.LBB2_18:
0x130: {  	s0 =	sadd.s32 $0x14000, s30  }
0x131: {  	[sflag:s18] =	ssyncadd.s32 $0xFFFFC000;
	s17 =	smov.u32 s31;
	s19 =	sadd.s32 $0x200, s31  }
0x132: {  	[tilespmem:s20], [sflag:$0x1] =	stream.indirect.gather [hbm4b:s13+s21], $0x80, s0, s21, $0xb8;
	[tilespmem:$0x1D000] =	vst v63  }
0x133: {  	p1 =	sne.s32 s31, $0x9C00;
	_ =	swait.ge [sflag:s25], $0x4000  }
.Ltmp11:
0x134: {  	[sflag:s25] =	ssyncset.done $0x0;
	(pc) =	sbr.rel @p1 .LBB2_18-.Ltmp11, $4  }
0x135: {  	s0 =	sadd.s32 $0x16800, s30;
	[sflag:s25] =	ssyncadd.s32 $0xFFFFC000  }
0x136: {  	[spmem:s2] =	stream.indirect.scatter.add.f32 [tilespmem:s20], [sflag:$0x2], $0x80, s0, s21, $0xb8;
	[tilespmem:$0x1D000] =	vst v63  }
0x137: {  	_ =	swait.ge [sflag:s18], $0x4000  }
0x138: {  	s30 =	sshra.s32 s17, $0x2;
	s31 =	smov.u32 s19;
	[sflag:s18] =	ssyncset.done $0x0  }
.Ltmp12:
0x139: {  	_ = 	snop;
	(pc) =	sbr.rel .LBB2_19-.Ltmp12, $1  }
0x13a: {  	_ =	sdelay $0x3  }
.LBB2_21:
0x13b: {  	_ =	sfence.sel $0x180000  }
0x13c: {  	[bflag:$0x0] =	sbarrier.arrive $0xFFFF  }
0x13d: {  	_ =	strace $0x9000004A  }
0x13e: {  	[bflag:$0x2] =	sbarrier.arrive $0xFFFF  }
0x13f: {  	p0 =	sne.s32 s1, $0x0;
	s0 =	rddreg [dreg:$0x2]  }
0x140: {  	s0 =	sadd.s32 @!p0 $0x100000, s0  }
0x141: {  	[sflag:s0] =	ssyncadd.tile.s32 @!p0 $0x1;
	_ =	shalt  }
.Lfunc_end2:
_tile_overlayer_lowered:
.L_overlay_start_2:
0x142: {  	(tag) =	ssettag $0x2  }
0x143: {  	s0 =	rddreg [dreg:$0x0];
	s2 =	stileid.u32  }
0x144: {  	s1 =	rddreg [dreg:$0x1];
	p0 =	sne.s32 s2, $0x0  }
0x145: {  	s3 =	rddreg [dreg:$0x2];
	[bflag:$0x3] =	sbarrier.arrive $0xFFFF;
	s2 =	simm.s32 @!p0 $0x1C02  }
0x146: {  	[timem:s3], [sflag:s2] =	dma.local @!p0 [hbm:s0], s1  }
0x147: {  	s0 =	simm.s32 @!p0 $0x2  }
0x148: {  	_ =	swait.ge @!p0 [sflag:s0], s1  }
0x149: {  	s1 =	ssub.s32 @!p0 $0x0, s1;
	[sflag:s0] =	ssyncset.done @!p0 $0x0  }
0x14a: {  	[sflag:s0] =	ssyncadd.s32 @!p0 s1  }
0x14b: {  	[bflag:$0x3] =	sbarrier.arrive $0xFFFF  }
0x14c: {  	_ =	shalt  }

// kernel: kernel.17.cloned.1.call-start
scs
__scs_entry_jumppad:
0x0: {  	(pc) =	sbr.rel $0x88, $3  }
0x1: {  	(tag) =	ssettag $0x0;
	lr =	simm.s32 $0x1  }
0x2: {  	[smem:$0x3F95] =	sst lr;
	_ =	strace $0xD0000000  }
0x3: {  	_ = 	snop  }
0x4: {  	_ = 	snop  }
0x5: {  	_ = 	snop  }
0x6: {  	_ = 	snop  }
0x7: {  	_ = 	snop  }
__scs_overlays_trampoline_lowered:
0x8: {  	[smem:$0x3FA4] =	sst s0  }
0x9: {  	[smem:$0x3FA5] =	sst s1  }
0xa: {  	[smem:$0x3FA6] =	sst s2  }
0xb: {  	[smem:$0x3FA7] =	sst s3  }
0xc: {  	[smem:$0x3FA8] =	sst s4  }
0xd: {  	[smem:$0x3FA9] =	sst s5  }
0xe: {  	[smem:$0x3FAA] =	sst s6  }
0xf: {  	[smem:$0x3FAB] =	sst s7  }
0x10: {  	[smem:$0x3FAC] =	sst s8  }
0x11: {  	[smem:$0x3FAD] =	sst s9;
	s0 =	simm.s32 @!p0 $0x0  }
0x12: {  	s1 =	sld [smem:$0x3F93];
	s0 =	simm.s32 @p0 $0x1  }
0x13: {  	[smem:$0x3FAE] =	sst s0;
	s0 =	simm.s32 @!p1 $0x0  }
0x14: {  	s2 =	sld [smem:$0x3F92];
	s0 =	simm.s32 @p1 $0x1  }
0x15: {  	[smem:$0x3FAF] =	sst s0;
	s0 =	simm.s32 @!p2 $0x0  }
0x16: {  	s3 =	sld [smem:$0x3FDB];
	s0 =	simm.s32 @p2 $0x1  }
0x17: {  	s4 =	simm.s32 $0x1BF5;
	[smem:$0x3FB1] =	sst s0  }
0x18: {  	s0 =	sld [smem:$0x3F94];
	_ =	swait.ge [sflag:s4], $0x0  }
0x19: {  	s7 =	sld [smem:$0x3F95]  }
0x1a: {  	s8 =	sadd.s32 $0xFFFFE003, lr  }
0x1b: {  	s9 =	sadd.s32 $0xFFFFFEF7, lr;
	s5 =	simm.s32 $0xFFFFFFFF;
	p2 =	slt.u32 s8, $0xFFFFF086  }
0x1c: {  	p1 =	slt.u32 s9, $0xF7A;
	s5 =	simm.s32 @!p2 $0x0  }
0x1d: {  	s5 =	simm.s32 @p1 $0x1;
	p0 =	seq.s32 s7, s2  }
0x1e: {  	s7 =	smul.u32 @!p0 $0xF7A, s2;
	p2 =	seq.s32 @!p0 s5, $0x0  }
0x1f: {  	s9 =	smul.u32 $0xF7A, s1;
	s8 =	simm.s32 @!p0 $0x1BF5;
	p2 =	por !p2, p0  }
0x20: {  	[sflag:s8] =	ssyncset.s32 @!p0 $0xFFFFF086;
	s6 =	sadd.s32 @!p0 s3, s7;
	s7 =	simm.s32 @!p0 $0x108  }
0x21: {  	s3 =	sadd.s32 s3, s9;
	s6 =	sadd.s32 @!p0 $0x88, s6;
	s7 =	simm.s32 @p2 $0x1082  }
0x22: {  	[simem:s7], [sflag:s8] =	dma.local @!p0 [hbm:s6], $0xF7A  }
0x23: {  	s9 =	sor.u32 $0xD0000000, s2;
	s6 =	simm.s32 $0x108;
	_ =	swait.ge @!p0 [sflag:s8], $0x0  }
0x24: {  	s3 =	sadd.s32 $0x88, s3;
	s6 =	simm.s32 @!p1 $0x1082;
	[sflag:s4] =	ssyncset.s32 $0xFFFFF086  }
0x25: {  	[simem:s6], [sflag:s4] =	dma.local [hbm:s3], $0xF7A  }
0x26: {  	[smem:$0x3F95] =	sst s1;
	(tag) =	ssettag s2;
	_ =	strace s9  }
0x27: {  	s1 =	sld [smem:$0x3FA5]  }
0x28: {  	s2 =	sld [smem:$0x3FA6]  }
0x29: {  	s4 =	sld [smem:$0x3FA8]  }
0x2a: {  	p0 =	seq.s32 s5, $0x0;
	s5 =	sld [smem:$0x3FA9]  }
0x2b: {  	s6 =	sld [smem:$0x3FAA]  }
0x2c: {  	s7 =	sld [smem:$0x3FAB]  }
0x2d: {  	s3 =	simm.s32 $0x108;
	s8 =	sld [smem:$0x3FAC]  }
0x2e: {  	s3 =	simm.s32 @!p0 $0x1082;
	s9 =	sld [smem:$0x3FAD]  }
0x2f: {  	lr =	sadd.s32 s0, s3;
	s0 =	sld [smem:$0x3FA4]  }
0x30: {  	s3 =	sld [smem:$0x3FA7]  }
0x31: {  	[smem:$0x3FB0] =	sst s10  }
0x32: {  	s10 =	sld [smem:$0x3FAE];
	_ =	sdelay $0x3  }
0x33: {  	p0 =	seq.s32 s10, $0x1;
	s10 =	sld [smem:$0x3FB0];
	_ =	sdelay $0x3  }
0x34: {  	[smem:$0x3FB0] =	sst s10  }
0x35: {  	s10 =	sld [smem:$0x3FAF];
	_ =	sdelay $0x3  }
0x36: {  	p1 =	seq.s32 s10, $0x1;
	s10 =	sld [smem:$0x3FB0];
	_ =	sdelay $0x3  }
0x37: {  	[smem:$0x3FB0] =	sst s10  }
0x38: {  	s10 =	sld [smem:$0x3FB1]  }
0x39: {  	_ = 	snop;
	(pc) =	sbr.ind lr, $3  }
0x3a: {  	_ = 	snop  }
0x3b: {  	_ = 	snop  }
0x3c: {  	p2 =	seq.s32 s10, $0x1;
	s10 =	sld [smem:$0x3FB0]  }
0x3d: {  	_ =	shalt  }
0x3e: {  	_ =	shalt  }
0x3f: {  	_ =	shalt  }
0x40: {  	_ =	shalt  }
0x41: {  	_ =	shalt  }
0x42: {  	_ =	shalt  }
0x43: {  	_ =	shalt  }
0x44: {  	_ =	shalt  }
0x45: {  	_ =	shalt  }
0x46: {  	_ =	shalt  }
0x47: {  	_ =	shalt  }
0x48: {  	_ =	shalt  }
0x49: {  	_ =	shalt  }
0x4a: {  	_ =	shalt  }
0x4b: {  	_ =	shalt  }
0x4c: {  	_ =	shalt  }
0x4d: {  	_ =	shalt  }
0x4e: {  	_ =	shalt  }
0x4f: {  	_ =	shalt  }
0x50: {  	_ =	shalt  }
0x51: {  	_ =	shalt  }
0x52: {  	_ =	shalt  }
0x53: {  	_ =	shalt  }
0x54: {  	_ =	shalt  }
0x55: {  	_ =	shalt  }
0x56: {  	_ =	shalt  }
0x57: {  	_ =	shalt  }
0x58: {  	_ =	shalt  }
0x59: {  	_ =	shalt  }
0x5a: {  	_ =	shalt  }
0x5b: {  	_ =	shalt  }
0x5c: {  	_ =	shalt  }
0x5d: {  	_ =	shalt  }
0x5e: {  	_ =	shalt  }
0x5f: {  	_ =	shalt  }
0x60: {  	_ =	shalt  }
0x61: {  	_ =	shalt  }
0x62: {  	_ =	shalt  }
0x63: {  	_ =	shalt  }
0x64: {  	_ =	shalt  }
0x65: {  	_ =	shalt  }
0x66: {  	_ =	shalt  }
0x67: {  	_ =	shalt  }
0x68: {  	_ =	shalt  }
0x69: {  	_ =	shalt  }
0x6a: {  	_ =	shalt  }
0x6b: {  	_ =	shalt  }
0x6c: {  	_ =	shalt  }
0x6d: {  	_ =	shalt  }
0x6e: {  	_ =	shalt  }
0x6f: {  	_ =	shalt  }
0x70: {  	_ =	shalt  }
0x71: {  	_ =	shalt  }
0x72: {  	_ =	shalt  }
0x73: {  	_ =	shalt  }
0x74: {  	_ =	shalt  }
0x75: {  	_ =	shalt  }
0x76: {  	_ =	shalt  }
0x77: {  	_ =	shalt  }
0x78: {  	_ =	shalt  }
0x79: {  	_ =	shalt  }
0x7a: {  	_ =	shalt  }
0x7b: {  	_ =	shalt  }
0x7c: {  	_ =	shalt  }
0x7d: {  	_ =	shalt  }
0x7e: {  	_ =	shalt  }
0x7f: {  	_ =	shalt  }
0x80: {  	_ =	shalt  }
0x81: {  	_ =	shalt  }
0x82: {  	_ =	shalt  }
0x83: {  	_ =	shalt  }
0x84: {  	_ =	shalt  }
0x85: {  	_ =	shalt  }
0x86: {  	_ =	shalt  }
0x87: {  	_ =	shalt  }
.Lfunc_end0:
.L_simem_size_0:
called_computation.2_lowered:
.L_overlay_start_0:
0x88: {  	s2 =	sld [smem:$0x3FD9]  }
0x89: {  	s3 =	sld [smem:$0x3FFE];
	_ =	sdelay $0x1  }
0x8a: {  	s1 =	srdreg.scid  }
0x8b: {  	s0 =	sand.u32 $0x1, s1  }
0x8c: {  	s16 =	sshll.u32 s0, $0xA;
	s2 =	sadd.s32 s3, s2  }
0x8d: {  	s2 =	sadd.s32 s2, s16  }
0x8e: {  	[smem:$0x3FBC] =	sst s2  }
0x8f: {  	_ = 	snop  }
0x90: {  	(tm) =	ssettm $0x1  }
0x91: {  	s17 =	sld [smem:$0x3FFB];
	_ =	sdelay $0x3  }
0x92: {  	_ =	strace s17  }
0x93: {  	s2 =	sld [smem:$0x3FFC];
	_ =	sdelay $0x3  }
0x94: {  	_ =	strace s2  }
0x95: {  	s2 =	sld [smem:$0x3FFD];
	_ =	sdelay $0x3  }
0x96: {  	_ =	strace s2  }
0x97: {  	_ =	strace $0x8FFFFFFF  }
0x98: {  	s18 =	sld [smem:$0x3FDB];
	_ =	sdelay $0x1  }
0x99: {  	s19 =	simm.s32 $_scs_section_size  }
0x9a: {  	s4 =	simm.s32 $_size__tile_overlayer_lowered;
	s5 =	simm.s32 $_tile_overlayer_lowered  }
0x9b: {  	s22 =	simm.s32 $0x1BFF;
	s21 =	sshll.u32 s5, $0x1;
	s2 =	sadd.s32 s19, s18  }
0x9c: {  	s6 =	simm.s32 $0x0;
	s20 =	sshll.u32 s4, $0x1;
	s4 =	sadd.s32 s21, s2  }
0x9d: {  	[timem:s6], [sflag:s22] =	dma.local [hbm:s4], s20  }
0x9e: {  	_ =	swait.ge [sflag:s22], s20  }
0x9f: {  	s3 =	ssub.s32 $0x0, s20;
	[sflag:s22] =	ssyncset.done $0x0  }
0xa0: {  	[sflag:s22] =	ssyncadd.s32 s3;
	_ =	sdelay $0x1  }
0xa1: {  	s23 =	simm.s32 $0x1B8B  }
0xa2: {  	_ =	swait.ge [sflag:s23], $0x1  }
0xa3: {  	[sflag:s23] =	ssyncset.done $0x0  }
0xa4: {  	s25 =	simm.s32 $0x1B8E;
	s24 =	sld [smem:$0x3FFE];
	[sflag:s23] =	ssyncadd.s32 $0xFFFFFFFF  }
0xa5: {  	s26 =	simm.s32 $execute0_lowered;
	[smem:$0x3FD2] =	sst s25  }
0xa6: {  	s4 =	sshll.u32 s26, $0x1;
	_ =	strace $0x8000004C;
	[dreg:$0x1] =	wrdreg $0xFFFFFFFF  }
0xa7: {  	s28 =	simm.s32 $_size_execute0_lowered;
	s2 =	sadd.s32 s2, s4;
	[dreg:$0x0] =	wrdreg $0x0  }
0xa8: {  	s4 =	sshll.u32 s28, $0x1;
	[dreg:$0x2] =	wrdreg s2  }
0xa9: {  	[dreg:$0x3] =	wrdreg s4  }
0xaa: {  	[dreg:$0x4] =	wrdreg $0xC0  }
0xab: {  	_ =	task [dreg:s6], $0x5FFFF  }
0xac: {  	[dreg:$0x1] =	wrdreg $0xFFFFFFFF  }
0xad: {  	[dreg:$0x0] =	wrdreg $0x60  }
0xae: {  	[dreg:$0x2] =	wrdreg s24  }
0xaf: {  	[dreg:$0x3] =	wrdreg $0x0  }
0xb0: {  	[dreg:$0x4] =	wrdreg $0x9  }
0xb1: {  	_ =	task.clear_ibuf [dreg:s6], $0x5FFFF;
	_ =	strace $0x9000004C  }
0xb2: {  	s29 =	simm.s32 $0x9;
	_ =	strace $0x8000004E  }
0xb3: {  	_ =	swait.ge [sflag:s29], $0x1  }
0xb4: {  	[sflag:s29] =	ssyncadd.s32 $0xFFFFFFFF  }
0xb5: {  	_ =	strace $0x9000004E  }
0xb6: {  	_ =	sfence  }
0xb7: {  	s30 =	sld [smem:$0x0];
	_ =	sdelay $0x2  }
0xb8: {  	s31 =	sshll.u32 s1, $0xD;
	s1 =	sshrl.u32 s1, $0x2  }
0xb9: {  	s3 =	sand.u32 $0x4000, s31;
	s1 =	sadd.s32 s1, s30  }
0xba: {  	s0 =	sor.u32 s3, s0;
	s1 =	sshll.u32 s1, $0x11  }
0xbb: {  	s0 =	sor.u32 s1, s0  }
0xbc: {  	s0 =	sadd.s32 $0x8F2B, s0  }
0xbd: {  	[sflag:s0] =	ssyncadd.remote.s32 $0x1  }
0xbe: {  	_ =	sfence.sel $0xFFFF  }
0xbf: {  	[dreg:$0x0] =	wrdreg $0xFFFFFFFF;
	(pc) =	sbr.abs _section_cstart, $3  }
0xc0: {  	[dreg:$0x1] =	wrdreg $0xFFFFFFFF  }
0xc1: {  	_ =	task.clear_ibuf [dreg:s6], $0x2FFFF;
	_ =	strace $0x9FFFFFFF  }
0xc2: {  	(tm) =	ssettm $0x7FFFFFFF  }
0xc3: {  	_ =	shalt  }
tec
execute0_lowered:
.L_overlay_start_1:
0x0: {  	(tag) =	ssettag $0x1  }
0x1: {  	s16 =	rddreg [dreg:$0x0]  }
0x2: {  	s2 =	rddreg [dreg:$0x1];
	s3 =	simm.s32 $0x0;
	s1 =	stileid.u32  }
0x3: {  	s4 =	srdreg.scid;
	s20 =	simm.s32 $0x19000;
	s5 =	smul.u32 $0x500, s1  }
0x4: {  	s21 =	simm.s32 $0x80;
	s26 =	simm.s32 $0x0;
	s24 =	smul.u32 $0x2800, s1  }
0x5: {  	[smem:$0x7FF] =	sst s3;
	s17 =	sand.u32 $0x1, s4;
	s6 =	smul.u32 $0x50000, s1  }
0x6: {  	s4 =	sadd.s32 $0xCA00, s16;
	s12 =	sadd.s32 $0x5CA00, s16;
	s23 =	sadd.s32 $0xFCA00, s16  }
0x7: {  	s13 =	sadd.s32 $0x84A00, s16;
	s25 =	sadd.s32 $0x124A00, s16;
	s15 =	sadd.s32 $0x34A00, s16  }
0x8: {  	s22 =	sadd.s32 $0xD4A00, s16;
	_ =	strace $0x8000004D;
	s31 =	ssub.s32 $0x2, s17  }
0x9: {  	p0 =	sne.s32 s17, $0x0;
	s7 =	sadd.s32 s5, s16;
	s14 =	sadd.s32 s24, s16  }
0xa: {  	s8 =	sshrl.u32 s31, $0x1;
	s6 =	sshrl.u32 s6, $0x2;
	s22 =	sadd.s32 s24, s22  }
.Ltmp0:
0xb: {  	s23 =	sadd.s32 s24, s23;
	s24 =	sadd.s32 s24, s25;
	(pc) =	sbr.rel .LBB2_1-.Ltmp0, $4  }
0xc: {  	s25 =	simm.s32 $0x1;
	s18 =	ssub.s32 s31, s8;
	s5 =	sadd.s32 $0x7A00, s7  }
0xd: {  	s6 =	sadd.s32 s6, s2;
	s7 =	sadd.s32 $0x2A00, s7;
	s14 =	sadd.s32 $0xACA00, s14  }
0xe: {  	s8 =	sadd.s32 $0x4000, s6;
	s9 =	sadd.s32 $0x8000, s6;
	s10 =	sadd.s32 $0xC000, s6  }
0xf: {  	v0 =	vimm.f32 $0.0e+00;
	s11 =	sadd.s32 $0x10000, s6;
	s16 =	smax.u32 s18, $0x1;
	s18 =	simm.s32 $0x2  }
.LBB2_19:
0x10: {  	s0 =	sadd.s32 $0x14000, s30;
	[sflag:s18] =	ssyncadd.s32 $0xFFFFC000  }
0x11: {  	[tilespmem:s20], [sflag:$0x1] =	stream.indirect.gather [hbm4b:s13+s21], $0x80, s0, s21, $0xb8;
	[tilespmem:$0x1D000] =	vst v63  }
0x12: {  	_ =	swait.ge [sflag:s25], $0x4000  }
0x13: {  	[sflag:s25] =	ssyncset.done $0x0  }
0x14: {  	s31 =	sadd.s32 $0x16800, s30;
	[sflag:s25] =	ssyncadd.s32 $0xFFFFC000  }
0x15: {  	[spmem:s2] =	stream.indirect.scatter.add.f32 [tilespmem:s20], [sflag:$0x2], $0x80, s31, s21, $0xb8;
	[tilespmem:$0x1D000] =	vst v63  }
0x16: {  	_ =	swait.ge [sflag:s18], $0x4000  }
0x17: {  	[sflag:s18] =	ssyncset.done $0x0  }
0x18: {  	[sflag:s18] =	ssyncadd.s32 $0xFFFFC000  }
0x19: {  	[bflag:$0x0] =	sbarrier.arrive $0xFFFF  }
0x1a: {  	[hbm:s24], [sflag:s28] =	dma.local [spmem:s29], $0x2800  }
0x1b: {  	_ =	swait.ge [sflag:s18], $0x2800  }
0x1c: {  	[sflag:s18] =	ssyncset.done $0x0  }
0x1d: {  	[sflag:s18] =	ssyncadd.s32 $0xFFFFD800  }
.LBB2_20:
0x1e: {  	s26 =	sadd.s32 $0x1, s26  }
0x1f: {  	p1 =	sne.s32 s26, s16  }
.Ltmp1:
0x20: {  	_ = 	snop;
	(pc) =	sbr.rel @!p1 .LBB2_21-.Ltmp1, $2  }
0x21: {  	_ =	sdelay $0x1  }
0x22: {  	[bflag:$0x0] =	sbarrier.arrive $0xFFFF;
	_ =	sdelay $0x1  }
.LBB2_1:
0x23: {  	s0 =	simm.s32 $0x14000  }
0x24: {  	[tilespmem:s0], [sflag:$0x2] =	stream.linear.gather [hbm4b:s5+s3], $0x2780, $0x38;
	[tilespmem:$0x1D000] =	vst v63  }
0x25: {  	_ =	swait.ge [sflag:s18], $0x2780  }
0x26: {  	[sflag:s18] =	ssyncset.done $0x0  }
.Ltmp2:
0x27: {  	s31 =	simm.s32 $0x16800;
	[sflag:s18] =	ssyncadd.s32 $0xFFFFD880;
	(pc) =	sbr.rel @p0 .LBB2_11-.Ltmp2, $4  }
0x28: {  	[tilespmem:s31], [sflag:$0x2] =	stream.linear.gather [hbm4b:s7+s3], $0x2780, $0x38;
	[tilespmem:$0x1D000] =	vst v63  }
0x29: {  	_ =	swait.ge [sflag:s18], $0x2780  }
0x2a: {  	[sflag:s18] =	ssyncset.done $0x0  }
0x2b: {  	[sflag:s18] =	ssyncadd.s32 $0xFFFFD880  }
0x2c: {  	s28 =	sshra.s32 s3, $0x2;
	s29 =	sadd.s32 $0x200, s3  }
.LBB2_3:
0x2d: {  	p1 =	sne.s32 s29, $0xFE00;
	[tilespmem:s28+$0x19070] =	vst v0  }
0x2e: {  	[tilespmem:s28+$0x19000] =	vst v0  }
0x2f: {  	[tilespmem:s28+$0x19010] =	vst v0  }
.Ltmp3:
0x30: {  	[tilespmem:s28+$0x19020] =	vst v0;
	(pc) =	sbr.rel @p1 .LBB2_3-.Ltmp3, $4  }
0x31: {  	[tilespmem:s28+$0x19030] =	vst v0  }
0x32: {  	[tilespmem:s28+$0x19040] =	vst v0  }
0x33: {  	[tilespmem:s28+$0x19050] =	vst v0  }
0x34: {  	[tilespmem:s28+$0x19060] =	vst v0;
	s28 =	sshra.s32 s29, $0x2;
	s29 =	sadd.s32 $0x200, s29  }
0x35: {  	[tilespmem:s28+$0x19070] =	vst v0  }
0x36: {  	[tilespmem:s28+$0x19000] =	vst v0  }
0x37: {  	[tilespmem:s28+$0x19010] =	vst v0  }
0x38: {  	[tilespmem:s28+$0x19020] =	vst v0  }
0x39: {  	[tilespmem:s28+$0x19030] =	vst v0  }
0x3a: {  	[tilespmem:s28+$0x19040] =	vst v0  }
0x3b: {  	[tilespmem:s28+$0x19050] =	vst v0  }
0x3c: {  	[tilespmem:s28+$0x19060] =	vst v0  }
0x3d: {  	[spmem:s6] =	stream.linear.scatter [tilespmem:s20], [sflag:$0x2], $0x4000, $0x38;
	[tilespmem:$0x1D000] =	vst v63  }
0x3e: {  	_ =	swait.ge [sflag:s18], $0x4000  }
0x3f: {  	[sflag:s18] =	ssyncset.done $0x0  }
0x40: {  	[sflag:s18] =	ssyncadd.s32 $0xFFFFC000  }
0x41: {  	[spmem:s8] =	stream.linear.scatter [tilespmem:s20], [sflag:$0x2], $0x4000, $0x38;
	[tilespmem:$0x1D000] =	vst v63  }
0x42: {  	_ =	swait.ge [sflag:s18], $0x4000  }
0x43: {  	[sflag:s18] =	ssyncset.done $0x0  }
0x44: {  	[sflag:s18] =	ssyncadd.s32 $0xFFFFC000  }
0x45: {  	[spmem:s9] =	stream.linear.scatter [tilespmem:s20], [sflag:$0x2], $0x4000, $0x38;
	[tilespmem:$0x1D000] =	vst v63  }
0x46: {  	_ =	swait.ge [sflag:s18], $0x4000  }
0x47: {  	[sflag:s18] =	ssyncset.done $0x0  }
0x48: {  	[sflag:s18] =	ssyncadd.s32 $0xFFFFC000  }
0x49: {  	[spmem:s10] =	stream.linear.scatter [tilespmem:s20], [sflag:$0x2], $0x4000, $0x38;
	[tilespmem:$0x1D000] =	vst v63  }
0x4a: {  	_ =	swait.ge [sflag:s18], $0x4000  }
0x4b: {  	[sflag:s18] =	ssyncset.done $0x0  }
0x4c: {  	[sflag:s18] =	ssyncadd.s32 $0xFFFFC000  }
0x4d: {  	[spmem:s11] =	stream.linear.scatter [tilespmem:s20], [sflag:$0x2], $0x4000, $0x38;
	[tilespmem:$0x1D000] =	vst v63  }
0x4e: {  	_ =	swait.ge [sflag:s18], $0x4000  }
0x4f: {  	[sflag:s18] =	ssyncset.done $0x0  }
0x50: {  	[sflag:s18] =	ssyncadd.s32 $0xFFFFC000  }
0x51: {  	s28 =	simm.s32 $0x14000;
	[bflag:$0x0] =	sbarrier.arrive $0xFFFF  }
0x52: {  	[tilespmem:s20], [sflag:$0x1] =	stream.indirect.gather [hbm4b:s4+s21], $0x80, s28, s21, $0xb8;
	[tilespmem:$0x1D000] =	vst v63  }
0x53: {  	_ =	swait.ge [sflag:s25], $0x4000  }
0x54: {  	[sflag:s25] =	ssyncset.done $0x0  }
0x55: {  	s28 =	simm.s32 $0x16800;
	[sflag:s25] =	ssyncadd.s32 $0xFFFFC000  }
0x56: {  	[spmem:s2] =	stream.indirect.scatter.add.f32 [tilespmem:s20], [sflag:$0x2], $0x80, s28, s21, $0xb8;
	[tilespmem:$0x1D000] =	vst v63  }
0x57: {  	_ =	swait.ge [sflag:s18], $0x4000  }
0x58: {  	s29 =	simm.s32 $0x400;
	s28 =	simm.s32 $0x80;
	[sflag:s18] =	ssyncset.done $0x0  }
.LBB2_5:
0x59: {  	s30 =	sadd.s32 $0x14000, s28  }
0x5a: {  	[sflag:s18] =	ssyncadd.s32 $0xFFFFC000;
	s31 =	smov.u32 s29;
	s0 =	sadd.s32 $0x200, s29  }
0x5b: {  	[tilespmem:s20], [sflag:$0x1] =	stream.indirect.gather [hbm4b:s4+s21], $0x80, s30, s21, $0xb8;
	[tilespmem:$0x1D000] =	vst v63  }
0x5c: {  	p1 =	seq.s32 s29, $0x9C00;
	_ =	swait.ge [sflag:s25], $0x4000  }
.Ltmp4:
0x5d: {  	[sflag:s25] =	ssyncset.done $0x0;
	(pc) =	sbr.rel @!p1 .LBB2_5-.Ltmp4, $4  }
0x5e: {  	s28 =	sadd.s32 $0x16800, s28;
	[sflag:s25] =	ssyncadd.s32 $0xFFFFC000  }
0x5f: {  	[spmem:s2] =	stream.indirect.scatter.add.f32 [tilespmem:s20], [sflag:$0x2], $0x80, s28, s21, $0xb8;
	[tilespmem:$0x1D000] =	vst v63  }
0x60: {  	_ =	swait.ge [sflag:s18], $0x4000  }
0x61: {  	s29 =	smov.u32 s0;
	s28 =	sshra.s32 s31, $0x2;
	[sflag:s18] =	ssyncset.done $0x0  }
0x62: {  	s0 =	sadd.s32 $0x14000, s28;
	[sflag:s18] =	ssyncadd.s32 $0xFFFFC000  }
0x63: {  	[tilespmem:s20], [sflag:$0x1] =	stream.indirect.gather [hbm4b:s4+s21], $0x80, s0, s21, $0xb8;
	[tilespmem:$0x1D000] =	vst v63  }
0x64: {  	_ =	swait.ge [sflag:s25], $0x4000  }
0x65: {  	[sflag:s25] =	ssyncset.done $0x0  }
0x66: {  	s17 =	sadd.s32 $0x16800, s28;
	[sflag:s25] =	ssyncadd.s32 $0xFFFFC000  }
0x67: {  	[spmem:s2] =	stream.indirect.scatter.add.f32 [tilespmem:s20], [sflag:$0x2], $0x80, s17, s21, $0xb8;
	[tilespmem:$0x1D000] =	vst v63  }
0x68: {  	_ =	swait.ge [sflag:s18], $0x4000  }
0x69: {  	[sflag:s18] =	ssyncset.done $0x0  }
0x6a: {  	s19 =	sshll.u32 s1, $0x6;
	[sflag:s18] =	ssyncadd.s32 $0xFFFFC000  }
0x6b: {  	s29 =	sshrl.u32 s6, $0x3;
	s28 =	sor.u32 $0x1C02, s19;
	[bflag:$0x0] =	sbarrier.arrive $0xFFFF  }
0x6c: {  	[hbm:s14], [sflag:s28] =	dma.local [spmem:s29], $0x2800  }
0x6d: {  	_ =	swait.ge [sflag:s18], $0x2800  }
0x6e: {  	[sflag:s18] =	ssyncset.done $0x0  }
0x6f: {  	[sflag:s18] =	ssyncadd.s32 $0xFFFFD800  }
0x70: {  	s30 =	simm.s32 $0x0;
	s31 =	simm.s32 $0x200;
	[bflag:$0x0] =	sbarrier.arrive $0xFFFF  }
.LBB2_7:
0x71: {  	p1 =	sne.s32 s31, $0xFE00;
	[tilespmem:s30+$0x19070] =	vst v0  }
0x72: {  	[tilespmem:s30+$0x19000] =	vst v0  }
0x73: {  	[tilespmem:s30+$0x19010] =	vst v0  }
.Ltmp5:
0x74: {  	[tilespmem:s30+$0x19020] =	vst v0;
	(pc) =	sbr.rel @p1 .LBB2_7-.Ltmp5, $4  }
0x75: {  	[tilespmem:s30+$0x19030] =	vst v0  }
0x76: {  	[tilespmem:s30+$0x19040] =	vst v0  }
0x77: {  	[tilespmem:s30+$0x19050] =	vst v0  }
0x78: {  	[tilespmem:s30+$0x19060] =	vst v0;
	s30 =	sshra.s32 s31, $0x2;
	s31 =	sadd.s32 $0x200, s31  }
0x79: {  	[tilespmem:s30+$0x19070] =	vst v0  }
0x7a: {  	[tilespmem:s30+$0x19000] =	vst v0  }
0x7b: {  	[tilespmem:s30+$0x19010] =	vst v0  }
0x7c: {  	[tilespmem:s30+$0x19020] =	vst v0  }
0x7d: {  	[tilespmem:s30+$0x19030] =	vst v0  }
0x7e: {  	[tilespmem:s30+$0x19040] =	vst v0  }
0x7f: {  	[tilespmem:s30+$0x19050] =	vst v0  }
0x80: {  	[tilespmem:s30+$0x19060] =	vst v0  }
0x81: {  	[spmem:s6] =	stream.linear.scatter [tilespmem:s20], [sflag:$0x2], $0x4000, $0x38;
	[tilespmem:$0x1D000] =	vst v63  }
0x82: {  	_ =	swait.ge [sflag:s18], $0x4000  }
0x83: {  	[sflag:s18] =	ssyncset.done $0x0  }
0x84: {  	[sflag:s18] =	ssyncadd.s32 $0xFFFFC000  }
0x85: {  	[spmem:s8] =	stream.linear.scatter [tilespmem:s20], [sflag:$0x2], $0x4000, $0x38;
	[tilespmem:$0x1D000] =	vst v63  }
0x86: {  	_ =	swait.ge [sflag:s18], $0x4000  }
0x87: {  	[sflag:s18] =	ssyncset.done $0x0  }
0x88: {  	[sflag:s18] =	ssyncadd.s32 $0xFFFFC000  }
0x89: {  	[spmem:s9] =	stream.linear.scatter [tilespmem:s20], [sflag:$0x2], $0x4000, $0x38;
	[tilespmem:$0x1D000] =	vst v63  }
0x8a: {  	_ =	swait.ge [sflag:s18], $0x4000  }
0x8b: {  	[sflag:s18] =	ssyncset.done $0x0  }
0x8c: {  	[sflag:s18] =	ssyncadd.s32 $0xFFFFC000  }
0x8d: {  	[spmem:s10] =	stream.linear.scatter [tilespmem:s20], [sflag:$0x2], $0x4000, $0x38;
	[tilespmem:$0x1D000] =	vst v63  }
0x8e: {  	_ =	swait.ge [sflag:s18], $0x4000  }
0x8f: {  	[sflag:s18] =	ssyncset.done $0x0  }
0x90: {  	[sflag:s18] =	ssyncadd.s32 $0xFFFFC000  }
0x91: {  	[spmem:s11] =	stream.linear.scatter [tilespmem:s20], [sflag:$0x2], $0x4000, $0x38;
	[tilespmem:$0x1D000] =	vst v63  }
0x92: {  	_ =	swait.ge [sflag:s18], $0x4000  }
0x93: {  	[sflag:s18] =	ssyncset.done $0x0  }
0x94: {  	[sflag:s18] =	ssyncadd.s32 $0xFFFFC000  }
0x95: {  	s0 =	simm.s32 $0x14000;
	[bflag:$0x0] =	sbarrier.arrive $0xFFFF  }
0x96: {  	[tilespmem:s20], [sflag:$0x1] =	stream.indirect.gather [hbm4b:s15+s21], $0x80, s0, s21, $0xb8;
	[tilespmem:$0x1D000] =	vst v63  }
0x97: {  	_ =	swait.ge [sflag:s25], $0x4000  }
0x98: {  	[sflag:s25] =	ssyncset.done $0x0  }
0x99: {  	s19 =	simm.s32 $0x16800;
	[sflag:s25] =	ssyncadd.s32 $0xFFFFC000  }
0x9a: {  	[spmem:s2] =	stream.indirect.scatter.add.f32 [tilespmem:s20], [sflag:$0x2], $0x80, s19, s21, $0xb8;
	[tilespmem:$0x1D000] =	vst v63  }
0x9b: {  	_ =	swait.ge [sflag:s18], $0x4000  }
0x9c: {  	s31 =	simm.s32 $0x400;
	s30 =	simm.s32 $0x80;
	[sflag:s18] =	ssyncset.done $0x0  }
.LBB2_9:
0x9d: {  	s0 =	sadd.s32 $0x14000, s30  }
0x9e: {  	[sflag:s18] =	ssyncadd.s32 $0xFFFFC000;
	s17 =	smov.u32 s31;
	s19 =	sadd.s32 $0x200, s31  }
0x9f: {  	[tilespmem:s20], [sflag:$0x1] =	stream.indirect.gather [hbm4b:s15+s21], $0x80, s0, s21, $0xb8;
	[tilespmem:$0x1D000] =	vst v63  }
0xa0: {  	p1 =	sne.s32 s31, $0x9C00;
	_ =	swait.ge [sflag:s25], $0x4000  }
.Ltmp6:
0xa1: {  	[sflag:s25] =	ssyncset.done $0x0;
	(pc) =	sbr.rel @p1 .LBB2_9-.Ltmp6, $4  }
0xa2: {  	s0 =	sadd.s32 $0x16800, s30;
	[sflag:s25] =	ssyncadd.s32 $0xFFFFC000  }
0xa3: {  	[spmem:s2] =	stream.indirect.scatter.add.f32 [tilespmem:s20], [sflag:$0x2], $0x80, s0, s21, $0xb8;
	[tilespmem:$0x1D000] =	vst v63  }
0xa4: {  	_ =	swait.ge [sflag:s18], $0x4000  }
0xa5: {  	s30 =	sshra.s32 s17, $0x2;
	s31 =	smov.u32 s19;
	[sflag:s18] =	ssyncset.done $0x0  }
0xa6: {  	s0 =	sadd.s32 $0x14000, s30;
	[sflag:s18] =	ssyncadd.s32 $0xFFFFC000  }
0xa7: {  	[tilespmem:s20], [sflag:$0x1] =	stream.indirect.gather [hbm4b:s15+s21], $0x80, s0, s21, $0xb8;
	[tilespmem:$0x1D000] =	vst v63  }
0xa8: {  	_ =	swait.ge [sflag:s25], $0x4000  }
0xa9: {  	[sflag:s25] =	ssyncset.done $0x0  }
0xaa: {  	s31 =	sadd.s32 $0x16800, s30;
	[sflag:s25] =	ssyncadd.s32 $0xFFFFC000  }
0xab: {  	[spmem:s2] =	stream.indirect.scatter.add.f32 [tilespmem:s20], [sflag:$0x2], $0x80, s31, s21, $0xb8;
	[tilespmem:$0x1D000] =	vst v63  }
0xac: {  	_ =	swait.ge [sflag:s18], $0x4000  }
0xad: {  	[sflag:s18] =	ssyncset.done $0x0  }
0xae: {  	[sflag:s18] =	ssyncadd.s32 $0xFFFFC000  }
0xaf: {  	[bflag:$0x0] =	sbarrier.arrive $0xFFFF  }
0xb0: {  	[hbm:s22], [sflag:s28] =	dma.local [spmem:s29], $0x2800  }
0xb1: {  	_ =	swait.ge [sflag:s18], $0x2800  }
0xb2: {  	[sflag:s18] =	ssyncset.done $0x0  }
0xb3: {  	[sflag:s18] =	ssyncadd.s32 $0xFFFFD800  }
0xb4: {  	[bflag:$0x0] =	sbarrier.arrive $0xFFFF  }
0xb5: {  	[bflag:$0x0] =	sbarrier.arrive $0xFFFF  }
.Ltmp7:
0xb6: {  	[bflag:$0x0] =	sbarrier.arrive $0xFFFF;
	(pc) =	sbr.rel .LBB2_20-.Ltmp7, $3  }
0xb7: {  	[bflag:$0x0] =	sbarrier.arrive $0xFFFF  }
0xb8: {  	[bflag:$0x0] =	sbarrier.arrive $0xFFFF  }
0xb9: {  	[bflag:$0x0] =	sbarrier.arrive $0xFFFF;
	_ =	sdelay $0x1  }
.LBB2_11:
0xba: {  	[bflag:$0x0] =	sbarrier.arrive $0xFFFF  }
0xbb: {  	[bflag:$0x0] =	sbarrier.arrive $0xFFFF  }
0xbc: {  	[bflag:$0x0] =	sbarrier.arrive $0xFFFF  }
0xbd: {  	[bflag:$0x0] =	sbarrier.arrive $0xFFFF  }
0xbe: {  	[bflag:$0x0] =	sbarrier.arrive $0xFFFF  }
0xbf: {  	s28 =	simm.s32 $0x0;
	s29 =	simm.s32 $0x200;
	[bflag:$0x0] =	sbarrier.arrive $0xFFFF  }
.LBB2_12:
0xc0: {  	p1 =	sne.s32 s29, $0xFE00;
	[tilespmem:s28+$0x19070] =	vst v0  }
0xc1: {  	[tilespmem:s28+$0x19000] =	vst v0  }
0xc2: {  	[tilespmem:s28+$0x19010] =	vst v0  }
.Ltmp8:
0xc3: {  	[tilespmem:s28+$0x19020] =	vst v0;
	(pc) =	sbr.rel @p1 .LBB2_12-.Ltmp8, $4  }
0xc4: {  	[tilespmem:s28+$0x19030] =	vst v0  }
0xc5: {  	[tilespmem:s28+$0x19040] =	vst v0  }
0xc6: {  	[tilespmem:s28+$0x19050] =	vst v0  }
0xc7: {  	[tilespmem:s28+$0x19060] =	vst v0;
	s28 =	sshra.s32 s29, $0x2;
	s29 =	sadd.s32 $0x200, s29  }
0xc8: {  	[tilespmem:s28+$0x19070] =	vst v0  }
0xc9: {  	[tilespmem:s28+$0x19000] =	vst v0  }
0xca: {  	[tilespmem:s28+$0x19010] =	vst v0  }
0xcb: {  	[tilespmem:s28+$0x19020] =	vst v0  }
0xcc: {  	[tilespmem:s28+$0x19030] =	vst v0  }
0xcd: {  	[tilespmem:s28+$0x19040] =	vst v0  }
0xce: {  	[tilespmem:s28+$0x19050] =	vst v0  }
0xcf: {  	[tilespmem:s28+$0x19060] =	vst v0  }
0xd0: {  	[spmem:s6] =	stream.linear.scatter [tilespmem:s20], [sflag:$0x2], $0x4000, $0x38;
	[tilespmem:$0x1D000] =	vst v63  }
0xd1: {  	_ =	swait.ge [sflag:s18], $0x4000  }
0xd2: {  	[sflag:s18] =	ssyncset.done $0x0  }
0xd3: {  	[sflag:s18] =	ssyncadd.s32 $0xFFFFC000  }
0xd4: {  	[spmem:s8] =	stream.linear.scatter [tilespmem:s20], [sflag:$0x2], $0x4000, $0x38;
	[tilespmem:$0x1D000] =	vst v63  }
0xd5: {  	_ =	swait.ge [sflag:s18], $0x4000  }
0xd6: {  	[sflag:s18] =	ssyncset.done $0x0  }
0xd7: {  	[sflag:s18] =	ssyncadd.s32 $0xFFFFC000  }
0xd8: {  	[spmem:s9] =	stream.linear.scatter [tilespmem:s20], [sflag:$0x2], $0x4000, $0x38;
	[tilespmem:$0x1D000] =	vst v63  }
0xd9: {  	_ =	swait.ge [sflag:s18], $0x4000  }
0xda: {  	[sflag:s18] =	ssyncset.done $0x0  }
0xdb: {  	[sflag:s18] =	ssyncadd.s32 $0xFFFFC000  }
0xdc: {  	[spmem:s10] =	stream.linear.scatter [tilespmem:s20], [sflag:$0x2], $0x4000, $0x38;
	[tilespmem:$0x1D000] =	vst v63  }
0xdd: {  	_ =	swait.ge [sflag:s18], $0x4000  }
0xde: {  	[sflag:s18] =	ssyncset.done $0x0  }
0xdf: {  	[sflag:s18] =	ssyncadd.s32 $0xFFFFC000  }
0xe0: {  	[spmem:s11] =	stream.linear.scatter [tilespmem:s20], [sflag:$0x2], $0x4000, $0x38;
	[tilespmem:$0x1D000] =	vst v63  }
0xe1: {  	_ =	swait.ge [sflag:s18], $0x4000  }
0xe2: {  	[sflag:s18] =	ssyncset.done $0x0  }
0xe3: {  	[sflag:s18] =	ssyncadd.s32 $0xFFFFC000  }
0xe4: {  	s0 =	simm.s32 $0x14000;
	[bflag:$0x0] =	sbarrier.arrive $0xFFFF  }
0xe5: {  	[tilespmem:s20], [sflag:$0x1] =	stream.indirect.gather [hbm4b:s12+s21], $0x80, s0, s21, $0xb8;
	[tilespmem:$0x1D000] =	vst v63  }
0xe6: {  	_ =	swait.ge [sflag:s25], $0x4000  }
0xe7: {  	[sflag:s25] =	ssyncset.done $0x0  }
0xe8: {  	s31 =	simm.s32 $0x16800;
	[sflag:s25] =	ssyncadd.s32 $0xFFFFC000  }
0xe9: {  	[spmem:s2] =	stream.indirect.scatter.add.f32 [tilespmem:s20], [sflag:$0x2], $0x80, s31, s21, $0xb8;
	[tilespmem:$0x1D000] =	vst v63  }
0xea: {  	_ =	swait.ge [sflag:s18], $0x4000  }
0xeb: {  	s29 =	simm.s32 $0x400;
	s28 =	simm.s32 $0x80;
	[sflag:s18] =	ssyncset.done $0x0  }
.LBB2_14:
0xec: {  	s0 =	sadd.s32 $0x14000, s28  }
0xed: {  	[sflag:s18] =	ssyncadd.s32 $0xFFFFC000;
	s17 =	smov.u32 s29;
	s19 =	sadd.s32 $0x200, s29  }
0xee: {  	[tilespmem:s20], [sflag:$0x1] =	stream.indirect.gather [hbm4b:s12+s21], $0x80, s0, s21, $0xb8;
	[tilespmem:$0x1D000] =	vst v63  }
0xef: {  	p1 =	sne.s32 s29, $0x9C00;
	_ =	swait.ge [sflag:s25], $0x4000  }
.Ltmp9:
0xf0: {  	[sflag:s25] =	ssyncset.done $0x0;
	(pc) =	sbr.rel @p1 .LBB2_14-.Ltmp9, $4  }
0xf1: {  	s0 =	sadd.s32 $0x16800, s28;
	[sflag:s25] =	ssyncadd.s32 $0xFFFFC000  }
0xf2: {  	[spmem:s2] =	stream.indirect.scatter.add.f32 [tilespmem:s20], [sflag:$0x2], $0x80, s0, s21, $0xb8;
	[tilespmem:$0x1D000] =	vst v63  }
0xf3: {  	_ =	swait.ge [sflag:s18], $0x4000  }
0xf4: {  	s28 =	sshra.s32 s17, $0x2;
	s29 =	smov.u32 s19;
	[sflag:s18] =	ssyncset.done $0x0  }
0xf5: {  	s0 =	sadd.s32 $0x14000, s28;
	[sflag:s18] =	ssyncadd.s32 $0xFFFFC000  }
0xf6: {  	[tilespmem:s20], [sflag:$0x1] =	stream.indirect.gather [hbm4b:s12+s21], $0x80, s0, s21, $0xb8;
	[tilespmem:$0x1D000] =	vst v63  }
0xf7: {  	_ =	swait.ge [sflag:s25], $0x4000  }
0xf8: {  	[sflag:s25] =	ssyncset.done $0x0  }
0xf9: {  	s17 =	sadd.s32 $0x16800, s28;
	[sflag:s25] =	ssyncadd.s32 $0xFFFFC000  }
0xfa: {  	[spmem:s2] =	stream.indirect.scatter.add.f32 [tilespmem:s20], [sflag:$0x2], $0x80, s17, s21, $0xb8;
	[tilespmem:$0x1D000] =	vst v63  }
0xfb: {  	_ =	swait.ge [sflag:s18], $0x4000  }
0xfc: {  	[sflag:s18] =	ssyncset.done $0x0  }
0xfd: {  	s19 =	sshll.u32 s1, $0x6;
	[sflag:s18] =	ssyncadd.s32 $0xFFFFC000  }
0xfe: {  	s29 =	sshrl.u32 s6, $0x3;
	s28 =	sor.u32 $0x1C02, s19;
	[bflag:$0x0] =	sbarrier.arrive $0xFFFF  }
0xff: {  	[hbm:s23], [sflag:s28] =	dma.local [spmem:s29], $0x2800  }
0x100: {  	_ =	swait.ge [sflag:s18], $0x2800  }
0x101: {  	[sflag:s18] =	ssyncset.done $0x0  }
0x102: {  	[sflag:s18] =	ssyncadd.s32 $0xFFFFD800  }
0x103: {  	s30 =	simm.s32 $0x0;
	s31 =	simm.s32 $0x200;
	[bflag:$0x0] =	sbarrier.arrive $0xFFFF  }
.LBB2_16:
0x104: {  	p1 =	sne.s32 s31, $0xFE00;
	[tilespmem:s30+$0x19070] =	vst v0  }
0x105: {  	[tilespmem:s30+$0x19000] =	vst v0  }
0x106: {  	[tilespmem:s30+$0x19010] =	vst v0  }
.Ltmp10:
0x107: {  	[tilespmem:s30+$0x19020] =	vst v0;
	(pc) =	sbr.rel @p1 .LBB2_16-.Ltmp10, $4  }
0x108: {  	[tilespmem:s30+$0x19030] =	vst v0  }
0x109: {  	[tilespmem:s30+$0x19040] =	vst v0  }
0x10a: {  	[tilespmem:s30+$0x19050] =	vst v0  }
0x10b: {  	[tilespmem:s30+$0x19060] =	vst v0;
	s30 =	sshra.s32 s31, $0x2;
	s31 =	sadd.s32 $0x200, s31  }
0x10c: {  	[tilespmem:s30+$0x19070] =	vst v0  }
0x10d: {  	[tilespmem:s30+$0x19000] =	vst v0  }
0x10e: {  	[tilespmem:s30+$0x19010] =	vst v0  }
0x10f: {  	[tilespmem:s30+$0x19020] =	vst v0  }
0x110: {  	[tilespmem:s30+$0x19030] =	vst v0  }
0x111: {  	[tilespmem:s30+$0x19040] =	vst v0  }
0x112: {  	[tilespmem:s30+$0x19050] =	vst v0  }
0x113: {  	[tilespmem:s30+$0x19060] =	vst v0  }
0x114: {  	[spmem:s6] =	stream.linear.scatter [tilespmem:s20], [sflag:$0x2], $0x4000, $0x38;
	[tilespmem:$0x1D000] =	vst v63  }
0x115: {  	_ =	swait.ge [sflag:s18], $0x4000  }
0x116: {  	[sflag:s18] =	ssyncset.done $0x0  }
0x117: {  	[sflag:s18] =	ssyncadd.s32 $0xFFFFC000  }
0x118: {  	[spmem:s8] =	stream.linear.scatter [tilespmem:s20], [sflag:$0x2], $0x4000, $0x38;
	[tilespmem:$0x1D000] =	vst v63  }
0x119: {  	_ =	swait.ge [sflag:s18], $0x4000  }
0x11a: {  	[sflag:s18] =	ssyncset.done $0x0  }
0x11b: {  	[sflag:s18] =	ssyncadd.s32 $0xFFFFC000  }
0x11c: {  	[spmem:s9] =	stream.linear.scatter [tilespmem:s20], [sflag:$0x2], $0x4000, $0x38;
	[tilespmem:$0x1D000] =	vst v63  }
0x11d: {  	_ =	swait.ge [sflag:s18], $0x4000  }
0x11e: {  	[sflag:s18] =	ssyncset.done $0x0  }
0x11f: {  	[sflag:s18] =	ssyncadd.s32 $0xFFFFC000  }
0x120: {  	[spmem:s10] =	stream.linear.scatter [tilespmem:s20], [sflag:$0x2], $0x4000, $0x38;
	[tilespmem:$0x1D000] =	vst v63  }
0x121: {  	_ =	swait.ge [sflag:s18], $0x4000  }
0x122: {  	[sflag:s18] =	ssyncset.done $0x0  }
0x123: {  	[sflag:s18] =	ssyncadd.s32 $0xFFFFC000  }
0x124: {  	[spmem:s11] =	stream.linear.scatter [tilespmem:s20], [sflag:$0x2], $0x4000, $0x38;
	[tilespmem:$0x1D000] =	vst v63  }
0x125: {  	_ =	swait.ge [sflag:s18], $0x4000  }
0x126: {  	[sflag:s18] =	ssyncset.done $0x0  }
0x127: {  	[sflag:s18] =	ssyncadd.s32 $0xFFFFC000  }
0x128: {  	s0 =	simm.s32 $0x14000;
	[bflag:$0x0] =	sbarrier.arrive $0xFFFF  }
0x129: {  	[tilespmem:s20], [sflag:$0x1] =	stream.indirect.gather [hbm4b:s13+s21], $0x80, s0, s21, $0xb8;
	[tilespmem:$0x1D000] =	vst v63  }
0x12a: {  	_ =	swait.ge [sflag:s25], $0x4000  }
0x12b: {  	[sflag:s25] =	ssyncset.done $0x0  }
0x12c: {  	s19 =	simm.s32 $0x16800;
	[sflag:s25] =	ssyncadd.s32 $0xFFFFC000  }
0x12d: {  	[spmem:s2] =	stream.indirect.scatter.add.f32 [tilespmem:s20], [sflag:$0x2], $0x80, s19, s21, $0xb8;
	[tilespmem:$0x1D000] =	vst v63  }
0x12e: {  	_ =	swait.ge [sflag:s18], $0x4000  }
0x12f: {  	s31 =	simm.s32 $0x400;
	s30 =	simm.s32 $0x80;
	[sflag:s18] =	ssyncset.done $0x0  }
.LBB2_18:
0x130: {  	s0 =	sadd.s32 $0x14000, s30  }
0x131: {  	[sflag:s18] =	ssyncadd.s32 $0xFFFFC000;
	s17 =	smov.u32 s31;
	s19 =	sadd.s32 $0x200, s31  }
0x132: {  	[tilespmem:s20], [sflag:$0x1] =	stream.indirect.gather [hbm4b:s13+s21], $0x80, s0, s21, $0xb8;
	[tilespmem:$0x1D000] =	vst v63  }
0x133: {  	p1 =	sne.s32 s31, $0x9C00;
	_ =	swait.ge [sflag:s25], $0x4000  }
.Ltmp11:
0x134: {  	[sflag:s25] =	ssyncset.done $0x0;
	(pc) =	sbr.rel @p1 .LBB2_18-.Ltmp11, $4  }
0x135: {  	s0 =	sadd.s32 $0x16800, s30;
	[sflag:s25] =	ssyncadd.s32 $0xFFFFC000  }
0x136: {  	[spmem:s2] =	stream.indirect.scatter.add.f32 [tilespmem:s20], [sflag:$0x2], $0x80, s0, s21, $0xb8;
	[tilespmem:$0x1D000] =	vst v63  }
0x137: {  	_ =	swait.ge [sflag:s18], $0x4000  }
0x138: {  	s30 =	sshra.s32 s17, $0x2;
	s31 =	smov.u32 s19;
	[sflag:s18] =	ssyncset.done $0x0  }
.Ltmp12:
0x139: {  	_ = 	snop;
	(pc) =	sbr.rel .LBB2_19-.Ltmp12, $1  }
0x13a: {  	_ =	sdelay $0x3  }
.LBB2_21:
0x13b: {  	_ =	sfence.sel $0x180000  }
0x13c: {  	[bflag:$0x0] =	sbarrier.arrive $0xFFFF  }
0x13d: {  	_ =	strace $0x9000004D  }
0x13e: {  	[bflag:$0x2] =	sbarrier.arrive $0xFFFF  }
0x13f: {  	p0 =	sne.s32 s1, $0x0;
	s0 =	rddreg [dreg:$0x2]  }
0x140: {  	s0 =	sadd.s32 @!p0 $0x100000, s0  }
0x141: {  	[sflag:s0] =	ssyncadd.tile.s32 @!p0 $0x1;
	_ =	shalt  }
.Lfunc_end2:
_tile_overlayer_lowered:
.L_overlay_start_2:
0x142: {  	(tag) =	ssettag $0x2  }
0x143: {  	s0 =	rddreg [dreg:$0x0];
	s2 =	stileid.u32  }
0x144: {  	s1 =	rddreg [dreg:$0x1];
	p0 =	sne.s32 s2, $0x0  }
0x145: {  	s3 =	rddreg [dreg:$0x2];
	[bflag:$0x3] =	sbarrier.arrive $0xFFFF;
	s2 =	simm.s32 @!p0 $0x1C02  }
0x146: {  	[timem:s3], [sflag:s2] =	dma.local @!p0 [hbm:s0], s1  }
0x147: {  	s0 =	simm.s32 @!p0 $0x2  }
0x148: {  	_ =	swait.ge @!p0 [sflag:s0], s1  }
0x149: {  	s1 =	ssub.s32 @!p0 $0x0, s1;
	[sflag:s0] =	ssyncset.done @!p0 $0x0  }
0x14a: {  	[sflag:s0] =	ssyncadd.s32 @!p0 s1  }
0x14b: {  	[bflag:$0x3] =	sbarrier.arrive $0xFFFF  }
0x14c: {  	_ =	shalt  }

// kernel: kernel.20.cloned.1.call-start
scs
__scs_entry_jumppad:
0x0: {  	(pc) =	sbr.rel $0x88, $3  }
0x1: {  	(tag) =	ssettag $0x0;
	lr =	simm.s32 $0x1  }
0x2: {  	[smem:$0x3F95] =	sst lr;
	_ =	strace $0xD0000000  }
0x3: {  	_ = 	snop  }
0x4: {  	_ = 	snop  }
0x5: {  	_ = 	snop  }
0x6: {  	_ = 	snop  }
0x7: {  	_ = 	snop  }
__scs_overlays_trampoline_lowered:
0x8: {  	[smem:$0x3FA4] =	sst s0  }
0x9: {  	[smem:$0x3FA5] =	sst s1  }
0xa: {  	[smem:$0x3FA6] =	sst s2  }
0xb: {  	[smem:$0x3FA7] =	sst s3  }
0xc: {  	[smem:$0x3FA8] =	sst s4  }
0xd: {  	[smem:$0x3FA9] =	sst s5  }
0xe: {  	[smem:$0x3FAA] =	sst s6  }
0xf: {  	[smem:$0x3FAB] =	sst s7  }
0x10: {  	[smem:$0x3FAC] =	sst s8  }
0x11: {  	[smem:$0x3FAD] =	sst s9;
	s0 =	simm.s32 @!p0 $0x0  }
0x12: {  	s1 =	sld [smem:$0x3F93];
	s0 =	simm.s32 @p0 $0x1  }
0x13: {  	[smem:$0x3FAE] =	sst s0;
	s0 =	simm.s32 @!p1 $0x0  }
0x14: {  	s2 =	sld [smem:$0x3F92];
	s0 =	simm.s32 @p1 $0x1  }
0x15: {  	[smem:$0x3FAF] =	sst s0;
	s0 =	simm.s32 @!p2 $0x0  }
0x16: {  	s3 =	sld [smem:$0x3FDB];
	s0 =	simm.s32 @p2 $0x1  }
0x17: {  	s4 =	simm.s32 $0x1BF5;
	[smem:$0x3FB1] =	sst s0  }
0x18: {  	s0 =	sld [smem:$0x3F94];
	_ =	swait.ge [sflag:s4], $0x0  }
0x19: {  	s7 =	sld [smem:$0x3F95]  }
0x1a: {  	s8 =	sadd.s32 $0xFFFFE003, lr  }
0x1b: {  	s9 =	sadd.s32 $0xFFFFFEF7, lr;
	s5 =	simm.s32 $0xFFFFFFFF;
	p2 =	slt.u32 s8, $0xFFFFF086  }
0x1c: {  	p1 =	slt.u32 s9, $0xF7A;
	s5 =	simm.s32 @!p2 $0x0  }
0x1d: {  	s5 =	simm.s32 @p1 $0x1;
	p0 =	seq.s32 s7, s2  }
0x1e: {  	s7 =	smul.u32 @!p0 $0xF7A, s2;
	p2 =	seq.s32 @!p0 s5, $0x0  }
0x1f: {  	s9 =	smul.u32 $0xF7A, s1;
	s8 =	simm.s32 @!p0 $0x1BF5;
	p2 =	por !p2, p0  }
0x20: {  	[sflag:s8] =	ssyncset.s32 @!p0 $0xFFFFF086;
	s6 =	sadd.s32 @!p0 s3, s7;
	s7 =	simm.s32 @!p0 $0x108  }
0x21: {  	s3 =	sadd.s32 s3, s9;
	s6 =	sadd.s32 @!p0 $0x88, s6;
	s7 =	simm.s32 @p2 $0x1082  }
0x22: {  	[simem:s7], [sflag:s8] =	dma.local @!p0 [hbm:s6], $0xF7A  }
0x23: {  	s9 =	sor.u32 $0xD0000000, s2;
	s6 =	simm.s32 $0x108;
	_ =	swait.ge @!p0 [sflag:s8], $0x0  }
0x24: {  	s3 =	sadd.s32 $0x88, s3;
	s6 =	simm.s32 @!p1 $0x1082;
	[sflag:s4] =	ssyncset.s32 $0xFFFFF086  }
0x25: {  	[simem:s6], [sflag:s4] =	dma.local [hbm:s3], $0xF7A  }
0x26: {  	[smem:$0x3F95] =	sst s1;
	(tag) =	ssettag s2;
	_ =	strace s9  }
0x27: {  	s1 =	sld [smem:$0x3FA5]  }
0x28: {  	s2 =	sld [smem:$0x3FA6]  }
0x29: {  	s4 =	sld [smem:$0x3FA8]  }
0x2a: {  	p0 =	seq.s32 s5, $0x0;
	s5 =	sld [smem:$0x3FA9]  }
0x2b: {  	s6 =	sld [smem:$0x3FAA]  }
0x2c: {  	s7 =	sld [smem:$0x3FAB]  }
0x2d: {  	s3 =	simm.s32 $0x108;
	s8 =	sld [smem:$0x3FAC]  }
0x2e: {  	s3 =	simm.s32 @!p0 $0x1082;
	s9 =	sld [smem:$0x3FAD]  }
0x2f: {  	lr =	sadd.s32 s0, s3;
	s0 =	sld [smem:$0x3FA4]  }
0x30: {  	s3 =	sld [smem:$0x3FA7]  }
0x31: {  	[smem:$0x3FB0] =	sst s10  }
0x32: {  	s10 =	sld [smem:$0x3FAE];
	_ =	sdelay $0x3  }
0x33: {  	p0 =	seq.s32 s10, $0x1;
	s10 =	sld [smem:$0x3FB0];
	_ =	sdelay $0x3  }
0x34: {  	[smem:$0x3FB0] =	sst s10  }
0x35: {  	s10 =	sld [smem:$0x3FAF];
	_ =	sdelay $0x3  }
0x36: {  	p1 =	seq.s32 s10, $0x1;
	s10 =	sld [smem:$0x3FB0];
	_ =	sdelay $0x3  }
0x37: {  	[smem:$0x3FB0] =	sst s10  }
0x38: {  	s10 =	sld [smem:$0x3FB1]  }
0x39: {  	_ = 	snop;
	(pc) =	sbr.ind lr, $3  }
0x3a: {  	_ = 	snop  }
0x3b: {  	_ = 	snop  }
0x3c: {  	p2 =	seq.s32 s10, $0x1;
	s10 =	sld [smem:$0x3FB0]  }
0x3d: {  	_ =	shalt  }
0x3e: {  	_ =	shalt  }
0x3f: {  	_ =	shalt  }
0x40: {  	_ =	shalt  }
0x41: {  	_ =	shalt  }
0x42: {  	_ =	shalt  }
0x43: {  	_ =	shalt  }
0x44: {  	_ =	shalt  }
0x45: {  	_ =	shalt  }
0x46: {  	_ =	shalt  }
0x47: {  	_ =	shalt  }
0x48: {  	_ =	shalt  }
0x49: {  	_ =	shalt  }
0x4a: {  	_ =	shalt  }
0x4b: {  	_ =	shalt  }
0x4c: {  	_ =	shalt  }
0x4d: {  	_ =	shalt  }
0x4e: {  	_ =	shalt  }
0x4f: {  	_ =	shalt  }
0x50: {  	_ =	shalt  }
0x51: {  	_ =	shalt  }
0x52: {  	_ =	shalt  }
0x53: {  	_ =	shalt  }
0x54: {  	_ =	shalt  }
0x55: {  	_ =	shalt  }
0x56: {  	_ =	shalt  }
0x57: {  	_ =	shalt  }
0x58: {  	_ =	shalt  }
0x59: {  	_ =	shalt  }
0x5a: {  	_ =	shalt  }
0x5b: {  	_ =	shalt  }
0x5c: {  	_ =	shalt  }
0x5d: {  	_ =	shalt  }
0x5e: {  	_ =	shalt  }
0x5f: {  	_ =	shalt  }
0x60: {  	_ =	shalt  }
0x61: {  	_ =	shalt  }
0x62: {  	_ =	shalt  }
0x63: {  	_ =	shalt  }
0x64: {  	_ =	shalt  }
0x65: {  	_ =	shalt  }
0x66: {  	_ =	shalt  }
0x67: {  	_ =	shalt  }
0x68: {  	_ =	shalt  }
0x69: {  	_ =	shalt  }
0x6a: {  	_ =	shalt  }
0x6b: {  	_ =	shalt  }
0x6c: {  	_ =	shalt  }
0x6d: {  	_ =	shalt  }
0x6e: {  	_ =	shalt  }
0x6f: {  	_ =	shalt  }
0x70: {  	_ =	shalt  }
0x71: {  	_ =	shalt  }
0x72: {  	_ =	shalt  }
0x73: {  	_ =	shalt  }
0x74: {  	_ =	shalt  }
0x75: {  	_ =	shalt  }
0x76: {  	_ =	shalt  }
0x77: {  	_ =	shalt  }
0x78: {  	_ =	shalt  }
0x79: {  	_ =	shalt  }
0x7a: {  	_ =	shalt  }
0x7b: {  	_ =	shalt  }
0x7c: {  	_ =	shalt  }
0x7d: {  	_ =	shalt  }
0x7e: {  	_ =	shalt  }
0x7f: {  	_ =	shalt  }
0x80: {  	_ =	shalt  }
0x81: {  	_ =	shalt  }
0x82: {  	_ =	shalt  }
0x83: {  	_ =	shalt  }
0x84: {  	_ =	shalt  }
0x85: {  	_ =	shalt  }
0x86: {  	_ =	shalt  }
0x87: {  	_ =	shalt  }
.Lfunc_end0:
.L_simem_size_0:
called_computation.3_lowered:
.L_overlay_start_0:
0x88: {  	s2 =	sld [smem:$0x3FD9]  }
0x89: {  	s3 =	sld [smem:$0x3FFE];
	_ =	sdelay $0x1  }
0x8a: {  	s1 =	srdreg.scid  }
0x8b: {  	s0 =	sand.u32 $0x1, s1  }
0x8c: {  	s16 =	sshll.u32 s0, $0xA;
	s2 =	sadd.s32 s3, s2  }
0x8d: {  	s2 =	sadd.s32 s2, s16  }
0x8e: {  	[smem:$0x3FBC] =	sst s2  }
0x8f: {  	_ = 	snop  }
0x90: {  	(tm) =	ssettm $0x1  }
0x91: {  	s17 =	sld [smem:$0x3FFB];
	_ =	sdelay $0x3  }
0x92: {  	_ =	strace s17  }
0x93: {  	s2 =	sld [smem:$0x3FFC];
	_ =	sdelay $0x3  }
0x94: {  	_ =	strace s2  }
0x95: {  	s2 =	sld [smem:$0x3FFD];
	_ =	sdelay $0x3  }
0x96: {  	_ =	strace s2  }
0x97: {  	_ =	strace $0x8FFFFFFF  }
0x98: {  	s18 =	sld [smem:$0x3FDB];
	_ =	sdelay $0x1  }
0x99: {  	s19 =	simm.s32 $_scs_section_size  }
0x9a: {  	s4 =	simm.s32 $_size__tile_overlayer_lowered;
	s5 =	simm.s32 $_tile_overlayer_lowered  }
0x9b: {  	s22 =	simm.s32 $0x1BFF;
	s21 =	sshll.u32 s5, $0x1;
	s2 =	sadd.s32 s19, s18  }
0x9c: {  	s6 =	simm.s32 $0x0;
	s20 =	sshll.u32 s4, $0x1;
	s4 =	sadd.s32 s21, s2  }
0x9d: {  	[timem:s6], [sflag:s22] =	dma.local [hbm:s4], s20  }
0x9e: {  	_ =	swait.ge [sflag:s22], s20  }
0x9f: {  	s3 =	ssub.s32 $0x0, s20;
	[sflag:s22] =	ssyncset.done $0x0  }
0xa0: {  	[sflag:s22] =	ssyncadd.s32 s3;
	_ =	sdelay $0x1  }
0xa1: {  	s23 =	simm.s32 $0x1B8B  }
0xa2: {  	_ =	swait.ge [sflag:s23], $0x1  }
0xa3: {  	[sflag:s23] =	ssyncset.done $0x0  }
0xa4: {  	s25 =	simm.s32 $0x1B8E;
	s24 =	sld [smem:$0x3FFE];
	[sflag:s23] =	ssyncadd.s32 $0xFFFFFFFF  }
0xa5: {  	s26 =	simm.s32 $execute0_lowered;
	[smem:$0x3FD2] =	sst s25  }
0xa6: {  	s4 =	sshll.u32 s26, $0x1;
	_ =	strace $0x8000004F;
	[dreg:$0x1] =	wrdreg $0xFFFFFFFF  }
0xa7: {  	s28 =	simm.s32 $_size_execute0_lowered;
	s2 =	sadd.s32 s2, s4;
	[dreg:$0x0] =	wrdreg $0x0  }
0xa8: {  	s4 =	sshll.u32 s28, $0x1;
	[dreg:$0x2] =	wrdreg s2  }
0xa9: {  	[dreg:$0x3] =	wrdreg s4  }
0xaa: {  	[dreg:$0x4] =	wrdreg $0xC0  }
0xab: {  	_ =	task [dreg:s6], $0x5FFFF  }
0xac: {  	[dreg:$0x1] =	wrdreg $0xFFFFFFFF  }
0xad: {  	[dreg:$0x0] =	wrdreg $0x60  }
0xae: {  	[dreg:$0x2] =	wrdreg s24  }
0xaf: {  	[dreg:$0x3] =	wrdreg $0x0  }
0xb0: {  	[dreg:$0x4] =	wrdreg $0x9  }
0xb1: {  	_ =	task.clear_ibuf [dreg:s6], $0x5FFFF;
	_ =	strace $0x9000004F  }
0xb2: {  	s29 =	simm.s32 $0x9;
	_ =	strace $0x80000051  }
0xb3: {  	_ =	swait.ge [sflag:s29], $0x1  }
0xb4: {  	[sflag:s29] =	ssyncadd.s32 $0xFFFFFFFF  }
0xb5: {  	_ =	strace $0x90000051  }
0xb6: {  	_ =	sfence  }
0xb7: {  	s30 =	sld [smem:$0x0];
	_ =	sdelay $0x2  }
0xb8: {  	s31 =	sshll.u32 s1, $0xD;
	s1 =	sshrl.u32 s1, $0x2  }
0xb9: {  	s3 =	sand.u32 $0x4000, s31;
	s1 =	sadd.s32 s1, s30  }
0xba: {  	s0 =	sor.u32 s3, s0;
	s1 =	sshll.u32 s1, $0x11  }
0xbb: {  	s0 =	sor.u32 s1, s0  }
0xbc: {  	s0 =	sadd.s32 $0x8F2B, s0  }
0xbd: {  	[sflag:s0] =	ssyncadd.remote.s32 $0x1  }
0xbe: {  	_ =	sfence.sel $0xFFFF  }
0xbf: {  	[dreg:$0x0] =	wrdreg $0xFFFFFFFF;
	(pc) =	sbr.abs _section_cstart, $3  }
0xc0: {  	[dreg:$0x1] =	wrdreg $0xFFFFFFFF  }
0xc1: {  	_ =	task.clear_ibuf [dreg:s6], $0x2FFFF;
	_ =	strace $0x9FFFFFFF  }
0xc2: {  	(tm) =	ssettm $0x7FFFFFFF  }
0xc3: {  	_ =	shalt  }
tec
execute0_lowered:
.L_overlay_start_1:
0x0: {  	(tag) =	ssettag $0x1  }
0x1: {  	s16 =	rddreg [dreg:$0x0]  }
0x2: {  	s2 =	rddreg [dreg:$0x1];
	s3 =	simm.s32 $0x0;
	s1 =	stileid.u32  }
0x3: {  	s4 =	srdreg.scid;
	s20 =	simm.s32 $0x19000;
	s5 =	smul.u32 $0x500, s1  }
0x4: {  	s21 =	simm.s32 $0x80;
	s26 =	simm.s32 $0x0;
	s24 =	smul.u32 $0x2800, s1  }
0x5: {  	[smem:$0x7FF] =	sst s3;
	s17 =	sand.u32 $0x1, s4;
	s6 =	smul.u32 $0x50000, s1  }
0x6: {  	s4 =	sadd.s32 $0xCA00, s16;
	s12 =	sadd.s32 $0x5CA00, s16;
	s23 =	sadd.s32 $0xFCA00, s16  }
0x7: {  	s13 =	sadd.s32 $0x84A00, s16;
	s25 =	sadd.s32 $0x124A00, s16;
	s15 =	sadd.s32 $0x34A00, s16  }
0x8: {  	s22 =	sadd.s32 $0xD4A00, s16;
	_ =	strace $0x80000050;
	s31 =	ssub.s32 $0x2, s17  }
0x9: {  	p0 =	sne.s32 s17, $0x0;
	s7 =	sadd.s32 s5, s16;
	s14 =	sadd.s32 s24, s16  }
0xa: {  	s8 =	sshrl.u32 s31, $0x1;
	s6 =	sshrl.u32 s6, $0x2;
	s22 =	sadd.s32 s24, s22  }
.Ltmp0:
0xb: {  	s23 =	sadd.s32 s24, s23;
	s24 =	sadd.s32 s24, s25;
	(pc) =	sbr.rel .LBB2_1-.Ltmp0, $4  }
0xc: {  	s25 =	simm.s32 $0x1;
	s18 =	ssub.s32 s31, s8;
	s5 =	sadd.s32 $0x7A00, s7  }
0xd: {  	s6 =	sadd.s32 s6, s2;
	s7 =	sadd.s32 $0x2A00, s7;
	s14 =	sadd.s32 $0xACA00, s14  }
0xe: {  	s8 =	sadd.s32 $0x4000, s6;
	s9 =	sadd.s32 $0x8000, s6;
	s10 =	sadd.s32 $0xC000, s6  }
0xf: {  	v0 =	vimm.f32 $0.0e+00;
	s11 =	sadd.s32 $0x10000, s6;
	s16 =	smax.u32 s18, $0x1;
	s18 =	simm.s32 $0x2  }
.LBB2_19:
0x10: {  	s0 =	sadd.s32 $0x14000, s30;
	[sflag:s18] =	ssyncadd.s32 $0xFFFFC000  }
0x11: {  	[tilespmem:s20], [sflag:$0x1] =	stream.indirect.gather [hbm4b:s13+s21], $0x80, s0, s21, $0xb8;
	[tilespmem:$0x1D000] =	vst v63  }
0x12: {  	_ =	swait.ge [sflag:s25], $0x4000  }
0x13: {  	[sflag:s25] =	ssyncset.done $0x0  }
0x14: {  	s31 =	sadd.s32 $0x16800, s30;
	[sflag:s25] =	ssyncadd.s32 $0xFFFFC000  }
0x15: {  	[spmem:s2] =	stream.indirect.scatter.add.f32 [tilespmem:s20], [sflag:$0x2], $0x80, s31, s21, $0xb8;
	[tilespmem:$0x1D000] =	vst v63  }
0x16: {  	_ =	swait.ge [sflag:s18], $0x4000  }
0x17: {  	[sflag:s18] =	ssyncset.done $0x0  }
0x18: {  	[sflag:s18] =	ssyncadd.s32 $0xFFFFC000  }
0x19: {  	[bflag:$0x0] =	sbarrier.arrive $0xFFFF  }
0x1a: {  	[hbm:s24], [sflag:s28] =	dma.local [spmem:s29], $0x2800  }
0x1b: {  	_ =	swait.ge [sflag:s18], $0x2800  }
0x1c: {  	[sflag:s18] =	ssyncset.done $0x0  }
0x1d: {  	[sflag:s18] =	ssyncadd.s32 $0xFFFFD800  }
.LBB2_20:
0x1e: {  	s26 =	sadd.s32 $0x1, s26  }
0x1f: {  	p1 =	sne.s32 s26, s16  }
.Ltmp1:
0x20: {  	_ = 	snop;
	(pc) =	sbr.rel @!p1 .LBB2_21-.Ltmp1, $2  }
0x21: {  	_ =	sdelay $0x1  }
0x22: {  	[bflag:$0x0] =	sbarrier.arrive $0xFFFF;
	_ =	sdelay $0x1  }
.LBB2_1:
0x23: {  	s0 =	simm.s32 $0x14000  }
0x24: {  	[tilespmem:s0], [sflag:$0x2] =	stream.linear.gather [hbm4b:s5+s3], $0x2780, $0x38;
	[tilespmem:$0x1D000] =	vst v63  }
0x25: {  	_ =	swait.ge [sflag:s18], $0x2780  }
0x26: {  	[sflag:s18] =	ssyncset.done $0x0  }
.Ltmp2:
0x27: {  	s31 =	simm.s32 $0x16800;
	[sflag:s18] =	ssyncadd.s32 $0xFFFFD880;
	(pc) =	sbr.rel @p0 .LBB2_11-.Ltmp2, $4  }
0x28: {  	[tilespmem:s31], [sflag:$0x2] =	stream.linear.gather [hbm4b:s7+s3], $0x2780, $0x38;
	[tilespmem:$0x1D000] =	vst v63  }
0x29: {  	_ =	swait.ge [sflag:s18], $0x2780  }
0x2a: {  	[sflag:s18] =	ssyncset.done $0x0  }
0x2b: {  	[sflag:s18] =	ssyncadd.s32 $0xFFFFD880  }
0x2c: {  	s28 =	sshra.s32 s3, $0x2;
	s29 =	sadd.s32 $0x200, s3  }
.LBB2_3:
0x2d: {  	p1 =	sne.s32 s29, $0xFE00;
	[tilespmem:s28+$0x19070] =	vst v0  }
0x2e: {  	[tilespmem:s28+$0x19000] =	vst v0  }
0x2f: {  	[tilespmem:s28+$0x19010] =	vst v0  }
.Ltmp3:
0x30: {  	[tilespmem:s28+$0x19020] =	vst v0;
	(pc) =	sbr.rel @p1 .LBB2_3-.Ltmp3, $4  }
0x31: {  	[tilespmem:s28+$0x19030] =	vst v0  }
0x32: {  	[tilespmem:s28+$0x19040] =	vst v0  }
0x33: {  	[tilespmem:s28+$0x19050] =	vst v0  }
0x34: {  	[tilespmem:s28+$0x19060] =	vst v0;
	s28 =	sshra.s32 s29, $0x2;
	s29 =	sadd.s32 $0x200, s29  }
0x35: {  	[tilespmem:s28+$0x19070] =	vst v0  }
0x36: {  	[tilespmem:s28+$0x19000] =	vst v0  }
0x37: {  	[tilespmem:s28+$0x19010] =	vst v0  }
0x38: {  	[tilespmem:s28+$0x19020] =	vst v0  }
0x39: {  	[tilespmem:s28+$0x19030] =	vst v0  }
0x3a: {  	[tilespmem:s28+$0x19040] =	vst v0  }
0x3b: {  	[tilespmem:s28+$0x19050] =	vst v0  }
0x3c: {  	[tilespmem:s28+$0x19060] =	vst v0  }
0x3d: {  	[spmem:s6] =	stream.linear.scatter [tilespmem:s20], [sflag:$0x2], $0x4000, $0x38;
	[tilespmem:$0x1D000] =	vst v63  }
0x3e: {  	_ =	swait.ge [sflag:s18], $0x4000  }
0x3f: {  	[sflag:s18] =	ssyncset.done $0x0  }
0x40: {  	[sflag:s18] =	ssyncadd.s32 $0xFFFFC000  }
0x41: {  	[spmem:s8] =	stream.linear.scatter [tilespmem:s20], [sflag:$0x2], $0x4000, $0x38;
	[tilespmem:$0x1D000] =	vst v63  }
0x42: {  	_ =	swait.ge [sflag:s18], $0x4000  }
0x43: {  	[sflag:s18] =	ssyncset.done $0x0  }
0x44: {  	[sflag:s18] =	ssyncadd.s32 $0xFFFFC000  }
0x45: {  	[spmem:s9] =	stream.linear.scatter [tilespmem:s20], [sflag:$0x2], $0x4000, $0x38;
	[tilespmem:$0x1D000] =	vst v63  }
0x46: {  	_ =	swait.ge [sflag:s18], $0x4000  }
0x47: {  	[sflag:s18] =	ssyncset.done $0x0  }
0x48: {  	[sflag:s18] =	ssyncadd.s32 $0xFFFFC000  }
0x49: {  	[spmem:s10] =	stream.linear.scatter [tilespmem:s20], [sflag:$0x2], $0x4000, $0x38;
	[tilespmem:$0x1D000] =	vst v63  }
0x4a: {  	_ =	swait.ge [sflag:s18], $0x4000  }
0x4b: {  	[sflag:s18] =	ssyncset.done $0x0  }
0x4c: {  	[sflag:s18] =	ssyncadd.s32 $0xFFFFC000  }
0x4d: {  	[spmem:s11] =	stream.linear.scatter [tilespmem:s20], [sflag:$0x2], $0x4000, $0x38;
	[tilespmem:$0x1D000] =	vst v63  }
0x4e: {  	_ =	swait.ge [sflag:s18], $0x4000  }
0x4f: {  	[sflag:s18] =	ssyncset.done $0x0  }
0x50: {  	[sflag:s18] =	ssyncadd.s32 $0xFFFFC000  }
0x51: {  	s28 =	simm.s32 $0x14000;
	[bflag:$0x0] =	sbarrier.arrive $0xFFFF  }
0x52: {  	[tilespmem:s20], [sflag:$0x1] =	stream.indirect.gather [hbm4b:s4+s21], $0x80, s28, s21, $0xb8;
	[tilespmem:$0x1D000] =	vst v63  }
0x53: {  	_ =	swait.ge [sflag:s25], $0x4000  }
0x54: {  	[sflag:s25] =	ssyncset.done $0x0  }
0x55: {  	s28 =	simm.s32 $0x16800;
	[sflag:s25] =	ssyncadd.s32 $0xFFFFC000  }
0x56: {  	[spmem:s2] =	stream.indirect.scatter.add.f32 [tilespmem:s20], [sflag:$0x2], $0x80, s28, s21, $0xb8;
	[tilespmem:$0x1D000] =	vst v63  }
0x57: {  	_ =	swait.ge [sflag:s18], $0x4000  }
0x58: {  	s29 =	simm.s32 $0x400;
	s28 =	simm.s32 $0x80;
	[sflag:s18] =	ssyncset.done $0x0  }
.LBB2_5:
0x59: {  	s30 =	sadd.s32 $0x14000, s28  }
0x5a: {  	[sflag:s18] =	ssyncadd.s32 $0xFFFFC000;
	s31 =	smov.u32 s29;
	s0 =	sadd.s32 $0x200, s29  }
0x5b: {  	[tilespmem:s20], [sflag:$0x1] =	stream.indirect.gather [hbm4b:s4+s21], $0x80, s30, s21, $0xb8;
	[tilespmem:$0x1D000] =	vst v63  }
0x5c: {  	p1 =	seq.s32 s29, $0x9C00;
	_ =	swait.ge [sflag:s25], $0x4000  }
.Ltmp4:
0x5d: {  	[sflag:s25] =	ssyncset.done $0x0;
	(pc) =	sbr.rel @!p1 .LBB2_5-.Ltmp4, $4  }
0x5e: {  	s28 =	sadd.s32 $0x16800, s28;
	[sflag:s25] =	ssyncadd.s32 $0xFFFFC000  }
0x5f: {  	[spmem:s2] =	stream.indirect.scatter.add.f32 [tilespmem:s20], [sflag:$0x2], $0x80, s28, s21, $0xb8;
	[tilespmem:$0x1D000] =	vst v63  }
0x60: {  	_ =	swait.ge [sflag:s18], $0x4000  }
0x61: {  	s29 =	smov.u32 s0;
	s28 =	sshra.s32 s31, $0x2;
	[sflag:s18] =	ssyncset.done $0x0  }
0x62: {  	s0 =	sadd.s32 $0x14000, s28;
	[sflag:s18] =	ssyncadd.s32 $0xFFFFC000  }
0x63: {  	[tilespmem:s20], [sflag:$0x1] =	stream.indirect.gather [hbm4b:s4+s21], $0x80, s0, s21, $0xb8;
	[tilespmem:$0x1D000] =	vst v63  }
0x64: {  	_ =	swait.ge [sflag:s25], $0x4000  }
0x65: {  	[sflag:s25] =	ssyncset.done $0x0  }
0x66: {  	s17 =	sadd.s32 $0x16800, s28;
	[sflag:s25] =	ssyncadd.s32 $0xFFFFC000  }
0x67: {  	[spmem:s2] =	stream.indirect.scatter.add.f32 [tilespmem:s20], [sflag:$0x2], $0x80, s17, s21, $0xb8;
	[tilespmem:$0x1D000] =	vst v63  }
0x68: {  	_ =	swait.ge [sflag:s18], $0x4000  }
0x69: {  	[sflag:s18] =	ssyncset.done $0x0  }
0x6a: {  	s19 =	sshll.u32 s1, $0x6;
	[sflag:s18] =	ssyncadd.s32 $0xFFFFC000  }
0x6b: {  	s29 =	sshrl.u32 s6, $0x3;
	s28 =	sor.u32 $0x1C02, s19;
	[bflag:$0x0] =	sbarrier.arrive $0xFFFF  }
0x6c: {  	[hbm:s14], [sflag:s28] =	dma.local [spmem:s29], $0x2800  }
0x6d: {  	_ =	swait.ge [sflag:s18], $0x2800  }
0x6e: {  	[sflag:s18] =	ssyncset.done $0x0  }
0x6f: {  	[sflag:s18] =	ssyncadd.s32 $0xFFFFD800  }
0x70: {  	s30 =	simm.s32 $0x0;
	s31 =	simm.s32 $0x200;
	[bflag:$0x0] =	sbarrier.arrive $0xFFFF  }
.LBB2_7:
0x71: {  	p1 =	sne.s32 s31, $0xFE00;
	[tilespmem:s30+$0x19070] =	vst v0  }
0x72: {  	[tilespmem:s30+$0x19000] =	vst v0  }
0x73: {  	[tilespmem:s30+$0x19010] =	vst v0  }
.Ltmp5:
0x74: {  	[tilespmem:s30+$0x19020] =	vst v0;
	(pc) =	sbr.rel @p1 .LBB2_7-.Ltmp5, $4  }
0x75: {  	[tilespmem:s30+$0x19030] =	vst v0  }
0x76: {  	[tilespmem:s30+$0x19040] =	vst v0  }
0x77: {  	[tilespmem:s30+$0x19050] =	vst v0  }
0x78: {  	[tilespmem:s30+$0x19060] =	vst v0;
	s30 =	sshra.s32 s31, $0x2;
	s31 =	sadd.s32 $0x200, s31  }
0x79: {  	[tilespmem:s30+$0x19070] =	vst v0  }
0x7a: {  	[tilespmem:s30+$0x19000] =	vst v0  }
0x7b: {  	[tilespmem:s30+$0x19010] =	vst v0  }
0x7c: {  	[tilespmem:s30+$0x19020] =	vst v0  }
0x7d: {  	[tilespmem:s30+$0x19030] =	vst v0  }
0x7e: {  	[tilespmem:s30+$0x19040] =	vst v0  }
0x7f: {  	[tilespmem:s30+$0x19050] =	vst v0  }
0x80: {  	[tilespmem:s30+$0x19060] =	vst v0  }
0x81: {  	[spmem:s6] =	stream.linear.scatter [tilespmem:s20], [sflag:$0x2], $0x4000, $0x38;
	[tilespmem:$0x1D000] =	vst v63  }
0x82: {  	_ =	swait.ge [sflag:s18], $0x4000  }
0x83: {  	[sflag:s18] =	ssyncset.done $0x0  }
0x84: {  	[sflag:s18] =	ssyncadd.s32 $0xFFFFC000  }
0x85: {  	[spmem:s8] =	stream.linear.scatter [tilespmem:s20], [sflag:$0x2], $0x4000, $0x38;
	[tilespmem:$0x1D000] =	vst v63  }
0x86: {  	_ =	swait.ge [sflag:s18], $0x4000  }
0x87: {  	[sflag:s18] =	ssyncset.done $0x0  }
0x88: {  	[sflag:s18] =	ssyncadd.s32 $0xFFFFC000  }
0x89: {  	[spmem:s9] =	stream.linear.scatter [tilespmem:s20], [sflag:$0x2], $0x4000, $0x38;
	[tilespmem:$0x1D000] =	vst v63  }
0x8a: {  	_ =	swait.ge [sflag:s18], $0x4000  }
0x8b: {  	[sflag:s18] =	ssyncset.done $0x0  }
0x8c: {  	[sflag:s18] =	ssyncadd.s32 $0xFFFFC000  }
0x8d: {  	[spmem:s10] =	stream.linear.scatter [tilespmem:s20], [sflag:$0x2], $0x4000, $0x38;
	[tilespmem:$0x1D000] =	vst v63  }
0x8e: {  	_ =	swait.ge [sflag:s18], $0x4000  }
0x8f: {  	[sflag:s18] =	ssyncset.done $0x0  }
0x90: {  	[sflag:s18] =	ssyncadd.s32 $0xFFFFC000  }
0x91: {  	[spmem:s11] =	stream.linear.scatter [tilespmem:s20], [sflag:$0x2], $0x4000, $0x38;
	[tilespmem:$0x1D000] =	vst v63  }
0x92: {  	_ =	swait.ge [sflag:s18], $0x4000  }
0x93: {  	[sflag:s18] =	ssyncset.done $0x0  }
0x94: {  	[sflag:s18] =	ssyncadd.s32 $0xFFFFC000  }
0x95: {  	s0 =	simm.s32 $0x14000;
	[bflag:$0x0] =	sbarrier.arrive $0xFFFF  }
0x96: {  	[tilespmem:s20], [sflag:$0x1] =	stream.indirect.gather [hbm4b:s15+s21], $0x80, s0, s21, $0xb8;
	[tilespmem:$0x1D000] =	vst v63  }
0x97: {  	_ =	swait.ge [sflag:s25], $0x4000  }
0x98: {  	[sflag:s25] =	ssyncset.done $0x0  }
0x99: {  	s19 =	simm.s32 $0x16800;
	[sflag:s25] =	ssyncadd.s32 $0xFFFFC000  }
0x9a: {  	[spmem:s2] =	stream.indirect.scatter.add.f32 [tilespmem:s20], [sflag:$0x2], $0x80, s19, s21, $0xb8;
	[tilespmem:$0x1D000] =	vst v63  }
0x9b: {  	_ =	swait.ge [sflag:s18], $0x4000  }
0x9c: {  	s31 =	simm.s32 $0x400;
	s30 =	simm.s32 $0x80;
	[sflag:s18] =	ssyncset.done $0x0  }
.LBB2_9:
0x9d: {  	s0 =	sadd.s32 $0x14000, s30  }
0x9e: {  	[sflag:s18] =	ssyncadd.s32 $0xFFFFC000;
	s17 =	smov.u32 s31;
	s19 =	sadd.s32 $0x200, s31  }
0x9f: {  	[tilespmem:s20], [sflag:$0x1] =	stream.indirect.gather [hbm4b:s15+s21], $0x80, s0, s21, $0xb8;
	[tilespmem:$0x1D000] =	vst v63  }
0xa0: {  	p1 =	sne.s32 s31, $0x9C00;
	_ =	swait.ge [sflag:s25], $0x4000  }
.Ltmp6:
0xa1: {  	[sflag:s25] =	ssyncset.done $0x0;
	(pc) =	sbr.rel @p1 .LBB2_9-.Ltmp6, $4  }
0xa2: {  	s0 =	sadd.s32 $0x16800, s30;
	[sflag:s25] =	ssyncadd.s32 $0xFFFFC000  }
0xa3: {  	[spmem:s2] =	stream.indirect.scatter.add.f32 [tilespmem:s20], [sflag:$0x2], $0x80, s0, s21, $0xb8;
	[tilespmem:$0x1D000] =	vst v63  }
0xa4: {  	_ =	swait.ge [sflag:s18], $0x4000  }
0xa5: {  	s30 =	sshra.s32 s17, $0x2;
	s31 =	smov.u32 s19;
	[sflag:s18] =	ssyncset.done $0x0  }
0xa6: {  	s0 =	sadd.s32 $0x14000, s30;
	[sflag:s18] =	ssyncadd.s32 $0xFFFFC000  }
0xa7: {  	[tilespmem:s20], [sflag:$0x1] =	stream.indirect.gather [hbm4b:s15+s21], $0x80, s0, s21, $0xb8;
	[tilespmem:$0x1D000] =	vst v63  }
0xa8: {  	_ =	swait.ge [sflag:s25], $0x4000  }
0xa9: {  	[sflag:s25] =	ssyncset.done $0x0  }
0xaa: {  	s31 =	sadd.s32 $0x16800, s30;
	[sflag:s25] =	ssyncadd.s32 $0xFFFFC000  }
0xab: {  	[spmem:s2] =	stream.indirect.scatter.add.f32 [tilespmem:s20], [sflag:$0x2], $0x80, s31, s21, $0xb8;
	[tilespmem:$0x1D000] =	vst v63  }
0xac: {  	_ =	swait.ge [sflag:s18], $0x4000  }
0xad: {  	[sflag:s18] =	ssyncset.done $0x0  }
0xae: {  	[sflag:s18] =	ssyncadd.s32 $0xFFFFC000  }
0xaf: {  	[bflag:$0x0] =	sbarrier.arrive $0xFFFF  }
0xb0: {  	[hbm:s22], [sflag:s28] =	dma.local [spmem:s29], $0x2800  }
0xb1: {  	_ =	swait.ge [sflag:s18], $0x2800  }
0xb2: {  	[sflag:s18] =	ssyncset.done $0x0  }
0xb3: {  	[sflag:s18] =	ssyncadd.s32 $0xFFFFD800  }
0xb4: {  	[bflag:$0x0] =	sbarrier.arrive $0xFFFF  }
0xb5: {  	[bflag:$0x0] =	sbarrier.arrive $0xFFFF  }
.Ltmp7:
0xb6: {  	[bflag:$0x0] =	sbarrier.arrive $0xFFFF;
	(pc) =	sbr.rel .LBB2_20-.Ltmp7, $3  }
0xb7: {  	[bflag:$0x0] =	sbarrier.arrive $0xFFFF  }
0xb8: {  	[bflag:$0x0] =	sbarrier.arrive $0xFFFF  }
0xb9: {  	[bflag:$0x0] =	sbarrier.arrive $0xFFFF;
	_ =	sdelay $0x1  }
.LBB2_11:
0xba: {  	[bflag:$0x0] =	sbarrier.arrive $0xFFFF  }
0xbb: {  	[bflag:$0x0] =	sbarrier.arrive $0xFFFF  }
0xbc: {  	[bflag:$0x0] =	sbarrier.arrive $0xFFFF  }
0xbd: {  	[bflag:$0x0] =	sbarrier.arrive $0xFFFF  }
0xbe: {  	[bflag:$0x0] =	sbarrier.arrive $0xFFFF  }
0xbf: {  	s28 =	simm.s32 $0x0;
	s29 =	simm.s32 $0x200;
	[bflag:$0x0] =	sbarrier.arrive $0xFFFF  }
.LBB2_12:
0xc0: {  	p1 =	sne.s32 s29, $0xFE00;
	[tilespmem:s28+$0x19070] =	vst v0  }
0xc1: {  	[tilespmem:s28+$0x19000] =	vst v0  }
0xc2: {  	[tilespmem:s28+$0x19010] =	vst v0  }
.Ltmp8:
0xc3: {  	[tilespmem:s28+$0x19020] =	vst v0;
	(pc) =	sbr.rel @p1 .LBB2_12-.Ltmp8, $4  }
0xc4: {  	[tilespmem:s28+$0x19030] =	vst v0  }
0xc5: {  	[tilespmem:s28+$0x19040] =	vst v0  }
0xc6: {  	[tilespmem:s28+$0x19050] =	vst v0  }
0xc7: {  	[tilespmem:s28+$0x19060] =	vst v0;
	s28 =	sshra.s32 s29, $0x2;
	s29 =	sadd.s32 $0x200, s29  }
0xc8: {  	[tilespmem:s28+$0x19070] =	vst v0  }
0xc9: {  	[tilespmem:s28+$0x19000] =	vst v0  }
0xca: {  	[tilespmem:s28+$0x19010] =	vst v0  }
0xcb: {  	[tilespmem:s28+$0x19020] =	vst v0  }
0xcc: {  	[tilespmem:s28+$0x19030] =	vst v0  }
0xcd: {  	[tilespmem:s28+$0x19040] =	vst v0  }
0xce: {  	[tilespmem:s28+$0x19050] =	vst v0  }
0xcf: {  	[tilespmem:s28+$0x19060] =	vst v0  }
0xd0: {  	[spmem:s6] =	stream.linear.scatter [tilespmem:s20], [sflag:$0x2], $0x4000, $0x38;
	[tilespmem:$0x1D000] =	vst v63  }
0xd1: {  	_ =	swait.ge [sflag:s18], $0x4000  }
0xd2: {  	[sflag:s18] =	ssyncset.done $0x0  }
0xd3: {  	[sflag:s18] =	ssyncadd.s32 $0xFFFFC000  }
0xd4: {  	[spmem:s8] =	stream.linear.scatter [tilespmem:s20], [sflag:$0x2], $0x4000, $0x38;
	[tilespmem:$0x1D000] =	vst v63  }
0xd5: {  	_ =	swait.ge [sflag:s18], $0x4000  }
0xd6: {  	[sflag:s18] =	ssyncset.done $0x0  }
0xd7: {  	[sflag:s18] =	ssyncadd.s32 $0xFFFFC000  }
0xd8: {  	[spmem:s9] =	stream.linear.scatter [tilespmem:s20], [sflag:$0x2], $0x4000, $0x38;
	[tilespmem:$0x1D000] =	vst v63  }
0xd9: {  	_ =	swait.ge [sflag:s18], $0x4000  }
0xda: {  	[sflag:s18] =	ssyncset.done $0x0  }
0xdb: {  	[sflag:s18] =	ssyncadd.s32 $0xFFFFC000  }
0xdc: {  	[spmem:s10] =	stream.linear.scatter [tilespmem:s20], [sflag:$0x2], $0x4000, $0x38;
	[tilespmem:$0x1D000] =	vst v63  }
0xdd: {  	_ =	swait.ge [sflag:s18], $0x4000  }
0xde: {  	[sflag:s18] =	ssyncset.done $0x0  }
0xdf: {  	[sflag:s18] =	ssyncadd.s32 $0xFFFFC000  }
0xe0: {  	[spmem:s11] =	stream.linear.scatter [tilespmem:s20], [sflag:$0x2], $0x4000, $0x38;
	[tilespmem:$0x1D000] =	vst v63  }
0xe1: {  	_ =	swait.ge [sflag:s18], $0x4000  }
0xe2: {  	[sflag:s18] =	ssyncset.done $0x0  }
0xe3: {  	[sflag:s18] =	ssyncadd.s32 $0xFFFFC000  }
0xe4: {  	s0 =	simm.s32 $0x14000;
	[bflag:$0x0] =	sbarrier.arrive $0xFFFF  }
0xe5: {  	[tilespmem:s20], [sflag:$0x1] =	stream.indirect.gather [hbm4b:s12+s21], $0x80, s0, s21, $0xb8;
	[tilespmem:$0x1D000] =	vst v63  }
0xe6: {  	_ =	swait.ge [sflag:s25], $0x4000  }
0xe7: {  	[sflag:s25] =	ssyncset.done $0x0  }
0xe8: {  	s31 =	simm.s32 $0x16800;
	[sflag:s25] =	ssyncadd.s32 $0xFFFFC000  }
0xe9: {  	[spmem:s2] =	stream.indirect.scatter.add.f32 [tilespmem:s20], [sflag:$0x2], $0x80, s31, s21, $0xb8;
	[tilespmem:$0x1D000] =	vst v63  }
0xea: {  	_ =	swait.ge [sflag:s18], $0x4000  }
0xeb: {  	s29 =	simm.s32 $0x400;
	s28 =	simm.s32 $0x80;
	[sflag:s18] =	ssyncset.done $0x0  }
.LBB2_14:
0xec: {  	s0 =	sadd.s32 $0x14000, s28  }
0xed: {  	[sflag:s18] =	ssyncadd.s32 $0xFFFFC000;
	s17 =	smov.u32 s29;
	s19 =	sadd.s32 $0x200, s29  }
0xee: {  	[tilespmem:s20], [sflag:$0x1] =	stream.indirect.gather [hbm4b:s12+s21], $0x80, s0, s21, $0xb8;
	[tilespmem:$0x1D000] =	vst v63  }
0xef: {  	p1 =	sne.s32 s29, $0x9C00;
	_ =	swait.ge [sflag:s25], $0x4000  }
.Ltmp9:
0xf0: {  	[sflag:s25] =	ssyncset.done $0x0;
	(pc) =	sbr.rel @p1 .LBB2_14-.Ltmp9, $4  }
0xf1: {  	s0 =	sadd.s32 $0x16800, s28;
	[sflag:s25] =	ssyncadd.s32 $0xFFFFC000  }
0xf2: {  	[spmem:s2] =	stream.indirect.scatter.add.f32 [tilespmem:s20], [sflag:$0x2], $0x80, s0, s21, $0xb8;
	[tilespmem:$0x1D000] =	vst v63  }
0xf3: {  	_ =	swait.ge [sflag:s18], $0x4000  }
0xf4: {  	s28 =	sshra.s32 s17, $0x2;
	s29 =	smov.u32 s19;
	[sflag:s18] =	ssyncset.done $0x0  }
0xf5: {  	s0 =	sadd.s32 $0x14000, s28;
	[sflag:s18] =	ssyncadd.s32 $0xFFFFC000  }
0xf6: {  	[tilespmem:s20], [sflag:$0x1] =	stream.indirect.gather [hbm4b:s12+s21], $0x80, s0, s21, $0xb8;
	[tilespmem:$0x1D000] =	vst v63  }
0xf7: {  	_ =	swait.ge [sflag:s25], $0x4000  }
0xf8: {  	[sflag:s25] =	ssyncset.done $0x0  }
0xf9: {  	s17 =	sadd.s32 $0x16800, s28;
	[sflag:s25] =	ssyncadd.s32 $0xFFFFC000  }
0xfa: {  	[spmem:s2] =	stream.indirect.scatter.add.f32 [tilespmem:s20], [sflag:$0x2], $0x80, s17, s21, $0xb8;
	[tilespmem:$0x1D000] =	vst v63  }
0xfb: {  	_ =	swait.ge [sflag:s18], $0x4000  }
0xfc: {  	[sflag:s18] =	ssyncset.done $0x0  }
0xfd: {  	s19 =	sshll.u32 s1, $0x6;
	[sflag:s18] =	ssyncadd.s32 $0xFFFFC000  }
0xfe: {  	s29 =	sshrl.u32 s6, $0x3;
	s28 =	sor.u32 $0x1C02, s19;
	[bflag:$0x0] =	sbarrier.arrive $0xFFFF  }
0xff: {  	[hbm:s23], [sflag:s28] =	dma.local [spmem:s29], $0x2800  }
0x100: {  	_ =	swait.ge [sflag:s18], $0x2800  }
0x101: {  	[sflag:s18] =	ssyncset.done $0x0  }
0x102: {  	[sflag:s18] =	ssyncadd.s32 $0xFFFFD800  }
0x103: {  	s30 =	simm.s32 $0x0;
	s31 =	simm.s32 $0x200;
	[bflag:$0x0] =	sbarrier.arrive $0xFFFF  }
.LBB2_16:
0x104: {  	p1 =	sne.s32 s31, $0xFE00;
	[tilespmem:s30+$0x19070] =	vst v0  }
0x105: {  	[tilespmem:s30+$0x19000] =	vst v0  }
0x106: {  	[tilespmem:s30+$0x19010] =	vst v0  }
.Ltmp10:
0x107: {  	[tilespmem:s30+$0x19020] =	vst v0;
	(pc) =	sbr.rel @p1 .LBB2_16-.Ltmp10, $4  }
0x108: {  	[tilespmem:s30+$0x19030] =	vst v0  }
0x109: {  	[tilespmem:s30+$0x19040] =	vst v0  }
0x10a: {  	[tilespmem:s30+$0x19050] =	vst v0  }
0x10b: {  	[tilespmem:s30+$0x19060] =	vst v0;
	s30 =	sshra.s32 s31, $0x2;
	s31 =	sadd.s32 $0x200, s31  }
0x10c: {  	[tilespmem:s30+$0x19070] =	vst v0  }
0x10d: {  	[tilespmem:s30+$0x19000] =	vst v0  }
0x10e: {  	[tilespmem:s30+$0x19010] =	vst v0  }
0x10f: {  	[tilespmem:s30+$0x19020] =	vst v0  }
0x110: {  	[tilespmem:s30+$0x19030] =	vst v0  }
0x111: {  	[tilespmem:s30+$0x19040] =	vst v0  }
0x112: {  	[tilespmem:s30+$0x19050] =	vst v0  }
0x113: {  	[tilespmem:s30+$0x19060] =	vst v0  }
0x114: {  	[spmem:s6] =	stream.linear.scatter [tilespmem:s20], [sflag:$0x2], $0x4000, $0x38;
	[tilespmem:$0x1D000] =	vst v63  }
0x115: {  	_ =	swait.ge [sflag:s18], $0x4000  }
0x116: {  	[sflag:s18] =	ssyncset.done $0x0  }
0x117: {  	[sflag:s18] =	ssyncadd.s32 $0xFFFFC000  }
0x118: {  	[spmem:s8] =	stream.linear.scatter [tilespmem:s20], [sflag:$0x2], $0x4000, $0x38;
	[tilespmem:$0x1D000] =	vst v63  }
0x119: {  	_ =	swait.ge [sflag:s18], $0x4000  }
0x11a: {  	[sflag:s18] =	ssyncset.done $0x0  }
0x11b: {  	[sflag:s18] =	ssyncadd.s32 $0xFFFFC000  }
0x11c: {  	[spmem:s9] =	stream.linear.scatter [tilespmem:s20], [sflag:$0x2], $0x4000, $0x38;
	[tilespmem:$0x1D000] =	vst v63  }
0x11d: {  	_ =	swait.ge [sflag:s18], $0x4000  }
0x11e: {  	[sflag:s18] =	ssyncset.done $0x0  }
0x11f: {  	[sflag:s18] =	ssyncadd.s32 $0xFFFFC000  }
0x120: {  	[spmem:s10] =	stream.linear.scatter [tilespmem:s20], [sflag:$0x2], $0x4000, $0x38;
	[tilespmem:$0x1D000] =	vst v63  }
0x121: {  	_ =	swait.ge [sflag:s18], $0x4000  }
0x122: {  	[sflag:s18] =	ssyncset.done $0x0  }
0x123: {  	[sflag:s18] =	ssyncadd.s32 $0xFFFFC000  }
0x124: {  	[spmem:s11] =	stream.linear.scatter [tilespmem:s20], [sflag:$0x2], $0x4000, $0x38;
	[tilespmem:$0x1D000] =	vst v63  }
0x125: {  	_ =	swait.ge [sflag:s18], $0x4000  }
0x126: {  	[sflag:s18] =	ssyncset.done $0x0  }
0x127: {  	[sflag:s18] =	ssyncadd.s32 $0xFFFFC000  }
0x128: {  	s0 =	simm.s32 $0x14000;
	[bflag:$0x0] =	sbarrier.arrive $0xFFFF  }
0x129: {  	[tilespmem:s20], [sflag:$0x1] =	stream.indirect.gather [hbm4b:s13+s21], $0x80, s0, s21, $0xb8;
	[tilespmem:$0x1D000] =	vst v63  }
0x12a: {  	_ =	swait.ge [sflag:s25], $0x4000  }
0x12b: {  	[sflag:s25] =	ssyncset.done $0x0  }
0x12c: {  	s19 =	simm.s32 $0x16800;
	[sflag:s25] =	ssyncadd.s32 $0xFFFFC000  }
0x12d: {  	[spmem:s2] =	stream.indirect.scatter.add.f32 [tilespmem:s20], [sflag:$0x2], $0x80, s19, s21, $0xb8;
	[tilespmem:$0x1D000] =	vst v63  }
0x12e: {  	_ =	swait.ge [sflag:s18], $0x4000  }
0x12f: {  	s31 =	simm.s32 $0x400;
	s30 =	simm.s32 $0x80;
	[sflag:s18] =	ssyncset.done $0x0  }
.LBB2_18:
0x130: {  	s0 =	sadd.s32 $0x14000, s30  }
0x131: {  	[sflag:s18] =	ssyncadd.s32 $0xFFFFC000;
	s17 =	smov.u32 s31;
	s19 =	sadd.s32 $0x200, s31  }
0x132: {  	[tilespmem:s20], [sflag:$0x1] =	stream.indirect.gather [hbm4b:s13+s21], $0x80, s0, s21, $0xb8;
	[tilespmem:$0x1D000] =	vst v63  }
0x133: {  	p1 =	sne.s32 s31, $0x9C00;
	_ =	swait.ge [sflag:s25], $0x4000  }
.Ltmp11:
0x134: {  	[sflag:s25] =	ssyncset.done $0x0;
	(pc) =	sbr.rel @p1 .LBB2_18-.Ltmp11, $4  }
0x135: {  	s0 =	sadd.s32 $0x16800, s30;
	[sflag:s25] =	ssyncadd.s32 $0xFFFFC000  }
0x136: {  	[spmem:s2] =	stream.indirect.scatter.add.f32 [tilespmem:s20], [sflag:$0x2], $0x80, s0, s21, $0xb8;
	[tilespmem:$0x1D000] =	vst v63  }
0x137: {  	_ =	swait.ge [sflag:s18], $0x4000  }
0x138: {  	s30 =	sshra.s32 s17, $0x2;
	s31 =	smov.u32 s19;
	[sflag:s18] =	ssyncset.done $0x0  }
.Ltmp12:
0x139: {  	_ = 	snop;
	(pc) =	sbr.rel .LBB2_19-.Ltmp12, $1  }
0x13a: {  	_ =	sdelay $0x3  }
.LBB2_21:
0x13b: {  	_ =	sfence.sel $0x180000  }
0x13c: {  	[bflag:$0x0] =	sbarrier.arrive $0xFFFF  }
0x13d: {  	_ =	strace $0x90000050  }
0x13e: {  	[bflag:$0x2] =	sbarrier.arrive $0xFFFF  }
0x13f: {  	p0 =	sne.s32 s1, $0x0;
	s0 =	rddreg [dreg:$0x2]  }
0x140: {  	s0 =	sadd.s32 @!p0 $0x100000, s0  }
0x141: {  	[sflag:s0] =	ssyncadd.tile.s32 @!p0 $0x1;
	_ =	shalt  }
.Lfunc_end2:
_tile_overlayer_lowered:
.L_overlay_start_2:
0x142: {  	(tag) =	ssettag $0x2  }
0x143: {  	s0 =	rddreg [dreg:$0x0];
	s2 =	stileid.u32  }
0x144: {  	s1 =	rddreg [dreg:$0x1];
	p0 =	sne.s32 s2, $0x0  }
0x145: {  	s3 =	rddreg [dreg:$0x2];
	[bflag:$0x3] =	sbarrier.arrive $0xFFFF;
	s2 =	simm.s32 @!p0 $0x1C02  }
0x146: {  	[timem:s3], [sflag:s2] =	dma.local @!p0 [hbm:s0], s1  }
0x147: {  	s0 =	simm.s32 @!p0 $0x2  }
0x148: {  	_ =	swait.ge @!p0 [sflag:s0], s1  }
0x149: {  	s1 =	ssub.s32 @!p0 $0x0, s1;
	[sflag:s0] =	ssyncset.done @!p0 $0x0  }
0x14a: {  	[sflag:s0] =	ssyncadd.s32 @!p0 s1  }
0x14b: {  	[bflag:$0x3] =	sbarrier.arrive $0xFFFF  }
0x14c: {  	_ =	shalt  }

</sc_bundles>
